<compile_context>
chip_gen: v7x
topology: tpu7x:2x2x1
jax: 0.10.2.dev20260603
libtpu: 0.0.44.dev20260713+nightly
codegen_flags: <defaults>
</compile_context>

<pallas_src>
import functools

import jax
import jax.numpy as jnp
from jax import lax
from jax.experimental import pallas as pl
from jax.experimental.pallas import tpu as pltpu
from jax.experimental.pallas import tpu_sc as plsc

VOCAB_N = 100000
NCORES = 2
NSUB = 16
LANES = 16
HALF = VOCAB_N // NCORES
BMAP = 1792
MSLICE = BMAP // NSUB
HPAD = 32 * BMAP
N_PRED_A = 16384 * 48
N_PRED_B = 16384 * 2
N_CAPT = 16384 * 200
PRED_A_PER_TILE = N_PRED_A // NSUB
PRED_B_PER_TILE = N_PRED_B // NSUB
CAPT_PER_TILE = N_CAPT // NSUB
CHUNK = 25600

_mesh = plsc.VectorSubcoreMesh(core_axis_name="c", subcore_axis_name="s")


@functools.partial(
    pl.kernel,
    out_type=jax.ShapeDtypeStruct((NCORES * NSUB, 2, LANES), jnp.int32),
    mesh=_mesh,
    scratch_types=[
        pltpu.VMEM((HPAD,), jnp.int32),
        pltpu.VMEM((2, CHUNK), jnp.int32),
        pltpu.VMEM((BMAP,), jnp.int32),
        pltpu.VMEM((BMAP,), jnp.int32),
        pltpu.VMEM((2, LANES), jnp.int32),
        pltpu.VMEM_SHARED((NSUB, BMAP), jnp.int32),
        pltpu.SemaphoreType.DMA,
        pltpu.SemaphoreType.DMA,
        pltpu.SemaphoreType.DMA,
    ],
    compiler_params=pltpu.CompilerParams(use_tc_tiling_on_sc=False,
                                         needs_layout_passes=False),
)
def _vocab_usage_sc(preds_a_hbm, preds_b_hbm, capts_hbm, out_hbm,
                    pres, tbuf, pkbuf, mbuf, cbuf, shared,
                    sem_a, sem_b, sem_m):
    core = lax.axis_index("c")
    sub = lax.axis_index("s")
    wid = core * NSUB + sub
    base = core * HALF
    zeros16 = jnp.zeros((LANES,), jnp.int32)
    ones16 = jnp.ones((LANES,), jnp.int32)
    sems = (sem_a, sem_b)

    def _zero_pres():
        @plsc.parallel_loop(0, HPAD // LANES, unroll=8)
        def _z(i):
            pres[pl.ds(i * LANES, LANES)] = zeros16

    def _chunks(per_tile):
        out, st = [], 0
        while st < per_tile:
            sz = min(CHUNK, per_tile - st)
            out.append((st, sz))
            st += sz
        return out

    def _issue(src_hbm, per_tile, st, sz, b):
        pltpu.async_copy(src_hbm.at[pl.ds(sub * per_tile + st, sz)],
                         tbuf.at[b, pl.ds(0, sz)], sems[b])

    def _prefetch(items, depth=1):
        for idx in range(min(depth, len(items))):
            src_hbm, per_tile, (st, sz) = items[idx]
            _issue(src_hbm, per_tile, st, sz, idx % 2)

    def _scatter(items, preissued=1):
        for idx, (src_hbm, per_tile, (st, sz)) in enumerate(items):
            b = idx % 2
            if idx + 1 < len(items) and idx + 1 >= preissued:
                s2, p2, (st2, sz2) = items[idx + 1]
                _issue(s2, p2, st2, sz2, (idx + 1) % 2)
            pltpu.make_async_copy(src_hbm.at[pl.ds(sub * per_tile, sz)],
                                  tbuf.at[b, pl.ds(0, sz)], sems[b]).wait()

            @plsc.parallel_loop(0, sz // LANES, unroll=16)
            def _v(i):
                tok = tbuf[b, pl.ds(i * LANES, LANES)]
                loc = tok - base
                msk = loc.astype(jnp.uint32) < jnp.uint32(HALF)
                plsc.store_scatter(pres, [loc], ones16, mask=msk)

    def _pack(clear):
        @plsc.parallel_loop(0, BMAP // LANES, unroll=2)
        def _p(i):
            acc = pres[pl.ds(i * LANES, LANES)]
            if clear:
                pres[pl.ds(i * LANES, LANES)] = zeros16
            for j in range(1, 32):
                v = pres[pl.ds(j * BMAP + i * LANES, LANES)]
                if clear:
                    pres[pl.ds(j * BMAP + i * LANES, LANES)] = zeros16
                acc = acc | (v << j)
            pkbuf[pl.ds(i * LANES, LANES)] = acc

    def _merge_count(inp):
        descs = [pltpu.async_copy(shared.at[t, pl.ds(sub * MSLICE, MSLICE)],
                                  mbuf.at[pl.ds(t * MSLICE, MSLICE)], sem_m)
                 for t in range(NSUB)]
        for d in descs:
            d.wait()

        @plsc.parallel_loop(0, MSLICE // LANES, unroll=1, carry=zeros16)
        def _cnt(j, cv):
            acc = mbuf[pl.ds(j * LANES, LANES)]
            for t in range(1, NSUB):
                acc = acc | mbuf[pl.ds(t * MSLICE + j * LANES, LANES)]
            u = plsc.bitcast(acc, jnp.uint32)
            u = u - ((u >> jnp.uint32(1)) & jnp.uint32(0x55555555))
            u = ((u & jnp.uint32(0x33333333))
                 + ((u >> jnp.uint32(2)) & jnp.uint32(0x33333333)))
            u = (u + (u >> jnp.uint32(4))) & jnp.uint32(0x0F0F0F0F)
            u = (u * jnp.uint32(0x01010101)) >> jnp.uint32(24)
            return cv + plsc.bitcast(u, jnp.int32)
        cbuf[inp] = _cnt

    pred_items = ([(preds_a_hbm, PRED_A_PER_TILE, c)
                   for c in _chunks(PRED_A_PER_TILE)]
                  + [(preds_b_hbm, PRED_B_PER_TILE, c)
                     for c in _chunks(PRED_B_PER_TILE)])
    capt_items = [(capts_hbm, CAPT_PER_TILE, c)
                  for c in _chunks(CAPT_PER_TILE)]

    _prefetch(pred_items)
    _zero_pres()
    _scatter(pred_items)
    _prefetch(capt_items)
    _pack(clear=True)
    pltpu.sync_copy(pkbuf, shared.at[sub])
    plsc.subcore_barrier()
    _merge_count(0)
    plsc.subcore_barrier()
    _scatter(capt_items)
    _pack(clear=False)
    pltpu.sync_copy(pkbuf, shared.at[sub])
    plsc.subcore_barrier()
    _merge_count(1)

    pltpu.sync_copy(cbuf, out_hbm.at[wid])


def kernel(preds, captions):
    pa = preds[:, :48].reshape(128, 128, 6, 8).transpose(2, 0, 3, 1).reshape(-1)
    pb = preds[:, 48:].T.reshape(-1)
    cf = captions.reshape(128, 128, 25, 8).transpose(2, 0, 3, 1).reshape(-1)
    parts = _vocab_usage_sc(pa, pb, cf)
    n_pred = parts[:, 0, :].sum().astype(jnp.float32)
    n_capt = parts[:, 1, :].sum().astype(jnp.float32)
    return jnp.where(n_capt > 0, n_pred / jnp.maximum(n_capt, 1.0),
                     jnp.float32(0.0))

# --- scband reference (transcript-rebuilt; emitter-appended) ---
"""Pipeline reference for scband-global-tensor-vocab-usage-163208757595 (READ-ONLY COPY).

The authoritative reference and input builder live on the scoring server;
editing this copy changes nothing except your own understanding.
"""

import jax, jax.numpy as jnp
import numpy as np

VOCAB = 100000


def setup_inputs(seed: int = 0) -> dict:
    key = jax.random.key(seed)
    k1, k2 = jax.random.split(key)
    preds = jax.random.randint(k1, (16384, 50), 0, VOCAB, dtype=jnp.int32)
    captions = jax.random.randint(k2, (16384, 200), 0, VOCAB, dtype=jnp.int32)
    return {"preds": preds, "captions": captions}


def reference(preds, captions):
    # GlobalTensorVocabUsage with ignored_indexes=() : no tokens are filtered out.
    # |hyp_vocab| / |ref_vocab| where vocab size = number of distinct token ids.
    # Distinct-count is computed via a presence histogram (jit-friendly analogue
    # of torch.unique followed by len()).
    pred_hist = jnp.bincount(preds.reshape(-1), length=VOCAB)
    capt_hist = jnp.bincount(captions.reshape(-1), length=VOCAB)
    n_pred = jnp.sum(pred_hist > 0).astype(jnp.float32)
    n_capt = jnp.sum(capt_hist > 0).astype(jnp.float32)
    ratio = jnp.where(n_capt > 0, n_pred / jnp.maximum(n_capt, 1.0), jnp.float32(0.0))
    return ratio

if __name__ == "__main__":
    import jax
    _d = setup_inputs()
    print(jax.jit(kernel)(*tuple(_d.values())))

</pallas_src>

<mosaic_0001>
#map = affine_map<(d0, d1) -> (0)>
#map1 = affine_map<(d0, d1) -> (0, 0, 0)>
module attributes {stable_mosaic.version = 14 : i64} {
  func.func @_vocab_usage_sc(%arg0: i32, %arg1: i32, %arg2: memref<786432xi32, #tpu.memory_space<hbm>>, %arg3: memref<32768xi32, #tpu.memory_space<hbm>>, %arg4: memref<3276800xi32, #tpu.memory_space<hbm>>, %arg5: memref<32x2x16xi32, #tpu.memory_space<hbm>>, %arg6: memref<57344xi32, #tpu.memory_space<vmem>>, %arg7: memref<2x25600xi32, #tpu.memory_space<vmem>>, %arg8: memref<1792xi32, #tpu.memory_space<vmem>>, %arg9: memref<1792xi32, #tpu.memory_space<vmem>>, %arg10: memref<2x16xi32, #tpu.memory_space<vmem>>, %arg11: memref<16x1792xi32, #tpu.memory_space<vmem_shared>>, %arg12: memref<!tpu.dma_semaphore, #tpu.memory_space<semaphore_mem>>, %arg13: memref<!tpu.dma_semaphore, #tpu.memory_space<semaphore_mem>>, %arg14: memref<!tpu.dma_semaphore, #tpu.memory_space<semaphore_mem>>) attributes {dimension_semantics = [#tpu.dimension_semantics<core_parallel>, #tpu.dimension_semantics<subcore_parallel>], iteration_bounds = array<i64: 2, 16>, scalar_prefetch = 0 : i64, scratch_operands = 9 : i64, tpu.core_type = #tpu.core_type<sc_vector_subcore>, window_params = [{transform_indices = #map}, {transform_indices = #map}, {transform_indices = #map}, {transform_indices = #map1}]} {
    %mul3A = arith.constant 16 : i32
    %mul3A_0 = arith.muli %arg0, %mul3A : i32
    %add3A = arith.addi %mul3A_0, %arg1 : i32
    %mul3A_1 = arith.constant 50000 : i32
    %mul3A_2 = arith.muli %arg0, %mul3A_1 : i32
    %broadcast_in_dim3A = arith.constant 0 : i32
    %broadcast_in_dim3A_3 = vector.broadcast %broadcast_in_dim3A : i32 to vector<16xi32>
    %broadcast_in_dim3A_4 = arith.constant 1 : i32
    %broadcast_in_dim3A_5 = vector.broadcast %broadcast_in_dim3A_4 : i32 to vector<16xi32>
    %mul3A_6 = arith.constant 49152 : i32
    %mul3A_7 = arith.muli %arg1, %mul3A_6 : i32
    %add3A_8 = arith.constant 0 : i32
    %add3A_9 = arith.addi %mul3A_7, %add3A_8 : i32
    %dma_start3A = arith.constant 0 : i32
    %dma_start3A_10 = arith.constant 0 : i32
    %dma_start3A_11 = tpu.memref_slice %arg7[%dma_start3A, %dma_start3A_10] : memref<2x25600xi32, #tpu.memory_space<vmem>> -> memref<1x25600xi32, #tpu.memory_space<vmem>>
    %dma_start3A_12 = tpu.memref_squeeze %dma_start3A_11 : memref<1x25600xi32, #tpu.memory_space<vmem>> -> memref<25600xi32, #tpu.memory_space<vmem>>
    %dma_start3A_13 = tpu.memref_slice %arg2[%add3A_9] : memref<786432xi32, #tpu.memory_space<hbm>> -> memref<25600xi32, #tpu.memory_space<hbm>>
    %dma_start3A_14 = arith.constant 0 : i32
    %dma_start3A_15 = tpu.memref_slice %arg7[%dma_start3A, %dma_start3A_14] : memref<2x25600xi32, #tpu.memory_space<vmem>> -> memref<1x25600xi32, #tpu.memory_space<vmem>>
    %dma_start3A_16 = tpu.memref_squeeze %dma_start3A_15 : memref<1x25600xi32, #tpu.memory_space<vmem>> -> memref<25600xi32, #tpu.memory_space<vmem>>
    %dma_start3A_17 = tpu.memref_slice %arg2[%add3A_9] : memref<786432xi32, #tpu.memory_space<hbm>> -> memref<25600xi32, #tpu.memory_space<hbm>>
    tpu.enqueue_dma source(%dma_start3A_17 : memref<25600xi32, #tpu.memory_space<hbm>>) target(%dma_start3A_16 : memref<25600xi32, #tpu.memory_space<vmem>>) target_semaphore(%arg12 : memref<!tpu.dma_semaphore, #tpu.memory_space<semaphore_mem>>)
    %parallel_loop3A = arith.constant 0 : i32
    %parallel_loop3A_18 = arith.constant 3584 : i32
    %parallel_loop3A_19 = arith.constant 1 : i32
    scf.for %parallel_loop3A_966 = %parallel_loop3A to %parallel_loop3A_18 step %parallel_loop3A_19  : i32 {
      %parallel_loop3A_967 = arith.constant 16 : i32
      %parallel_loop3A_968 = arith.muli %parallel_loop3A_966, %parallel_loop3A_967 : i32
      %parallel_loop3A_969 = arith.index_cast %parallel_loop3A_968 : i32 to index
      %parallel_loop3A_970 = tpu.vector_load %arg6[%parallel_loop3A_969] {strides = array<i32>} : memref<57344xi32, #tpu.memory_space<vmem>>, vector<16xi32>,
      tpu.vector_store %arg6[%parallel_loop3A_969], %broadcast_in_dim3A_3 {strides = array<i32>} : memref<57344xi32, #tpu.memory_space<vmem>>, vector<16xi32>,
    } {sc.loop_unroll_factor = 8 : i64, sc.parallel_access}
    %mul3A_20 = arith.constant 49152 : i32
    %mul3A_21 = arith.muli %arg1, %mul3A_20 : i32
    %add3A_22 = arith.constant 25600 : i32
    %add3A_23 = arith.addi %mul3A_21, %add3A_22 : i32
    %dma_start3A_24 = arith.constant 1 : i32
    %dma_start3A_25 = arith.constant 0 : i32
    %dma_start3A_26 = tpu.memref_slice %arg7[%dma_start3A_24, %dma_start3A_25] : memref<2x25600xi32, #tpu.memory_space<vmem>> -> memref<1x23552xi32, #tpu.memory_space<vmem>>
    %dma_start3A_27 = tpu.memref_squeeze %dma_start3A_26 : memref<1x23552xi32, #tpu.memory_space<vmem>> -> memref<23552xi32, #tpu.memory_space<vmem>>
    %dma_start3A_28 = tpu.memref_slice %arg2[%add3A_23] : memref<786432xi32, #tpu.memory_space<hbm>> -> memref<23552xi32, #tpu.memory_space<hbm>>
    %dma_start3A_29 = arith.constant 0 : i32
    %dma_start3A_30 = tpu.memref_slice %arg7[%dma_start3A_24, %dma_start3A_29] : memref<2x25600xi32, #tpu.memory_space<vmem>> -> memref<1x23552xi32, #tpu.memory_space<vmem>>
    %dma_start3A_31 = tpu.memref_squeeze %dma_start3A_30 : memref<1x23552xi32, #tpu.memory_space<vmem>> -> memref<23552xi32, #tpu.memory_space<vmem>>
    %dma_start3A_32 = tpu.memref_slice %arg2[%add3A_23] : memref<786432xi32, #tpu.memory_space<hbm>> -> memref<23552xi32, #tpu.memory_space<hbm>>
    tpu.enqueue_dma source(%dma_start3A_32 : memref<23552xi32, #tpu.memory_space<hbm>>) target(%dma_start3A_31 : memref<23552xi32, #tpu.memory_space<vmem>>) target_semaphore(%arg13 : memref<!tpu.dma_semaphore, #tpu.memory_space<semaphore_mem>>)
    %mul3A_33 = arith.constant 49152 : i32
    %mul3A_34 = arith.muli %arg1, %mul3A_33 : i32
    %dma_wait3A = arith.constant 0 : i32
    %dma_wait3A_35 = arith.constant 0 : i32
    %dma_wait3A_36 = tpu.memref_slice %arg7[%dma_wait3A, %dma_wait3A_35] : memref<2x25600xi32, #tpu.memory_space<vmem>> -> memref<1x25600xi32, #tpu.memory_space<vmem>>
    %dma_wait3A_37 = tpu.memref_squeeze %dma_wait3A_36 : memref<1x25600xi32, #tpu.memory_space<vmem>> -> memref<25600xi32, #tpu.memory_space<vmem>>
    %dma_wait3A_38 = tpu.memref_slice %arg2[%mul3A_34] : memref<786432xi32, #tpu.memory_space<hbm>> -> memref<25600xi32, #tpu.memory_space<hbm>>
    %dma_wait3A_39 = arith.constant 0 : i32
    %dma_wait3A_40 = tpu.memref_slice %arg7[%dma_wait3A, %dma_wait3A_39] : memref<2x25600xi32, #tpu.memory_space<vmem>> -> memref<1x25600xi32, #tpu.memory_space<vmem>>
    %dma_wait3A_41 = tpu.memref_squeeze %dma_wait3A_40 : memref<1x25600xi32, #tpu.memory_space<vmem>> -> memref<25600xi32, #tpu.memory_space<vmem>>
    %dma_wait3A_42 = tpu.memref_slice %arg2[%mul3A_34] : memref<786432xi32, #tpu.memory_space<hbm>> -> memref<25600xi32, #tpu.memory_space<hbm>>
    tpu.wait_dma2 semaphore(%arg12 : memref<!tpu.dma_semaphore, #tpu.memory_space<semaphore_mem>>) src(%dma_wait3A_42 : memref<25600xi32, #tpu.memory_space<hbm>>) dst(%dma_wait3A_41 : memref<25600xi32, #tpu.memory_space<vmem>>)
    %parallel_loop3A_43 = arith.constant 0 : i32
    %parallel_loop3A_44 = arith.constant 1600 : i32
    %parallel_loop3A_45 = arith.constant 1 : i32
    scf.for %parallel_loop3A_966 = %parallel_loop3A_43 to %parallel_loop3A_44 step %parallel_loop3A_45  : i32 {
      %parallel_loop3A_967 = arith.constant 16 : i32
      %parallel_loop3A_968 = arith.muli %parallel_loop3A_966, %parallel_loop3A_967 : i32
      %parallel_loop3A_969 = arith.constant 0 : i32
      %parallel_loop3A_970 = arith.index_cast %parallel_loop3A_969 : i32 to index
      %parallel_loop3A_971 = arith.index_cast %parallel_loop3A_968 : i32 to index
      %parallel_loop3A_972 = tpu.vector_load %arg7[%parallel_loop3A_970, %parallel_loop3A_971] {strides = array<i32>} : memref<2x25600xi32, #tpu.memory_space<vmem>>, vector<16xi32>,
      %parallel_loop3A_973 = vector.broadcast %mul3A_2 : i32 to vector<16xi32>
      %parallel_loop3A_974 = arith.subi %parallel_loop3A_972, %parallel_loop3A_973 : vector<16xi32>
      %parallel_loop3A_975 = arith.constant 50000 : i32
      %parallel_loop3A_976 = vector.broadcast %parallel_loop3A_975 : i32 to vector<16xi32>
      %parallel_loop3A_977 = arith.cmpi ult, %parallel_loop3A_974, %parallel_loop3A_976 : vector<16xi32>
      tpu.vector_store_idx %arg6[%parallel_loop3A_974], %broadcast_in_dim3A_5 masked %parallel_loop3A_977 : memref<57344xi32, #tpu.memory_space<vmem>>[vector<16xi32>], vector<16xi32>, vector<16xi1>
    } {sc.loop_unroll_factor = 16 : i64, sc.parallel_access}
    %mul3A_46 = arith.constant 2048 : i32
    %mul3A_47 = arith.muli %arg1, %mul3A_46 : i32
    %add3A_48 = arith.constant 0 : i32
    %add3A_49 = arith.addi %mul3A_47, %add3A_48 : i32
    %dma_start3A_50 = arith.constant 0 : i32
    %dma_start3A_51 = arith.constant 0 : i32
    %dma_start3A_52 = tpu.memref_slice %arg7[%dma_start3A_50, %dma_start3A_51] : memref<2x25600xi32, #tpu.memory_space<vmem>> -> memref<1x2048xi32, #tpu.memory_space<vmem>>
    %dma_start3A_53 = tpu.memref_squeeze %dma_start3A_52 : memref<1x2048xi32, #tpu.memory_space<vmem>> -> memref<2048xi32, #tpu.memory_space<vmem>>
    %dma_start3A_54 = tpu.memref_slice %arg3[%add3A_49] : memref<32768xi32, #tpu.memory_space<hbm>> -> memref<2048xi32, #tpu.memory_space<hbm>>
    %dma_start3A_55 = arith.constant 0 : i32
    %dma_start3A_56 = tpu.memref_slice %arg7[%dma_start3A_50, %dma_start3A_55] : memref<2x25600xi32, #tpu.memory_space<vmem>> -> memref<1x2048xi32, #tpu.memory_space<vmem>>
    %dma_start3A_57 = tpu.memref_squeeze %dma_start3A_56 : memref<1x2048xi32, #tpu.memory_space<vmem>> -> memref<2048xi32, #tpu.memory_space<vmem>>
    %dma_start3A_58 = tpu.memref_slice %arg3[%add3A_49] : memref<32768xi32, #tpu.memory_space<hbm>> -> memref<2048xi32, #tpu.memory_space<hbm>>
    tpu.enqueue_dma source(%dma_start3A_58 : memref<2048xi32, #tpu.memory_space<hbm>>) target(%dma_start3A_57 : memref<2048xi32, #tpu.memory_space<vmem>>) target_semaphore(%arg12 : memref<!tpu.dma_semaphore, #tpu.memory_space<semaphore_mem>>)
    %mul3A_59 = arith.constant 49152 : i32
    %mul3A_60 = arith.muli %arg1, %mul3A_59 : i32
    %dma_wait3A_61 = arith.constant 1 : i32
    %dma_wait3A_62 = arith.constant 0 : i32
    %dma_wait3A_63 = tpu.memref_slice %arg7[%dma_wait3A_61, %dma_wait3A_62] : memref<2x25600xi32, #tpu.memory_space<vmem>> -> memref<1x23552xi32, #tpu.memory_space<vmem>>
    %dma_wait3A_64 = tpu.memref_squeeze %dma_wait3A_63 : memref<1x23552xi32, #tpu.memory_space<vmem>> -> memref<23552xi32, #tpu.memory_space<vmem>>
    %dma_wait3A_65 = tpu.memref_slice %arg2[%mul3A_60] : memref<786432xi32, #tpu.memory_space<hbm>> -> memref<23552xi32, #tpu.memory_space<hbm>>
    %dma_wait3A_66 = arith.constant 0 : i32
    %dma_wait3A_67 = tpu.memref_slice %arg7[%dma_wait3A_61, %dma_wait3A_66] : memref<2x25600xi32, #tpu.memory_space<vmem>> -> memref<1x23552xi32, #tpu.memory_space<vmem>>
    %dma_wait3A_68 = tpu.memref_squeeze %dma_wait3A_67 : memref<1x23552xi32, #tpu.memory_space<vmem>> -> memref<23552xi32, #tpu.memory_space<vmem>>
    %dma_wait3A_69 = tpu.memref_slice %arg2[%mul3A_60] : memref<786432xi32, #tpu.memory_space<hbm>> -> memref<23552xi32, #tpu.memory_space<hbm>>
    tpu.wait_dma2 semaphore(%arg13 : memref<!tpu.dma_semaphore, #tpu.memory_space<semaphore_mem>>) src(%dma_wait3A_69 : memref<23552xi32, #tpu.memory_space<hbm>>) dst(%dma_wait3A_68 : memref<23552xi32, #tpu.memory_space<vmem>>)
    %parallel_loop3A_70 = arith.constant 0 : i32
    %parallel_loop3A_71 = arith.constant 1472 : i32
    %parallel_loop3A_72 = arith.constant 1 : i32
    scf.for %parallel_loop3A_966 = %parallel_loop3A_70 to %parallel_loop3A_71 step %parallel_loop3A_72  : i32 {
      %parallel_loop3A_967 = arith.constant 16 : i32
      %parallel_loop3A_968 = arith.muli %parallel_loop3A_966, %parallel_loop3A_967 : i32
      %parallel_loop3A_969 = arith.constant 1 : i32
      %parallel_loop3A_970 = arith.index_cast %parallel_loop3A_969 : i32 to index
      %parallel_loop3A_971 = arith.index_cast %parallel_loop3A_968 : i32 to index
      %parallel_loop3A_972 = tpu.vector_load %arg7[%parallel_loop3A_970, %parallel_loop3A_971] {strides = array<i32>} : memref<2x25600xi32, #tpu.memory_space<vmem>>, vector<16xi32>,
      %parallel_loop3A_973 = vector.broadcast %mul3A_2 : i32 to vector<16xi32>
      %parallel_loop3A_974 = arith.subi %parallel_loop3A_972, %parallel_loop3A_973 : vector<16xi32>
      %parallel_loop3A_975 = arith.constant 50000 : i32
      %parallel_loop3A_976 = vector.broadcast %parallel_loop3A_975 : i32 to vector<16xi32>
      %parallel_loop3A_977 = arith.cmpi ult, %parallel_loop3A_974, %parallel_loop3A_976 : vector<16xi32>
      tpu.vector_store_idx %arg6[%parallel_loop3A_974], %broadcast_in_dim3A_5 masked %parallel_loop3A_977 : memref<57344xi32, #tpu.memory_space<vmem>>[vector<16xi32>], vector<16xi32>, vector<16xi1>
    } {sc.loop_unroll_factor = 16 : i64, sc.parallel_access}
    %mul3A_73 = arith.constant 2048 : i32
    %mul3A_74 = arith.muli %arg1, %mul3A_73 : i32
    %dma_wait3A_75 = arith.constant 0 : i32
    %dma_wait3A_76 = arith.constant 0 : i32
    %dma_wait3A_77 = tpu.memref_slice %arg7[%dma_wait3A_75, %dma_wait3A_76] : memref<2x25600xi32, #tpu.memory_space<vmem>> -> memref<1x2048xi32, #tpu.memory_space<vmem>>
    %dma_wait3A_78 = tpu.memref_squeeze %dma_wait3A_77 : memref<1x2048xi32, #tpu.memory_space<vmem>> -> memref<2048xi32, #tpu.memory_space<vmem>>
    %dma_wait3A_79 = tpu.memref_slice %arg3[%mul3A_74] : memref<32768xi32, #tpu.memory_space<hbm>> -> memref<2048xi32, #tpu.memory_space<hbm>>
    %dma_wait3A_80 = arith.constant 0 : i32
    %dma_wait3A_81 = tpu.memref_slice %arg7[%dma_wait3A_75, %dma_wait3A_80] : memref<2x25600xi32, #tpu.memory_space<vmem>> -> memref<1x2048xi32, #tpu.memory_space<vmem>>
    %dma_wait3A_82 = tpu.memref_squeeze %dma_wait3A_81 : memref<1x2048xi32, #tpu.memory_space<vmem>> -> memref<2048xi32, #tpu.memory_space<vmem>>
    %dma_wait3A_83 = tpu.memref_slice %arg3[%mul3A_74] : memref<32768xi32, #tpu.memory_space<hbm>> -> memref<2048xi32, #tpu.memory_space<hbm>>
    tpu.wait_dma2 semaphore(%arg12 : memref<!tpu.dma_semaphore, #tpu.memory_space<semaphore_mem>>) src(%dma_wait3A_83 : memref<2048xi32, #tpu.memory_space<hbm>>) dst(%dma_wait3A_82 : memref<2048xi32, #tpu.memory_space<vmem>>)
    %parallel_loop3A_84 = arith.constant 0 : i32
    %parallel_loop3A_85 = arith.constant 128 : i32
    %parallel_loop3A_86 = arith.constant 1 : i32
    scf.for %parallel_loop3A_966 = %parallel_loop3A_84 to %parallel_loop3A_85 step %parallel_loop3A_86  : i32 {
      %parallel_loop3A_967 = arith.constant 16 : i32
      %parallel_loop3A_968 = arith.muli %parallel_loop3A_966, %parallel_loop3A_967 : i32
      %parallel_loop3A_969 = arith.constant 0 : i32
      %parallel_loop3A_970 = arith.index_cast %parallel_loop3A_969 : i32 to index
      %parallel_loop3A_971 = arith.index_cast %parallel_loop3A_968 : i32 to index
      %parallel_loop3A_972 = tpu.vector_load %arg7[%parallel_loop3A_970, %parallel_loop3A_971] {strides = array<i32>} : memref<2x25600xi32, #tpu.memory_space<vmem>>, vector<16xi32>,
      %parallel_loop3A_973 = vector.broadcast %mul3A_2 : i32 to vector<16xi32>
      %parallel_loop3A_974 = arith.subi %parallel_loop3A_972, %parallel_loop3A_973 : vector<16xi32>
      %parallel_loop3A_975 = arith.constant 50000 : i32
      %parallel_loop3A_976 = vector.broadcast %parallel_loop3A_975 : i32 to vector<16xi32>
      %parallel_loop3A_977 = arith.cmpi ult, %parallel_loop3A_974, %parallel_loop3A_976 : vector<16xi32>
      tpu.vector_store_idx %arg6[%parallel_loop3A_974], %broadcast_in_dim3A_5 masked %parallel_loop3A_977 : memref<57344xi32, #tpu.memory_space<vmem>>[vector<16xi32>], vector<16xi32>, vector<16xi1>
    } {sc.loop_unroll_factor = 16 : i64, sc.parallel_access}
    %mul3A_87 = arith.constant 204800 : i32
    %mul3A_88 = arith.muli %arg1, %mul3A_87 : i32
    %add3A_89 = arith.constant 0 : i32
    %add3A_90 = arith.addi %mul3A_88, %add3A_89 : i32
    %dma_start3A_91 = arith.constant 0 : i32
    %dma_start3A_92 = arith.constant 0 : i32
    %dma_start3A_93 = tpu.memref_slice %arg7[%dma_start3A_91, %dma_start3A_92] : memref<2x25600xi32, #tpu.memory_space<vmem>> -> memref<1x25600xi32, #tpu.memory_space<vmem>>
    %dma_start3A_94 = tpu.memref_squeeze %dma_start3A_93 : memref<1x25600xi32, #tpu.memory_space<vmem>> -> memref<25600xi32, #tpu.memory_space<vmem>>
    %dma_start3A_95 = tpu.memref_slice %arg4[%add3A_90] : memref<3276800xi32, #tpu.memory_space<hbm>> -> memref<25600xi32, #tpu.memory_space<hbm>>
    %dma_start3A_96 = arith.constant 0 : i32
    %dma_start3A_97 = tpu.memref_slice %arg7[%dma_start3A_91, %dma_start3A_96] : memref<2x25600xi32, #tpu.memory_space<vmem>> -> memref<1x25600xi32, #tpu.memory_space<vmem>>
    %dma_start3A_98 = tpu.memref_squeeze %dma_start3A_97 : memref<1x25600xi32, #tpu.memory_space<vmem>> -> memref<25600xi32, #tpu.memory_space<vmem>>
    %dma_start3A_99 = tpu.memref_slice %arg4[%add3A_90] : memref<3276800xi32, #tpu.memory_space<hbm>> -> memref<25600xi32, #tpu.memory_space<hbm>>
    tpu.enqueue_dma source(%dma_start3A_99 : memref<25600xi32, #tpu.memory_space<hbm>>) target(%dma_start3A_98 : memref<25600xi32, #tpu.memory_space<vmem>>) target_semaphore(%arg12 : memref<!tpu.dma_semaphore, #tpu.memory_space<semaphore_mem>>)
    %parallel_loop3A_100 = arith.constant 0 : i32
    %parallel_loop3A_101 = arith.constant 112 : i32
    %parallel_loop3A_102 = arith.constant 1 : i32
    scf.for %parallel_loop3A_966 = %parallel_loop3A_100 to %parallel_loop3A_101 step %parallel_loop3A_102  : i32 {
      %parallel_loop3A_967 = arith.constant 16 : i32
      %parallel_loop3A_968 = arith.muli %parallel_loop3A_966, %parallel_loop3A_967 : i32
      %parallel_loop3A_969 = arith.index_cast %parallel_loop3A_968 : i32 to index
      %parallel_loop3A_970 = tpu.vector_load %arg6[%parallel_loop3A_969] {strides = array<i32>} : memref<57344xi32, #tpu.memory_space<vmem>>, vector<16xi32>,
      %parallel_loop3A_971 = arith.constant 16 : i32
      %parallel_loop3A_972 = arith.muli %parallel_loop3A_966, %parallel_loop3A_971 : i32
      %parallel_loop3A_973 = arith.index_cast %parallel_loop3A_972 : i32 to index
      %parallel_loop3A_974 = tpu.vector_load %arg6[%parallel_loop3A_973] {strides = array<i32>} : memref<57344xi32, #tpu.memory_space<vmem>>, vector<16xi32>,
      tpu.vector_store %arg6[%parallel_loop3A_973], %broadcast_in_dim3A_3 {strides = array<i32>} : memref<57344xi32, #tpu.memory_space<vmem>>, vector<16xi32>,
      %parallel_loop3A_975 = arith.constant 16 : i32
      %parallel_loop3A_976 = arith.muli %parallel_loop3A_966, %parallel_loop3A_975 : i32
      %parallel_loop3A_977 = arith.constant 1792 : i32
      %parallel_loop3A_978 = arith.addi %parallel_loop3A_977, %parallel_loop3A_976 : i32
      %parallel_loop3A_979 = arith.index_cast %parallel_loop3A_978 : i32 to index
      %parallel_loop3A_980 = tpu.vector_load %arg6[%parallel_loop3A_979] {strides = array<i32>} : memref<57344xi32, #tpu.memory_space<vmem>>, vector<16xi32>,
      %parallel_loop3A_981 = arith.constant 16 : i32
      %parallel_loop3A_982 = arith.muli %parallel_loop3A_966, %parallel_loop3A_981 : i32
      %parallel_loop3A_983 = arith.constant 1792 : i32
      %parallel_loop3A_984 = arith.addi %parallel_loop3A_983, %parallel_loop3A_982 : i32
      %parallel_loop3A_985 = arith.index_cast %parallel_loop3A_984 : i32 to index
      %parallel_loop3A_986 = tpu.vector_load %arg6[%parallel_loop3A_985] {strides = array<i32>} : memref<57344xi32, #tpu.memory_space<vmem>>, vector<16xi32>,
      tpu.vector_store %arg6[%parallel_loop3A_985], %broadcast_in_dim3A_3 {strides = array<i32>} : memref<57344xi32, #tpu.memory_space<vmem>>, vector<16xi32>,
      %parallel_loop3A_987 = arith.constant 1 : i32
      %parallel_loop3A_988 = vector.broadcast %parallel_loop3A_987 : i32 to vector<16xi32>
      %parallel_loop3A_989 = arith.shli %parallel_loop3A_980, %parallel_loop3A_988 : vector<16xi32>
      %parallel_loop3A_990 = arith.ori %parallel_loop3A_970, %parallel_loop3A_989 : vector<16xi32>
      %parallel_loop3A_991 = arith.constant 16 : i32
      %parallel_loop3A_992 = arith.muli %parallel_loop3A_966, %parallel_loop3A_991 : i32
      %parallel_loop3A_993 = arith.constant 3584 : i32
      %parallel_loop3A_994 = arith.addi %parallel_loop3A_993, %parallel_loop3A_992 : i32
      %parallel_loop3A_995 = arith.index_cast %parallel_loop3A_994 : i32 to index
      %parallel_loop3A_996 = tpu.vector_load %arg6[%parallel_loop3A_995] {strides = array<i32>} : memref<57344xi32, #tpu.memory_space<vmem>>, vector<16xi32>,
      %parallel_loop3A_997 = arith.constant 16 : i32
      %parallel_loop3A_998 = arith.muli %parallel_loop3A_966, %parallel_loop3A_997 : i32
      %parallel_loop3A_999 = arith.constant 3584 : i32
      %parallel_loop3A_1000 = arith.addi %parallel_loop3A_999, %parallel_loop3A_998 : i32
      %parallel_loop3A_1001 = arith.index_cast %parallel_loop3A_1000 : i32 to index
      %parallel_loop3A_1002 = tpu.vector_load %arg6[%parallel_loop3A_1001] {strides = array<i32>} : memref<57344xi32, #tpu.memory_space<vmem>>, vector<16xi32>,
      tpu.vector_store %arg6[%parallel_loop3A_1001], %broadcast_in_dim3A_3 {strides = array<i32>} : memref<57344xi32, #tpu.memory_space<vmem>>, vector<16xi32>,
      %parallel_loop3A_1003 = arith.constant 2 : i32
      %parallel_loop3A_1004 = vector.broadcast %parallel_loop3A_1003 : i32 to vector<16xi32>
      %parallel_loop3A_1005 = arith.shli %parallel_loop3A_996, %parallel_loop3A_1004 : vector<16xi32>
      %parallel_loop3A_1006 = arith.ori %parallel_loop3A_990, %parallel_loop3A_1005 : vector<16xi32>
      %parallel_loop3A_1007 = arith.constant 16 : i32
      %parallel_loop3A_1008 = arith.muli %parallel_loop3A_966, %parallel_loop3A_1007 : i32
      %parallel_loop3A_1009 = arith.constant 5376 : i32
      %parallel_loop3A_1010 = arith.addi %parallel_loop3A_1009, %parallel_loop3A_1008 : i32
      %parallel_loop3A_1011 = arith.index_cast %parallel_loop3A_1010 : i32 to index
      %parallel_loop3A_1012 = tpu.vector_load %arg6[%parallel_loop3A_1011] {strides = array<i32>} : memref<57344xi32, #tpu.memory_space<vmem>>, vector<16xi32>,
      %parallel_loop3A_1013 = arith.constant 16 : i32
      %parallel_loop3A_1014 = arith.muli %parallel_loop3A_966, %parallel_loop3A_1013 : i32
      %parallel_loop3A_1015 = arith.constant 5376 : i32
      %parallel_loop3A_1016 = arith.addi %parallel_loop3A_1015, %parallel_loop3A_1014 : i32
      %parallel_loop3A_1017 = arith.index_cast %parallel_loop3A_1016 : i32 to index
      %parallel_loop3A_1018 = tpu.vector_load %arg6[%parallel_loop3A_1017] {strides = array<i32>} : memref<57344xi32, #tpu.memory_space<vmem>>, vector<16xi32>,
      tpu.vector_store %arg6[%parallel_loop3A_1017], %broadcast_in_dim3A_3 {strides = array<i32>} : memref<57344xi32, #tpu.memory_space<vmem>>, vector<16xi32>,
      %parallel_loop3A_1019 = arith.constant 3 : i32
      %parallel_loop3A_1020 = vector.broadcast %parallel_loop3A_1019 : i32 to vector<16xi32>
      %parallel_loop3A_1021 = arith.shli %parallel_loop3A_1012, %parallel_loop3A_1020 : vector<16xi32>
      %parallel_loop3A_1022 = arith.ori %parallel_loop3A_1006, %parallel_loop3A_1021 : vector<16xi32>
      %parallel_loop3A_1023 = arith.constant 16 : i32
      %parallel_loop3A_1024 = arith.muli %parallel_loop3A_966, %parallel_loop3A_1023 : i32
      %parallel_loop3A_1025 = arith.constant 7168 : i32
      %parallel_loop3A_1026 = arith.addi %parallel_loop3A_1025, %parallel_loop3A_1024 : i32
      %parallel_loop3A_1027 = arith.index_cast %parallel_loop3A_1026 : i32 to index
      %parallel_loop3A_1028 = tpu.vector_load %arg6[%parallel_loop3A_1027] {strides = array<i32>} : memref<57344xi32, #tpu.memory_space<vmem>>, vector<16xi32>,
      %parallel_loop3A_1029 = arith.constant 16 : i32
      %parallel_loop3A_1030 = arith.muli %parallel_loop3A_966, %parallel_loop3A_1029 : i32
      %parallel_loop3A_1031 = arith.constant 7168 : i32
      %parallel_loop3A_1032 = arith.addi %parallel_loop3A_1031, %parallel_loop3A_1030 : i32
      %parallel_loop3A_1033 = arith.index_cast %parallel_loop3A_1032 : i32 to index
      %parallel_loop3A_1034 = tpu.vector_load %arg6[%parallel_loop3A_1033] {strides = array<i32>} : memref<57344xi32, #tpu.memory_space<vmem>>, vector<16xi32>,
      tpu.vector_store %arg6[%parallel_loop3A_1033], %broadcast_in_dim3A_3 {strides = array<i32>} : memref<57344xi32, #tpu.memory_space<vmem>>, vector<16xi32>,
      %parallel_loop3A_1035 = arith.constant 4 : i32
      %parallel_loop3A_1036 = vector.broadcast %parallel_loop3A_1035 : i32 to vector<16xi32>
      %parallel_loop3A_1037 = arith.shli %parallel_loop3A_1028, %parallel_loop3A_1036 : vector<16xi32>
      %parallel_loop3A_1038 = arith.ori %parallel_loop3A_1022, %parallel_loop3A_1037 : vector<16xi32>
      %parallel_loop3A_1039 = arith.constant 16 : i32
      %parallel_loop3A_1040 = arith.muli %parallel_loop3A_966, %parallel_loop3A_1039 : i32
      %parallel_loop3A_1041 = arith.constant 8960 : i32
      %parallel_loop3A_1042 = arith.addi %parallel_loop3A_1041, %parallel_loop3A_1040 : i32
      %parallel_loop3A_1043 = arith.index_cast %parallel_loop3A_1042 : i32 to index
      %parallel_loop3A_1044 = tpu.vector_load %arg6[%parallel_loop3A_1043] {strides = array<i32>} : memref<57344xi32, #tpu.memory_space<vmem>>, vector<16xi32>,
      %parallel_loop3A_1045 = arith.constant 16 : i32
      %parallel_loop3A_1046 = arith.muli %parallel_loop3A_966, %parallel_loop3A_1045 : i32
      %parallel_loop3A_1047 = arith.constant 8960 : i32
      %parallel_loop3A_1048 = arith.addi %parallel_loop3A_1047, %parallel_loop3A_1046 : i32
      %parallel_loop3A_1049 = arith.index_cast %parallel_loop3A_1048 : i32 to index
      %parallel_loop3A_1050 = tpu.vector_load %arg6[%parallel_loop3A_1049] {strides = array<i32>} : memref<57344xi32, #tpu.memory_space<vmem>>, vector<16xi32>,
      tpu.vector_store %arg6[%parallel_loop3A_1049], %broadcast_in_dim3A_3 {strides = array<i32>} : memref<57344xi32, #tpu.memory_space<vmem>>, vector<16xi32>,
      %parallel_loop3A_1051 = arith.constant 5 : i32
      %parallel_loop3A_1052 = vector.broadcast %parallel_loop3A_1051 : i32 to vector<16xi32>
      %parallel_loop3A_1053 = arith.shli %parallel_loop3A_1044, %parallel_loop3A_1052 : vector<16xi32>
      %parallel_loop3A_1054 = arith.ori %parallel_loop3A_1038, %parallel_loop3A_1053 : vector<16xi32>
      %parallel_loop3A_1055 = arith.constant 16 : i32
      %parallel_loop3A_1056 = arith.muli %parallel_loop3A_966, %parallel_loop3A_1055 : i32
      %parallel_loop3A_1057 = arith.constant 10752 : i32
      %parallel_loop3A_1058 = arith.addi %parallel_loop3A_1057, %parallel_loop3A_1056 : i32
      %parallel_loop3A_1059 = arith.index_cast %parallel_loop3A_1058 : i32 to index
      %parallel_loop3A_1060 = tpu.vector_load %arg6[%parallel_loop3A_1059] {strides = array<i32>} : memref<57344xi32, #tpu.memory_space<vmem>>, vector<16xi32>,
      %parallel_loop3A_1061 = arith.constant 16 : i32
      %parallel_loop3A_1062 = arith.muli %parallel_loop3A_966, %parallel_loop3A_1061 : i32
      %parallel_loop3A_1063 = arith.constant 10752 : i32
      %parallel_loop3A_1064 = arith.addi %parallel_loop3A_1063, %parallel_loop3A_1062 : i32
      %parallel_loop3A_1065 = arith.index_cast %parallel_loop3A_1064 : i32 to index
      %parallel_loop3A_1066 = tpu.vector_load %arg6[%parallel_loop3A_1065] {strides = array<i32>} : memref<57344xi32, #tpu.memory_space<vmem>>, vector<16xi32>,
      tpu.vector_store %arg6[%parallel_loop3A_1065], %broadcast_in_dim3A_3 {strides = array<i32>} : memref<57344xi32, #tpu.memory_space<vmem>>, vector<16xi32>,
      %parallel_loop3A_1067 = arith.constant 6 : i32
      %parallel_loop3A_1068 = vector.broadcast %parallel_loop3A_1067 : i32 to vector<16xi32>
      %parallel_loop3A_1069 = arith.shli %parallel_loop3A_1060, %parallel_loop3A_1068 : vector<16xi32>
      %parallel_loop3A_1070 = arith.ori %parallel_loop3A_1054, %parallel_loop3A_1069 : vector<16xi32>
      %parallel_loop3A_1071 = arith.constant 16 : i32
      %parallel_loop3A_1072 = arith.muli %parallel_loop3A_966, %parallel_loop3A_1071 : i32
      %parallel_loop3A_1073 = arith.constant 12544 : i32
      %parallel_loop3A_1074 = arith.addi %parallel_loop3A_1073, %parallel_loop3A_1072 : i32
      %parallel_loop3A_1075 = arith.index_cast %parallel_loop3A_1074 : i32 to index
      %parallel_loop3A_1076 = tpu.vector_load %arg6[%parallel_loop3A_1075] {strides = array<i32>} : memref<57344xi32, #tpu.memory_space<vmem>>, vector<16xi32>,
      %parallel_loop3A_1077 = arith.constant 16 : i32
      %parallel_loop3A_1078 = arith.muli %parallel_loop3A_966, %parallel_loop3A_1077 : i32
      %parallel_loop3A_1079 = arith.constant 12544 : i32
      %parallel_loop3A_1080 = arith.addi %parallel_loop3A_1079, %parallel_loop3A_1078 : i32
      %parallel_loop3A_1081 = arith.index_cast %parallel_loop3A_1080 : i32 to index
      %parallel_loop3A_1082 = tpu.vector_load %arg6[%parallel_loop3A_1081] {strides = array<i32>} : memref<57344xi32, #tpu.memory_space<vmem>>, vector<16xi32>,
      tpu.vector_store %arg6[%parallel_loop3A_1081], %broadcast_in_dim3A_3 {strides = array<i32>} : memref<57344xi32, #tpu.memory_space<vmem>>, vector<16xi32>,
      %parallel_loop3A_1083 = arith.constant 7 : i32
      %parallel_loop3A_1084 = vector.broadcast %parallel_loop3A_1083 : i32 to vector<16xi32>
      %parallel_loop3A_1085 = arith.shli %parallel_loop3A_1076, %parallel_loop3A_1084 : vector<16xi32>
      %parallel_loop3A_1086 = arith.ori %parallel_loop3A_1070, %parallel_loop3A_1085 : vector<16xi32>
      %parallel_loop3A_1087 = arith.constant 16 : i32
      %parallel_loop3A_1088 = arith.muli %parallel_loop3A_966, %parallel_loop3A_1087 : i32
      %parallel_loop3A_1089 = arith.constant 14336 : i32
      %parallel_loop3A_1090 = arith.addi %parallel_loop3A_1089, %parallel_loop3A_1088 : i32
      %parallel_loop3A_1091 = arith.index_cast %parallel_loop3A_1090 : i32 to index
      %parallel_loop3A_1092 = tpu.vector_load %arg6[%parallel_loop3A_1091] {strides = array<i32>} : memref<57344xi32, #tpu.memory_space<vmem>>, vector<16xi32>,
      %parallel_loop3A_1093 = arith.constant 16 : i32
      %parallel_loop3A_1094 = arith.muli %parallel_loop3A_966, %parallel_loop3A_1093 : i32
      %parallel_loop3A_1095 = arith.constant 14336 : i32
      %parallel_loop3A_1096 = arith.addi %parallel_loop3A_1095, %parallel_loop3A_1094 : i32
      %parallel_loop3A_1097 = arith.index_cast %parallel_loop3A_1096 : i32 to index
      %parallel_loop3A_1098 = tpu.vector_load %arg6[%parallel_loop3A_1097] {strides = array<i32>} : memref<57344xi32, #tpu.memory_space<vmem>>, vector<16xi32>,
      tpu.vector_store %arg6[%parallel_loop3A_1097], %broadcast_in_dim3A_3 {strides = array<i32>} : memref<57344xi32, #tpu.memory_space<vmem>>, vector<16xi32>,
      %parallel_loop3A_1099 = arith.constant 8 : i32
      %parallel_loop3A_1100 = vector.broadcast %parallel_loop3A_1099 : i32 to vector<16xi32>
      %parallel_loop3A_1101 = arith.shli %parallel_loop3A_1092, %parallel_loop3A_1100 : vector<16xi32>
      %parallel_loop3A_1102 = arith.ori %parallel_loop3A_1086, %parallel_loop3A_1101 : vector<16xi32>
      %parallel_loop3A_1103 = arith.constant 16 : i32
      %parallel_loop3A_1104 = arith.muli %parallel_loop3A_966, %parallel_loop3A_1103 : i32
      %parallel_loop3A_1105 = arith.constant 16128 : i32
      %parallel_loop3A_1106 = arith.addi %parallel_loop3A_1105, %parallel_loop3A_1104 : i32
      %parallel_loop3A_1107 = arith.index_cast %parallel_loop3A_1106 : i32 to index
      %parallel_loop3A_1108 = tpu.vector_load %arg6[%parallel_loop3A_1107] {strides = array<i32>} : memref<57344xi32, #tpu.memory_space<vmem>>, vector<16xi32>,
      %parallel_loop3A_1109 = arith.constant 16 : i32
      %parallel_loop3A_1110 = arith.muli %parallel_loop3A_966, %parallel_loop3A_1109 : i32
      %parallel_loop3A_1111 = arith.constant 16128 : i32
      %parallel_loop3A_1112 = arith.addi %parallel_loop3A_1111, %parallel_loop3A_1110 : i32
      %parallel_loop3A_1113 = arith.index_cast %parallel_loop3A_1112 : i32 to index
      %parallel_loop3A_1114 = tpu.vector_load %arg6[%parallel_loop3A_1113] {strides = array<i32>} : memref<57344xi32, #tpu.memory_space<vmem>>, vector<16xi32>,
      tpu.vector_store %arg6[%parallel_loop3A_1113], %broadcast_in_dim3A_3 {strides = array<i32>} : memref<57344xi32, #tpu.memory_space<vmem>>, vector<16xi32>,
      %parallel_loop3A_1115 = arith.constant 9 : i32
      %parallel_loop3A_1116 = vector.broadcast %parallel_loop3A_1115 : i32 to vector<16xi32>
      %parallel_loop3A_1117 = arith.shli %parallel_loop3A_1108, %parallel_loop3A_1116 : vector<16xi32>
      %parallel_loop3A_1118 = arith.ori %parallel_loop3A_1102, %parallel_loop3A_1117 : vector<16xi32>
      %parallel_loop3A_1119 = arith.constant 16 : i32
      %parallel_loop3A_1120 = arith.muli %parallel_loop3A_966, %parallel_loop3A_1119 : i32
      %parallel_loop3A_1121 = arith.constant 17920 : i32
      %parallel_loop3A_1122 = arith.addi %parallel_loop3A_1121, %parallel_loop3A_1120 : i32
      %parallel_loop3A_1123 = arith.index_cast %parallel_loop3A_1122 : i32 to index
      %parallel_loop3A_1124 = tpu.vector_load %arg6[%parallel_loop3A_1123] {strides = array<i32>} : memref<57344xi32, #tpu.memory_space<vmem>>, vector<16xi32>,
      %parallel_loop3A_1125 = arith.constant 16 : i32
      %parallel_loop3A_1126 = arith.muli %parallel_loop3A_966, %parallel_loop3A_1125 : i32
      %parallel_loop3A_1127 = arith.constant 17920 : i32
      %parallel_loop3A_1128 = arith.addi %parallel_loop3A_1127, %parallel_loop3A_1126 : i32
      %parallel_loop3A_1129 = arith.index_cast %parallel_loop3A_1128 : i32 to index
      %parallel_loop3A_1130 = tpu.vector_load %arg6[%parallel_loop3A_1129] {strides = array<i32>} : memref<57344xi32, #tpu.memory_space<vmem>>, vector<16xi32>,
      tpu.vector_store %arg6[%parallel_loop3A_1129], %broadcast_in_dim3A_3 {strides = array<i32>} : memref<57344xi32, #tpu.memory_space<vmem>>, vector<16xi32>,
      %parallel_loop3A_1131 = arith.constant 10 : i32
      %parallel_loop3A_1132 = vector.broadcast %parallel_loop3A_1131 : i32 to vector<16xi32>
      %parallel_loop3A_1133 = arith.shli %parallel_loop3A_1124, %parallel_loop3A_1132 : vector<16xi32>
      %parallel_loop3A_1134 = arith.ori %parallel_loop3A_1118, %parallel_loop3A_1133 : vector<16xi32>
      %parallel_loop3A_1135 = arith.constant 16 : i32
      %parallel_loop3A_1136 = arith.muli %parallel_loop3A_966, %parallel_loop3A_1135 : i32
      %parallel_loop3A_1137 = arith.constant 19712 : i32
      %parallel_loop3A_1138 = arith.addi %parallel_loop3A_1137, %parallel_loop3A_1136 : i32
      %parallel_loop3A_1139 = arith.index_cast %parallel_loop3A_1138 : i32 to index
      %parallel_loop3A_1140 = tpu.vector_load %arg6[%parallel_loop3A_1139] {strides = array<i32>} : memref<57344xi32, #tpu.memory_space<vmem>>, vector<16xi32>,
      %parallel_loop3A_1141 = arith.constant 16 : i32
      %parallel_loop3A_1142 = arith.muli %parallel_loop3A_966, %parallel_loop3A_1141 : i32
      %parallel_loop3A_1143 = arith.constant 19712 : i32
      %parallel_loop3A_1144 = arith.addi %parallel_loop3A_1143, %parallel_loop3A_1142 : i32
      %parallel_loop3A_1145 = arith.index_cast %parallel_loop3A_1144 : i32 to index
      %parallel_loop3A_1146 = tpu.vector_load %arg6[%parallel_loop3A_1145] {strides = array<i32>} : memref<57344xi32, #tpu.memory_space<vmem>>, vector<16xi32>,
      tpu.vector_store %arg6[%parallel_loop3A_1145], %broadcast_in_dim3A_3 {strides = array<i32>} : memref<57344xi32, #tpu.memory_space<vmem>>, vector<16xi32>,
      %parallel_loop3A_1147 = arith.constant 11 : i32
      %parallel_loop3A_1148 = vector.broadcast %parallel_loop3A_1147 : i32 to vector<16xi32>
      %parallel_loop3A_1149 = arith.shli %parallel_loop3A_1140, %parallel_loop3A_1148 : vector<16xi32>
      %parallel_loop3A_1150 = arith.ori %parallel_loop3A_1134, %parallel_loop3A_1149 : vector<16xi32>
      %parallel_loop3A_1151 = arith.constant 16 : i32
      %parallel_loop3A_1152 = arith.muli %parallel_loop3A_966, %parallel_loop3A_1151 : i32
      %parallel_loop3A_1153 = arith.constant 21504 : i32
      %parallel_loop3A_1154 = arith.addi %parallel_loop3A_1153, %parallel_loop3A_1152 : i32
      %parallel_loop3A_1155 = arith.index_cast %parallel_loop3A_1154 : i32 to index
      %parallel_loop3A_1156 = tpu.vector_load %arg6[%parallel_loop3A_1155] {strides = array<i32>} : memref<57344xi32, #tpu.memory_space<vmem>>, vector<16xi32>,
      %parallel_loop3A_1157 = arith.constant 16 : i32
      %parallel_loop3A_1158 = arith.muli %parallel_loop3A_966, %parallel_loop3A_1157 : i32
      %parallel_loop3A_1159 = arith.constant 21504 : i32
      %parallel_loop3A_1160 = arith.addi %parallel_loop3A_1159, %parallel_loop3A_1158 : i32
      %parallel_loop3A_1161 = arith.index_cast %parallel_loop3A_1160 : i32 to index
      %parallel_loop3A_1162 = tpu.vector_load %arg6[%parallel_loop3A_1161] {strides = array<i32>} : memref<57344xi32, #tpu.memory_space<vmem>>, vector<16xi32>,
      tpu.vector_store %arg6[%parallel_loop3A_1161], %broadcast_in_dim3A_3 {strides = array<i32>} : memref<57344xi32, #tpu.memory_space<vmem>>, vector<16xi32>,
      %parallel_loop3A_1163 = arith.constant 12 : i32
      %parallel_loop3A_1164 = vector.broadcast %parallel_loop3A_1163 : i32 to vector<16xi32>
      %parallel_loop3A_1165 = arith.shli %parallel_loop3A_1156, %parallel_loop3A_1164 : vector<16xi32>
      %parallel_loop3A_1166 = arith.ori %parallel_loop3A_1150, %parallel_loop3A_1165 : vector<16xi32>
      %parallel_loop3A_1167 = arith.constant 16 : i32
      %parallel_loop3A_1168 = arith.muli %parallel_loop3A_966, %parallel_loop3A_1167 : i32
      %parallel_loop3A_1169 = arith.constant 23296 : i32
      %parallel_loop3A_1170 = arith.addi %parallel_loop3A_1169, %parallel_loop3A_1168 : i32
      %parallel_loop3A_1171 = arith.index_cast %parallel_loop3A_1170 : i32 to index
      %parallel_loop3A_1172 = tpu.vector_load %arg6[%parallel_loop3A_1171] {strides = array<i32>} : memref<57344xi32, #tpu.memory_space<vmem>>, vector<16xi32>,
      %parallel_loop3A_1173 = arith.constant 16 : i32
      %parallel_loop3A_1174 = arith.muli %parallel_loop3A_966, %parallel_loop3A_1173 : i32
      %parallel_loop3A_1175 = arith.constant 23296 : i32
      %parallel_loop3A_1176 = arith.addi %parallel_loop3A_1175, %parallel_loop3A_1174 : i32
      %parallel_loop3A_1177 = arith.index_cast %parallel_loop3A_1176 : i32 to index
      %parallel_loop3A_1178 = tpu.vector_load %arg6[%parallel_loop3A_1177] {strides = array<i32>} : memref<57344xi32, #tpu.memory_space<vmem>>, vector<16xi32>,
      tpu.vector_store %arg6[%parallel_loop3A_1177], %broadcast_in_dim3A_3 {strides = array<i32>} : memref<57344xi32, #tpu.memory_space<vmem>>, vector<16xi32>,
      %parallel_loop3A_1179 = arith.constant 13 : i32
      %parallel_loop3A_1180 = vector.broadcast %parallel_loop3A_1179 : i32 to vector<16xi32>
      %parallel_loop3A_1181 = arith.shli %parallel_loop3A_1172, %parallel_loop3A_1180 : vector<16xi32>
      %parallel_loop3A_1182 = arith.ori %parallel_loop3A_1166, %parallel_loop3A_1181 : vector<16xi32>
      %parallel_loop3A_1183 = arith.constant 16 : i32
      %parallel_loop3A_1184 = arith.muli %parallel_loop3A_966, %parallel_loop3A_1183 : i32
      %parallel_loop3A_1185 = arith.constant 25088 : i32
      %parallel_loop3A_1186 = arith.addi %parallel_loop3A_1185, %parallel_loop3A_1184 : i32
      %parallel_loop3A_1187 = arith.index_cast %parallel_loop3A_1186 : i32 to index
      %parallel_loop3A_1188 = tpu.vector_load %arg6[%parallel_loop3A_1187] {strides = array<i32>} : memref<57344xi32, #tpu.memory_space<vmem>>, vector<16xi32>,
      %parallel_loop3A_1189 = arith.constant 16 : i32
      %parallel_loop3A_1190 = arith.muli %parallel_loop3A_966, %parallel_loop3A_1189 : i32
      %parallel_loop3A_1191 = arith.constant 25088 : i32
      %parallel_loop3A_1192 = arith.addi %parallel_loop3A_1191, %parallel_loop3A_1190 : i32
      %parallel_loop3A_1193 = arith.index_cast %parallel_loop3A_1192 : i32 to index
      %parallel_loop3A_1194 = tpu.vector_load %arg6[%parallel_loop3A_1193] {strides = array<i32>} : memref<57344xi32, #tpu.memory_space<vmem>>, vector<16xi32>,
      tpu.vector_store %arg6[%parallel_loop3A_1193], %broadcast_in_dim3A_3 {strides = array<i32>} : memref<57344xi32, #tpu.memory_space<vmem>>, vector<16xi32>,
      %parallel_loop3A_1195 = arith.constant 14 : i32
      %parallel_loop3A_1196 = vector.broadcast %parallel_loop3A_1195 : i32 to vector<16xi32>
      %parallel_loop3A_1197 = arith.shli %parallel_loop3A_1188, %parallel_loop3A_1196 : vector<16xi32>
      %parallel_loop3A_1198 = arith.ori %parallel_loop3A_1182, %parallel_loop3A_1197 : vector<16xi32>
      %parallel_loop3A_1199 = arith.constant 16 : i32
      %parallel_loop3A_1200 = arith.muli %parallel_loop3A_966, %parallel_loop3A_1199 : i32
      %parallel_loop3A_1201 = arith.constant 26880 : i32
      %parallel_loop3A_1202 = arith.addi %parallel_loop3A_1201, %parallel_loop3A_1200 : i32
      %parallel_loop3A_1203 = arith.index_cast %parallel_loop3A_1202 : i32 to index
      %parallel_loop3A_1204 = tpu.vector_load %arg6[%parallel_loop3A_1203] {strides = array<i32>} : memref<57344xi32, #tpu.memory_space<vmem>>, vector<16xi32>,
      %parallel_loop3A_1205 = arith.constant 16 : i32
      %parallel_loop3A_1206 = arith.muli %parallel_loop3A_966, %parallel_loop3A_1205 : i32
      %parallel_loop3A_1207 = arith.constant 26880 : i32
      %parallel_loop3A_1208 = arith.addi %parallel_loop3A_1207, %parallel_loop3A_1206 : i32
      %parallel_loop3A_1209 = arith.index_cast %parallel_loop3A_1208 : i32 to index
      %parallel_loop3A_1210 = tpu.vector_load %arg6[%parallel_loop3A_1209] {strides = array<i32>} : memref<57344xi32, #tpu.memory_space<vmem>>, vector<16xi32>,
      tpu.vector_store %arg6[%parallel_loop3A_1209], %broadcast_in_dim3A_3 {strides = array<i32>} : memref<57344xi32, #tpu.memory_space<vmem>>, vector<16xi32>,
      %parallel_loop3A_1211 = arith.constant 15 : i32
      %parallel_loop3A_1212 = vector.broadcast %parallel_loop3A_1211 : i32 to vector<16xi32>
      %parallel_loop3A_1213 = arith.shli %parallel_loop3A_1204, %parallel_loop3A_1212 : vector<16xi32>
      %parallel_loop3A_1214 = arith.ori %parallel_loop3A_1198, %parallel_loop3A_1213 : vector<16xi32>
      %parallel_loop3A_1215 = arith.constant 16 : i32
      %parallel_loop3A_1216 = arith.muli %parallel_loop3A_966, %parallel_loop3A_1215 : i32
      %parallel_loop3A_1217 = arith.constant 28672 : i32
      %parallel_loop3A_1218 = arith.addi %parallel_loop3A_1217, %parallel_loop3A_1216 : i32
      %parallel_loop3A_1219 = arith.index_cast %parallel_loop3A_1218 : i32 to index
      %parallel_loop3A_1220 = tpu.vector_load %arg6[%parallel_loop3A_1219] {strides = array<i32>} : memref<57344xi32, #tpu.memory_space<vmem>>, vector<16xi32>,
      %parallel_loop3A_1221 = arith.constant 16 : i32
      %parallel_loop3A_1222 = arith.muli %parallel_loop3A_966, %parallel_loop3A_1221 : i32
      %parallel_loop3A_1223 = arith.constant 28672 : i32
      %parallel_loop3A_1224 = arith.addi %parallel_loop3A_1223, %parallel_loop3A_1222 : i32
      %parallel_loop3A_1225 = arith.index_cast %parallel_loop3A_1224 : i32 to index
      %parallel_loop3A_1226 = tpu.vector_load %arg6[%parallel_loop3A_1225] {strides = array<i32>} : memref<57344xi32, #tpu.memory_space<vmem>>, vector<16xi32>,
      tpu.vector_store %arg6[%parallel_loop3A_1225], %broadcast_in_dim3A_3 {strides = array<i32>} : memref<57344xi32, #tpu.memory_space<vmem>>, vector<16xi32>,
      %parallel_loop3A_1227 = arith.constant 16 : i32
      %parallel_loop3A_1228 = vector.broadcast %parallel_loop3A_1227 : i32 to vector<16xi32>
      %parallel_loop3A_1229 = arith.shli %parallel_loop3A_1220, %parallel_loop3A_1228 : vector<16xi32>
      %parallel_loop3A_1230 = arith.ori %parallel_loop3A_1214, %parallel_loop3A_1229 : vector<16xi32>
      %parallel_loop3A_1231 = arith.constant 16 : i32
      %parallel_loop3A_1232 = arith.muli %parallel_loop3A_966, %parallel_loop3A_1231 : i32
      %parallel_loop3A_1233 = arith.constant 30464 : i32
      %parallel_loop3A_1234 = arith.addi %parallel_loop3A_1233, %parallel_loop3A_1232 : i32
      %parallel_loop3A_1235 = arith.index_cast %parallel_loop3A_1234 : i32 to index
      %parallel_loop3A_1236 = tpu.vector_load %arg6[%parallel_loop3A_1235] {strides = array<i32>} : memref<57344xi32, #tpu.memory_space<vmem>>, vector<16xi32>,
      %parallel_loop3A_1237 = arith.constant 16 : i32
      %parallel_loop3A_1238 = arith.muli %parallel_loop3A_966, %parallel_loop3A_1237 : i32
      %parallel_loop3A_1239 = arith.constant 30464 : i32
      %parallel_loop3A_1240 = arith.addi %parallel_loop3A_1239, %parallel_loop3A_1238 : i32
      %parallel_loop3A_1241 = arith.index_cast %parallel_loop3A_1240 : i32 to index
      %parallel_loop3A_1242 = tpu.vector_load %arg6[%parallel_loop3A_1241] {strides = array<i32>} : memref<57344xi32, #tpu.memory_space<vmem>>, vector<16xi32>,
      tpu.vector_store %arg6[%parallel_loop3A_1241], %broadcast_in_dim3A_3 {strides = array<i32>} : memref<57344xi32, #tpu.memory_space<vmem>>, vector<16xi32>,
      %parallel_loop3A_1243 = arith.constant 17 : i32
      %parallel_loop3A_1244 = vector.broadcast %parallel_loop3A_1243 : i32 to vector<16xi32>
      %parallel_loop3A_1245 = arith.shli %parallel_loop3A_1236, %parallel_loop3A_1244 : vector<16xi32>
      %parallel_loop3A_1246 = arith.ori %parallel_loop3A_1230, %parallel_loop3A_1245 : vector<16xi32>
      %parallel_loop3A_1247 = arith.constant 16 : i32
      %parallel_loop3A_1248 = arith.muli %parallel_loop3A_966, %parallel_loop3A_1247 : i32
      %parallel_loop3A_1249 = arith.constant 32256 : i32
      %parallel_loop3A_1250 = arith.addi %parallel_loop3A_1249, %parallel_loop3A_1248 : i32
      %parallel_loop3A_1251 = arith.index_cast %parallel_loop3A_1250 : i32 to index
      %parallel_loop3A_1252 = tpu.vector_load %arg6[%parallel_loop3A_1251] {strides = array<i32>} : memref<57344xi32, #tpu.memory_space<vmem>>, vector<16xi32>,
      %parallel_loop3A_1253 = arith.constant 16 : i32
      %parallel_loop3A_1254 = arith.muli %parallel_loop3A_966, %parallel_loop3A_1253 : i32
      %parallel_loop3A_1255 = arith.constant 32256 : i32
      %parallel_loop3A_1256 = arith.addi %parallel_loop3A_1255, %parallel_loop3A_1254 : i32
      %parallel_loop3A_1257 = arith.index_cast %parallel_loop3A_1256 : i32 to index
      %parallel_loop3A_1258 = tpu.vector_load %arg6[%parallel_loop3A_1257] {strides = array<i32>} : memref<57344xi32, #tpu.memory_space<vmem>>, vector<16xi32>,
      tpu.vector_store %arg6[%parallel_loop3A_1257], %broadcast_in_dim3A_3 {strides = array<i32>} : memref<57344xi32, #tpu.memory_space<vmem>>, vector<16xi32>,
      %parallel_loop3A_1259 = arith.constant 18 : i32
      %parallel_loop3A_1260 = vector.broadcast %parallel_loop3A_1259 : i32 to vector<16xi32>
      %parallel_loop3A_1261 = arith.shli %parallel_loop3A_1252, %parallel_loop3A_1260 : vector<16xi32>
      %parallel_loop3A_1262 = arith.ori %parallel_loop3A_1246, %parallel_loop3A_1261 : vector<16xi32>
      %parallel_loop3A_1263 = arith.constant 16 : i32
      %parallel_loop3A_1264 = arith.muli %parallel_loop3A_966, %parallel_loop3A_1263 : i32
      %parallel_loop3A_1265 = arith.constant 34048 : i32
      %parallel_loop3A_1266 = arith.addi %parallel_loop3A_1265, %parallel_loop3A_1264 : i32
      %parallel_loop3A_1267 = arith.index_cast %parallel_loop3A_1266 : i32 to index
      %parallel_loop3A_1268 = tpu.vector_load %arg6[%parallel_loop3A_1267] {strides = array<i32>} : memref<57344xi32, #tpu.memory_space<vmem>>, vector<16xi32>,
      %parallel_loop3A_1269 = arith.constant 16 : i32
      %parallel_loop3A_1270 = arith.muli %parallel_loop3A_966, %parallel_loop3A_1269 : i32
      %parallel_loop3A_1271 = arith.constant 34048 : i32
      %parallel_loop3A_1272 = arith.addi %parallel_loop3A_1271, %parallel_loop3A_1270 : i32
      %parallel_loop3A_1273 = arith.index_cast %parallel_loop3A_1272 : i32 to index
      %parallel_loop3A_1274 = tpu.vector_load %arg6[%parallel_loop3A_1273] {strides = array<i32>} : memref<57344xi32, #tpu.memory_space<vmem>>, vector<16xi32>,
      tpu.vector_store %arg6[%parallel_loop3A_1273], %broadcast_in_dim3A_3 {strides = array<i32>} : memref<57344xi32, #tpu.memory_space<vmem>>, vector<16xi32>,
      %parallel_loop3A_1275 = arith.constant 19 : i32
      %parallel_loop3A_1276 = vector.broadcast %parallel_loop3A_1275 : i32 to vector<16xi32>
      %parallel_loop3A_1277 = arith.shli %parallel_loop3A_1268, %parallel_loop3A_1276 : vector<16xi32>
      %parallel_loop3A_1278 = arith.ori %parallel_loop3A_1262, %parallel_loop3A_1277 : vector<16xi32>
      %parallel_loop3A_1279 = arith.constant 16 : i32
      %parallel_loop3A_1280 = arith.muli %parallel_loop3A_966, %parallel_loop3A_1279 : i32
      %parallel_loop3A_1281 = arith.constant 35840 : i32
      %parallel_loop3A_1282 = arith.addi %parallel_loop3A_1281, %parallel_loop3A_1280 : i32
      %parallel_loop3A_1283 = arith.index_cast %parallel_loop3A_1282 : i32 to index
      %parallel_loop3A_1284 = tpu.vector_load %arg6[%parallel_loop3A_1283] {strides = array<i32>} : memref<57344xi32, #tpu.memory_space<vmem>>, vector<16xi32>,
      %parallel_loop3A_1285 = arith.constant 16 : i32
      %parallel_loop3A_1286 = arith.muli %parallel_loop3A_966, %parallel_loop3A_1285 : i32
      %parallel_loop3A_1287 = arith.constant 35840 : i32
      %parallel_loop3A_1288 = arith.addi %parallel_loop3A_1287, %parallel_loop3A_1286 : i32
      %parallel_loop3A_1289 = arith.index_cast %parallel_loop3A_1288 : i32 to index
      %parallel_loop3A_1290 = tpu.vector_load %arg6[%parallel_loop3A_1289] {strides = array<i32>} : memref<57344xi32, #tpu.memory_space<vmem>>, vector<16xi32>,
      tpu.vector_store %arg6[%parallel_loop3A_1289], %broadcast_in_dim3A_3 {strides = array<i32>} : memref<57344xi32, #tpu.memory_space<vmem>>, vector<16xi32>,
      %parallel_loop3A_1291 = arith.constant 20 : i32
      %parallel_loop3A_1292 = vector.broadcast %parallel_loop3A_1291 : i32 to vector<16xi32>
      %parallel_loop3A_1293 = arith.shli %parallel_loop3A_1284, %parallel_loop3A_1292 : vector<16xi32>
      %parallel_loop3A_1294 = arith.ori %parallel_loop3A_1278, %parallel_loop3A_1293 : vector<16xi32>
      %parallel_loop3A_1295 = arith.constant 16 : i32
      %parallel_loop3A_1296 = arith.muli %parallel_loop3A_966, %parallel_loop3A_1295 : i32
      %parallel_loop3A_1297 = arith.constant 37632 : i32
      %parallel_loop3A_1298 = arith.addi %parallel_loop3A_1297, %parallel_loop3A_1296 : i32
      %parallel_loop3A_1299 = arith.index_cast %parallel_loop3A_1298 : i32 to index
      %parallel_loop3A_1300 = tpu.vector_load %arg6[%parallel_loop3A_1299] {strides = array<i32>} : memref<57344xi32, #tpu.memory_space<vmem>>, vector<16xi32>,
      %parallel_loop3A_1301 = arith.constant 16 : i32
      %parallel_loop3A_1302 = arith.muli %parallel_loop3A_966, %parallel_loop3A_1301 : i32
      %parallel_loop3A_1303 = arith.constant 37632 : i32
      %parallel_loop3A_1304 = arith.addi %parallel_loop3A_1303, %parallel_loop3A_1302 : i32
      %parallel_loop3A_1305 = arith.index_cast %parallel_loop3A_1304 : i32 to index
      %parallel_loop3A_1306 = tpu.vector_load %arg6[%parallel_loop3A_1305] {strides = array<i32>} : memref<57344xi32, #tpu.memory_space<vmem>>, vector<16xi32>,
      tpu.vector_store %arg6[%parallel_loop3A_1305], %broadcast_in_dim3A_3 {strides = array<i32>} : memref<57344xi32, #tpu.memory_space<vmem>>, vector<16xi32>,
      %parallel_loop3A_1307 = arith.constant 21 : i32
      %parallel_loop3A_1308 = vector.broadcast %parallel_loop3A_1307 : i32 to vector<16xi32>
      %parallel_loop3A_1309 = arith.shli %parallel_loop3A_1300, %parallel_loop3A_1308 : vector<16xi32>
      %parallel_loop3A_1310 = arith.ori %parallel_loop3A_1294, %parallel_loop3A_1309 : vector<16xi32>
      %parallel_loop3A_1311 = arith.constant 16 : i32
      %parallel_loop3A_1312 = arith.muli %parallel_loop3A_966, %parallel_loop3A_1311 : i32
      %parallel_loop3A_1313 = arith.constant 39424 : i32
      %parallel_loop3A_1314 = arith.addi %parallel_loop3A_1313, %parallel_loop3A_1312 : i32
      %parallel_loop3A_1315 = arith.index_cast %parallel_loop3A_1314 : i32 to index
      %parallel_loop3A_1316 = tpu.vector_load %arg6[%parallel_loop3A_1315] {strides = array<i32>} : memref<57344xi32, #tpu.memory_space<vmem>>, vector<16xi32>,
      %parallel_loop3A_1317 = arith.constant 16 : i32
      %parallel_loop3A_1318 = arith.muli %parallel_loop3A_966, %parallel_loop3A_1317 : i32
      %parallel_loop3A_1319 = arith.constant 39424 : i32
      %parallel_loop3A_1320 = arith.addi %parallel_loop3A_1319, %parallel_loop3A_1318 : i32
      %parallel_loop3A_1321 = arith.index_cast %parallel_loop3A_1320 : i32 to index
      %parallel_loop3A_1322 = tpu.vector_load %arg6[%parallel_loop3A_1321] {strides = array<i32>} : memref<57344xi32, #tpu.memory_space<vmem>>, vector<16xi32>,
      tpu.vector_store %arg6[%parallel_loop3A_1321], %broadcast_in_dim3A_3 {strides = array<i32>} : memref<57344xi32, #tpu.memory_space<vmem>>, vector<16xi32>,
      %parallel_loop3A_1323 = arith.constant 22 : i32
      %parallel_loop3A_1324 = vector.broadcast %parallel_loop3A_1323 : i32 to vector<16xi32>
      %parallel_loop3A_1325 = arith.shli %parallel_loop3A_1316, %parallel_loop3A_1324 : vector<16xi32>
      %parallel_loop3A_1326 = arith.ori %parallel_loop3A_1310, %parallel_loop3A_1325 : vector<16xi32>
      %parallel_loop3A_1327 = arith.constant 16 : i32
      %parallel_loop3A_1328 = arith.muli %parallel_loop3A_966, %parallel_loop3A_1327 : i32
      %parallel_loop3A_1329 = arith.constant 41216 : i32
      %parallel_loop3A_1330 = arith.addi %parallel_loop3A_1329, %parallel_loop3A_1328 : i32
      %parallel_loop3A_1331 = arith.index_cast %parallel_loop3A_1330 : i32 to index
      %parallel_loop3A_1332 = tpu.vector_load %arg6[%parallel_loop3A_1331] {strides = array<i32>} : memref<57344xi32, #tpu.memory_space<vmem>>, vector<16xi32>,
      %parallel_loop3A_1333 = arith.constant 16 : i32
      %parallel_loop3A_1334 = arith.muli %parallel_loop3A_966, %parallel_loop3A_1333 : i32
      %parallel_loop3A_1335 = arith.constant 41216 : i32
      %parallel_loop3A_1336 = arith.addi %parallel_loop3A_1335, %parallel_loop3A_1334 : i32
      %parallel_loop3A_1337 = arith.index_cast %parallel_loop3A_1336 : i32 to index
      %parallel_loop3A_1338 = tpu.vector_load %arg6[%parallel_loop3A_1337] {strides = array<i32>} : memref<57344xi32, #tpu.memory_space<vmem>>, vector<16xi32>,
      tpu.vector_store %arg6[%parallel_loop3A_1337], %broadcast_in_dim3A_3 {strides = array<i32>} : memref<57344xi32, #tpu.memory_space<vmem>>, vector<16xi32>,
      %parallel_loop3A_1339 = arith.constant 23 : i32
      %parallel_loop3A_1340 = vector.broadcast %parallel_loop3A_1339 : i32 to vector<16xi32>
      %parallel_loop3A_1341 = arith.shli %parallel_loop3A_1332, %parallel_loop3A_1340 : vector<16xi32>
      %parallel_loop3A_1342 = arith.ori %parallel_loop3A_1326, %parallel_loop3A_1341 : vector<16xi32>
      %parallel_loop3A_1343 = arith.constant 16 : i32
      %parallel_loop3A_1344 = arith.muli %parallel_loop3A_966, %parallel_loop3A_1343 : i32
      %parallel_loop3A_1345 = arith.constant 43008 : i32
      %parallel_loop3A_1346 = arith.addi %parallel_loop3A_1345, %parallel_loop3A_1344 : i32
      %parallel_loop3A_1347 = arith.index_cast %parallel_loop3A_1346 : i32 to index
      %parallel_loop3A_1348 = tpu.vector_load %arg6[%parallel_loop3A_1347] {strides = array<i32>} : memref<57344xi32, #tpu.memory_space<vmem>>, vector<16xi32>,
      %parallel_loop3A_1349 = arith.constant 16 : i32
      %parallel_loop3A_1350 = arith.muli %parallel_loop3A_966, %parallel_loop3A_1349 : i32
      %parallel_loop3A_1351 = arith.constant 43008 : i32
      %parallel_loop3A_1352 = arith.addi %parallel_loop3A_1351, %parallel_loop3A_1350 : i32
      %parallel_loop3A_1353 = arith.index_cast %parallel_loop3A_1352 : i32 to index
      %parallel_loop3A_1354 = tpu.vector_load %arg6[%parallel_loop3A_1353] {strides = array<i32>} : memref<57344xi32, #tpu.memory_space<vmem>>, vector<16xi32>,
      tpu.vector_store %arg6[%parallel_loop3A_1353], %broadcast_in_dim3A_3 {strides = array<i32>} : memref<57344xi32, #tpu.memory_space<vmem>>, vector<16xi32>,
      %parallel_loop3A_1355 = arith.constant 24 : i32
      %parallel_loop3A_1356 = vector.broadcast %parallel_loop3A_1355 : i32 to vector<16xi32>
      %parallel_loop3A_1357 = arith.shli %parallel_loop3A_1348, %parallel_loop3A_1356 : vector<16xi32>
      %parallel_loop3A_1358 = arith.ori %parallel_loop3A_1342, %parallel_loop3A_1357 : vector<16xi32>
      %parallel_loop3A_1359 = arith.constant 16 : i32
      %parallel_loop3A_1360 = arith.muli %parallel_loop3A_966, %parallel_loop3A_1359 : i32
      %parallel_loop3A_1361 = arith.constant 44800 : i32
      %parallel_loop3A_1362 = arith.addi %parallel_loop3A_1361, %parallel_loop3A_1360 : i32
      %parallel_loop3A_1363 = arith.index_cast %parallel_loop3A_1362 : i32 to index
      %parallel_loop3A_1364 = tpu.vector_load %arg6[%parallel_loop3A_1363] {strides = array<i32>} : memref<57344xi32, #tpu.memory_space<vmem>>, vector<16xi32>,
      %parallel_loop3A_1365 = arith.constant 16 : i32
      %parallel_loop3A_1366 = arith.muli %parallel_loop3A_966, %parallel_loop3A_1365 : i32
      %parallel_loop3A_1367 = arith.constant 44800 : i32
      %parallel_loop3A_1368 = arith.addi %parallel_loop3A_1367, %parallel_loop3A_1366 : i32
      %parallel_loop3A_1369 = arith.index_cast %parallel_loop3A_1368 : i32 to index
      %parallel_loop3A_1370 = tpu.vector_load %arg6[%parallel_loop3A_1369] {strides = array<i32>} : memref<57344xi32, #tpu.memory_space<vmem>>, vector<16xi32>,
      tpu.vector_store %arg6[%parallel_loop3A_1369], %broadcast_in_dim3A_3 {strides = array<i32>} : memref<57344xi32, #tpu.memory_space<vmem>>, vector<16xi32>,
      %parallel_loop3A_1371 = arith.constant 25 : i32
      %parallel_loop3A_1372 = vector.broadcast %parallel_loop3A_1371 : i32 to vector<16xi32>
      %parallel_loop3A_1373 = arith.shli %parallel_loop3A_1364, %parallel_loop3A_1372 : vector<16xi32>
      %parallel_loop3A_1374 = arith.ori %parallel_loop3A_1358, %parallel_loop3A_1373 : vector<16xi32>
      %parallel_loop3A_1375 = arith.constant 16 : i32
      %parallel_loop3A_1376 = arith.muli %parallel_loop3A_966, %parallel_loop3A_1375 : i32
      %parallel_loop3A_1377 = arith.constant 46592 : i32
      %parallel_loop3A_1378 = arith.addi %parallel_loop3A_1377, %parallel_loop3A_1376 : i32
      %parallel_loop3A_1379 = arith.index_cast %parallel_loop3A_1378 : i32 to index
      %parallel_loop3A_1380 = tpu.vector_load %arg6[%parallel_loop3A_1379] {strides = array<i32>} : memref<57344xi32, #tpu.memory_space<vmem>>, vector<16xi32>,
      %parallel_loop3A_1381 = arith.constant 16 : i32
      %parallel_loop3A_1382 = arith.muli %parallel_loop3A_966, %parallel_loop3A_1381 : i32
      %parallel_loop3A_1383 = arith.constant 46592 : i32
      %parallel_loop3A_1384 = arith.addi %parallel_loop3A_1383, %parallel_loop3A_1382 : i32
      %parallel_loop3A_1385 = arith.index_cast %parallel_loop3A_1384 : i32 to index
      %parallel_loop3A_1386 = tpu.vector_load %arg6[%parallel_loop3A_1385] {strides = array<i32>} : memref<57344xi32, #tpu.memory_space<vmem>>, vector<16xi32>,
      tpu.vector_store %arg6[%parallel_loop3A_1385], %broadcast_in_dim3A_3 {strides = array<i32>} : memref<57344xi32, #tpu.memory_space<vmem>>, vector<16xi32>,
      %parallel_loop3A_1387 = arith.constant 26 : i32
      %parallel_loop3A_1388 = vector.broadcast %parallel_loop3A_1387 : i32 to vector<16xi32>
      %parallel_loop3A_1389 = arith.shli %parallel_loop3A_1380, %parallel_loop3A_1388 : vector<16xi32>
      %parallel_loop3A_1390 = arith.ori %parallel_loop3A_1374, %parallel_loop3A_1389 : vector<16xi32>
      %parallel_loop3A_1391 = arith.constant 16 : i32
      %parallel_loop3A_1392 = arith.muli %parallel_loop3A_966, %parallel_loop3A_1391 : i32
      %parallel_loop3A_1393 = arith.constant 48384 : i32
      %parallel_loop3A_1394 = arith.addi %parallel_loop3A_1393, %parallel_loop3A_1392 : i32
      %parallel_loop3A_1395 = arith.index_cast %parallel_loop3A_1394 : i32 to index
      %parallel_loop3A_1396 = tpu.vector_load %arg6[%parallel_loop3A_1395] {strides = array<i32>} : memref<57344xi32, #tpu.memory_space<vmem>>, vector<16xi32>,
      %parallel_loop3A_1397 = arith.constant 16 : i32
      %parallel_loop3A_1398 = arith.muli %parallel_loop3A_966, %parallel_loop3A_1397 : i32
      %parallel_loop3A_1399 = arith.constant 48384 : i32
      %parallel_loop3A_1400 = arith.addi %parallel_loop3A_1399, %parallel_loop3A_1398 : i32
      %parallel_loop3A_1401 = arith.index_cast %parallel_loop3A_1400 : i32 to index
      %parallel_loop3A_1402 = tpu.vector_load %arg6[%parallel_loop3A_1401] {strides = array<i32>} : memref<57344xi32, #tpu.memory_space<vmem>>, vector<16xi32>,
      tpu.vector_store %arg6[%parallel_loop3A_1401], %broadcast_in_dim3A_3 {strides = array<i32>} : memref<57344xi32, #tpu.memory_space<vmem>>, vector<16xi32>,
      %parallel_loop3A_1403 = arith.constant 27 : i32
      %parallel_loop3A_1404 = vector.broadcast %parallel_loop3A_1403 : i32 to vector<16xi32>
      %parallel_loop3A_1405 = arith.shli %parallel_loop3A_1396, %parallel_loop3A_1404 : vector<16xi32>
      %parallel_loop3A_1406 = arith.ori %parallel_loop3A_1390, %parallel_loop3A_1405 : vector<16xi32>
      %parallel_loop3A_1407 = arith.constant 16 : i32
      %parallel_loop3A_1408 = arith.muli %parallel_loop3A_966, %parallel_loop3A_1407 : i32
      %parallel_loop3A_1409 = arith.constant 50176 : i32
      %parallel_loop3A_1410 = arith.addi %parallel_loop3A_1409, %parallel_loop3A_1408 : i32
      %parallel_loop3A_1411 = arith.index_cast %parallel_loop3A_1410 : i32 to index
      %parallel_loop3A_1412 = tpu.vector_load %arg6[%parallel_loop3A_1411] {strides = array<i32>} : memref<57344xi32, #tpu.memory_space<vmem>>, vector<16xi32>,
      %parallel_loop3A_1413 = arith.constant 16 : i32
      %parallel_loop3A_1414 = arith.muli %parallel_loop3A_966, %parallel_loop3A_1413 : i32
      %parallel_loop3A_1415 = arith.constant 50176 : i32
      %parallel_loop3A_1416 = arith.addi %parallel_loop3A_1415, %parallel_loop3A_1414 : i32
      %parallel_loop3A_1417 = arith.index_cast %parallel_loop3A_1416 : i32 to index
      %parallel_loop3A_1418 = tpu.vector_load %arg6[%parallel_loop3A_1417] {strides = array<i32>} : memref<57344xi32, #tpu.memory_space<vmem>>, vector<16xi32>,
      tpu.vector_store %arg6[%parallel_loop3A_1417], %broadcast_in_dim3A_3 {strides = array<i32>} : memref<57344xi32, #tpu.memory_space<vmem>>, vector<16xi32>,
      %parallel_loop3A_1419 = arith.constant 28 : i32
      %parallel_loop3A_1420 = vector.broadcast %parallel_loop3A_1419 : i32 to vector<16xi32>
      %parallel_loop3A_1421 = arith.shli %parallel_loop3A_1412, %parallel_loop3A_1420 : vector<16xi32>
      %parallel_loop3A_1422 = arith.ori %parallel_loop3A_1406, %parallel_loop3A_1421 : vector<16xi32>
      %parallel_loop3A_1423 = arith.constant 16 : i32
      %parallel_loop3A_1424 = arith.muli %parallel_loop3A_966, %parallel_loop3A_1423 : i32
      %parallel_loop3A_1425 = arith.constant 51968 : i32
      %parallel_loop3A_1426 = arith.addi %parallel_loop3A_1425, %parallel_loop3A_1424 : i32
      %parallel_loop3A_1427 = arith.index_cast %parallel_loop3A_1426 : i32 to index
      %parallel_loop3A_1428 = tpu.vector_load %arg6[%parallel_loop3A_1427] {strides = array<i32>} : memref<57344xi32, #tpu.memory_space<vmem>>, vector<16xi32>,
      %parallel_loop3A_1429 = arith.constant 16 : i32
      %parallel_loop3A_1430 = arith.muli %parallel_loop3A_966, %parallel_loop3A_1429 : i32
      %parallel_loop3A_1431 = arith.constant 51968 : i32
      %parallel_loop3A_1432 = arith.addi %parallel_loop3A_1431, %parallel_loop3A_1430 : i32
      %parallel_loop3A_1433 = arith.index_cast %parallel_loop3A_1432 : i32 to index
      %parallel_loop3A_1434 = tpu.vector_load %arg6[%parallel_loop3A_1433] {strides = array<i32>} : memref<57344xi32, #tpu.memory_space<vmem>>, vector<16xi32>,
      tpu.vector_store %arg6[%parallel_loop3A_1433], %broadcast_in_dim3A_3 {strides = array<i32>} : memref<57344xi32, #tpu.memory_space<vmem>>, vector<16xi32>,
      %parallel_loop3A_1435 = arith.constant 29 : i32
      %parallel_loop3A_1436 = vector.broadcast %parallel_loop3A_1435 : i32 to vector<16xi32>
      %parallel_loop3A_1437 = arith.shli %parallel_loop3A_1428, %parallel_loop3A_1436 : vector<16xi32>
      %parallel_loop3A_1438 = arith.ori %parallel_loop3A_1422, %parallel_loop3A_1437 : vector<16xi32>
      %parallel_loop3A_1439 = arith.constant 16 : i32
      %parallel_loop3A_1440 = arith.muli %parallel_loop3A_966, %parallel_loop3A_1439 : i32
      %parallel_loop3A_1441 = arith.constant 53760 : i32
      %parallel_loop3A_1442 = arith.addi %parallel_loop3A_1441, %parallel_loop3A_1440 : i32
      %parallel_loop3A_1443 = arith.index_cast %parallel_loop3A_1442 : i32 to index
      %parallel_loop3A_1444 = tpu.vector_load %arg6[%parallel_loop3A_1443] {strides = array<i32>} : memref<57344xi32, #tpu.memory_space<vmem>>, vector<16xi32>,
      %parallel_loop3A_1445 = arith.constant 16 : i32
      %parallel_loop3A_1446 = arith.muli %parallel_loop3A_966, %parallel_loop3A_1445 : i32
      %parallel_loop3A_1447 = arith.constant 53760 : i32
      %parallel_loop3A_1448 = arith.addi %parallel_loop3A_1447, %parallel_loop3A_1446 : i32
      %parallel_loop3A_1449 = arith.index_cast %parallel_loop3A_1448 : i32 to index
      %parallel_loop3A_1450 = tpu.vector_load %arg6[%parallel_loop3A_1449] {strides = array<i32>} : memref<57344xi32, #tpu.memory_space<vmem>>, vector<16xi32>,
      tpu.vector_store %arg6[%parallel_loop3A_1449], %broadcast_in_dim3A_3 {strides = array<i32>} : memref<57344xi32, #tpu.memory_space<vmem>>, vector<16xi32>,
      %parallel_loop3A_1451 = arith.constant 30 : i32
      %parallel_loop3A_1452 = vector.broadcast %parallel_loop3A_1451 : i32 to vector<16xi32>
      %parallel_loop3A_1453 = arith.shli %parallel_loop3A_1444, %parallel_loop3A_1452 : vector<16xi32>
      %parallel_loop3A_1454 = arith.ori %parallel_loop3A_1438, %parallel_loop3A_1453 : vector<16xi32>
      %parallel_loop3A_1455 = arith.constant 16 : i32
      %parallel_loop3A_1456 = arith.muli %parallel_loop3A_966, %parallel_loop3A_1455 : i32
      %parallel_loop3A_1457 = arith.constant 55552 : i32
      %parallel_loop3A_1458 = arith.addi %parallel_loop3A_1457, %parallel_loop3A_1456 : i32
      %parallel_loop3A_1459 = arith.index_cast %parallel_loop3A_1458 : i32 to index
      %parallel_loop3A_1460 = tpu.vector_load %arg6[%parallel_loop3A_1459] {strides = array<i32>} : memref<57344xi32, #tpu.memory_space<vmem>>, vector<16xi32>,
      %parallel_loop3A_1461 = arith.constant 16 : i32
      %parallel_loop3A_1462 = arith.muli %parallel_loop3A_966, %parallel_loop3A_1461 : i32
      %parallel_loop3A_1463 = arith.constant 55552 : i32
      %parallel_loop3A_1464 = arith.addi %parallel_loop3A_1463, %parallel_loop3A_1462 : i32
      %parallel_loop3A_1465 = arith.index_cast %parallel_loop3A_1464 : i32 to index
      %parallel_loop3A_1466 = tpu.vector_load %arg6[%parallel_loop3A_1465] {strides = array<i32>} : memref<57344xi32, #tpu.memory_space<vmem>>, vector<16xi32>,
      tpu.vector_store %arg6[%parallel_loop3A_1465], %broadcast_in_dim3A_3 {strides = array<i32>} : memref<57344xi32, #tpu.memory_space<vmem>>, vector<16xi32>,
      %parallel_loop3A_1467 = arith.constant 31 : i32
      %parallel_loop3A_1468 = vector.broadcast %parallel_loop3A_1467 : i32 to vector<16xi32>
      %parallel_loop3A_1469 = arith.shli %parallel_loop3A_1460, %parallel_loop3A_1468 : vector<16xi32>
      %parallel_loop3A_1470 = arith.ori %parallel_loop3A_1454, %parallel_loop3A_1469 : vector<16xi32>
      %parallel_loop3A_1471 = arith.constant 16 : i32
      %parallel_loop3A_1472 = arith.muli %parallel_loop3A_966, %parallel_loop3A_1471 : i32
      %parallel_loop3A_1473 = arith.index_cast %parallel_loop3A_1472 : i32 to index
      %parallel_loop3A_1474 = tpu.vector_load %arg8[%parallel_loop3A_1473] {strides = array<i32>} : memref<1792xi32, #tpu.memory_space<vmem>>, vector<16xi32>,
      tpu.vector_store %arg8[%parallel_loop3A_1473], %parallel_loop3A_1470 {strides = array<i32>} : memref<1792xi32, #tpu.memory_space<vmem>>, vector<16xi32>,
    } {sc.loop_unroll_factor = 2 : i64, sc.parallel_access}
    "tpu.region"() ({
      %run_scoped3A = tpu.sem_alloc : memref<!tpu.dma_semaphore, #tpu.memory_space<semaphore_mem>>
      %dma_start3A_966 = arith.constant 0 : i32
      %dma_start3A_967 = tpu.memref_slice %arg11[%arg1, %dma_start3A_966] : memref<16x1792xi32, #tpu.memory_space<vmem_shared>> -> memref<1x1792xi32, #tpu.memory_space<vmem_shared>>
      %dma_start3A_968 = tpu.memref_squeeze %dma_start3A_967 : memref<1x1792xi32, #tpu.memory_space<vmem_shared>> -> memref<1792xi32, #tpu.memory_space<vmem_shared>>
      %dma_start3A_969 = arith.constant 0 : i32
      %dma_start3A_970 = tpu.memref_slice %arg11[%arg1, %dma_start3A_969] : memref<16x1792xi32, #tpu.memory_space<vmem_shared>> -> memref<1x1792xi32, #tpu.memory_space<vmem_shared>>
      %dma_start3A_971 = tpu.memref_squeeze %dma_start3A_970 : memref<1x1792xi32, #tpu.memory_space<vmem_shared>> -> memref<1792xi32, #tpu.memory_space<vmem_shared>>
      tpu.enqueue_dma source(%arg8 : memref<1792xi32, #tpu.memory_space<vmem>>) target(%dma_start3A_971 : memref<1792xi32, #tpu.memory_space<vmem_shared>>) target_semaphore(%run_scoped3A : memref<!tpu.dma_semaphore, #tpu.memory_space<semaphore_mem>>)
      %dma_wait3A_972 = arith.constant 0 : i32
      %dma_wait3A_973 = tpu.memref_slice %arg11[%arg1, %dma_wait3A_972] : memref<16x1792xi32, #tpu.memory_space<vmem_shared>> -> memref<1x1792xi32, #tpu.memory_space<vmem_shared>>
      %dma_wait3A_974 = tpu.memref_squeeze %dma_wait3A_973 : memref<1x1792xi32, #tpu.memory_space<vmem_shared>> -> memref<1792xi32, #tpu.memory_space<vmem_shared>>
      %dma_wait3A_975 = arith.constant 0 : i32
      %dma_wait3A_976 = tpu.memref_slice %arg11[%arg1, %dma_wait3A_975] : memref<16x1792xi32, #tpu.memory_space<vmem_shared>> -> memref<1x1792xi32, #tpu.memory_space<vmem_shared>>
      %dma_wait3A_977 = tpu.memref_squeeze %dma_wait3A_976 : memref<1x1792xi32, #tpu.memory_space<vmem_shared>> -> memref<1792xi32, #tpu.memory_space<vmem_shared>>
      tpu.wait_dma2 semaphore(%run_scoped3A : memref<!tpu.dma_semaphore, #tpu.memory_space<semaphore_mem>>) src(%arg8 : memref<1792xi32, #tpu.memory_space<vmem>>) dst(%dma_wait3A_977 : memref<1792xi32, #tpu.memory_space<vmem_shared>>)
      tpu.yield
    }) : () -> ()
    %barrier3A = arith.constant 0 : index
    tpu.barrier barrier_id(%barrier3A)
    %mul3A_103 = arith.constant 112 : i32
    %mul3A_104 = arith.muli %arg1, %mul3A_103 : i32
    %dma_start3A_105 = arith.constant 0 : i32
    %dma_start3A_106 = arith.constant 0 : i32
    %dma_start3A_107 = tpu.memref_slice %arg9[%dma_start3A_106] : memref<1792xi32, #tpu.memory_space<vmem>> -> memref<112xi32, #tpu.memory_space<vmem>>
    %dma_start3A_108 = tpu.memref_slice %arg11[%dma_start3A_105, %mul3A_104] : memref<16x1792xi32, #tpu.memory_space<vmem_shared>> -> memref<1x112xi32, #tpu.memory_space<vmem_shared>>
    %dma_start3A_109 = tpu.memref_squeeze %dma_start3A_108 : memref<1x112xi32, #tpu.memory_space<vmem_shared>> -> memref<112xi32, #tpu.memory_space<vmem_shared>>
    %dma_start3A_110 = arith.constant 0 : i32
    %dma_start3A_111 = tpu.memref_slice %arg9[%dma_start3A_110] : memref<1792xi32, #tpu.memory_space<vmem>> -> memref<112xi32, #tpu.memory_space<vmem>>
    %dma_start3A_112 = tpu.memref_slice %arg11[%dma_start3A_105, %mul3A_104] : memref<16x1792xi32, #tpu.memory_space<vmem_shared>> -> memref<1x112xi32, #tpu.memory_space<vmem_shared>>
    %dma_start3A_113 = tpu.memref_squeeze %dma_start3A_112 : memref<1x112xi32, #tpu.memory_space<vmem_shared>> -> memref<112xi32, #tpu.memory_space<vmem_shared>>
    tpu.enqueue_dma source(%dma_start3A_113 : memref<112xi32, #tpu.memory_space<vmem_shared>>) target(%dma_start3A_111 : memref<112xi32, #tpu.memory_space<vmem>>) target_semaphore(%arg14 : memref<!tpu.dma_semaphore, #tpu.memory_space<semaphore_mem>>)
    %mul3A_114 = arith.constant 112 : i32
    %mul3A_115 = arith.muli %arg1, %mul3A_114 : i32
    %dma_start3A_116 = arith.constant 1 : i32
    %dma_start3A_117 = arith.constant 112 : i32
    %dma_start3A_118 = tpu.memref_slice %arg9[%dma_start3A_117] : memref<1792xi32, #tpu.memory_space<vmem>> -> memref<112xi32, #tpu.memory_space<vmem>>
    %dma_start3A_119 = tpu.memref_slice %arg11[%dma_start3A_116, %mul3A_115] : memref<16x1792xi32, #tpu.memory_space<vmem_shared>> -> memref<1x112xi32, #tpu.memory_space<vmem_shared>>
    %dma_start3A_120 = tpu.memref_squeeze %dma_start3A_119 : memref<1x112xi32, #tpu.memory_space<vmem_shared>> -> memref<112xi32, #tpu.memory_space<vmem_shared>>
    %dma_start3A_121 = arith.constant 112 : i32
    %dma_start3A_122 = tpu.memref_slice %arg9[%dma_start3A_121] : memref<1792xi32, #tpu.memory_space<vmem>> -> memref<112xi32, #tpu.memory_space<vmem>>
    %dma_start3A_123 = tpu.memref_slice %arg11[%dma_start3A_116, %mul3A_115] : memref<16x1792xi32, #tpu.memory_space<vmem_shared>> -> memref<1x112xi32, #tpu.memory_space<vmem_shared>>
    %dma_start3A_124 = tpu.memref_squeeze %dma_start3A_123 : memref<1x112xi32, #tpu.memory_space<vmem_shared>> -> memref<112xi32, #tpu.memory_space<vmem_shared>>
    tpu.enqueue_dma source(%dma_start3A_124 : memref<112xi32, #tpu.memory_space<vmem_shared>>) target(%dma_start3A_122 : memref<112xi32, #tpu.memory_space<vmem>>) target_semaphore(%arg14 : memref<!tpu.dma_semaphore, #tpu.memory_space<semaphore_mem>>)
    %mul3A_125 = arith.constant 112 : i32
    %mul3A_126 = arith.muli %arg1, %mul3A_125 : i32
    %dma_start3A_127 = arith.constant 2 : i32
    %dma_start3A_128 = arith.constant 224 : i32
    %dma_start3A_129 = tpu.memref_slice %arg9[%dma_start3A_128] : memref<1792xi32, #tpu.memory_space<vmem>> -> memref<112xi32, #tpu.memory_space<vmem>>
    %dma_start3A_130 = tpu.memref_slice %arg11[%dma_start3A_127, %mul3A_126] : memref<16x1792xi32, #tpu.memory_space<vmem_shared>> -> memref<1x112xi32, #tpu.memory_space<vmem_shared>>
    %dma_start3A_131 = tpu.memref_squeeze %dma_start3A_130 : memref<1x112xi32, #tpu.memory_space<vmem_shared>> -> memref<112xi32, #tpu.memory_space<vmem_shared>>
    %dma_start3A_132 = arith.constant 224 : i32
    %dma_start3A_133 = tpu.memref_slice %arg9[%dma_start3A_132] : memref<1792xi32, #tpu.memory_space<vmem>> -> memref<112xi32, #tpu.memory_space<vmem>>
    %dma_start3A_134 = tpu.memref_slice %arg11[%dma_start3A_127, %mul3A_126] : memref<16x1792xi32, #tpu.memory_space<vmem_shared>> -> memref<1x112xi32, #tpu.memory_space<vmem_shared>>
    %dma_start3A_135 = tpu.memref_squeeze %dma_start3A_134 : memref<1x112xi32, #tpu.memory_space<vmem_shared>> -> memref<112xi32, #tpu.memory_space<vmem_shared>>
    tpu.enqueue_dma source(%dma_start3A_135 : memref<112xi32, #tpu.memory_space<vmem_shared>>) target(%dma_start3A_133 : memref<112xi32, #tpu.memory_space<vmem>>) target_semaphore(%arg14 : memref<!tpu.dma_semaphore, #tpu.memory_space<semaphore_mem>>)
    %mul3A_136 = arith.constant 112 : i32
    %mul3A_137 = arith.muli %arg1, %mul3A_136 : i32
    %dma_start3A_138 = arith.constant 3 : i32
    %dma_start3A_139 = arith.constant 336 : i32
    %dma_start3A_140 = tpu.memref_slice %arg9[%dma_start3A_139] : memref<1792xi32, #tpu.memory_space<vmem>> -> memref<112xi32, #tpu.memory_space<vmem>>
    %dma_start3A_141 = tpu.memref_slice %arg11[%dma_start3A_138, %mul3A_137] : memref<16x1792xi32, #tpu.memory_space<vmem_shared>> -> memref<1x112xi32, #tpu.memory_space<vmem_shared>>
    %dma_start3A_142 = tpu.memref_squeeze %dma_start3A_141 : memref<1x112xi32, #tpu.memory_space<vmem_shared>> -> memref<112xi32, #tpu.memory_space<vmem_shared>>
    %dma_start3A_143 = arith.constant 336 : i32
    %dma_start3A_144 = tpu.memref_slice %arg9[%dma_start3A_143] : memref<1792xi32, #tpu.memory_space<vmem>> -> memref<112xi32, #tpu.memory_space<vmem>>
    %dma_start3A_145 = tpu.memref_slice %arg11[%dma_start3A_138, %mul3A_137] : memref<16x1792xi32, #tpu.memory_space<vmem_shared>> -> memref<1x112xi32, #tpu.memory_space<vmem_shared>>
    %dma_start3A_146 = tpu.memref_squeeze %dma_start3A_145 : memref<1x112xi32, #tpu.memory_space<vmem_shared>> -> memref<112xi32, #tpu.memory_space<vmem_shared>>
    tpu.enqueue_dma source(%dma_start3A_146 : memref<112xi32, #tpu.memory_space<vmem_shared>>) target(%dma_start3A_144 : memref<112xi32, #tpu.memory_space<vmem>>) target_semaphore(%arg14 : memref<!tpu.dma_semaphore, #tpu.memory_space<semaphore_mem>>)
    %mul3A_147 = arith.constant 112 : i32
    %mul3A_148 = arith.muli %arg1, %mul3A_147 : i32
    %dma_start3A_149 = arith.constant 4 : i32
    %dma_start3A_150 = arith.constant 448 : i32
    %dma_start3A_151 = tpu.memref_slice %arg9[%dma_start3A_150] : memref<1792xi32, #tpu.memory_space<vmem>> -> memref<112xi32, #tpu.memory_space<vmem>>
    %dma_start3A_152 = tpu.memref_slice %arg11[%dma_start3A_149, %mul3A_148] : memref<16x1792xi32, #tpu.memory_space<vmem_shared>> -> memref<1x112xi32, #tpu.memory_space<vmem_shared>>
    %dma_start3A_153 = tpu.memref_squeeze %dma_start3A_152 : memref<1x112xi32, #tpu.memory_space<vmem_shared>> -> memref<112xi32, #tpu.memory_space<vmem_shared>>
    %dma_start3A_154 = arith.constant 448 : i32
    %dma_start3A_155 = tpu.memref_slice %arg9[%dma_start3A_154] : memref<1792xi32, #tpu.memory_space<vmem>> -> memref<112xi32, #tpu.memory_space<vmem>>
    %dma_start3A_156 = tpu.memref_slice %arg11[%dma_start3A_149, %mul3A_148] : memref<16x1792xi32, #tpu.memory_space<vmem_shared>> -> memref<1x112xi32, #tpu.memory_space<vmem_shared>>
    %dma_start3A_157 = tpu.memref_squeeze %dma_start3A_156 : memref<1x112xi32, #tpu.memory_space<vmem_shared>> -> memref<112xi32, #tpu.memory_space<vmem_shared>>
    tpu.enqueue_dma source(%dma_start3A_157 : memref<112xi32, #tpu.memory_space<vmem_shared>>) target(%dma_start3A_155 : memref<112xi32, #tpu.memory_space<vmem>>) target_semaphore(%arg14 : memref<!tpu.dma_semaphore, #tpu.memory_space<semaphore_mem>>)
    %mul3A_158 = arith.constant 112 : i32
    %mul3A_159 = arith.muli %arg1, %mul3A_158 : i32
    %dma_start3A_160 = arith.constant 5 : i32
    %dma_start3A_161 = arith.constant 560 : i32
    %dma_start3A_162 = tpu.memref_slice %arg9[%dma_start3A_161] : memref<1792xi32, #tpu.memory_space<vmem>> -> memref<112xi32, #tpu.memory_space<vmem>>
    %dma_start3A_163 = tpu.memref_slice %arg11[%dma_start3A_160, %mul3A_159] : memref<16x1792xi32, #tpu.memory_space<vmem_shared>> -> memref<1x112xi32, #tpu.memory_space<vmem_shared>>
    %dma_start3A_164 = tpu.memref_squeeze %dma_start3A_163 : memref<1x112xi32, #tpu.memory_space<vmem_shared>> -> memref<112xi32, #tpu.memory_space<vmem_shared>>
    %dma_start3A_165 = arith.constant 560 : i32
    %dma_start3A_166 = tpu.memref_slice %arg9[%dma_start3A_165] : memref<1792xi32, #tpu.memory_space<vmem>> -> memref<112xi32, #tpu.memory_space<vmem>>
    %dma_start3A_167 = tpu.memref_slice %arg11[%dma_start3A_160, %mul3A_159] : memref<16x1792xi32, #tpu.memory_space<vmem_shared>> -> memref<1x112xi32, #tpu.memory_space<vmem_shared>>
    %dma_start3A_168 = tpu.memref_squeeze %dma_start3A_167 : memref<1x112xi32, #tpu.memory_space<vmem_shared>> -> memref<112xi32, #tpu.memory_space<vmem_shared>>
    tpu.enqueue_dma source(%dma_start3A_168 : memref<112xi32, #tpu.memory_space<vmem_shared>>) target(%dma_start3A_166 : memref<112xi32, #tpu.memory_space<vmem>>) target_semaphore(%arg14 : memref<!tpu.dma_semaphore, #tpu.memory_space<semaphore_mem>>)
    %mul3A_169 = arith.constant 112 : i32
    %mul3A_170 = arith.muli %arg1, %mul3A_169 : i32
    %dma_start3A_171 = arith.constant 6 : i32
    %dma_start3A_172 = arith.constant 672 : i32
    %dma_start3A_173 = tpu.memref_slice %arg9[%dma_start3A_172] : memref<1792xi32, #tpu.memory_space<vmem>> -> memref<112xi32, #tpu.memory_space<vmem>>
    %dma_start3A_174 = tpu.memref_slice %arg11[%dma_start3A_171, %mul3A_170] : memref<16x1792xi32, #tpu.memory_space<vmem_shared>> -> memref<1x112xi32, #tpu.memory_space<vmem_shared>>
    %dma_start3A_175 = tpu.memref_squeeze %dma_start3A_174 : memref<1x112xi32, #tpu.memory_space<vmem_shared>> -> memref<112xi32, #tpu.memory_space<vmem_shared>>
    %dma_start3A_176 = arith.constant 672 : i32
    %dma_start3A_177 = tpu.memref_slice %arg9[%dma_start3A_176] : memref<1792xi32, #tpu.memory_space<vmem>> -> memref<112xi32, #tpu.memory_space<vmem>>
    %dma_start3A_178 = tpu.memref_slice %arg11[%dma_start3A_171, %mul3A_170] : memref<16x1792xi32, #tpu.memory_space<vmem_shared>> -> memref<1x112xi32, #tpu.memory_space<vmem_shared>>
    %dma_start3A_179 = tpu.memref_squeeze %dma_start3A_178 : memref<1x112xi32, #tpu.memory_space<vmem_shared>> -> memref<112xi32, #tpu.memory_space<vmem_shared>>
    tpu.enqueue_dma source(%dma_start3A_179 : memref<112xi32, #tpu.memory_space<vmem_shared>>) target(%dma_start3A_177 : memref<112xi32, #tpu.memory_space<vmem>>) target_semaphore(%arg14 : memref<!tpu.dma_semaphore, #tpu.memory_space<semaphore_mem>>)
    %mul3A_180 = arith.constant 112 : i32
    %mul3A_181 = arith.muli %arg1, %mul3A_180 : i32
    %dma_start3A_182 = arith.constant 7 : i32
    %dma_start3A_183 = arith.constant 784 : i32
    %dma_start3A_184 = tpu.memref_slice %arg9[%dma_start3A_183] : memref<1792xi32, #tpu.memory_space<vmem>> -> memref<112xi32, #tpu.memory_space<vmem>>
    %dma_start3A_185 = tpu.memref_slice %arg11[%dma_start3A_182, %mul3A_181] : memref<16x1792xi32, #tpu.memory_space<vmem_shared>> -> memref<1x112xi32, #tpu.memory_space<vmem_shared>>
    %dma_start3A_186 = tpu.memref_squeeze %dma_start3A_185 : memref<1x112xi32, #tpu.memory_space<vmem_shared>> -> memref<112xi32, #tpu.memory_space<vmem_shared>>
    %dma_start3A_187 = arith.constant 784 : i32
    %dma_start3A_188 = tpu.memref_slice %arg9[%dma_start3A_187] : memref<1792xi32, #tpu.memory_space<vmem>> -> memref<112xi32, #tpu.memory_space<vmem>>
    %dma_start3A_189 = tpu.memref_slice %arg11[%dma_start3A_182, %mul3A_181] : memref<16x1792xi32, #tpu.memory_space<vmem_shared>> -> memref<1x112xi32, #tpu.memory_space<vmem_shared>>
    %dma_start3A_190 = tpu.memref_squeeze %dma_start3A_189 : memref<1x112xi32, #tpu.memory_space<vmem_shared>> -> memref<112xi32, #tpu.memory_space<vmem_shared>>
    tpu.enqueue_dma source(%dma_start3A_190 : memref<112xi32, #tpu.memory_space<vmem_shared>>) target(%dma_start3A_188 : memref<112xi32, #tpu.memory_space<vmem>>) target_semaphore(%arg14 : memref<!tpu.dma_semaphore, #tpu.memory_space<semaphore_mem>>)
    %mul3A_191 = arith.constant 112 : i32
    %mul3A_192 = arith.muli %arg1, %mul3A_191 : i32
    %dma_start3A_193 = arith.constant 8 : i32
    %dma_start3A_194 = arith.constant 896 : i32
    %dma_start3A_195 = tpu.memref_slice %arg9[%dma_start3A_194] : memref<1792xi32, #tpu.memory_space<vmem>> -> memref<112xi32, #tpu.memory_space<vmem>>
    %dma_start3A_196 = tpu.memref_slice %arg11[%dma_start3A_193, %mul3A_192] : memref<16x1792xi32, #tpu.memory_space<vmem_shared>> -> memref<1x112xi32, #tpu.memory_space<vmem_shared>>
    %dma_start3A_197 = tpu.memref_squeeze %dma_start3A_196 : memref<1x112xi32, #tpu.memory_space<vmem_shared>> -> memref<112xi32, #tpu.memory_space<vmem_shared>>
    %dma_start3A_198 = arith.constant 896 : i32
    %dma_start3A_199 = tpu.memref_slice %arg9[%dma_start3A_198] : memref<1792xi32, #tpu.memory_space<vmem>> -> memref<112xi32, #tpu.memory_space<vmem>>
    %dma_start3A_200 = tpu.memref_slice %arg11[%dma_start3A_193, %mul3A_192] : memref<16x1792xi32, #tpu.memory_space<vmem_shared>> -> memref<1x112xi32, #tpu.memory_space<vmem_shared>>
    %dma_start3A_201 = tpu.memref_squeeze %dma_start3A_200 : memref<1x112xi32, #tpu.memory_space<vmem_shared>> -> memref<112xi32, #tpu.memory_space<vmem_shared>>
    tpu.enqueue_dma source(%dma_start3A_201 : memref<112xi32, #tpu.memory_space<vmem_shared>>) target(%dma_start3A_199 : memref<112xi32, #tpu.memory_space<vmem>>) target_semaphore(%arg14 : memref<!tpu.dma_semaphore, #tpu.memory_space<semaphore_mem>>)
    %mul3A_202 = arith.constant 112 : i32
    %mul3A_203 = arith.muli %arg1, %mul3A_202 : i32
    %dma_start3A_204 = arith.constant 9 : i32
    %dma_start3A_205 = arith.constant 1008 : i32
    %dma_start3A_206 = tpu.memref_slice %arg9[%dma_start3A_205] : memref<1792xi32, #tpu.memory_space<vmem>> -> memref<112xi32, #tpu.memory_space<vmem>>
    %dma_start3A_207 = tpu.memref_slice %arg11[%dma_start3A_204, %mul3A_203] : memref<16x1792xi32, #tpu.memory_space<vmem_shared>> -> memref<1x112xi32, #tpu.memory_space<vmem_shared>>
    %dma_start3A_208 = tpu.memref_squeeze %dma_start3A_207 : memref<1x112xi32, #tpu.memory_space<vmem_shared>> -> memref<112xi32, #tpu.memory_space<vmem_shared>>
    %dma_start3A_209 = arith.constant 1008 : i32
    %dma_start3A_210 = tpu.memref_slice %arg9[%dma_start3A_209] : memref<1792xi32, #tpu.memory_space<vmem>> -> memref<112xi32, #tpu.memory_space<vmem>>
    %dma_start3A_211 = tpu.memref_slice %arg11[%dma_start3A_204, %mul3A_203] : memref<16x1792xi32, #tpu.memory_space<vmem_shared>> -> memref<1x112xi32, #tpu.memory_space<vmem_shared>>
    %dma_start3A_212 = tpu.memref_squeeze %dma_start3A_211 : memref<1x112xi32, #tpu.memory_space<vmem_shared>> -> memref<112xi32, #tpu.memory_space<vmem_shared>>
    tpu.enqueue_dma source(%dma_start3A_212 : memref<112xi32, #tpu.memory_space<vmem_shared>>) target(%dma_start3A_210 : memref<112xi32, #tpu.memory_space<vmem>>) target_semaphore(%arg14 : memref<!tpu.dma_semaphore, #tpu.memory_space<semaphore_mem>>)
    %mul3A_213 = arith.constant 112 : i32
    %mul3A_214 = arith.muli %arg1, %mul3A_213 : i32
    %dma_start3A_215 = arith.constant 10 : i32
    %dma_start3A_216 = arith.constant 1120 : i32
    %dma_start3A_217 = tpu.memref_slice %arg9[%dma_start3A_216] : memref<1792xi32, #tpu.memory_space<vmem>> -> memref<112xi32, #tpu.memory_space<vmem>>
    %dma_start3A_218 = tpu.memref_slice %arg11[%dma_start3A_215, %mul3A_214] : memref<16x1792xi32, #tpu.memory_space<vmem_shared>> -> memref<1x112xi32, #tpu.memory_space<vmem_shared>>
    %dma_start3A_219 = tpu.memref_squeeze %dma_start3A_218 : memref<1x112xi32, #tpu.memory_space<vmem_shared>> -> memref<112xi32, #tpu.memory_space<vmem_shared>>
    %dma_start3A_220 = arith.constant 1120 : i32
    %dma_start3A_221 = tpu.memref_slice %arg9[%dma_start3A_220] : memref<1792xi32, #tpu.memory_space<vmem>> -> memref<112xi32, #tpu.memory_space<vmem>>
    %dma_start3A_222 = tpu.memref_slice %arg11[%dma_start3A_215, %mul3A_214] : memref<16x1792xi32, #tpu.memory_space<vmem_shared>> -> memref<1x112xi32, #tpu.memory_space<vmem_shared>>
    %dma_start3A_223 = tpu.memref_squeeze %dma_start3A_222 : memref<1x112xi32, #tpu.memory_space<vmem_shared>> -> memref<112xi32, #tpu.memory_space<vmem_shared>>
    tpu.enqueue_dma source(%dma_start3A_223 : memref<112xi32, #tpu.memory_space<vmem_shared>>) target(%dma_start3A_221 : memref<112xi32, #tpu.memory_space<vmem>>) target_semaphore(%arg14 : memref<!tpu.dma_semaphore, #tpu.memory_space<semaphore_mem>>)
    %mul3A_224 = arith.constant 112 : i32
    %mul3A_225 = arith.muli %arg1, %mul3A_224 : i32
    %dma_start3A_226 = arith.constant 11 : i32
    %dma_start3A_227 = arith.constant 1232 : i32
    %dma_start3A_228 = tpu.memref_slice %arg9[%dma_start3A_227] : memref<1792xi32, #tpu.memory_space<vmem>> -> memref<112xi32, #tpu.memory_space<vmem>>
    %dma_start3A_229 = tpu.memref_slice %arg11[%dma_start3A_226, %mul3A_225] : memref<16x1792xi32, #tpu.memory_space<vmem_shared>> -> memref<1x112xi32, #tpu.memory_space<vmem_shared>>
    %dma_start3A_230 = tpu.memref_squeeze %dma_start3A_229 : memref<1x112xi32, #tpu.memory_space<vmem_shared>> -> memref<112xi32, #tpu.memory_space<vmem_shared>>
    %dma_start3A_231 = arith.constant 1232 : i32
    %dma_start3A_232 = tpu.memref_slice %arg9[%dma_start3A_231] : memref<1792xi32, #tpu.memory_space<vmem>> -> memref<112xi32, #tpu.memory_space<vmem>>
    %dma_start3A_233 = tpu.memref_slice %arg11[%dma_start3A_226, %mul3A_225] : memref<16x1792xi32, #tpu.memory_space<vmem_shared>> -> memref<1x112xi32, #tpu.memory_space<vmem_shared>>
    %dma_start3A_234 = tpu.memref_squeeze %dma_start3A_233 : memref<1x112xi32, #tpu.memory_space<vmem_shared>> -> memref<112xi32, #tpu.memory_space<vmem_shared>>
    tpu.enqueue_dma source(%dma_start3A_234 : memref<112xi32, #tpu.memory_space<vmem_shared>>) target(%dma_start3A_232 : memref<112xi32, #tpu.memory_space<vmem>>) target_semaphore(%arg14 : memref<!tpu.dma_semaphore, #tpu.memory_space<semaphore_mem>>)
    %mul3A_235 = arith.constant 112 : i32
    %mul3A_236 = arith.muli %arg1, %mul3A_235 : i32
    %dma_start3A_237 = arith.constant 12 : i32
    %dma_start3A_238 = arith.constant 1344 : i32
    %dma_start3A_239 = tpu.memref_slice %arg9[%dma_start3A_238] : memref<1792xi32, #tpu.memory_space<vmem>> -> memref<112xi32, #tpu.memory_space<vmem>>
    %dma_start3A_240 = tpu.memref_slice %arg11[%dma_start3A_237, %mul3A_236] : memref<16x1792xi32, #tpu.memory_space<vmem_shared>> -> memref<1x112xi32, #tpu.memory_space<vmem_shared>>
    %dma_start3A_241 = tpu.memref_squeeze %dma_start3A_240 : memref<1x112xi32, #tpu.memory_space<vmem_shared>> -> memref<112xi32, #tpu.memory_space<vmem_shared>>
    %dma_start3A_242 = arith.constant 1344 : i32
    %dma_start3A_243 = tpu.memref_slice %arg9[%dma_start3A_242] : memref<1792xi32, #tpu.memory_space<vmem>> -> memref<112xi32, #tpu.memory_space<vmem>>
    %dma_start3A_244 = tpu.memref_slice %arg11[%dma_start3A_237, %mul3A_236] : memref<16x1792xi32, #tpu.memory_space<vmem_shared>> -> memref<1x112xi32, #tpu.memory_space<vmem_shared>>
    %dma_start3A_245 = tpu.memref_squeeze %dma_start3A_244 : memref<1x112xi32, #tpu.memory_space<vmem_shared>> -> memref<112xi32, #tpu.memory_space<vmem_shared>>
    tpu.enqueue_dma source(%dma_start3A_245 : memref<112xi32, #tpu.memory_space<vmem_shared>>) target(%dma_start3A_243 : memref<112xi32, #tpu.memory_space<vmem>>) target_semaphore(%arg14 : memref<!tpu.dma_semaphore, #tpu.memory_space<semaphore_mem>>)
    %mul3A_246 = arith.constant 112 : i32
    %mul3A_247 = arith.muli %arg1, %mul3A_246 : i32
    %dma_start3A_248 = arith.constant 13 : i32
    %dma_start3A_249 = arith.constant 1456 : i32
    %dma_start3A_250 = tpu.memref_slice %arg9[%dma_start3A_249] : memref<1792xi32, #tpu.memory_space<vmem>> -> memref<112xi32, #tpu.memory_space<vmem>>
    %dma_start3A_251 = tpu.memref_slice %arg11[%dma_start3A_248, %mul3A_247] : memref<16x1792xi32, #tpu.memory_space<vmem_shared>> -> memref<1x112xi32, #tpu.memory_space<vmem_shared>>
    %dma_start3A_252 = tpu.memref_squeeze %dma_start3A_251 : memref<1x112xi32, #tpu.memory_space<vmem_shared>> -> memref<112xi32, #tpu.memory_space<vmem_shared>>
    %dma_start3A_253 = arith.constant 1456 : i32
    %dma_start3A_254 = tpu.memref_slice %arg9[%dma_start3A_253] : memref<1792xi32, #tpu.memory_space<vmem>> -> memref<112xi32, #tpu.memory_space<vmem>>
    %dma_start3A_255 = tpu.memref_slice %arg11[%dma_start3A_248, %mul3A_247] : memref<16x1792xi32, #tpu.memory_space<vmem_shared>> -> memref<1x112xi32, #tpu.memory_space<vmem_shared>>
    %dma_start3A_256 = tpu.memref_squeeze %dma_start3A_255 : memref<1x112xi32, #tpu.memory_space<vmem_shared>> -> memref<112xi32, #tpu.memory_space<vmem_shared>>
    tpu.enqueue_dma source(%dma_start3A_256 : memref<112xi32, #tpu.memory_space<vmem_shared>>) target(%dma_start3A_254 : memref<112xi32, #tpu.memory_space<vmem>>) target_semaphore(%arg14 : memref<!tpu.dma_semaphore, #tpu.memory_space<semaphore_mem>>)
    %mul3A_257 = arith.constant 112 : i32
    %mul3A_258 = arith.muli %arg1, %mul3A_257 : i32
    %dma_start3A_259 = arith.constant 14 : i32
    %dma_start3A_260 = arith.constant 1568 : i32
    %dma_start3A_261 = tpu.memref_slice %arg9[%dma_start3A_260] : memref<1792xi32, #tpu.memory_space<vmem>> -> memref<112xi32, #tpu.memory_space<vmem>>
    %dma_start3A_262 = tpu.memref_slice %arg11[%dma_start3A_259, %mul3A_258] : memref<16x1792xi32, #tpu.memory_space<vmem_shared>> -> memref<1x112xi32, #tpu.memory_space<vmem_shared>>
    %dma_start3A_263 = tpu.memref_squeeze %dma_start3A_262 : memref<1x112xi32, #tpu.memory_space<vmem_shared>> -> memref<112xi32, #tpu.memory_space<vmem_shared>>
    %dma_start3A_264 = arith.constant 1568 : i32
    %dma_start3A_265 = tpu.memref_slice %arg9[%dma_start3A_264] : memref<1792xi32, #tpu.memory_space<vmem>> -> memref<112xi32, #tpu.memory_space<vmem>>
    %dma_start3A_266 = tpu.memref_slice %arg11[%dma_start3A_259, %mul3A_258] : memref<16x1792xi32, #tpu.memory_space<vmem_shared>> -> memref<1x112xi32, #tpu.memory_space<vmem_shared>>
    %dma_start3A_267 = tpu.memref_squeeze %dma_start3A_266 : memref<1x112xi32, #tpu.memory_space<vmem_shared>> -> memref<112xi32, #tpu.memory_space<vmem_shared>>
    tpu.enqueue_dma source(%dma_start3A_267 : memref<112xi32, #tpu.memory_space<vmem_shared>>) target(%dma_start3A_265 : memref<112xi32, #tpu.memory_space<vmem>>) target_semaphore(%arg14 : memref<!tpu.dma_semaphore, #tpu.memory_space<semaphore_mem>>)
    %mul3A_268 = arith.constant 112 : i32
    %mul3A_269 = arith.muli %arg1, %mul3A_268 : i32
    %dma_start3A_270 = arith.constant 15 : i32
    %dma_start3A_271 = arith.constant 1680 : i32
    %dma_start3A_272 = tpu.memref_slice %arg9[%dma_start3A_271] : memref<1792xi32, #tpu.memory_space<vmem>> -> memref<112xi32, #tpu.memory_space<vmem>>
    %dma_start3A_273 = tpu.memref_slice %arg11[%dma_start3A_270, %mul3A_269] : memref<16x1792xi32, #tpu.memory_space<vmem_shared>> -> memref<1x112xi32, #tpu.memory_space<vmem_shared>>
    %dma_start3A_274 = tpu.memref_squeeze %dma_start3A_273 : memref<1x112xi32, #tpu.memory_space<vmem_shared>> -> memref<112xi32, #tpu.memory_space<vmem_shared>>
    %dma_start3A_275 = arith.constant 1680 : i32
    %dma_start3A_276 = tpu.memref_slice %arg9[%dma_start3A_275] : memref<1792xi32, #tpu.memory_space<vmem>> -> memref<112xi32, #tpu.memory_space<vmem>>
    %dma_start3A_277 = tpu.memref_slice %arg11[%dma_start3A_270, %mul3A_269] : memref<16x1792xi32, #tpu.memory_space<vmem_shared>> -> memref<1x112xi32, #tpu.memory_space<vmem_shared>>
    %dma_start3A_278 = tpu.memref_squeeze %dma_start3A_277 : memref<1x112xi32, #tpu.memory_space<vmem_shared>> -> memref<112xi32, #tpu.memory_space<vmem_shared>>
    tpu.enqueue_dma source(%dma_start3A_278 : memref<112xi32, #tpu.memory_space<vmem_shared>>) target(%dma_start3A_276 : memref<112xi32, #tpu.memory_space<vmem>>) target_semaphore(%arg14 : memref<!tpu.dma_semaphore, #tpu.memory_space<semaphore_mem>>)
    %dma_wait3A_279 = arith.constant 0 : i32
    %dma_wait3A_280 = arith.constant 0 : i32
    %dma_wait3A_281 = tpu.memref_slice %arg9[%dma_wait3A_280] : memref<1792xi32, #tpu.memory_space<vmem>> -> memref<112xi32, #tpu.memory_space<vmem>>
    %dma_wait3A_282 = tpu.memref_slice %arg11[%dma_wait3A_279, %mul3A_104] : memref<16x1792xi32, #tpu.memory_space<vmem_shared>> -> memref<1x112xi32, #tpu.memory_space<vmem_shared>>
    %dma_wait3A_283 = tpu.memref_squeeze %dma_wait3A_282 : memref<1x112xi32, #tpu.memory_space<vmem_shared>> -> memref<112xi32, #tpu.memory_space<vmem_shared>>
    %dma_wait3A_284 = arith.constant 0 : i32
    %dma_wait3A_285 = tpu.memref_slice %arg9[%dma_wait3A_284] : memref<1792xi32, #tpu.memory_space<vmem>> -> memref<112xi32, #tpu.memory_space<vmem>>
    %dma_wait3A_286 = tpu.memref_slice %arg11[%dma_wait3A_279, %mul3A_104] : memref<16x1792xi32, #tpu.memory_space<vmem_shared>> -> memref<1x112xi32, #tpu.memory_space<vmem_shared>>
    %dma_wait3A_287 = tpu.memref_squeeze %dma_wait3A_286 : memref<1x112xi32, #tpu.memory_space<vmem_shared>> -> memref<112xi32, #tpu.memory_space<vmem_shared>>
    tpu.wait_dma2 semaphore(%arg14 : memref<!tpu.dma_semaphore, #tpu.memory_space<semaphore_mem>>) src(%dma_wait3A_287 : memref<112xi32, #tpu.memory_space<vmem_shared>>) dst(%dma_wait3A_285 : memref<112xi32, #tpu.memory_space<vmem>>)
    %dma_wait3A_288 = arith.constant 1 : i32
    %dma_wait3A_289 = arith.constant 112 : i32
    %dma_wait3A_290 = tpu.memref_slice %arg9[%dma_wait3A_289] : memref<1792xi32, #tpu.memory_space<vmem>> -> memref<112xi32, #tpu.memory_space<vmem>>
    %dma_wait3A_291 = tpu.memref_slice %arg11[%dma_wait3A_288, %mul3A_115] : memref<16x1792xi32, #tpu.memory_space<vmem_shared>> -> memref<1x112xi32, #tpu.memory_space<vmem_shared>>
    %dma_wait3A_292 = tpu.memref_squeeze %dma_wait3A_291 : memref<1x112xi32, #tpu.memory_space<vmem_shared>> -> memref<112xi32, #tpu.memory_space<vmem_shared>>
    %dma_wait3A_293 = arith.constant 112 : i32
    %dma_wait3A_294 = tpu.memref_slice %arg9[%dma_wait3A_293] : memref<1792xi32, #tpu.memory_space<vmem>> -> memref<112xi32, #tpu.memory_space<vmem>>
    %dma_wait3A_295 = tpu.memref_slice %arg11[%dma_wait3A_288, %mul3A_115] : memref<16x1792xi32, #tpu.memory_space<vmem_shared>> -> memref<1x112xi32, #tpu.memory_space<vmem_shared>>
    %dma_wait3A_296 = tpu.memref_squeeze %dma_wait3A_295 : memref<1x112xi32, #tpu.memory_space<vmem_shared>> -> memref<112xi32, #tpu.memory_space<vmem_shared>>
    tpu.wait_dma2 semaphore(%arg14 : memref<!tpu.dma_semaphore, #tpu.memory_space<semaphore_mem>>) src(%dma_wait3A_296 : memref<112xi32, #tpu.memory_space<vmem_shared>>) dst(%dma_wait3A_294 : memref<112xi32, #tpu.memory_space<vmem>>)
    %dma_wait3A_297 = arith.constant 2 : i32
    %dma_wait3A_298 = arith.constant 224 : i32
    %dma_wait3A_299 = tpu.memref_slice %arg9[%dma_wait3A_298] : memref<1792xi32, #tpu.memory_space<vmem>> -> memref<112xi32, #tpu.memory_space<vmem>>
    %dma_wait3A_300 = tpu.memref_slice %arg11[%dma_wait3A_297, %mul3A_126] : memref<16x1792xi32, #tpu.memory_space<vmem_shared>> -> memref<1x112xi32, #tpu.memory_space<vmem_shared>>
    %dma_wait3A_301 = tpu.memref_squeeze %dma_wait3A_300 : memref<1x112xi32, #tpu.memory_space<vmem_shared>> -> memref<112xi32, #tpu.memory_space<vmem_shared>>
    %dma_wait3A_302 = arith.constant 224 : i32
    %dma_wait3A_303 = tpu.memref_slice %arg9[%dma_wait3A_302] : memref<1792xi32, #tpu.memory_space<vmem>> -> memref<112xi32, #tpu.memory_space<vmem>>
    %dma_wait3A_304 = tpu.memref_slice %arg11[%dma_wait3A_297, %mul3A_126] : memref<16x1792xi32, #tpu.memory_space<vmem_shared>> -> memref<1x112xi32, #tpu.memory_space<vmem_shared>>
    %dma_wait3A_305 = tpu.memref_squeeze %dma_wait3A_304 : memref<1x112xi32, #tpu.memory_space<vmem_shared>> -> memref<112xi32, #tpu.memory_space<vmem_shared>>
    tpu.wait_dma2 semaphore(%arg14 : memref<!tpu.dma_semaphore, #tpu.memory_space<semaphore_mem>>) src(%dma_wait3A_305 : memref<112xi32, #tpu.memory_space<vmem_shared>>) dst(%dma_wait3A_303 : memref<112xi32, #tpu.memory_space<vmem>>)
    %dma_wait3A_306 = arith.constant 3 : i32
    %dma_wait3A_307 = arith.constant 336 : i32
    %dma_wait3A_308 = tpu.memref_slice %arg9[%dma_wait3A_307] : memref<1792xi32, #tpu.memory_space<vmem>> -> memref<112xi32, #tpu.memory_space<vmem>>
    %dma_wait3A_309 = tpu.memref_slice %arg11[%dma_wait3A_306, %mul3A_137] : memref<16x1792xi32, #tpu.memory_space<vmem_shared>> -> memref<1x112xi32, #tpu.memory_space<vmem_shared>>
    %dma_wait3A_310 = tpu.memref_squeeze %dma_wait3A_309 : memref<1x112xi32, #tpu.memory_space<vmem_shared>> -> memref<112xi32, #tpu.memory_space<vmem_shared>>
    %dma_wait3A_311 = arith.constant 336 : i32
    %dma_wait3A_312 = tpu.memref_slice %arg9[%dma_wait3A_311] : memref<1792xi32, #tpu.memory_space<vmem>> -> memref<112xi32, #tpu.memory_space<vmem>>
    %dma_wait3A_313 = tpu.memref_slice %arg11[%dma_wait3A_306, %mul3A_137] : memref<16x1792xi32, #tpu.memory_space<vmem_shared>> -> memref<1x112xi32, #tpu.memory_space<vmem_shared>>
    %dma_wait3A_314 = tpu.memref_squeeze %dma_wait3A_313 : memref<1x112xi32, #tpu.memory_space<vmem_shared>> -> memref<112xi32, #tpu.memory_space<vmem_shared>>
    tpu.wait_dma2 semaphore(%arg14 : memref<!tpu.dma_semaphore, #tpu.memory_space<semaphore_mem>>) src(%dma_wait3A_314 : memref<112xi32, #tpu.memory_space<vmem_shared>>) dst(%dma_wait3A_312 : memref<112xi32, #tpu.memory_space<vmem>>)
    %dma_wait3A_315 = arith.constant 4 : i32
    %dma_wait3A_316 = arith.constant 448 : i32
    %dma_wait3A_317 = tpu.memref_slice %arg9[%dma_wait3A_316] : memref<1792xi32, #tpu.memory_space<vmem>> -> memref<112xi32, #tpu.memory_space<vmem>>
    %dma_wait3A_318 = tpu.memref_slice %arg11[%dma_wait3A_315, %mul3A_148] : memref<16x1792xi32, #tpu.memory_space<vmem_shared>> -> memref<1x112xi32, #tpu.memory_space<vmem_shared>>
    %dma_wait3A_319 = tpu.memref_squeeze %dma_wait3A_318 : memref<1x112xi32, #tpu.memory_space<vmem_shared>> -> memref<112xi32, #tpu.memory_space<vmem_shared>>
    %dma_wait3A_320 = arith.constant 448 : i32
    %dma_wait3A_321 = tpu.memref_slice %arg9[%dma_wait3A_320] : memref<1792xi32, #tpu.memory_space<vmem>> -> memref<112xi32, #tpu.memory_space<vmem>>
    %dma_wait3A_322 = tpu.memref_slice %arg11[%dma_wait3A_315, %mul3A_148] : memref<16x1792xi32, #tpu.memory_space<vmem_shared>> -> memref<1x112xi32, #tpu.memory_space<vmem_shared>>
    %dma_wait3A_323 = tpu.memref_squeeze %dma_wait3A_322 : memref<1x112xi32, #tpu.memory_space<vmem_shared>> -> memref<112xi32, #tpu.memory_space<vmem_shared>>
    tpu.wait_dma2 semaphore(%arg14 : memref<!tpu.dma_semaphore, #tpu.memory_space<semaphore_mem>>) src(%dma_wait3A_323 : memref<112xi32, #tpu.memory_space<vmem_shared>>) dst(%dma_wait3A_321 : memref<112xi32, #tpu.memory_space<vmem>>)
    %dma_wait3A_324 = arith.constant 5 : i32
    %dma_wait3A_325 = arith.constant 560 : i32
    %dma_wait3A_326 = tpu.memref_slice %arg9[%dma_wait3A_325] : memref<1792xi32, #tpu.memory_space<vmem>> -> memref<112xi32, #tpu.memory_space<vmem>>
    %dma_wait3A_327 = tpu.memref_slice %arg11[%dma_wait3A_324, %mul3A_159] : memref<16x1792xi32, #tpu.memory_space<vmem_shared>> -> memref<1x112xi32, #tpu.memory_space<vmem_shared>>
    %dma_wait3A_328 = tpu.memref_squeeze %dma_wait3A_327 : memref<1x112xi32, #tpu.memory_space<vmem_shared>> -> memref<112xi32, #tpu.memory_space<vmem_shared>>
    %dma_wait3A_329 = arith.constant 560 : i32
    %dma_wait3A_330 = tpu.memref_slice %arg9[%dma_wait3A_329] : memref<1792xi32, #tpu.memory_space<vmem>> -> memref<112xi32, #tpu.memory_space<vmem>>
    %dma_wait3A_331 = tpu.memref_slice %arg11[%dma_wait3A_324, %mul3A_159] : memref<16x1792xi32, #tpu.memory_space<vmem_shared>> -> memref<1x112xi32, #tpu.memory_space<vmem_shared>>
    %dma_wait3A_332 = tpu.memref_squeeze %dma_wait3A_331 : memref<1x112xi32, #tpu.memory_space<vmem_shared>> -> memref<112xi32, #tpu.memory_space<vmem_shared>>
    tpu.wait_dma2 semaphore(%arg14 : memref<!tpu.dma_semaphore, #tpu.memory_space<semaphore_mem>>) src(%dma_wait3A_332 : memref<112xi32, #tpu.memory_space<vmem_shared>>) dst(%dma_wait3A_330 : memref<112xi32, #tpu.memory_space<vmem>>)
    %dma_wait3A_333 = arith.constant 6 : i32
    %dma_wait3A_334 = arith.constant 672 : i32
    %dma_wait3A_335 = tpu.memref_slice %arg9[%dma_wait3A_334] : memref<1792xi32, #tpu.memory_space<vmem>> -> memref<112xi32, #tpu.memory_space<vmem>>
    %dma_wait3A_336 = tpu.memref_slice %arg11[%dma_wait3A_333, %mul3A_170] : memref<16x1792xi32, #tpu.memory_space<vmem_shared>> -> memref<1x112xi32, #tpu.memory_space<vmem_shared>>
    %dma_wait3A_337 = tpu.memref_squeeze %dma_wait3A_336 : memref<1x112xi32, #tpu.memory_space<vmem_shared>> -> memref<112xi32, #tpu.memory_space<vmem_shared>>
    %dma_wait3A_338 = arith.constant 672 : i32
    %dma_wait3A_339 = tpu.memref_slice %arg9[%dma_wait3A_338] : memref<1792xi32, #tpu.memory_space<vmem>> -> memref<112xi32, #tpu.memory_space<vmem>>
    %dma_wait3A_340 = tpu.memref_slice %arg11[%dma_wait3A_333, %mul3A_170] : memref<16x1792xi32, #tpu.memory_space<vmem_shared>> -> memref<1x112xi32, #tpu.memory_space<vmem_shared>>
    %dma_wait3A_341 = tpu.memref_squeeze %dma_wait3A_340 : memref<1x112xi32, #tpu.memory_space<vmem_shared>> -> memref<112xi32, #tpu.memory_space<vmem_shared>>
    tpu.wait_dma2 semaphore(%arg14 : memref<!tpu.dma_semaphore, #tpu.memory_space<semaphore_mem>>) src(%dma_wait3A_341 : memref<112xi32, #tpu.memory_space<vmem_shared>>) dst(%dma_wait3A_339 : memref<112xi32, #tpu.memory_space<vmem>>)
    %dma_wait3A_342 = arith.constant 7 : i32
    %dma_wait3A_343 = arith.constant 784 : i32
    %dma_wait3A_344 = tpu.memref_slice %arg9[%dma_wait3A_343] : memref<1792xi32, #tpu.memory_space<vmem>> -> memref<112xi32, #tpu.memory_space<vmem>>
    %dma_wait3A_345 = tpu.memref_slice %arg11[%dma_wait3A_342, %mul3A_181] : memref<16x1792xi32, #tpu.memory_space<vmem_shared>> -> memref<1x112xi32, #tpu.memory_space<vmem_shared>>
    %dma_wait3A_346 = tpu.memref_squeeze %dma_wait3A_345 : memref<1x112xi32, #tpu.memory_space<vmem_shared>> -> memref<112xi32, #tpu.memory_space<vmem_shared>>
    %dma_wait3A_347 = arith.constant 784 : i32
    %dma_wait3A_348 = tpu.memref_slice %arg9[%dma_wait3A_347] : memref<1792xi32, #tpu.memory_space<vmem>> -> memref<112xi32, #tpu.memory_space<vmem>>
    %dma_wait3A_349 = tpu.memref_slice %arg11[%dma_wait3A_342, %mul3A_181] : memref<16x1792xi32, #tpu.memory_space<vmem_shared>> -> memref<1x112xi32, #tpu.memory_space<vmem_shared>>
    %dma_wait3A_350 = tpu.memref_squeeze %dma_wait3A_349 : memref<1x112xi32, #tpu.memory_space<vmem_shared>> -> memref<112xi32, #tpu.memory_space<vmem_shared>>
    tpu.wait_dma2 semaphore(%arg14 : memref<!tpu.dma_semaphore, #tpu.memory_space<semaphore_mem>>) src(%dma_wait3A_350 : memref<112xi32, #tpu.memory_space<vmem_shared>>) dst(%dma_wait3A_348 : memref<112xi32, #tpu.memory_space<vmem>>)
    %dma_wait3A_351 = arith.constant 8 : i32
    %dma_wait3A_352 = arith.constant 896 : i32
    %dma_wait3A_353 = tpu.memref_slice %arg9[%dma_wait3A_352] : memref<1792xi32, #tpu.memory_space<vmem>> -> memref<112xi32, #tpu.memory_space<vmem>>
    %dma_wait3A_354 = tpu.memref_slice %arg11[%dma_wait3A_351, %mul3A_192] : memref<16x1792xi32, #tpu.memory_space<vmem_shared>> -> memref<1x112xi32, #tpu.memory_space<vmem_shared>>
    %dma_wait3A_355 = tpu.memref_squeeze %dma_wait3A_354 : memref<1x112xi32, #tpu.memory_space<vmem_shared>> -> memref<112xi32, #tpu.memory_space<vmem_shared>>
    %dma_wait3A_356 = arith.constant 896 : i32
    %dma_wait3A_357 = tpu.memref_slice %arg9[%dma_wait3A_356] : memref<1792xi32, #tpu.memory_space<vmem>> -> memref<112xi32, #tpu.memory_space<vmem>>
    %dma_wait3A_358 = tpu.memref_slice %arg11[%dma_wait3A_351, %mul3A_192] : memref<16x1792xi32, #tpu.memory_space<vmem_shared>> -> memref<1x112xi32, #tpu.memory_space<vmem_shared>>
    %dma_wait3A_359 = tpu.memref_squeeze %dma_wait3A_358 : memref<1x112xi32, #tpu.memory_space<vmem_shared>> -> memref<112xi32, #tpu.memory_space<vmem_shared>>
    tpu.wait_dma2 semaphore(%arg14 : memref<!tpu.dma_semaphore, #tpu.memory_space<semaphore_mem>>) src(%dma_wait3A_359 : memref<112xi32, #tpu.memory_space<vmem_shared>>) dst(%dma_wait3A_357 : memref<112xi32, #tpu.memory_space<vmem>>)
    %dma_wait3A_360 = arith.constant 9 : i32
    %dma_wait3A_361 = arith.constant 1008 : i32
    %dma_wait3A_362 = tpu.memref_slice %arg9[%dma_wait3A_361] : memref<1792xi32, #tpu.memory_space<vmem>> -> memref<112xi32, #tpu.memory_space<vmem>>
    %dma_wait3A_363 = tpu.memref_slice %arg11[%dma_wait3A_360, %mul3A_203] : memref<16x1792xi32, #tpu.memory_space<vmem_shared>> -> memref<1x112xi32, #tpu.memory_space<vmem_shared>>
    %dma_wait3A_364 = tpu.memref_squeeze %dma_wait3A_363 : memref<1x112xi32, #tpu.memory_space<vmem_shared>> -> memref<112xi32, #tpu.memory_space<vmem_shared>>
    %dma_wait3A_365 = arith.constant 1008 : i32
    %dma_wait3A_366 = tpu.memref_slice %arg9[%dma_wait3A_365] : memref<1792xi32, #tpu.memory_space<vmem>> -> memref<112xi32, #tpu.memory_space<vmem>>
    %dma_wait3A_367 = tpu.memref_slice %arg11[%dma_wait3A_360, %mul3A_203] : memref<16x1792xi32, #tpu.memory_space<vmem_shared>> -> memref<1x112xi32, #tpu.memory_space<vmem_shared>>
    %dma_wait3A_368 = tpu.memref_squeeze %dma_wait3A_367 : memref<1x112xi32, #tpu.memory_space<vmem_shared>> -> memref<112xi32, #tpu.memory_space<vmem_shared>>
    tpu.wait_dma2 semaphore(%arg14 : memref<!tpu.dma_semaphore, #tpu.memory_space<semaphore_mem>>) src(%dma_wait3A_368 : memref<112xi32, #tpu.memory_space<vmem_shared>>) dst(%dma_wait3A_366 : memref<112xi32, #tpu.memory_space<vmem>>)
    %dma_wait3A_369 = arith.constant 10 : i32
    %dma_wait3A_370 = arith.constant 1120 : i32
    %dma_wait3A_371 = tpu.memref_slice %arg9[%dma_wait3A_370] : memref<1792xi32, #tpu.memory_space<vmem>> -> memref<112xi32, #tpu.memory_space<vmem>>
    %dma_wait3A_372 = tpu.memref_slice %arg11[%dma_wait3A_369, %mul3A_214] : memref<16x1792xi32, #tpu.memory_space<vmem_shared>> -> memref<1x112xi32, #tpu.memory_space<vmem_shared>>
    %dma_wait3A_373 = tpu.memref_squeeze %dma_wait3A_372 : memref<1x112xi32, #tpu.memory_space<vmem_shared>> -> memref<112xi32, #tpu.memory_space<vmem_shared>>
    %dma_wait3A_374 = arith.constant 1120 : i32
    %dma_wait3A_375 = tpu.memref_slice %arg9[%dma_wait3A_374] : memref<1792xi32, #tpu.memory_space<vmem>> -> memref<112xi32, #tpu.memory_space<vmem>>
    %dma_wait3A_376 = tpu.memref_slice %arg11[%dma_wait3A_369, %mul3A_214] : memref<16x1792xi32, #tpu.memory_space<vmem_shared>> -> memref<1x112xi32, #tpu.memory_space<vmem_shared>>
    %dma_wait3A_377 = tpu.memref_squeeze %dma_wait3A_376 : memref<1x112xi32, #tpu.memory_space<vmem_shared>> -> memref<112xi32, #tpu.memory_space<vmem_shared>>
    tpu.wait_dma2 semaphore(%arg14 : memref<!tpu.dma_semaphore, #tpu.memory_space<semaphore_mem>>) src(%dma_wait3A_377 : memref<112xi32, #tpu.memory_space<vmem_shared>>) dst(%dma_wait3A_375 : memref<112xi32, #tpu.memory_space<vmem>>)
    %dma_wait3A_378 = arith.constant 11 : i32
    %dma_wait3A_379 = arith.constant 1232 : i32
    %dma_wait3A_380 = tpu.memref_slice %arg9[%dma_wait3A_379] : memref<1792xi32, #tpu.memory_space<vmem>> -> memref<112xi32, #tpu.memory_space<vmem>>
    %dma_wait3A_381 = tpu.memref_slice %arg11[%dma_wait3A_378, %mul3A_225] : memref<16x1792xi32, #tpu.memory_space<vmem_shared>> -> memref<1x112xi32, #tpu.memory_space<vmem_shared>>
    %dma_wait3A_382 = tpu.memref_squeeze %dma_wait3A_381 : memref<1x112xi32, #tpu.memory_space<vmem_shared>> -> memref<112xi32, #tpu.memory_space<vmem_shared>>
    %dma_wait3A_383 = arith.constant 1232 : i32
    %dma_wait3A_384 = tpu.memref_slice %arg9[%dma_wait3A_383] : memref<1792xi32, #tpu.memory_space<vmem>> -> memref<112xi32, #tpu.memory_space<vmem>>
    %dma_wait3A_385 = tpu.memref_slice %arg11[%dma_wait3A_378, %mul3A_225] : memref<16x1792xi32, #tpu.memory_space<vmem_shared>> -> memref<1x112xi32, #tpu.memory_space<vmem_shared>>
    %dma_wait3A_386 = tpu.memref_squeeze %dma_wait3A_385 : memref<1x112xi32, #tpu.memory_space<vmem_shared>> -> memref<112xi32, #tpu.memory_space<vmem_shared>>
    tpu.wait_dma2 semaphore(%arg14 : memref<!tpu.dma_semaphore, #tpu.memory_space<semaphore_mem>>) src(%dma_wait3A_386 : memref<112xi32, #tpu.memory_space<vmem_shared>>) dst(%dma_wait3A_384 : memref<112xi32, #tpu.memory_space<vmem>>)
    %dma_wait3A_387 = arith.constant 12 : i32
    %dma_wait3A_388 = arith.constant 1344 : i32
    %dma_wait3A_389 = tpu.memref_slice %arg9[%dma_wait3A_388] : memref<1792xi32, #tpu.memory_space<vmem>> -> memref<112xi32, #tpu.memory_space<vmem>>
    %dma_wait3A_390 = tpu.memref_slice %arg11[%dma_wait3A_387, %mul3A_236] : memref<16x1792xi32, #tpu.memory_space<vmem_shared>> -> memref<1x112xi32, #tpu.memory_space<vmem_shared>>
    %dma_wait3A_391 = tpu.memref_squeeze %dma_wait3A_390 : memref<1x112xi32, #tpu.memory_space<vmem_shared>> -> memref<112xi32, #tpu.memory_space<vmem_shared>>
    %dma_wait3A_392 = arith.constant 1344 : i32
    %dma_wait3A_393 = tpu.memref_slice %arg9[%dma_wait3A_392] : memref<1792xi32, #tpu.memory_space<vmem>> -> memref<112xi32, #tpu.memory_space<vmem>>
    %dma_wait3A_394 = tpu.memref_slice %arg11[%dma_wait3A_387, %mul3A_236] : memref<16x1792xi32, #tpu.memory_space<vmem_shared>> -> memref<1x112xi32, #tpu.memory_space<vmem_shared>>
    %dma_wait3A_395 = tpu.memref_squeeze %dma_wait3A_394 : memref<1x112xi32, #tpu.memory_space<vmem_shared>> -> memref<112xi32, #tpu.memory_space<vmem_shared>>
    tpu.wait_dma2 semaphore(%arg14 : memref<!tpu.dma_semaphore, #tpu.memory_space<semaphore_mem>>) src(%dma_wait3A_395 : memref<112xi32, #tpu.memory_space<vmem_shared>>) dst(%dma_wait3A_393 : memref<112xi32, #tpu.memory_space<vmem>>)
    %dma_wait3A_396 = arith.constant 13 : i32
    %dma_wait3A_397 = arith.constant 1456 : i32
    %dma_wait3A_398 = tpu.memref_slice %arg9[%dma_wait3A_397] : memref<1792xi32, #tpu.memory_space<vmem>> -> memref<112xi32, #tpu.memory_space<vmem>>
    %dma_wait3A_399 = tpu.memref_slice %arg11[%dma_wait3A_396, %mul3A_247] : memref<16x1792xi32, #tpu.memory_space<vmem_shared>> -> memref<1x112xi32, #tpu.memory_space<vmem_shared>>
    %dma_wait3A_400 = tpu.memref_squeeze %dma_wait3A_399 : memref<1x112xi32, #tpu.memory_space<vmem_shared>> -> memref<112xi32, #tpu.memory_space<vmem_shared>>
    %dma_wait3A_401 = arith.constant 1456 : i32
    %dma_wait3A_402 = tpu.memref_slice %arg9[%dma_wait3A_401] : memref<1792xi32, #tpu.memory_space<vmem>> -> memref<112xi32, #tpu.memory_space<vmem>>
    %dma_wait3A_403 = tpu.memref_slice %arg11[%dma_wait3A_396, %mul3A_247] : memref<16x1792xi32, #tpu.memory_space<vmem_shared>> -> memref<1x112xi32, #tpu.memory_space<vmem_shared>>
    %dma_wait3A_404 = tpu.memref_squeeze %dma_wait3A_403 : memref<1x112xi32, #tpu.memory_space<vmem_shared>> -> memref<112xi32, #tpu.memory_space<vmem_shared>>
    tpu.wait_dma2 semaphore(%arg14 : memref<!tpu.dma_semaphore, #tpu.memory_space<semaphore_mem>>) src(%dma_wait3A_404 : memref<112xi32, #tpu.memory_space<vmem_shared>>) dst(%dma_wait3A_402 : memref<112xi32, #tpu.memory_space<vmem>>)
    %dma_wait3A_405 = arith.constant 14 : i32
    %dma_wait3A_406 = arith.constant 1568 : i32
    %dma_wait3A_407 = tpu.memref_slice %arg9[%dma_wait3A_406] : memref<1792xi32, #tpu.memory_space<vmem>> -> memref<112xi32, #tpu.memory_space<vmem>>
    %dma_wait3A_408 = tpu.memref_slice %arg11[%dma_wait3A_405, %mul3A_258] : memref<16x1792xi32, #tpu.memory_space<vmem_shared>> -> memref<1x112xi32, #tpu.memory_space<vmem_shared>>
    %dma_wait3A_409 = tpu.memref_squeeze %dma_wait3A_408 : memref<1x112xi32, #tpu.memory_space<vmem_shared>> -> memref<112xi32, #tpu.memory_space<vmem_shared>>
    %dma_wait3A_410 = arith.constant 1568 : i32
    %dma_wait3A_411 = tpu.memref_slice %arg9[%dma_wait3A_410] : memref<1792xi32, #tpu.memory_space<vmem>> -> memref<112xi32, #tpu.memory_space<vmem>>
    %dma_wait3A_412 = tpu.memref_slice %arg11[%dma_wait3A_405, %mul3A_258] : memref<16x1792xi32, #tpu.memory_space<vmem_shared>> -> memref<1x112xi32, #tpu.memory_space<vmem_shared>>
    %dma_wait3A_413 = tpu.memref_squeeze %dma_wait3A_412 : memref<1x112xi32, #tpu.memory_space<vmem_shared>> -> memref<112xi32, #tpu.memory_space<vmem_shared>>
    tpu.wait_dma2 semaphore(%arg14 : memref<!tpu.dma_semaphore, #tpu.memory_space<semaphore_mem>>) src(%dma_wait3A_413 : memref<112xi32, #tpu.memory_space<vmem_shared>>) dst(%dma_wait3A_411 : memref<112xi32, #tpu.memory_space<vmem>>)
    %dma_wait3A_414 = arith.constant 15 : i32
    %dma_wait3A_415 = arith.constant 1680 : i32
    %dma_wait3A_416 = tpu.memref_slice %arg9[%dma_wait3A_415] : memref<1792xi32, #tpu.memory_space<vmem>> -> memref<112xi32, #tpu.memory_space<vmem>>
    %dma_wait3A_417 = tpu.memref_slice %arg11[%dma_wait3A_414, %mul3A_269] : memref<16x1792xi32, #tpu.memory_space<vmem_shared>> -> memref<1x112xi32, #tpu.memory_space<vmem_shared>>
    %dma_wait3A_418 = tpu.memref_squeeze %dma_wait3A_417 : memref<1x112xi32, #tpu.memory_space<vmem_shared>> -> memref<112xi32, #tpu.memory_space<vmem_shared>>
    %dma_wait3A_419 = arith.constant 1680 : i32
    %dma_wait3A_420 = tpu.memref_slice %arg9[%dma_wait3A_419] : memref<1792xi32, #tpu.memory_space<vmem>> -> memref<112xi32, #tpu.memory_space<vmem>>
    %dma_wait3A_421 = tpu.memref_slice %arg11[%dma_wait3A_414, %mul3A_269] : memref<16x1792xi32, #tpu.memory_space<vmem_shared>> -> memref<1x112xi32, #tpu.memory_space<vmem_shared>>
    %dma_wait3A_422 = tpu.memref_squeeze %dma_wait3A_421 : memref<1x112xi32, #tpu.memory_space<vmem_shared>> -> memref<112xi32, #tpu.memory_space<vmem_shared>>
    tpu.wait_dma2 semaphore(%arg14 : memref<!tpu.dma_semaphore, #tpu.memory_space<semaphore_mem>>) src(%dma_wait3A_422 : memref<112xi32, #tpu.memory_space<vmem_shared>>) dst(%dma_wait3A_420 : memref<112xi32, #tpu.memory_space<vmem>>)
    %parallel_loop3A_423 = arith.constant 0 : i32
    %parallel_loop3A_424 = arith.constant 7 : i32
    %parallel_loop3A_425 = arith.constant 1 : i32
    %parallel_loop3A_426 = scf.for %parallel_loop3A_966 = %parallel_loop3A_423 to %parallel_loop3A_424 step %parallel_loop3A_425 iter_args(%parallel_loop3A_967 = %broadcast_in_dim3A_3) -> (vector<16xi32>)  : i32 {
      %parallel_loop3A_968 = arith.constant 16 : i32
      %parallel_loop3A_969 = arith.muli %parallel_loop3A_966, %parallel_loop3A_968 : i32
      %parallel_loop3A_970 = arith.index_cast %parallel_loop3A_969 : i32 to index
      %parallel_loop3A_971 = tpu.vector_load %arg9[%parallel_loop3A_970] {strides = array<i32>} : memref<1792xi32, #tpu.memory_space<vmem>>, vector<16xi32>,
      %parallel_loop3A_972 = arith.constant 16 : i32
      %parallel_loop3A_973 = arith.muli %parallel_loop3A_966, %parallel_loop3A_972 : i32
      %parallel_loop3A_974 = arith.constant 112 : i32
      %parallel_loop3A_975 = arith.addi %parallel_loop3A_974, %parallel_loop3A_973 : i32
      %parallel_loop3A_976 = arith.index_cast %parallel_loop3A_975 : i32 to index
      %parallel_loop3A_977 = tpu.vector_load %arg9[%parallel_loop3A_976] {strides = array<i32>} : memref<1792xi32, #tpu.memory_space<vmem>>, vector<16xi32>,
      %parallel_loop3A_978 = arith.ori %parallel_loop3A_971, %parallel_loop3A_977 : vector<16xi32>
      %parallel_loop3A_979 = arith.constant 16 : i32
      %parallel_loop3A_980 = arith.muli %parallel_loop3A_966, %parallel_loop3A_979 : i32
      %parallel_loop3A_981 = arith.constant 224 : i32
      %parallel_loop3A_982 = arith.addi %parallel_loop3A_981, %parallel_loop3A_980 : i32
      %parallel_loop3A_983 = arith.index_cast %parallel_loop3A_982 : i32 to index
      %parallel_loop3A_984 = tpu.vector_load %arg9[%parallel_loop3A_983] {strides = array<i32>} : memref<1792xi32, #tpu.memory_space<vmem>>, vector<16xi32>,
      %parallel_loop3A_985 = arith.ori %parallel_loop3A_978, %parallel_loop3A_984 : vector<16xi32>
      %parallel_loop3A_986 = arith.constant 16 : i32
      %parallel_loop3A_987 = arith.muli %parallel_loop3A_966, %parallel_loop3A_986 : i32
      %parallel_loop3A_988 = arith.constant 336 : i32
      %parallel_loop3A_989 = arith.addi %parallel_loop3A_988, %parallel_loop3A_987 : i32
      %parallel_loop3A_990 = arith.index_cast %parallel_loop3A_989 : i32 to index
      %parallel_loop3A_991 = tpu.vector_load %arg9[%parallel_loop3A_990] {strides = array<i32>} : memref<1792xi32, #tpu.memory_space<vmem>>, vector<16xi32>,
      %parallel_loop3A_992 = arith.ori %parallel_loop3A_985, %parallel_loop3A_991 : vector<16xi32>
      %parallel_loop3A_993 = arith.constant 16 : i32
      %parallel_loop3A_994 = arith.muli %parallel_loop3A_966, %parallel_loop3A_993 : i32
      %parallel_loop3A_995 = arith.constant 448 : i32
      %parallel_loop3A_996 = arith.addi %parallel_loop3A_995, %parallel_loop3A_994 : i32
      %parallel_loop3A_997 = arith.index_cast %parallel_loop3A_996 : i32 to index
      %parallel_loop3A_998 = tpu.vector_load %arg9[%parallel_loop3A_997] {strides = array<i32>} : memref<1792xi32, #tpu.memory_space<vmem>>, vector<16xi32>,
      %parallel_loop3A_999 = arith.ori %parallel_loop3A_992, %parallel_loop3A_998 : vector<16xi32>
      %parallel_loop3A_1000 = arith.constant 16 : i32
      %parallel_loop3A_1001 = arith.muli %parallel_loop3A_966, %parallel_loop3A_1000 : i32
      %parallel_loop3A_1002 = arith.constant 560 : i32
      %parallel_loop3A_1003 = arith.addi %parallel_loop3A_1002, %parallel_loop3A_1001 : i32
      %parallel_loop3A_1004 = arith.index_cast %parallel_loop3A_1003 : i32 to index
      %parallel_loop3A_1005 = tpu.vector_load %arg9[%parallel_loop3A_1004] {strides = array<i32>} : memref<1792xi32, #tpu.memory_space<vmem>>, vector<16xi32>,
      %parallel_loop3A_1006 = arith.ori %parallel_loop3A_999, %parallel_loop3A_1005 : vector<16xi32>
      %parallel_loop3A_1007 = arith.constant 16 : i32
      %parallel_loop3A_1008 = arith.muli %parallel_loop3A_966, %parallel_loop3A_1007 : i32
      %parallel_loop3A_1009 = arith.constant 672 : i32
      %parallel_loop3A_1010 = arith.addi %parallel_loop3A_1009, %parallel_loop3A_1008 : i32
      %parallel_loop3A_1011 = arith.index_cast %parallel_loop3A_1010 : i32 to index
      %parallel_loop3A_1012 = tpu.vector_load %arg9[%parallel_loop3A_1011] {strides = array<i32>} : memref<1792xi32, #tpu.memory_space<vmem>>, vector<16xi32>,
      %parallel_loop3A_1013 = arith.ori %parallel_loop3A_1006, %parallel_loop3A_1012 : vector<16xi32>
      %parallel_loop3A_1014 = arith.constant 16 : i32
      %parallel_loop3A_1015 = arith.muli %parallel_loop3A_966, %parallel_loop3A_1014 : i32
      %parallel_loop3A_1016 = arith.constant 784 : i32
      %parallel_loop3A_1017 = arith.addi %parallel_loop3A_1016, %parallel_loop3A_1015 : i32
      %parallel_loop3A_1018 = arith.index_cast %parallel_loop3A_1017 : i32 to index
      %parallel_loop3A_1019 = tpu.vector_load %arg9[%parallel_loop3A_1018] {strides = array<i32>} : memref<1792xi32, #tpu.memory_space<vmem>>, vector<16xi32>,
      %parallel_loop3A_1020 = arith.ori %parallel_loop3A_1013, %parallel_loop3A_1019 : vector<16xi32>
      %parallel_loop3A_1021 = arith.constant 16 : i32
      %parallel_loop3A_1022 = arith.muli %parallel_loop3A_966, %parallel_loop3A_1021 : i32
      %parallel_loop3A_1023 = arith.constant 896 : i32
      %parallel_loop3A_1024 = arith.addi %parallel_loop3A_1023, %parallel_loop3A_1022 : i32
      %parallel_loop3A_1025 = arith.index_cast %parallel_loop3A_1024 : i32 to index
      %parallel_loop3A_1026 = tpu.vector_load %arg9[%parallel_loop3A_1025] {strides = array<i32>} : memref<1792xi32, #tpu.memory_space<vmem>>, vector<16xi32>,
      %parallel_loop3A_1027 = arith.ori %parallel_loop3A_1020, %parallel_loop3A_1026 : vector<16xi32>
      %parallel_loop3A_1028 = arith.constant 16 : i32
      %parallel_loop3A_1029 = arith.muli %parallel_loop3A_966, %parallel_loop3A_1028 : i32
      %parallel_loop3A_1030 = arith.constant 1008 : i32
      %parallel_loop3A_1031 = arith.addi %parallel_loop3A_1030, %parallel_loop3A_1029 : i32
      %parallel_loop3A_1032 = arith.index_cast %parallel_loop3A_1031 : i32 to index
      %parallel_loop3A_1033 = tpu.vector_load %arg9[%parallel_loop3A_1032] {strides = array<i32>} : memref<1792xi32, #tpu.memory_space<vmem>>, vector<16xi32>,
      %parallel_loop3A_1034 = arith.ori %parallel_loop3A_1027, %parallel_loop3A_1033 : vector<16xi32>
      %parallel_loop3A_1035 = arith.constant 16 : i32
      %parallel_loop3A_1036 = arith.muli %parallel_loop3A_966, %parallel_loop3A_1035 : i32
      %parallel_loop3A_1037 = arith.constant 1120 : i32
      %parallel_loop3A_1038 = arith.addi %parallel_loop3A_1037, %parallel_loop3A_1036 : i32
      %parallel_loop3A_1039 = arith.index_cast %parallel_loop3A_1038 : i32 to index
      %parallel_loop3A_1040 = tpu.vector_load %arg9[%parallel_loop3A_1039] {strides = array<i32>} : memref<1792xi32, #tpu.memory_space<vmem>>, vector<16xi32>,
      %parallel_loop3A_1041 = arith.ori %parallel_loop3A_1034, %parallel_loop3A_1040 : vector<16xi32>
      %parallel_loop3A_1042 = arith.constant 16 : i32
      %parallel_loop3A_1043 = arith.muli %parallel_loop3A_966, %parallel_loop3A_1042 : i32
      %parallel_loop3A_1044 = arith.constant 1232 : i32
      %parallel_loop3A_1045 = arith.addi %parallel_loop3A_1044, %parallel_loop3A_1043 : i32
      %parallel_loop3A_1046 = arith.index_cast %parallel_loop3A_1045 : i32 to index
      %parallel_loop3A_1047 = tpu.vector_load %arg9[%parallel_loop3A_1046] {strides = array<i32>} : memref<1792xi32, #tpu.memory_space<vmem>>, vector<16xi32>,
      %parallel_loop3A_1048 = arith.ori %parallel_loop3A_1041, %parallel_loop3A_1047 : vector<16xi32>
      %parallel_loop3A_1049 = arith.constant 16 : i32
      %parallel_loop3A_1050 = arith.muli %parallel_loop3A_966, %parallel_loop3A_1049 : i32
      %parallel_loop3A_1051 = arith.constant 1344 : i32
      %parallel_loop3A_1052 = arith.addi %parallel_loop3A_1051, %parallel_loop3A_1050 : i32
      %parallel_loop3A_1053 = arith.index_cast %parallel_loop3A_1052 : i32 to index
      %parallel_loop3A_1054 = tpu.vector_load %arg9[%parallel_loop3A_1053] {strides = array<i32>} : memref<1792xi32, #tpu.memory_space<vmem>>, vector<16xi32>,
      %parallel_loop3A_1055 = arith.ori %parallel_loop3A_1048, %parallel_loop3A_1054 : vector<16xi32>
      %parallel_loop3A_1056 = arith.constant 16 : i32
      %parallel_loop3A_1057 = arith.muli %parallel_loop3A_966, %parallel_loop3A_1056 : i32
      %parallel_loop3A_1058 = arith.constant 1456 : i32
      %parallel_loop3A_1059 = arith.addi %parallel_loop3A_1058, %parallel_loop3A_1057 : i32
      %parallel_loop3A_1060 = arith.index_cast %parallel_loop3A_1059 : i32 to index
      %parallel_loop3A_1061 = tpu.vector_load %arg9[%parallel_loop3A_1060] {strides = array<i32>} : memref<1792xi32, #tpu.memory_space<vmem>>, vector<16xi32>,
      %parallel_loop3A_1062 = arith.ori %parallel_loop3A_1055, %parallel_loop3A_1061 : vector<16xi32>
      %parallel_loop3A_1063 = arith.constant 16 : i32
      %parallel_loop3A_1064 = arith.muli %parallel_loop3A_966, %parallel_loop3A_1063 : i32
      %parallel_loop3A_1065 = arith.constant 1568 : i32
      %parallel_loop3A_1066 = arith.addi %parallel_loop3A_1065, %parallel_loop3A_1064 : i32
      %parallel_loop3A_1067 = arith.index_cast %parallel_loop3A_1066 : i32 to index
      %parallel_loop3A_1068 = tpu.vector_load %arg9[%parallel_loop3A_1067] {strides = array<i32>} : memref<1792xi32, #tpu.memory_space<vmem>>, vector<16xi32>,
      %parallel_loop3A_1069 = arith.ori %parallel_loop3A_1062, %parallel_loop3A_1068 : vector<16xi32>
      %parallel_loop3A_1070 = arith.constant 16 : i32
      %parallel_loop3A_1071 = arith.muli %parallel_loop3A_966, %parallel_loop3A_1070 : i32
      %parallel_loop3A_1072 = arith.constant 1680 : i32
      %parallel_loop3A_1073 = arith.addi %parallel_loop3A_1072, %parallel_loop3A_1071 : i32
      %parallel_loop3A_1074 = arith.index_cast %parallel_loop3A_1073 : i32 to index
      %parallel_loop3A_1075 = tpu.vector_load %arg9[%parallel_loop3A_1074] {strides = array<i32>} : memref<1792xi32, #tpu.memory_space<vmem>>, vector<16xi32>,
      %parallel_loop3A_1076 = arith.ori %parallel_loop3A_1069, %parallel_loop3A_1075 : vector<16xi32>
      %parallel_loop3A_1077 = vector.bitcast %parallel_loop3A_1076 : vector<16xi32> to vector<16xi32>
      %parallel_loop3A_1078 = arith.constant 1 : i32
      %parallel_loop3A_1079 = vector.broadcast %parallel_loop3A_1078 : i32 to vector<16xi32>
      %parallel_loop3A_1080 = arith.shrui %parallel_loop3A_1077, %parallel_loop3A_1079 : vector<16xi32>
      %parallel_loop3A_1081 = arith.constant 1431655765 : i32
      %parallel_loop3A_1082 = vector.broadcast %parallel_loop3A_1081 : i32 to vector<16xi32>
      %parallel_loop3A_1083 = arith.andi %parallel_loop3A_1080, %parallel_loop3A_1082 : vector<16xi32>
      %parallel_loop3A_1084 = arith.subi %parallel_loop3A_1077, %parallel_loop3A_1083 : vector<16xi32>
      %parallel_loop3A_1085 = arith.constant 858993459 : i32
      %parallel_loop3A_1086 = vector.broadcast %parallel_loop3A_1085 : i32 to vector<16xi32>
      %parallel_loop3A_1087 = arith.andi %parallel_loop3A_1084, %parallel_loop3A_1086 : vector<16xi32>
      %parallel_loop3A_1088 = arith.constant 2 : i32
      %parallel_loop3A_1089 = vector.broadcast %parallel_loop3A_1088 : i32 to vector<16xi32>
      %parallel_loop3A_1090 = arith.shrui %parallel_loop3A_1084, %parallel_loop3A_1089 : vector<16xi32>
      %parallel_loop3A_1091 = arith.constant 858993459 : i32
      %parallel_loop3A_1092 = vector.broadcast %parallel_loop3A_1091 : i32 to vector<16xi32>
      %parallel_loop3A_1093 = arith.andi %parallel_loop3A_1090, %parallel_loop3A_1092 : vector<16xi32>
      %parallel_loop3A_1094 = arith.addi %parallel_loop3A_1087, %parallel_loop3A_1093 : vector<16xi32>
      %parallel_loop3A_1095 = arith.constant 4 : i32
      %parallel_loop3A_1096 = vector.broadcast %parallel_loop3A_1095 : i32 to vector<16xi32>
      %parallel_loop3A_1097 = arith.shrui %parallel_loop3A_1094, %parallel_loop3A_1096 : vector<16xi32>
      %parallel_loop3A_1098 = arith.addi %parallel_loop3A_1094, %parallel_loop3A_1097 : vector<16xi32>
      %parallel_loop3A_1099 = arith.constant 252645135 : i32
      %parallel_loop3A_1100 = vector.broadcast %parallel_loop3A_1099 : i32 to vector<16xi32>
      %parallel_loop3A_1101 = arith.andi %parallel_loop3A_1098, %parallel_loop3A_1100 : vector<16xi32>
      %parallel_loop3A_1102 = arith.constant 16843009 : i32
      %parallel_loop3A_1103 = vector.broadcast %parallel_loop3A_1102 : i32 to vector<16xi32>
      %parallel_loop3A_1104 = arith.muli %parallel_loop3A_1101, %parallel_loop3A_1103 : vector<16xi32>
      %parallel_loop3A_1105 = arith.constant 24 : i32
      %parallel_loop3A_1106 = vector.broadcast %parallel_loop3A_1105 : i32 to vector<16xi32>
      %parallel_loop3A_1107 = arith.shrui %parallel_loop3A_1104, %parallel_loop3A_1106 : vector<16xi32>
      %parallel_loop3A_1108 = vector.bitcast %parallel_loop3A_1107 : vector<16xi32> to vector<16xi32>
      %parallel_loop3A_1109 = arith.addi %parallel_loop3A_967, %parallel_loop3A_1108 : vector<16xi32>
      scf.yield %parallel_loop3A_1109 : vector<16xi32>
    } {sc.loop_unroll_factor = 1 : i64, sc.parallel_access}
    %swap3A = arith.constant 0 : i32
    %swap3A_427 = arith.index_cast %swap3A : i32 to index
    %swap3A_428 = arith.constant 0 : index
    %swap3A_429 = tpu.vector_load %arg10[%swap3A_427, %swap3A_428] {strides = array<i32>} : memref<2x16xi32, #tpu.memory_space<vmem>>, vector<16xi32>,
    tpu.vector_store %arg10[%swap3A_427, %swap3A_428], %parallel_loop3A_426 {strides = array<i32>} : memref<2x16xi32, #tpu.memory_space<vmem>>, vector<16xi32>,
    %barrier3A_430 = arith.constant 0 : index
    tpu.barrier barrier_id(%barrier3A_430)
    %mul3A_431 = arith.constant 204800 : i32
    %mul3A_432 = arith.muli %arg1, %mul3A_431 : i32
    %add3A_433 = arith.constant 25600 : i32
    %add3A_434 = arith.addi %mul3A_432, %add3A_433 : i32
    %dma_start3A_435 = arith.constant 1 : i32
    %dma_start3A_436 = arith.constant 0 : i32
    %dma_start3A_437 = tpu.memref_slice %arg7[%dma_start3A_435, %dma_start3A_436] : memref<2x25600xi32, #tpu.memory_space<vmem>> -> memref<1x25600xi32, #tpu.memory_space<vmem>>
    %dma_start3A_438 = tpu.memref_squeeze %dma_start3A_437 : memref<1x25600xi32, #tpu.memory_space<vmem>> -> memref<25600xi32, #tpu.memory_space<vmem>>
    %dma_start3A_439 = tpu.memref_slice %arg4[%add3A_434] : memref<3276800xi32, #tpu.memory_space<hbm>> -> memref<25600xi32, #tpu.memory_space<hbm>>
    %dma_start3A_440 = arith.constant 0 : i32
    %dma_start3A_441 = tpu.memref_slice %arg7[%dma_start3A_435, %dma_start3A_440] : memref<2x25600xi32, #tpu.memory_space<vmem>> -> memref<1x25600xi32, #tpu.memory_space<vmem>>
    %dma_start3A_442 = tpu.memref_squeeze %dma_start3A_441 : memref<1x25600xi32, #tpu.memory_space<vmem>> -> memref<25600xi32, #tpu.memory_space<vmem>>
    %dma_start3A_443 = tpu.memref_slice %arg4[%add3A_434] : memref<3276800xi32, #tpu.memory_space<hbm>> -> memref<25600xi32, #tpu.memory_space<hbm>>
    tpu.enqueue_dma source(%dma_start3A_443 : memref<25600xi32, #tpu.memory_space<hbm>>) target(%dma_start3A_442 : memref<25600xi32, #tpu.memory_space<vmem>>) target_semaphore(%arg13 : memref<!tpu.dma_semaphore, #tpu.memory_space<semaphore_mem>>)
    %mul3A_444 = arith.constant 204800 : i32
    %mul3A_445 = arith.muli %arg1, %mul3A_444 : i32
    %dma_wait3A_446 = arith.constant 0 : i32
    %dma_wait3A_447 = arith.constant 0 : i32
    %dma_wait3A_448 = tpu.memref_slice %arg7[%dma_wait3A_446, %dma_wait3A_447] : memref<2x25600xi32, #tpu.memory_space<vmem>> -> memref<1x25600xi32, #tpu.memory_space<vmem>>
    %dma_wait3A_449 = tpu.memref_squeeze %dma_wait3A_448 : memref<1x25600xi32, #tpu.memory_space<vmem>> -> memref<25600xi32, #tpu.memory_space<vmem>>
    %dma_wait3A_450 = tpu.memref_slice %arg4[%mul3A_445] : memref<3276800xi32, #tpu.memory_space<hbm>> -> memref<25600xi32, #tpu.memory_space<hbm>>
    %dma_wait3A_451 = arith.constant 0 : i32
    %dma_wait3A_452 = tpu.memref_slice %arg7[%dma_wait3A_446, %dma_wait3A_451] : memref<2x25600xi32, #tpu.memory_space<vmem>> -> memref<1x25600xi32, #tpu.memory_space<vmem>>
    %dma_wait3A_453 = tpu.memref_squeeze %dma_wait3A_452 : memref<1x25600xi32, #tpu.memory_space<vmem>> -> memref<25600xi32, #tpu.memory_space<vmem>>
    %dma_wait3A_454 = tpu.memref_slice %arg4[%mul3A_445] : memref<3276800xi32, #tpu.memory_space<hbm>> -> memref<25600xi32, #tpu.memory_space<hbm>>
    tpu.wait_dma2 semaphore(%arg12 : memref<!tpu.dma_semaphore, #tpu.memory_space<semaphore_mem>>) src(%dma_wait3A_454 : memref<25600xi32, #tpu.memory_space<hbm>>) dst(%dma_wait3A_453 : memref<25600xi32, #tpu.memory_space<vmem>>)
    %parallel_loop3A_455 = arith.constant 0 : i32
    %parallel_loop3A_456 = arith.constant 1600 : i32
    %parallel_loop3A_457 = arith.constant 1 : i32
    scf.for %parallel_loop3A_966 = %parallel_loop3A_455 to %parallel_loop3A_456 step %parallel_loop3A_457  : i32 {
      %parallel_loop3A_967 = arith.constant 16 : i32
      %parallel_loop3A_968 = arith.muli %parallel_loop3A_966, %parallel_loop3A_967 : i32
      %parallel_loop3A_969 = arith.constant 0 : i32
      %parallel_loop3A_970 = arith.index_cast %parallel_loop3A_969 : i32 to index
      %parallel_loop3A_971 = arith.index_cast %parallel_loop3A_968 : i32 to index
      %parallel_loop3A_972 = tpu.vector_load %arg7[%parallel_loop3A_970, %parallel_loop3A_971] {strides = array<i32>} : memref<2x25600xi32, #tpu.memory_space<vmem>>, vector<16xi32>,
      %parallel_loop3A_973 = vector.broadcast %mul3A_2 : i32 to vector<16xi32>
      %parallel_loop3A_974 = arith.subi %parallel_loop3A_972, %parallel_loop3A_973 : vector<16xi32>
      %parallel_loop3A_975 = arith.constant 50000 : i32
      %parallel_loop3A_976 = vector.broadcast %parallel_loop3A_975 : i32 to vector<16xi32>
      %parallel_loop3A_977 = arith.cmpi ult, %parallel_loop3A_974, %parallel_loop3A_976 : vector<16xi32>
      tpu.vector_store_idx %arg6[%parallel_loop3A_974], %broadcast_in_dim3A_5 masked %parallel_loop3A_977 : memref<57344xi32, #tpu.memory_space<vmem>>[vector<16xi32>], vector<16xi32>, vector<16xi1>
    } {sc.loop_unroll_factor = 16 : i64, sc.parallel_access}
    %mul3A_458 = arith.constant 204800 : i32
    %mul3A_459 = arith.muli %arg1, %mul3A_458 : i32
    %add3A_460 = arith.constant 51200 : i32
    %add3A_461 = arith.addi %mul3A_459, %add3A_460 : i32
    %dma_start3A_462 = arith.constant 0 : i32
    %dma_start3A_463 = arith.constant 0 : i32
    %dma_start3A_464 = tpu.memref_slice %arg7[%dma_start3A_462, %dma_start3A_463] : memref<2x25600xi32, #tpu.memory_space<vmem>> -> memref<1x25600xi32, #tpu.memory_space<vmem>>
    %dma_start3A_465 = tpu.memref_squeeze %dma_start3A_464 : memref<1x25600xi32, #tpu.memory_space<vmem>> -> memref<25600xi32, #tpu.memory_space<vmem>>
    %dma_start3A_466 = tpu.memref_slice %arg4[%add3A_461] : memref<3276800xi32, #tpu.memory_space<hbm>> -> memref<25600xi32, #tpu.memory_space<hbm>>
    %dma_start3A_467 = arith.constant 0 : i32
    %dma_start3A_468 = tpu.memref_slice %arg7[%dma_start3A_462, %dma_start3A_467] : memref<2x25600xi32, #tpu.memory_space<vmem>> -> memref<1x25600xi32, #tpu.memory_space<vmem>>
    %dma_start3A_469 = tpu.memref_squeeze %dma_start3A_468 : memref<1x25600xi32, #tpu.memory_space<vmem>> -> memref<25600xi32, #tpu.memory_space<vmem>>
    %dma_start3A_470 = tpu.memref_slice %arg4[%add3A_461] : memref<3276800xi32, #tpu.memory_space<hbm>> -> memref<25600xi32, #tpu.memory_space<hbm>>
    tpu.enqueue_dma source(%dma_start3A_470 : memref<25600xi32, #tpu.memory_space<hbm>>) target(%dma_start3A_469 : memref<25600xi32, #tpu.memory_space<vmem>>) target_semaphore(%arg12 : memref<!tpu.dma_semaphore, #tpu.memory_space<semaphore_mem>>)
    %mul3A_471 = arith.constant 204800 : i32
    %mul3A_472 = arith.muli %arg1, %mul3A_471 : i32
    %dma_wait3A_473 = arith.constant 1 : i32
    %dma_wait3A_474 = arith.constant 0 : i32
    %dma_wait3A_475 = tpu.memref_slice %arg7[%dma_wait3A_473, %dma_wait3A_474] : memref<2x25600xi32, #tpu.memory_space<vmem>> -> memref<1x25600xi32, #tpu.memory_space<vmem>>
    %dma_wait3A_476 = tpu.memref_squeeze %dma_wait3A_475 : memref<1x25600xi32, #tpu.memory_space<vmem>> -> memref<25600xi32, #tpu.memory_space<vmem>>
    %dma_wait3A_477 = tpu.memref_slice %arg4[%mul3A_472] : memref<3276800xi32, #tpu.memory_space<hbm>> -> memref<25600xi32, #tpu.memory_space<hbm>>
    %dma_wait3A_478 = arith.constant 0 : i32
    %dma_wait3A_479 = tpu.memref_slice %arg7[%dma_wait3A_473, %dma_wait3A_478] : memref<2x25600xi32, #tpu.memory_space<vmem>> -> memref<1x25600xi32, #tpu.memory_space<vmem>>
    %dma_wait3A_480 = tpu.memref_squeeze %dma_wait3A_479 : memref<1x25600xi32, #tpu.memory_space<vmem>> -> memref<25600xi32, #tpu.memory_space<vmem>>
    %dma_wait3A_481 = tpu.memref_slice %arg4[%mul3A_472] : memref<3276800xi32, #tpu.memory_space<hbm>> -> memref<25600xi32, #tpu.memory_space<hbm>>
    tpu.wait_dma2 semaphore(%arg13 : memref<!tpu.dma_semaphore, #tpu.memory_space<semaphore_mem>>) src(%dma_wait3A_481 : memref<25600xi32, #tpu.memory_space<hbm>>) dst(%dma_wait3A_480 : memref<25600xi32, #tpu.memory_space<vmem>>)
    %parallel_loop3A_482 = arith.constant 0 : i32
    %parallel_loop3A_483 = arith.constant 1600 : i32
    %parallel_loop3A_484 = arith.constant 1 : i32
    scf.for %parallel_loop3A_966 = %parallel_loop3A_482 to %parallel_loop3A_483 step %parallel_loop3A_484  : i32 {
      %parallel_loop3A_967 = arith.constant 16 : i32
      %parallel_loop3A_968 = arith.muli %parallel_loop3A_966, %parallel_loop3A_967 : i32
      %parallel_loop3A_969 = arith.constant 1 : i32
      %parallel_loop3A_970 = arith.index_cast %parallel_loop3A_969 : i32 to index
      %parallel_loop3A_971 = arith.index_cast %parallel_loop3A_968 : i32 to index
      %parallel_loop3A_972 = tpu.vector_load %arg7[%parallel_loop3A_970, %parallel_loop3A_971] {strides = array<i32>} : memref<2x25600xi32, #tpu.memory_space<vmem>>, vector<16xi32>,
      %parallel_loop3A_973 = vector.broadcast %mul3A_2 : i32 to vector<16xi32>
      %parallel_loop3A_974 = arith.subi %parallel_loop3A_972, %parallel_loop3A_973 : vector<16xi32>
      %parallel_loop3A_975 = arith.constant 50000 : i32
      %parallel_loop3A_976 = vector.broadcast %parallel_loop3A_975 : i32 to vector<16xi32>
      %parallel_loop3A_977 = arith.cmpi ult, %parallel_loop3A_974, %parallel_loop3A_976 : vector<16xi32>
      tpu.vector_store_idx %arg6[%parallel_loop3A_974], %broadcast_in_dim3A_5 masked %parallel_loop3A_977 : memref<57344xi32, #tpu.memory_space<vmem>>[vector<16xi32>], vector<16xi32>, vector<16xi1>
    } {sc.loop_unroll_factor = 16 : i64, sc.parallel_access}
    %mul3A_485 = arith.constant 204800 : i32
    %mul3A_486 = arith.muli %arg1, %mul3A_485 : i32
    %add3A_487 = arith.constant 76800 : i32
    %add3A_488 = arith.addi %mul3A_486, %add3A_487 : i32
    %dma_start3A_489 = arith.constant 1 : i32
    %dma_start3A_490 = arith.constant 0 : i32
    %dma_start3A_491 = tpu.memref_slice %arg7[%dma_start3A_489, %dma_start3A_490] : memref<2x25600xi32, #tpu.memory_space<vmem>> -> memref<1x25600xi32, #tpu.memory_space<vmem>>
    %dma_start3A_492 = tpu.memref_squeeze %dma_start3A_491 : memref<1x25600xi32, #tpu.memory_space<vmem>> -> memref<25600xi32, #tpu.memory_space<vmem>>
    %dma_start3A_493 = tpu.memref_slice %arg4[%add3A_488] : memref<3276800xi32, #tpu.memory_space<hbm>> -> memref<25600xi32, #tpu.memory_space<hbm>>
    %dma_start3A_494 = arith.constant 0 : i32
    %dma_start3A_495 = tpu.memref_slice %arg7[%dma_start3A_489, %dma_start3A_494] : memref<2x25600xi32, #tpu.memory_space<vmem>> -> memref<1x25600xi32, #tpu.memory_space<vmem>>
    %dma_start3A_496 = tpu.memref_squeeze %dma_start3A_495 : memref<1x25600xi32, #tpu.memory_space<vmem>> -> memref<25600xi32, #tpu.memory_space<vmem>>
    %dma_start3A_497 = tpu.memref_slice %arg4[%add3A_488] : memref<3276800xi32, #tpu.memory_space<hbm>> -> memref<25600xi32, #tpu.memory_space<hbm>>
    tpu.enqueue_dma source(%dma_start3A_497 : memref<25600xi32, #tpu.memory_space<hbm>>) target(%dma_start3A_496 : memref<25600xi32, #tpu.memory_space<vmem>>) target_semaphore(%arg13 : memref<!tpu.dma_semaphore, #tpu.memory_space<semaphore_mem>>)
    %mul3A_498 = arith.constant 204800 : i32
    %mul3A_499 = arith.muli %arg1, %mul3A_498 : i32
    %dma_wait3A_500 = arith.constant 0 : i32
    %dma_wait3A_501 = arith.constant 0 : i32
    %dma_wait3A_502 = tpu.memref_slice %arg7[%dma_wait3A_500, %dma_wait3A_501] : memref<2x25600xi32, #tpu.memory_space<vmem>> -> memref<1x25600xi32, #tpu.memory_space<vmem>>
    %dma_wait3A_503 = tpu.memref_squeeze %dma_wait3A_502 : memref<1x25600xi32, #tpu.memory_space<vmem>> -> memref<25600xi32, #tpu.memory_space<vmem>>
    %dma_wait3A_504 = tpu.memref_slice %arg4[%mul3A_499] : memref<3276800xi32, #tpu.memory_space<hbm>> -> memref<25600xi32, #tpu.memory_space<hbm>>
    %dma_wait3A_505 = arith.constant 0 : i32
    %dma_wait3A_506 = tpu.memref_slice %arg7[%dma_wait3A_500, %dma_wait3A_505] : memref<2x25600xi32, #tpu.memory_space<vmem>> -> memref<1x25600xi32, #tpu.memory_space<vmem>>
    %dma_wait3A_507 = tpu.memref_squeeze %dma_wait3A_506 : memref<1x25600xi32, #tpu.memory_space<vmem>> -> memref<25600xi32, #tpu.memory_space<vmem>>
    %dma_wait3A_508 = tpu.memref_slice %arg4[%mul3A_499] : memref<3276800xi32, #tpu.memory_space<hbm>> -> memref<25600xi32, #tpu.memory_space<hbm>>
    tpu.wait_dma2 semaphore(%arg12 : memref<!tpu.dma_semaphore, #tpu.memory_space<semaphore_mem>>) src(%dma_wait3A_508 : memref<25600xi32, #tpu.memory_space<hbm>>) dst(%dma_wait3A_507 : memref<25600xi32, #tpu.memory_space<vmem>>)
    %parallel_loop3A_509 = arith.constant 0 : i32
    %parallel_loop3A_510 = arith.constant 1600 : i32
    %parallel_loop3A_511 = arith.constant 1 : i32
    scf.for %parallel_loop3A_966 = %parallel_loop3A_509 to %parallel_loop3A_510 step %parallel_loop3A_511  : i32 {
      %parallel_loop3A_967 = arith.constant 16 : i32
      %parallel_loop3A_968 = arith.muli %parallel_loop3A_966, %parallel_loop3A_967 : i32
      %parallel_loop3A_969 = arith.constant 0 : i32
      %parallel_loop3A_970 = arith.index_cast %parallel_loop3A_969 : i32 to index
      %parallel_loop3A_971 = arith.index_cast %parallel_loop3A_968 : i32 to index
      %parallel_loop3A_972 = tpu.vector_load %arg7[%parallel_loop3A_970, %parallel_loop3A_971] {strides = array<i32>} : memref<2x25600xi32, #tpu.memory_space<vmem>>, vector<16xi32>,
      %parallel_loop3A_973 = vector.broadcast %mul3A_2 : i32 to vector<16xi32>
      %parallel_loop3A_974 = arith.subi %parallel_loop3A_972, %parallel_loop3A_973 : vector<16xi32>
      %parallel_loop3A_975 = arith.constant 50000 : i32
      %parallel_loop3A_976 = vector.broadcast %parallel_loop3A_975 : i32 to vector<16xi32>
      %parallel_loop3A_977 = arith.cmpi ult, %parallel_loop3A_974, %parallel_loop3A_976 : vector<16xi32>
      tpu.vector_store_idx %arg6[%parallel_loop3A_974], %broadcast_in_dim3A_5 masked %parallel_loop3A_977 : memref<57344xi32, #tpu.memory_space<vmem>>[vector<16xi32>], vector<16xi32>, vector<16xi1>
    } {sc.loop_unroll_factor = 16 : i64, sc.parallel_access}
    %mul3A_512 = arith.constant 204800 : i32
    %mul3A_513 = arith.muli %arg1, %mul3A_512 : i32
    %add3A_514 = arith.constant 102400 : i32
    %add3A_515 = arith.addi %mul3A_513, %add3A_514 : i32
    %dma_start3A_516 = arith.constant 0 : i32
    %dma_start3A_517 = arith.constant 0 : i32
    %dma_start3A_518 = tpu.memref_slice %arg7[%dma_start3A_516, %dma_start3A_517] : memref<2x25600xi32, #tpu.memory_space<vmem>> -> memref<1x25600xi32, #tpu.memory_space<vmem>>
    %dma_start3A_519 = tpu.memref_squeeze %dma_start3A_518 : memref<1x25600xi32, #tpu.memory_space<vmem>> -> memref<25600xi32, #tpu.memory_space<vmem>>
    %dma_start3A_520 = tpu.memref_slice %arg4[%add3A_515] : memref<3276800xi32, #tpu.memory_space<hbm>> -> memref<25600xi32, #tpu.memory_space<hbm>>
    %dma_start3A_521 = arith.constant 0 : i32
    %dma_start3A_522 = tpu.memref_slice %arg7[%dma_start3A_516, %dma_start3A_521] : memref<2x25600xi32, #tpu.memory_space<vmem>> -> memref<1x25600xi32, #tpu.memory_space<vmem>>
    %dma_start3A_523 = tpu.memref_squeeze %dma_start3A_522 : memref<1x25600xi32, #tpu.memory_space<vmem>> -> memref<25600xi32, #tpu.memory_space<vmem>>
    %dma_start3A_524 = tpu.memref_slice %arg4[%add3A_515] : memref<3276800xi32, #tpu.memory_space<hbm>> -> memref<25600xi32, #tpu.memory_space<hbm>>
    tpu.enqueue_dma source(%dma_start3A_524 : memref<25600xi32, #tpu.memory_space<hbm>>) target(%dma_start3A_523 : memref<25600xi32, #tpu.memory_space<vmem>>) target_semaphore(%arg12 : memref<!tpu.dma_semaphore, #tpu.memory_space<semaphore_mem>>)
    %mul3A_525 = arith.constant 204800 : i32
    %mul3A_526 = arith.muli %arg1, %mul3A_525 : i32
    %dma_wait3A_527 = arith.constant 1 : i32
    %dma_wait3A_528 = arith.constant 0 : i32
    %dma_wait3A_529 = tpu.memref_slice %arg7[%dma_wait3A_527, %dma_wait3A_528] : memref<2x25600xi32, #tpu.memory_space<vmem>> -> memref<1x25600xi32, #tpu.memory_space<vmem>>
    %dma_wait3A_530 = tpu.memref_squeeze %dma_wait3A_529 : memref<1x25600xi32, #tpu.memory_space<vmem>> -> memref<25600xi32, #tpu.memory_space<vmem>>
    %dma_wait3A_531 = tpu.memref_slice %arg4[%mul3A_526] : memref<3276800xi32, #tpu.memory_space<hbm>> -> memref<25600xi32, #tpu.memory_space<hbm>>
    %dma_wait3A_532 = arith.constant 0 : i32
    %dma_wait3A_533 = tpu.memref_slice %arg7[%dma_wait3A_527, %dma_wait3A_532] : memref<2x25600xi32, #tpu.memory_space<vmem>> -> memref<1x25600xi32, #tpu.memory_space<vmem>>
    %dma_wait3A_534 = tpu.memref_squeeze %dma_wait3A_533 : memref<1x25600xi32, #tpu.memory_space<vmem>> -> memref<25600xi32, #tpu.memory_space<vmem>>
    %dma_wait3A_535 = tpu.memref_slice %arg4[%mul3A_526] : memref<3276800xi32, #tpu.memory_space<hbm>> -> memref<25600xi32, #tpu.memory_space<hbm>>
    tpu.wait_dma2 semaphore(%arg13 : memref<!tpu.dma_semaphore, #tpu.memory_space<semaphore_mem>>) src(%dma_wait3A_535 : memref<25600xi32, #tpu.memory_space<hbm>>) dst(%dma_wait3A_534 : memref<25600xi32, #tpu.memory_space<vmem>>)
    %parallel_loop3A_536 = arith.constant 0 : i32
    %parallel_loop3A_537 = arith.constant 1600 : i32
    %parallel_loop3A_538 = arith.constant 1 : i32
    scf.for %parallel_loop3A_966 = %parallel_loop3A_536 to %parallel_loop3A_537 step %parallel_loop3A_538  : i32 {
      %parallel_loop3A_967 = arith.constant 16 : i32
      %parallel_loop3A_968 = arith.muli %parallel_loop3A_966, %parallel_loop3A_967 : i32
      %parallel_loop3A_969 = arith.constant 1 : i32
      %parallel_loop3A_970 = arith.index_cast %parallel_loop3A_969 : i32 to index
      %parallel_loop3A_971 = arith.index_cast %parallel_loop3A_968 : i32 to index
      %parallel_loop3A_972 = tpu.vector_load %arg7[%parallel_loop3A_970, %parallel_loop3A_971] {strides = array<i32>} : memref<2x25600xi32, #tpu.memory_space<vmem>>, vector<16xi32>,
      %parallel_loop3A_973 = vector.broadcast %mul3A_2 : i32 to vector<16xi32>
      %parallel_loop3A_974 = arith.subi %parallel_loop3A_972, %parallel_loop3A_973 : vector<16xi32>
      %parallel_loop3A_975 = arith.constant 50000 : i32
      %parallel_loop3A_976 = vector.broadcast %parallel_loop3A_975 : i32 to vector<16xi32>
      %parallel_loop3A_977 = arith.cmpi ult, %parallel_loop3A_974, %parallel_loop3A_976 : vector<16xi32>
      tpu.vector_store_idx %arg6[%parallel_loop3A_974], %broadcast_in_dim3A_5 masked %parallel_loop3A_977 : memref<57344xi32, #tpu.memory_space<vmem>>[vector<16xi32>], vector<16xi32>, vector<16xi1>
    } {sc.loop_unroll_factor = 16 : i64, sc.parallel_access}
    %mul3A_539 = arith.constant 204800 : i32
    %mul3A_540 = arith.muli %arg1, %mul3A_539 : i32
    %add3A_541 = arith.constant 128000 : i32
    %add3A_542 = arith.addi %mul3A_540, %add3A_541 : i32
    %dma_start3A_543 = arith.constant 1 : i32
    %dma_start3A_544 = arith.constant 0 : i32
    %dma_start3A_545 = tpu.memref_slice %arg7[%dma_start3A_543, %dma_start3A_544] : memref<2x25600xi32, #tpu.memory_space<vmem>> -> memref<1x25600xi32, #tpu.memory_space<vmem>>
    %dma_start3A_546 = tpu.memref_squeeze %dma_start3A_545 : memref<1x25600xi32, #tpu.memory_space<vmem>> -> memref<25600xi32, #tpu.memory_space<vmem>>
    %dma_start3A_547 = tpu.memref_slice %arg4[%add3A_542] : memref<3276800xi32, #tpu.memory_space<hbm>> -> memref<25600xi32, #tpu.memory_space<hbm>>
    %dma_start3A_548 = arith.constant 0 : i32
    %dma_start3A_549 = tpu.memref_slice %arg7[%dma_start3A_543, %dma_start3A_548] : memref<2x25600xi32, #tpu.memory_space<vmem>> -> memref<1x25600xi32, #tpu.memory_space<vmem>>
    %dma_start3A_550 = tpu.memref_squeeze %dma_start3A_549 : memref<1x25600xi32, #tpu.memory_space<vmem>> -> memref<25600xi32, #tpu.memory_space<vmem>>
    %dma_start3A_551 = tpu.memref_slice %arg4[%add3A_542] : memref<3276800xi32, #tpu.memory_space<hbm>> -> memref<25600xi32, #tpu.memory_space<hbm>>
    tpu.enqueue_dma source(%dma_start3A_551 : memref<25600xi32, #tpu.memory_space<hbm>>) target(%dma_start3A_550 : memref<25600xi32, #tpu.memory_space<vmem>>) target_semaphore(%arg13 : memref<!tpu.dma_semaphore, #tpu.memory_space<semaphore_mem>>)
    %mul3A_552 = arith.constant 204800 : i32
    %mul3A_553 = arith.muli %arg1, %mul3A_552 : i32
    %dma_wait3A_554 = arith.constant 0 : i32
    %dma_wait3A_555 = arith.constant 0 : i32
    %dma_wait3A_556 = tpu.memref_slice %arg7[%dma_wait3A_554, %dma_wait3A_555] : memref<2x25600xi32, #tpu.memory_space<vmem>> -> memref<1x25600xi32, #tpu.memory_space<vmem>>
    %dma_wait3A_557 = tpu.memref_squeeze %dma_wait3A_556 : memref<1x25600xi32, #tpu.memory_space<vmem>> -> memref<25600xi32, #tpu.memory_space<vmem>>
    %dma_wait3A_558 = tpu.memref_slice %arg4[%mul3A_553] : memref<3276800xi32, #tpu.memory_space<hbm>> -> memref<25600xi32, #tpu.memory_space<hbm>>
    %dma_wait3A_559 = arith.constant 0 : i32
    %dma_wait3A_560 = tpu.memref_slice %arg7[%dma_wait3A_554, %dma_wait3A_559] : memref<2x25600xi32, #tpu.memory_space<vmem>> -> memref<1x25600xi32, #tpu.memory_space<vmem>>
    %dma_wait3A_561 = tpu.memref_squeeze %dma_wait3A_560 : memref<1x25600xi32, #tpu.memory_space<vmem>> -> memref<25600xi32, #tpu.memory_space<vmem>>
    %dma_wait3A_562 = tpu.memref_slice %arg4[%mul3A_553] : memref<3276800xi32, #tpu.memory_space<hbm>> -> memref<25600xi32, #tpu.memory_space<hbm>>
    tpu.wait_dma2 semaphore(%arg12 : memref<!tpu.dma_semaphore, #tpu.memory_space<semaphore_mem>>) src(%dma_wait3A_562 : memref<25600xi32, #tpu.memory_space<hbm>>) dst(%dma_wait3A_561 : memref<25600xi32, #tpu.memory_space<vmem>>)
    %parallel_loop3A_563 = arith.constant 0 : i32
    %parallel_loop3A_564 = arith.constant 1600 : i32
    %parallel_loop3A_565 = arith.constant 1 : i32
    scf.for %parallel_loop3A_966 = %parallel_loop3A_563 to %parallel_loop3A_564 step %parallel_loop3A_565  : i32 {
      %parallel_loop3A_967 = arith.constant 16 : i32
      %parallel_loop3A_968 = arith.muli %parallel_loop3A_966, %parallel_loop3A_967 : i32
      %parallel_loop3A_969 = arith.constant 0 : i32
      %parallel_loop3A_970 = arith.index_cast %parallel_loop3A_969 : i32 to index
      %parallel_loop3A_971 = arith.index_cast %parallel_loop3A_968 : i32 to index
      %parallel_loop3A_972 = tpu.vector_load %arg7[%parallel_loop3A_970, %parallel_loop3A_971] {strides = array<i32>} : memref<2x25600xi32, #tpu.memory_space<vmem>>, vector<16xi32>,
      %parallel_loop3A_973 = vector.broadcast %mul3A_2 : i32 to vector<16xi32>
      %parallel_loop3A_974 = arith.subi %parallel_loop3A_972, %parallel_loop3A_973 : vector<16xi32>
      %parallel_loop3A_975 = arith.constant 50000 : i32
      %parallel_loop3A_976 = vector.broadcast %parallel_loop3A_975 : i32 to vector<16xi32>
      %parallel_loop3A_977 = arith.cmpi ult, %parallel_loop3A_974, %parallel_loop3A_976 : vector<16xi32>
      tpu.vector_store_idx %arg6[%parallel_loop3A_974], %broadcast_in_dim3A_5 masked %parallel_loop3A_977 : memref<57344xi32, #tpu.memory_space<vmem>>[vector<16xi32>], vector<16xi32>, vector<16xi1>
    } {sc.loop_unroll_factor = 16 : i64, sc.parallel_access}
    %mul3A_566 = arith.constant 204800 : i32
    %mul3A_567 = arith.muli %arg1, %mul3A_566 : i32
    %add3A_568 = arith.constant 153600 : i32
    %add3A_569 = arith.addi %mul3A_567, %add3A_568 : i32
    %dma_start3A_570 = arith.constant 0 : i32
    %dma_start3A_571 = arith.constant 0 : i32
    %dma_start3A_572 = tpu.memref_slice %arg7[%dma_start3A_570, %dma_start3A_571] : memref<2x25600xi32, #tpu.memory_space<vmem>> -> memref<1x25600xi32, #tpu.memory_space<vmem>>
    %dma_start3A_573 = tpu.memref_squeeze %dma_start3A_572 : memref<1x25600xi32, #tpu.memory_space<vmem>> -> memref<25600xi32, #tpu.memory_space<vmem>>
    %dma_start3A_574 = tpu.memref_slice %arg4[%add3A_569] : memref<3276800xi32, #tpu.memory_space<hbm>> -> memref<25600xi32, #tpu.memory_space<hbm>>
    %dma_start3A_575 = arith.constant 0 : i32
    %dma_start3A_576 = tpu.memref_slice %arg7[%dma_start3A_570, %dma_start3A_575] : memref<2x25600xi32, #tpu.memory_space<vmem>> -> memref<1x25600xi32, #tpu.memory_space<vmem>>
    %dma_start3A_577 = tpu.memref_squeeze %dma_start3A_576 : memref<1x25600xi32, #tpu.memory_space<vmem>> -> memref<25600xi32, #tpu.memory_space<vmem>>
    %dma_start3A_578 = tpu.memref_slice %arg4[%add3A_569] : memref<3276800xi32, #tpu.memory_space<hbm>> -> memref<25600xi32, #tpu.memory_space<hbm>>
    tpu.enqueue_dma source(%dma_start3A_578 : memref<25600xi32, #tpu.memory_space<hbm>>) target(%dma_start3A_577 : memref<25600xi32, #tpu.memory_space<vmem>>) target_semaphore(%arg12 : memref<!tpu.dma_semaphore, #tpu.memory_space<semaphore_mem>>)
    %mul3A_579 = arith.constant 204800 : i32
    %mul3A_580 = arith.muli %arg1, %mul3A_579 : i32
    %dma_wait3A_581 = arith.constant 1 : i32
    %dma_wait3A_582 = arith.constant 0 : i32
    %dma_wait3A_583 = tpu.memref_slice %arg7[%dma_wait3A_581, %dma_wait3A_582] : memref<2x25600xi32, #tpu.memory_space<vmem>> -> memref<1x25600xi32, #tpu.memory_space<vmem>>
    %dma_wait3A_584 = tpu.memref_squeeze %dma_wait3A_583 : memref<1x25600xi32, #tpu.memory_space<vmem>> -> memref<25600xi32, #tpu.memory_space<vmem>>
    %dma_wait3A_585 = tpu.memref_slice %arg4[%mul3A_580] : memref<3276800xi32, #tpu.memory_space<hbm>> -> memref<25600xi32, #tpu.memory_space<hbm>>
    %dma_wait3A_586 = arith.constant 0 : i32
    %dma_wait3A_587 = tpu.memref_slice %arg7[%dma_wait3A_581, %dma_wait3A_586] : memref<2x25600xi32, #tpu.memory_space<vmem>> -> memref<1x25600xi32, #tpu.memory_space<vmem>>
    %dma_wait3A_588 = tpu.memref_squeeze %dma_wait3A_587 : memref<1x25600xi32, #tpu.memory_space<vmem>> -> memref<25600xi32, #tpu.memory_space<vmem>>
    %dma_wait3A_589 = tpu.memref_slice %arg4[%mul3A_580] : memref<3276800xi32, #tpu.memory_space<hbm>> -> memref<25600xi32, #tpu.memory_space<hbm>>
    tpu.wait_dma2 semaphore(%arg13 : memref<!tpu.dma_semaphore, #tpu.memory_space<semaphore_mem>>) src(%dma_wait3A_589 : memref<25600xi32, #tpu.memory_space<hbm>>) dst(%dma_wait3A_588 : memref<25600xi32, #tpu.memory_space<vmem>>)
    %parallel_loop3A_590 = arith.constant 0 : i32
    %parallel_loop3A_591 = arith.constant 1600 : i32
    %parallel_loop3A_592 = arith.constant 1 : i32
    scf.for %parallel_loop3A_966 = %parallel_loop3A_590 to %parallel_loop3A_591 step %parallel_loop3A_592  : i32 {
      %parallel_loop3A_967 = arith.constant 16 : i32
      %parallel_loop3A_968 = arith.muli %parallel_loop3A_966, %parallel_loop3A_967 : i32
      %parallel_loop3A_969 = arith.constant 1 : i32
      %parallel_loop3A_970 = arith.index_cast %parallel_loop3A_969 : i32 to index
      %parallel_loop3A_971 = arith.index_cast %parallel_loop3A_968 : i32 to index
      %parallel_loop3A_972 = tpu.vector_load %arg7[%parallel_loop3A_970, %parallel_loop3A_971] {strides = array<i32>} : memref<2x25600xi32, #tpu.memory_space<vmem>>, vector<16xi32>,
      %parallel_loop3A_973 = vector.broadcast %mul3A_2 : i32 to vector<16xi32>
      %parallel_loop3A_974 = arith.subi %parallel_loop3A_972, %parallel_loop3A_973 : vector<16xi32>
      %parallel_loop3A_975 = arith.constant 50000 : i32
      %parallel_loop3A_976 = vector.broadcast %parallel_loop3A_975 : i32 to vector<16xi32>
      %parallel_loop3A_977 = arith.cmpi ult, %parallel_loop3A_974, %parallel_loop3A_976 : vector<16xi32>
      tpu.vector_store_idx %arg6[%parallel_loop3A_974], %broadcast_in_dim3A_5 masked %parallel_loop3A_977 : memref<57344xi32, #tpu.memory_space<vmem>>[vector<16xi32>], vector<16xi32>, vector<16xi1>
    } {sc.loop_unroll_factor = 16 : i64, sc.parallel_access}
    %mul3A_593 = arith.constant 204800 : i32
    %mul3A_594 = arith.muli %arg1, %mul3A_593 : i32
    %add3A_595 = arith.constant 179200 : i32
    %add3A_596 = arith.addi %mul3A_594, %add3A_595 : i32
    %dma_start3A_597 = arith.constant 1 : i32
    %dma_start3A_598 = arith.constant 0 : i32
    %dma_start3A_599 = tpu.memref_slice %arg7[%dma_start3A_597, %dma_start3A_598] : memref<2x25600xi32, #tpu.memory_space<vmem>> -> memref<1x25600xi32, #tpu.memory_space<vmem>>
    %dma_start3A_600 = tpu.memref_squeeze %dma_start3A_599 : memref<1x25600xi32, #tpu.memory_space<vmem>> -> memref<25600xi32, #tpu.memory_space<vmem>>
    %dma_start3A_601 = tpu.memref_slice %arg4[%add3A_596] : memref<3276800xi32, #tpu.memory_space<hbm>> -> memref<25600xi32, #tpu.memory_space<hbm>>
    %dma_start3A_602 = arith.constant 0 : i32
    %dma_start3A_603 = tpu.memref_slice %arg7[%dma_start3A_597, %dma_start3A_602] : memref<2x25600xi32, #tpu.memory_space<vmem>> -> memref<1x25600xi32, #tpu.memory_space<vmem>>
    %dma_start3A_604 = tpu.memref_squeeze %dma_start3A_603 : memref<1x25600xi32, #tpu.memory_space<vmem>> -> memref<25600xi32, #tpu.memory_space<vmem>>
    %dma_start3A_605 = tpu.memref_slice %arg4[%add3A_596] : memref<3276800xi32, #tpu.memory_space<hbm>> -> memref<25600xi32, #tpu.memory_space<hbm>>
    tpu.enqueue_dma source(%dma_start3A_605 : memref<25600xi32, #tpu.memory_space<hbm>>) target(%dma_start3A_604 : memref<25600xi32, #tpu.memory_space<vmem>>) target_semaphore(%arg13 : memref<!tpu.dma_semaphore, #tpu.memory_space<semaphore_mem>>)
    %mul3A_606 = arith.constant 204800 : i32
    %mul3A_607 = arith.muli %arg1, %mul3A_606 : i32
    %dma_wait3A_608 = arith.constant 0 : i32
    %dma_wait3A_609 = arith.constant 0 : i32
    %dma_wait3A_610 = tpu.memref_slice %arg7[%dma_wait3A_608, %dma_wait3A_609] : memref<2x25600xi32, #tpu.memory_space<vmem>> -> memref<1x25600xi32, #tpu.memory_space<vmem>>
    %dma_wait3A_611 = tpu.memref_squeeze %dma_wait3A_610 : memref<1x25600xi32, #tpu.memory_space<vmem>> -> memref<25600xi32, #tpu.memory_space<vmem>>
    %dma_wait3A_612 = tpu.memref_slice %arg4[%mul3A_607] : memref<3276800xi32, #tpu.memory_space<hbm>> -> memref<25600xi32, #tpu.memory_space<hbm>>
    %dma_wait3A_613 = arith.constant 0 : i32
    %dma_wait3A_614 = tpu.memref_slice %arg7[%dma_wait3A_608, %dma_wait3A_613] : memref<2x25600xi32, #tpu.memory_space<vmem>> -> memref<1x25600xi32, #tpu.memory_space<vmem>>
    %dma_wait3A_615 = tpu.memref_squeeze %dma_wait3A_614 : memref<1x25600xi32, #tpu.memory_space<vmem>> -> memref<25600xi32, #tpu.memory_space<vmem>>
    %dma_wait3A_616 = tpu.memref_slice %arg4[%mul3A_607] : memref<3276800xi32, #tpu.memory_space<hbm>> -> memref<25600xi32, #tpu.memory_space<hbm>>
    tpu.wait_dma2 semaphore(%arg12 : memref<!tpu.dma_semaphore, #tpu.memory_space<semaphore_mem>>) src(%dma_wait3A_616 : memref<25600xi32, #tpu.memory_space<hbm>>) dst(%dma_wait3A_615 : memref<25600xi32, #tpu.memory_space<vmem>>)
    %parallel_loop3A_617 = arith.constant 0 : i32
    %parallel_loop3A_618 = arith.constant 1600 : i32
    %parallel_loop3A_619 = arith.constant 1 : i32
    scf.for %parallel_loop3A_966 = %parallel_loop3A_617 to %parallel_loop3A_618 step %parallel_loop3A_619  : i32 {
      %parallel_loop3A_967 = arith.constant 16 : i32
      %parallel_loop3A_968 = arith.muli %parallel_loop3A_966, %parallel_loop3A_967 : i32
      %parallel_loop3A_969 = arith.constant 0 : i32
      %parallel_loop3A_970 = arith.index_cast %parallel_loop3A_969 : i32 to index
      %parallel_loop3A_971 = arith.index_cast %parallel_loop3A_968 : i32 to index
      %parallel_loop3A_972 = tpu.vector_load %arg7[%parallel_loop3A_970, %parallel_loop3A_971] {strides = array<i32>} : memref<2x25600xi32, #tpu.memory_space<vmem>>, vector<16xi32>,
      %parallel_loop3A_973 = vector.broadcast %mul3A_2 : i32 to vector<16xi32>
      %parallel_loop3A_974 = arith.subi %parallel_loop3A_972, %parallel_loop3A_973 : vector<16xi32>
      %parallel_loop3A_975 = arith.constant 50000 : i32
      %parallel_loop3A_976 = vector.broadcast %parallel_loop3A_975 : i32 to vector<16xi32>
      %parallel_loop3A_977 = arith.cmpi ult, %parallel_loop3A_974, %parallel_loop3A_976 : vector<16xi32>
      tpu.vector_store_idx %arg6[%parallel_loop3A_974], %broadcast_in_dim3A_5 masked %parallel_loop3A_977 : memref<57344xi32, #tpu.memory_space<vmem>>[vector<16xi32>], vector<16xi32>, vector<16xi1>
    } {sc.loop_unroll_factor = 16 : i64, sc.parallel_access}
    %mul3A_620 = arith.constant 204800 : i32
    %mul3A_621 = arith.muli %arg1, %mul3A_620 : i32
    %dma_wait3A_622 = arith.constant 1 : i32
    %dma_wait3A_623 = arith.constant 0 : i32
    %dma_wait3A_624 = tpu.memref_slice %arg7[%dma_wait3A_622, %dma_wait3A_623] : memref<2x25600xi32, #tpu.memory_space<vmem>> -> memref<1x25600xi32, #tpu.memory_space<vmem>>
    %dma_wait3A_625 = tpu.memref_squeeze %dma_wait3A_624 : memref<1x25600xi32, #tpu.memory_space<vmem>> -> memref<25600xi32, #tpu.memory_space<vmem>>
    %dma_wait3A_626 = tpu.memref_slice %arg4[%mul3A_621] : memref<3276800xi32, #tpu.memory_space<hbm>> -> memref<25600xi32, #tpu.memory_space<hbm>>
    %dma_wait3A_627 = arith.constant 0 : i32
    %dma_wait3A_628 = tpu.memref_slice %arg7[%dma_wait3A_622, %dma_wait3A_627] : memref<2x25600xi32, #tpu.memory_space<vmem>> -> memref<1x25600xi32, #tpu.memory_space<vmem>>
    %dma_wait3A_629 = tpu.memref_squeeze %dma_wait3A_628 : memref<1x25600xi32, #tpu.memory_space<vmem>> -> memref<25600xi32, #tpu.memory_space<vmem>>
    %dma_wait3A_630 = tpu.memref_slice %arg4[%mul3A_621] : memref<3276800xi32, #tpu.memory_space<hbm>> -> memref<25600xi32, #tpu.memory_space<hbm>>
    tpu.wait_dma2 semaphore(%arg13 : memref<!tpu.dma_semaphore, #tpu.memory_space<semaphore_mem>>) src(%dma_wait3A_630 : memref<25600xi32, #tpu.memory_space<hbm>>) dst(%dma_wait3A_629 : memref<25600xi32, #tpu.memory_space<vmem>>)
    %parallel_loop3A_631 = arith.constant 0 : i32
    %parallel_loop3A_632 = arith.constant 1600 : i32
    %parallel_loop3A_633 = arith.constant 1 : i32
    scf.for %parallel_loop3A_966 = %parallel_loop3A_631 to %parallel_loop3A_632 step %parallel_loop3A_633  : i32 {
      %parallel_loop3A_967 = arith.constant 16 : i32
      %parallel_loop3A_968 = arith.muli %parallel_loop3A_966, %parallel_loop3A_967 : i32
      %parallel_loop3A_969 = arith.constant 1 : i32
      %parallel_loop3A_970 = arith.index_cast %parallel_loop3A_969 : i32 to index
      %parallel_loop3A_971 = arith.index_cast %parallel_loop3A_968 : i32 to index
      %parallel_loop3A_972 = tpu.vector_load %arg7[%parallel_loop3A_970, %parallel_loop3A_971] {strides = array<i32>} : memref<2x25600xi32, #tpu.memory_space<vmem>>, vector<16xi32>,
      %parallel_loop3A_973 = vector.broadcast %mul3A_2 : i32 to vector<16xi32>
      %parallel_loop3A_974 = arith.subi %parallel_loop3A_972, %parallel_loop3A_973 : vector<16xi32>
      %parallel_loop3A_975 = arith.constant 50000 : i32
      %parallel_loop3A_976 = vector.broadcast %parallel_loop3A_975 : i32 to vector<16xi32>
      %parallel_loop3A_977 = arith.cmpi ult, %parallel_loop3A_974, %parallel_loop3A_976 : vector<16xi32>
      tpu.vector_store_idx %arg6[%parallel_loop3A_974], %broadcast_in_dim3A_5 masked %parallel_loop3A_977 : memref<57344xi32, #tpu.memory_space<vmem>>[vector<16xi32>], vector<16xi32>, vector<16xi1>
    } {sc.loop_unroll_factor = 16 : i64, sc.parallel_access}
    %parallel_loop3A_634 = arith.constant 0 : i32
    %parallel_loop3A_635 = arith.constant 112 : i32
    %parallel_loop3A_636 = arith.constant 1 : i32
    scf.for %parallel_loop3A_966 = %parallel_loop3A_634 to %parallel_loop3A_635 step %parallel_loop3A_636  : i32 {
      %parallel_loop3A_967 = arith.constant 16 : i32
      %parallel_loop3A_968 = arith.muli %parallel_loop3A_966, %parallel_loop3A_967 : i32
      %parallel_loop3A_969 = arith.index_cast %parallel_loop3A_968 : i32 to index
      %parallel_loop3A_970 = tpu.vector_load %arg6[%parallel_loop3A_969] {strides = array<i32>} : memref<57344xi32, #tpu.memory_space<vmem>>, vector<16xi32>,
      %parallel_loop3A_971 = arith.constant 16 : i32
      %parallel_loop3A_972 = arith.muli %parallel_loop3A_966, %parallel_loop3A_971 : i32
      %parallel_loop3A_973 = arith.constant 1792 : i32
      %parallel_loop3A_974 = arith.addi %parallel_loop3A_973, %parallel_loop3A_972 : i32
      %parallel_loop3A_975 = arith.index_cast %parallel_loop3A_974 : i32 to index
      %parallel_loop3A_976 = tpu.vector_load %arg6[%parallel_loop3A_975] {strides = array<i32>} : memref<57344xi32, #tpu.memory_space<vmem>>, vector<16xi32>,
      %parallel_loop3A_977 = arith.constant 1 : i32
      %parallel_loop3A_978 = vector.broadcast %parallel_loop3A_977 : i32 to vector<16xi32>
      %parallel_loop3A_979 = arith.shli %parallel_loop3A_976, %parallel_loop3A_978 : vector<16xi32>
      %parallel_loop3A_980 = arith.ori %parallel_loop3A_970, %parallel_loop3A_979 : vector<16xi32>
      %parallel_loop3A_981 = arith.constant 16 : i32
      %parallel_loop3A_982 = arith.muli %parallel_loop3A_966, %parallel_loop3A_981 : i32
      %parallel_loop3A_983 = arith.constant 3584 : i32
      %parallel_loop3A_984 = arith.addi %parallel_loop3A_983, %parallel_loop3A_982 : i32
      %parallel_loop3A_985 = arith.index_cast %parallel_loop3A_984 : i32 to index
      %parallel_loop3A_986 = tpu.vector_load %arg6[%parallel_loop3A_985] {strides = array<i32>} : memref<57344xi32, #tpu.memory_space<vmem>>, vector<16xi32>,
      %parallel_loop3A_987 = arith.constant 2 : i32
      %parallel_loop3A_988 = vector.broadcast %parallel_loop3A_987 : i32 to vector<16xi32>
      %parallel_loop3A_989 = arith.shli %parallel_loop3A_986, %parallel_loop3A_988 : vector<16xi32>
      %parallel_loop3A_990 = arith.ori %parallel_loop3A_980, %parallel_loop3A_989 : vector<16xi32>
      %parallel_loop3A_991 = arith.constant 16 : i32
      %parallel_loop3A_992 = arith.muli %parallel_loop3A_966, %parallel_loop3A_991 : i32
      %parallel_loop3A_993 = arith.constant 5376 : i32
      %parallel_loop3A_994 = arith.addi %parallel_loop3A_993, %parallel_loop3A_992 : i32
      %parallel_loop3A_995 = arith.index_cast %parallel_loop3A_994 : i32 to index
      %parallel_loop3A_996 = tpu.vector_load %arg6[%parallel_loop3A_995] {strides = array<i32>} : memref<57344xi32, #tpu.memory_space<vmem>>, vector<16xi32>,
      %parallel_loop3A_997 = arith.constant 3 : i32
      %parallel_loop3A_998 = vector.broadcast %parallel_loop3A_997 : i32 to vector<16xi32>
      %parallel_loop3A_999 = arith.shli %parallel_loop3A_996, %parallel_loop3A_998 : vector<16xi32>
      %parallel_loop3A_1000 = arith.ori %parallel_loop3A_990, %parallel_loop3A_999 : vector<16xi32>
      %parallel_loop3A_1001 = arith.constant 16 : i32
      %parallel_loop3A_1002 = arith.muli %parallel_loop3A_966, %parallel_loop3A_1001 : i32
      %parallel_loop3A_1003 = arith.constant 7168 : i32
      %parallel_loop3A_1004 = arith.addi %parallel_loop3A_1003, %parallel_loop3A_1002 : i32
      %parallel_loop3A_1005 = arith.index_cast %parallel_loop3A_1004 : i32 to index
      %parallel_loop3A_1006 = tpu.vector_load %arg6[%parallel_loop3A_1005] {strides = array<i32>} : memref<57344xi32, #tpu.memory_space<vmem>>, vector<16xi32>,
      %parallel_loop3A_1007 = arith.constant 4 : i32
      %parallel_loop3A_1008 = vector.broadcast %parallel_loop3A_1007 : i32 to vector<16xi32>
      %parallel_loop3A_1009 = arith.shli %parallel_loop3A_1006, %parallel_loop3A_1008 : vector<16xi32>
      %parallel_loop3A_1010 = arith.ori %parallel_loop3A_1000, %parallel_loop3A_1009 : vector<16xi32>
      %parallel_loop3A_1011 = arith.constant 16 : i32
      %parallel_loop3A_1012 = arith.muli %parallel_loop3A_966, %parallel_loop3A_1011 : i32
      %parallel_loop3A_1013 = arith.constant 8960 : i32
      %parallel_loop3A_1014 = arith.addi %parallel_loop3A_1013, %parallel_loop3A_1012 : i32
      %parallel_loop3A_1015 = arith.index_cast %parallel_loop3A_1014 : i32 to index
      %parallel_loop3A_1016 = tpu.vector_load %arg6[%parallel_loop3A_1015] {strides = array<i32>} : memref<57344xi32, #tpu.memory_space<vmem>>, vector<16xi32>,
      %parallel_loop3A_1017 = arith.constant 5 : i32
      %parallel_loop3A_1018 = vector.broadcast %parallel_loop3A_1017 : i32 to vector<16xi32>
      %parallel_loop3A_1019 = arith.shli %parallel_loop3A_1016, %parallel_loop3A_1018 : vector<16xi32>
      %parallel_loop3A_1020 = arith.ori %parallel_loop3A_1010, %parallel_loop3A_1019 : vector<16xi32>
      %parallel_loop3A_1021 = arith.constant 16 : i32
      %parallel_loop3A_1022 = arith.muli %parallel_loop3A_966, %parallel_loop3A_1021 : i32
      %parallel_loop3A_1023 = arith.constant 10752 : i32
      %parallel_loop3A_1024 = arith.addi %parallel_loop3A_1023, %parallel_loop3A_1022 : i32
      %parallel_loop3A_1025 = arith.index_cast %parallel_loop3A_1024 : i32 to index
      %parallel_loop3A_1026 = tpu.vector_load %arg6[%parallel_loop3A_1025] {strides = array<i32>} : memref<57344xi32, #tpu.memory_space<vmem>>, vector<16xi32>,
      %parallel_loop3A_1027 = arith.constant 6 : i32
      %parallel_loop3A_1028 = vector.broadcast %parallel_loop3A_1027 : i32 to vector<16xi32>
      %parallel_loop3A_1029 = arith.shli %parallel_loop3A_1026, %parallel_loop3A_1028 : vector<16xi32>
      %parallel_loop3A_1030 = arith.ori %parallel_loop3A_1020, %parallel_loop3A_1029 : vector<16xi32>
      %parallel_loop3A_1031 = arith.constant 16 : i32
      %parallel_loop3A_1032 = arith.muli %parallel_loop3A_966, %parallel_loop3A_1031 : i32
      %parallel_loop3A_1033 = arith.constant 12544 : i32
      %parallel_loop3A_1034 = arith.addi %parallel_loop3A_1033, %parallel_loop3A_1032 : i32
      %parallel_loop3A_1035 = arith.index_cast %parallel_loop3A_1034 : i32 to index
      %parallel_loop3A_1036 = tpu.vector_load %arg6[%parallel_loop3A_1035] {strides = array<i32>} : memref<57344xi32, #tpu.memory_space<vmem>>, vector<16xi32>,
      %parallel_loop3A_1037 = arith.constant 7 : i32
      %parallel_loop3A_1038 = vector.broadcast %parallel_loop3A_1037 : i32 to vector<16xi32>
      %parallel_loop3A_1039 = arith.shli %parallel_loop3A_1036, %parallel_loop3A_1038 : vector<16xi32>
      %parallel_loop3A_1040 = arith.ori %parallel_loop3A_1030, %parallel_loop3A_1039 : vector<16xi32>
      %parallel_loop3A_1041 = arith.constant 16 : i32
      %parallel_loop3A_1042 = arith.muli %parallel_loop3A_966, %parallel_loop3A_1041 : i32
      %parallel_loop3A_1043 = arith.constant 14336 : i32
      %parallel_loop3A_1044 = arith.addi %parallel_loop3A_1043, %parallel_loop3A_1042 : i32
      %parallel_loop3A_1045 = arith.index_cast %parallel_loop3A_1044 : i32 to index
      %parallel_loop3A_1046 = tpu.vector_load %arg6[%parallel_loop3A_1045] {strides = array<i32>} : memref<57344xi32, #tpu.memory_space<vmem>>, vector<16xi32>,
      %parallel_loop3A_1047 = arith.constant 8 : i32
      %parallel_loop3A_1048 = vector.broadcast %parallel_loop3A_1047 : i32 to vector<16xi32>
      %parallel_loop3A_1049 = arith.shli %parallel_loop3A_1046, %parallel_loop3A_1048 : vector<16xi32>
      %parallel_loop3A_1050 = arith.ori %parallel_loop3A_1040, %parallel_loop3A_1049 : vector<16xi32>
      %parallel_loop3A_1051 = arith.constant 16 : i32
      %parallel_loop3A_1052 = arith.muli %parallel_loop3A_966, %parallel_loop3A_1051 : i32
      %parallel_loop3A_1053 = arith.constant 16128 : i32
      %parallel_loop3A_1054 = arith.addi %parallel_loop3A_1053, %parallel_loop3A_1052 : i32
      %parallel_loop3A_1055 = arith.index_cast %parallel_loop3A_1054 : i32 to index
      %parallel_loop3A_1056 = tpu.vector_load %arg6[%parallel_loop3A_1055] {strides = array<i32>} : memref<57344xi32, #tpu.memory_space<vmem>>, vector<16xi32>,
      %parallel_loop3A_1057 = arith.constant 9 : i32
      %parallel_loop3A_1058 = vector.broadcast %parallel_loop3A_1057 : i32 to vector<16xi32>
      %parallel_loop3A_1059 = arith.shli %parallel_loop3A_1056, %parallel_loop3A_1058 : vector<16xi32>
      %parallel_loop3A_1060 = arith.ori %parallel_loop3A_1050, %parallel_loop3A_1059 : vector<16xi32>
      %parallel_loop3A_1061 = arith.constant 16 : i32
      %parallel_loop3A_1062 = arith.muli %parallel_loop3A_966, %parallel_loop3A_1061 : i32
      %parallel_loop3A_1063 = arith.constant 17920 : i32
      %parallel_loop3A_1064 = arith.addi %parallel_loop3A_1063, %parallel_loop3A_1062 : i32
      %parallel_loop3A_1065 = arith.index_cast %parallel_loop3A_1064 : i32 to index
      %parallel_loop3A_1066 = tpu.vector_load %arg6[%parallel_loop3A_1065] {strides = array<i32>} : memref<57344xi32, #tpu.memory_space<vmem>>, vector<16xi32>,
      %parallel_loop3A_1067 = arith.constant 10 : i32
      %parallel_loop3A_1068 = vector.broadcast %parallel_loop3A_1067 : i32 to vector<16xi32>
      %parallel_loop3A_1069 = arith.shli %parallel_loop3A_1066, %parallel_loop3A_1068 : vector<16xi32>
      %parallel_loop3A_1070 = arith.ori %parallel_loop3A_1060, %parallel_loop3A_1069 : vector<16xi32>
      %parallel_loop3A_1071 = arith.constant 16 : i32
      %parallel_loop3A_1072 = arith.muli %parallel_loop3A_966, %parallel_loop3A_1071 : i32
      %parallel_loop3A_1073 = arith.constant 19712 : i32
      %parallel_loop3A_1074 = arith.addi %parallel_loop3A_1073, %parallel_loop3A_1072 : i32
      %parallel_loop3A_1075 = arith.index_cast %parallel_loop3A_1074 : i32 to index
      %parallel_loop3A_1076 = tpu.vector_load %arg6[%parallel_loop3A_1075] {strides = array<i32>} : memref<57344xi32, #tpu.memory_space<vmem>>, vector<16xi32>,
      %parallel_loop3A_1077 = arith.constant 11 : i32
      %parallel_loop3A_1078 = vector.broadcast %parallel_loop3A_1077 : i32 to vector<16xi32>
      %parallel_loop3A_1079 = arith.shli %parallel_loop3A_1076, %parallel_loop3A_1078 : vector<16xi32>
      %parallel_loop3A_1080 = arith.ori %parallel_loop3A_1070, %parallel_loop3A_1079 : vector<16xi32>
      %parallel_loop3A_1081 = arith.constant 16 : i32
      %parallel_loop3A_1082 = arith.muli %parallel_loop3A_966, %parallel_loop3A_1081 : i32
      %parallel_loop3A_1083 = arith.constant 21504 : i32
      %parallel_loop3A_1084 = arith.addi %parallel_loop3A_1083, %parallel_loop3A_1082 : i32
      %parallel_loop3A_1085 = arith.index_cast %parallel_loop3A_1084 : i32 to index
      %parallel_loop3A_1086 = tpu.vector_load %arg6[%parallel_loop3A_1085] {strides = array<i32>} : memref<57344xi32, #tpu.memory_space<vmem>>, vector<16xi32>,
      %parallel_loop3A_1087 = arith.constant 12 : i32
      %parallel_loop3A_1088 = vector.broadcast %parallel_loop3A_1087 : i32 to vector<16xi32>
      %parallel_loop3A_1089 = arith.shli %parallel_loop3A_1086, %parallel_loop3A_1088 : vector<16xi32>
      %parallel_loop3A_1090 = arith.ori %parallel_loop3A_1080, %parallel_loop3A_1089 : vector<16xi32>
      %parallel_loop3A_1091 = arith.constant 16 : i32
      %parallel_loop3A_1092 = arith.muli %parallel_loop3A_966, %parallel_loop3A_1091 : i32
      %parallel_loop3A_1093 = arith.constant 23296 : i32
      %parallel_loop3A_1094 = arith.addi %parallel_loop3A_1093, %parallel_loop3A_1092 : i32
      %parallel_loop3A_1095 = arith.index_cast %parallel_loop3A_1094 : i32 to index
      %parallel_loop3A_1096 = tpu.vector_load %arg6[%parallel_loop3A_1095] {strides = array<i32>} : memref<57344xi32, #tpu.memory_space<vmem>>, vector<16xi32>,
      %parallel_loop3A_1097 = arith.constant 13 : i32
      %parallel_loop3A_1098 = vector.broadcast %parallel_loop3A_1097 : i32 to vector<16xi32>
      %parallel_loop3A_1099 = arith.shli %parallel_loop3A_1096, %parallel_loop3A_1098 : vector<16xi32>
      %parallel_loop3A_1100 = arith.ori %parallel_loop3A_1090, %parallel_loop3A_1099 : vector<16xi32>
      %parallel_loop3A_1101 = arith.constant 16 : i32
      %parallel_loop3A_1102 = arith.muli %parallel_loop3A_966, %parallel_loop3A_1101 : i32
      %parallel_loop3A_1103 = arith.constant 25088 : i32
      %parallel_loop3A_1104 = arith.addi %parallel_loop3A_1103, %parallel_loop3A_1102 : i32
      %parallel_loop3A_1105 = arith.index_cast %parallel_loop3A_1104 : i32 to index
      %parallel_loop3A_1106 = tpu.vector_load %arg6[%parallel_loop3A_1105] {strides = array<i32>} : memref<57344xi32, #tpu.memory_space<vmem>>, vector<16xi32>,
      %parallel_loop3A_1107 = arith.constant 14 : i32
      %parallel_loop3A_1108 = vector.broadcast %parallel_loop3A_1107 : i32 to vector<16xi32>
      %parallel_loop3A_1109 = arith.shli %parallel_loop3A_1106, %parallel_loop3A_1108 : vector<16xi32>
      %parallel_loop3A_1110 = arith.ori %parallel_loop3A_1100, %parallel_loop3A_1109 : vector<16xi32>
      %parallel_loop3A_1111 = arith.constant 16 : i32
      %parallel_loop3A_1112 = arith.muli %parallel_loop3A_966, %parallel_loop3A_1111 : i32
      %parallel_loop3A_1113 = arith.constant 26880 : i32
      %parallel_loop3A_1114 = arith.addi %parallel_loop3A_1113, %parallel_loop3A_1112 : i32
      %parallel_loop3A_1115 = arith.index_cast %parallel_loop3A_1114 : i32 to index
      %parallel_loop3A_1116 = tpu.vector_load %arg6[%parallel_loop3A_1115] {strides = array<i32>} : memref<57344xi32, #tpu.memory_space<vmem>>, vector<16xi32>,
      %parallel_loop3A_1117 = arith.constant 15 : i32
      %parallel_loop3A_1118 = vector.broadcast %parallel_loop3A_1117 : i32 to vector<16xi32>
      %parallel_loop3A_1119 = arith.shli %parallel_loop3A_1116, %parallel_loop3A_1118 : vector<16xi32>
      %parallel_loop3A_1120 = arith.ori %parallel_loop3A_1110, %parallel_loop3A_1119 : vector<16xi32>
      %parallel_loop3A_1121 = arith.constant 16 : i32
      %parallel_loop3A_1122 = arith.muli %parallel_loop3A_966, %parallel_loop3A_1121 : i32
      %parallel_loop3A_1123 = arith.constant 28672 : i32
      %parallel_loop3A_1124 = arith.addi %parallel_loop3A_1123, %parallel_loop3A_1122 : i32
      %parallel_loop3A_1125 = arith.index_cast %parallel_loop3A_1124 : i32 to index
      %parallel_loop3A_1126 = tpu.vector_load %arg6[%parallel_loop3A_1125] {strides = array<i32>} : memref<57344xi32, #tpu.memory_space<vmem>>, vector<16xi32>,
      %parallel_loop3A_1127 = arith.constant 16 : i32
      %parallel_loop3A_1128 = vector.broadcast %parallel_loop3A_1127 : i32 to vector<16xi32>
      %parallel_loop3A_1129 = arith.shli %parallel_loop3A_1126, %parallel_loop3A_1128 : vector<16xi32>
      %parallel_loop3A_1130 = arith.ori %parallel_loop3A_1120, %parallel_loop3A_1129 : vector<16xi32>
      %parallel_loop3A_1131 = arith.constant 16 : i32
      %parallel_loop3A_1132 = arith.muli %parallel_loop3A_966, %parallel_loop3A_1131 : i32
      %parallel_loop3A_1133 = arith.constant 30464 : i32
      %parallel_loop3A_1134 = arith.addi %parallel_loop3A_1133, %parallel_loop3A_1132 : i32
      %parallel_loop3A_1135 = arith.index_cast %parallel_loop3A_1134 : i32 to index
      %parallel_loop3A_1136 = tpu.vector_load %arg6[%parallel_loop3A_1135] {strides = array<i32>} : memref<57344xi32, #tpu.memory_space<vmem>>, vector<16xi32>,
      %parallel_loop3A_1137 = arith.constant 17 : i32
      %parallel_loop3A_1138 = vector.broadcast %parallel_loop3A_1137 : i32 to vector<16xi32>
      %parallel_loop3A_1139 = arith.shli %parallel_loop3A_1136, %parallel_loop3A_1138 : vector<16xi32>
      %parallel_loop3A_1140 = arith.ori %parallel_loop3A_1130, %parallel_loop3A_1139 : vector<16xi32>
      %parallel_loop3A_1141 = arith.constant 16 : i32
      %parallel_loop3A_1142 = arith.muli %parallel_loop3A_966, %parallel_loop3A_1141 : i32
      %parallel_loop3A_1143 = arith.constant 32256 : i32
      %parallel_loop3A_1144 = arith.addi %parallel_loop3A_1143, %parallel_loop3A_1142 : i32
      %parallel_loop3A_1145 = arith.index_cast %parallel_loop3A_1144 : i32 to index
      %parallel_loop3A_1146 = tpu.vector_load %arg6[%parallel_loop3A_1145] {strides = array<i32>} : memref<57344xi32, #tpu.memory_space<vmem>>, vector<16xi32>,
      %parallel_loop3A_1147 = arith.constant 18 : i32
      %parallel_loop3A_1148 = vector.broadcast %parallel_loop3A_1147 : i32 to vector<16xi32>
      %parallel_loop3A_1149 = arith.shli %parallel_loop3A_1146, %parallel_loop3A_1148 : vector<16xi32>
      %parallel_loop3A_1150 = arith.ori %parallel_loop3A_1140, %parallel_loop3A_1149 : vector<16xi32>
      %parallel_loop3A_1151 = arith.constant 16 : i32
      %parallel_loop3A_1152 = arith.muli %parallel_loop3A_966, %parallel_loop3A_1151 : i32
      %parallel_loop3A_1153 = arith.constant 34048 : i32
      %parallel_loop3A_1154 = arith.addi %parallel_loop3A_1153, %parallel_loop3A_1152 : i32
      %parallel_loop3A_1155 = arith.index_cast %parallel_loop3A_1154 : i32 to index
      %parallel_loop3A_1156 = tpu.vector_load %arg6[%parallel_loop3A_1155] {strides = array<i32>} : memref<57344xi32, #tpu.memory_space<vmem>>, vector<16xi32>,
      %parallel_loop3A_1157 = arith.constant 19 : i32
      %parallel_loop3A_1158 = vector.broadcast %parallel_loop3A_1157 : i32 to vector<16xi32>
      %parallel_loop3A_1159 = arith.shli %parallel_loop3A_1156, %parallel_loop3A_1158 : vector<16xi32>
      %parallel_loop3A_1160 = arith.ori %parallel_loop3A_1150, %parallel_loop3A_1159 : vector<16xi32>
      %parallel_loop3A_1161 = arith.constant 16 : i32
      %parallel_loop3A_1162 = arith.muli %parallel_loop3A_966, %parallel_loop3A_1161 : i32
      %parallel_loop3A_1163 = arith.constant 35840 : i32
      %parallel_loop3A_1164 = arith.addi %parallel_loop3A_1163, %parallel_loop3A_1162 : i32
      %parallel_loop3A_1165 = arith.index_cast %parallel_loop3A_1164 : i32 to index
      %parallel_loop3A_1166 = tpu.vector_load %arg6[%parallel_loop3A_1165] {strides = array<i32>} : memref<57344xi32, #tpu.memory_space<vmem>>, vector<16xi32>,
      %parallel_loop3A_1167 = arith.constant 20 : i32
      %parallel_loop3A_1168 = vector.broadcast %parallel_loop3A_1167 : i32 to vector<16xi32>
      %parallel_loop3A_1169 = arith.shli %parallel_loop3A_1166, %parallel_loop3A_1168 : vector<16xi32>
      %parallel_loop3A_1170 = arith.ori %parallel_loop3A_1160, %parallel_loop3A_1169 : vector<16xi32>
      %parallel_loop3A_1171 = arith.constant 16 : i32
      %parallel_loop3A_1172 = arith.muli %parallel_loop3A_966, %parallel_loop3A_1171 : i32
      %parallel_loop3A_1173 = arith.constant 37632 : i32
      %parallel_loop3A_1174 = arith.addi %parallel_loop3A_1173, %parallel_loop3A_1172 : i32
      %parallel_loop3A_1175 = arith.index_cast %parallel_loop3A_1174 : i32 to index
      %parallel_loop3A_1176 = tpu.vector_load %arg6[%parallel_loop3A_1175] {strides = array<i32>} : memref<57344xi32, #tpu.memory_space<vmem>>, vector<16xi32>,
      %parallel_loop3A_1177 = arith.constant 21 : i32
      %parallel_loop3A_1178 = vector.broadcast %parallel_loop3A_1177 : i32 to vector<16xi32>
      %parallel_loop3A_1179 = arith.shli %parallel_loop3A_1176, %parallel_loop3A_1178 : vector<16xi32>
      %parallel_loop3A_1180 = arith.ori %parallel_loop3A_1170, %parallel_loop3A_1179 : vector<16xi32>
      %parallel_loop3A_1181 = arith.constant 16 : i32
      %parallel_loop3A_1182 = arith.muli %parallel_loop3A_966, %parallel_loop3A_1181 : i32
      %parallel_loop3A_1183 = arith.constant 39424 : i32
      %parallel_loop3A_1184 = arith.addi %parallel_loop3A_1183, %parallel_loop3A_1182 : i32
      %parallel_loop3A_1185 = arith.index_cast %parallel_loop3A_1184 : i32 to index
      %parallel_loop3A_1186 = tpu.vector_load %arg6[%parallel_loop3A_1185] {strides = array<i32>} : memref<57344xi32, #tpu.memory_space<vmem>>, vector<16xi32>,
      %parallel_loop3A_1187 = arith.constant 22 : i32
      %parallel_loop3A_1188 = vector.broadcast %parallel_loop3A_1187 : i32 to vector<16xi32>
      %parallel_loop3A_1189 = arith.shli %parallel_loop3A_1186, %parallel_loop3A_1188 : vector<16xi32>
      %parallel_loop3A_1190 = arith.ori %parallel_loop3A_1180, %parallel_loop3A_1189 : vector<16xi32>
      %parallel_loop3A_1191 = arith.constant 16 : i32
      %parallel_loop3A_1192 = arith.muli %parallel_loop3A_966, %parallel_loop3A_1191 : i32
      %parallel_loop3A_1193 = arith.constant 41216 : i32
      %parallel_loop3A_1194 = arith.addi %parallel_loop3A_1193, %parallel_loop3A_1192 : i32
      %parallel_loop3A_1195 = arith.index_cast %parallel_loop3A_1194 : i32 to index
      %parallel_loop3A_1196 = tpu.vector_load %arg6[%parallel_loop3A_1195] {strides = array<i32>} : memref<57344xi32, #tpu.memory_space<vmem>>, vector<16xi32>,
      %parallel_loop3A_1197 = arith.constant 23 : i32
      %parallel_loop3A_1198 = vector.broadcast %parallel_loop3A_1197 : i32 to vector<16xi32>
      %parallel_loop3A_1199 = arith.shli %parallel_loop3A_1196, %parallel_loop3A_1198 : vector<16xi32>
      %parallel_loop3A_1200 = arith.ori %parallel_loop3A_1190, %parallel_loop3A_1199 : vector<16xi32>
      %parallel_loop3A_1201 = arith.constant 16 : i32
      %parallel_loop3A_1202 = arith.muli %parallel_loop3A_966, %parallel_loop3A_1201 : i32
      %parallel_loop3A_1203 = arith.constant 43008 : i32
      %parallel_loop3A_1204 = arith.addi %parallel_loop3A_1203, %parallel_loop3A_1202 : i32
      %parallel_loop3A_1205 = arith.index_cast %parallel_loop3A_1204 : i32 to index
      %parallel_loop3A_1206 = tpu.vector_load %arg6[%parallel_loop3A_1205] {strides = array<i32>} : memref<57344xi32, #tpu.memory_space<vmem>>, vector<16xi32>,
      %parallel_loop3A_1207 = arith.constant 24 : i32
      %parallel_loop3A_1208 = vector.broadcast %parallel_loop3A_1207 : i32 to vector<16xi32>
      %parallel_loop3A_1209 = arith.shli %parallel_loop3A_1206, %parallel_loop3A_1208 : vector<16xi32>
      %parallel_loop3A_1210 = arith.ori %parallel_loop3A_1200, %parallel_loop3A_1209 : vector<16xi32>
      %parallel_loop3A_1211 = arith.constant 16 : i32
      %parallel_loop3A_1212 = arith.muli %parallel_loop3A_966, %parallel_loop3A_1211 : i32
      %parallel_loop3A_1213 = arith.constant 44800 : i32
      %parallel_loop3A_1214 = arith.addi %parallel_loop3A_1213, %parallel_loop3A_1212 : i32
      %parallel_loop3A_1215 = arith.index_cast %parallel_loop3A_1214 : i32 to index
      %parallel_loop3A_1216 = tpu.vector_load %arg6[%parallel_loop3A_1215] {strides = array<i32>} : memref<57344xi32, #tpu.memory_space<vmem>>, vector<16xi32>,
      %parallel_loop3A_1217 = arith.constant 25 : i32
      %parallel_loop3A_1218 = vector.broadcast %parallel_loop3A_1217 : i32 to vector<16xi32>
      %parallel_loop3A_1219 = arith.shli %parallel_loop3A_1216, %parallel_loop3A_1218 : vector<16xi32>
      %parallel_loop3A_1220 = arith.ori %parallel_loop3A_1210, %parallel_loop3A_1219 : vector<16xi32>
      %parallel_loop3A_1221 = arith.constant 16 : i32
      %parallel_loop3A_1222 = arith.muli %parallel_loop3A_966, %parallel_loop3A_1221 : i32
      %parallel_loop3A_1223 = arith.constant 46592 : i32
      %parallel_loop3A_1224 = arith.addi %parallel_loop3A_1223, %parallel_loop3A_1222 : i32
      %parallel_loop3A_1225 = arith.index_cast %parallel_loop3A_1224 : i32 to index
      %parallel_loop3A_1226 = tpu.vector_load %arg6[%parallel_loop3A_1225] {strides = array<i32>} : memref<57344xi32, #tpu.memory_space<vmem>>, vector<16xi32>,
      %parallel_loop3A_1227 = arith.constant 26 : i32
      %parallel_loop3A_1228 = vector.broadcast %parallel_loop3A_1227 : i32 to vector<16xi32>
      %parallel_loop3A_1229 = arith.shli %parallel_loop3A_1226, %parallel_loop3A_1228 : vector<16xi32>
      %parallel_loop3A_1230 = arith.ori %parallel_loop3A_1220, %parallel_loop3A_1229 : vector<16xi32>
      %parallel_loop3A_1231 = arith.constant 16 : i32
      %parallel_loop3A_1232 = arith.muli %parallel_loop3A_966, %parallel_loop3A_1231 : i32
      %parallel_loop3A_1233 = arith.constant 48384 : i32
      %parallel_loop3A_1234 = arith.addi %parallel_loop3A_1233, %parallel_loop3A_1232 : i32
      %parallel_loop3A_1235 = arith.index_cast %parallel_loop3A_1234 : i32 to index
      %parallel_loop3A_1236 = tpu.vector_load %arg6[%parallel_loop3A_1235] {strides = array<i32>} : memref<57344xi32, #tpu.memory_space<vmem>>, vector<16xi32>,
      %parallel_loop3A_1237 = arith.constant 27 : i32
      %parallel_loop3A_1238 = vector.broadcast %parallel_loop3A_1237 : i32 to vector<16xi32>
      %parallel_loop3A_1239 = arith.shli %parallel_loop3A_1236, %parallel_loop3A_1238 : vector<16xi32>
      %parallel_loop3A_1240 = arith.ori %parallel_loop3A_1230, %parallel_loop3A_1239 : vector<16xi32>
      %parallel_loop3A_1241 = arith.constant 16 : i32
      %parallel_loop3A_1242 = arith.muli %parallel_loop3A_966, %parallel_loop3A_1241 : i32
      %parallel_loop3A_1243 = arith.constant 50176 : i32
      %parallel_loop3A_1244 = arith.addi %parallel_loop3A_1243, %parallel_loop3A_1242 : i32
      %parallel_loop3A_1245 = arith.index_cast %parallel_loop3A_1244 : i32 to index
      %parallel_loop3A_1246 = tpu.vector_load %arg6[%parallel_loop3A_1245] {strides = array<i32>} : memref<57344xi32, #tpu.memory_space<vmem>>, vector<16xi32>,
      %parallel_loop3A_1247 = arith.constant 28 : i32
      %parallel_loop3A_1248 = vector.broadcast %parallel_loop3A_1247 : i32 to vector<16xi32>
      %parallel_loop3A_1249 = arith.shli %parallel_loop3A_1246, %parallel_loop3A_1248 : vector<16xi32>
      %parallel_loop3A_1250 = arith.ori %parallel_loop3A_1240, %parallel_loop3A_1249 : vector<16xi32>
      %parallel_loop3A_1251 = arith.constant 16 : i32
      %parallel_loop3A_1252 = arith.muli %parallel_loop3A_966, %parallel_loop3A_1251 : i32
      %parallel_loop3A_1253 = arith.constant 51968 : i32
      %parallel_loop3A_1254 = arith.addi %parallel_loop3A_1253, %parallel_loop3A_1252 : i32
      %parallel_loop3A_1255 = arith.index_cast %parallel_loop3A_1254 : i32 to index
      %parallel_loop3A_1256 = tpu.vector_load %arg6[%parallel_loop3A_1255] {strides = array<i32>} : memref<57344xi32, #tpu.memory_space<vmem>>, vector<16xi32>,
      %parallel_loop3A_1257 = arith.constant 29 : i32
      %parallel_loop3A_1258 = vector.broadcast %parallel_loop3A_1257 : i32 to vector<16xi32>
      %parallel_loop3A_1259 = arith.shli %parallel_loop3A_1256, %parallel_loop3A_1258 : vector<16xi32>
      %parallel_loop3A_1260 = arith.ori %parallel_loop3A_1250, %parallel_loop3A_1259 : vector<16xi32>
      %parallel_loop3A_1261 = arith.constant 16 : i32
      %parallel_loop3A_1262 = arith.muli %parallel_loop3A_966, %parallel_loop3A_1261 : i32
      %parallel_loop3A_1263 = arith.constant 53760 : i32
      %parallel_loop3A_1264 = arith.addi %parallel_loop3A_1263, %parallel_loop3A_1262 : i32
      %parallel_loop3A_1265 = arith.index_cast %parallel_loop3A_1264 : i32 to index
      %parallel_loop3A_1266 = tpu.vector_load %arg6[%parallel_loop3A_1265] {strides = array<i32>} : memref<57344xi32, #tpu.memory_space<vmem>>, vector<16xi32>,
      %parallel_loop3A_1267 = arith.constant 30 : i32
      %parallel_loop3A_1268 = vector.broadcast %parallel_loop3A_1267 : i32 to vector<16xi32>
      %parallel_loop3A_1269 = arith.shli %parallel_loop3A_1266, %parallel_loop3A_1268 : vector<16xi32>
      %parallel_loop3A_1270 = arith.ori %parallel_loop3A_1260, %parallel_loop3A_1269 : vector<16xi32>
      %parallel_loop3A_1271 = arith.constant 16 : i32
      %parallel_loop3A_1272 = arith.muli %parallel_loop3A_966, %parallel_loop3A_1271 : i32
      %parallel_loop3A_1273 = arith.constant 55552 : i32
      %parallel_loop3A_1274 = arith.addi %parallel_loop3A_1273, %parallel_loop3A_1272 : i32
      %parallel_loop3A_1275 = arith.index_cast %parallel_loop3A_1274 : i32 to index
      %parallel_loop3A_1276 = tpu.vector_load %arg6[%parallel_loop3A_1275] {strides = array<i32>} : memref<57344xi32, #tpu.memory_space<vmem>>, vector<16xi32>,
      %parallel_loop3A_1277 = arith.constant 31 : i32
      %parallel_loop3A_1278 = vector.broadcast %parallel_loop3A_1277 : i32 to vector<16xi32>
      %parallel_loop3A_1279 = arith.shli %parallel_loop3A_1276, %parallel_loop3A_1278 : vector<16xi32>
      %parallel_loop3A_1280 = arith.ori %parallel_loop3A_1270, %parallel_loop3A_1279 : vector<16xi32>
      %parallel_loop3A_1281 = arith.constant 16 : i32
      %parallel_loop3A_1282 = arith.muli %parallel_loop3A_966, %parallel_loop3A_1281 : i32
      %parallel_loop3A_1283 = arith.index_cast %parallel_loop3A_1282 : i32 to index
      %parallel_loop3A_1284 = tpu.vector_load %arg8[%parallel_loop3A_1283] {strides = array<i32>} : memref<1792xi32, #tpu.memory_space<vmem>>, vector<16xi32>,
      tpu.vector_store %arg8[%parallel_loop3A_1283], %parallel_loop3A_1280 {strides = array<i32>} : memref<1792xi32, #tpu.memory_space<vmem>>, vector<16xi32>,
    } {sc.loop_unroll_factor = 2 : i64, sc.parallel_access}
    "tpu.region"() ({
      %run_scoped3A = tpu.sem_alloc : memref<!tpu.dma_semaphore, #tpu.memory_space<semaphore_mem>>
      %dma_start3A_966 = arith.constant 0 : i32
      %dma_start3A_967 = tpu.memref_slice %arg11[%arg1, %dma_start3A_966] : memref<16x1792xi32, #tpu.memory_space<vmem_shared>> -> memref<1x1792xi32, #tpu.memory_space<vmem_shared>>
      %dma_start3A_968 = tpu.memref_squeeze %dma_start3A_967 : memref<1x1792xi32, #tpu.memory_space<vmem_shared>> -> memref<1792xi32, #tpu.memory_space<vmem_shared>>
      %dma_start3A_969 = arith.constant 0 : i32
      %dma_start3A_970 = tpu.memref_slice %arg11[%arg1, %dma_start3A_969] : memref<16x1792xi32, #tpu.memory_space<vmem_shared>> -> memref<1x1792xi32, #tpu.memory_space<vmem_shared>>
      %dma_start3A_971 = tpu.memref_squeeze %dma_start3A_970 : memref<1x1792xi32, #tpu.memory_space<vmem_shared>> -> memref<1792xi32, #tpu.memory_space<vmem_shared>>
      tpu.enqueue_dma source(%arg8 : memref<1792xi32, #tpu.memory_space<vmem>>) target(%dma_start3A_971 : memref<1792xi32, #tpu.memory_space<vmem_shared>>) target_semaphore(%run_scoped3A : memref<!tpu.dma_semaphore, #tpu.memory_space<semaphore_mem>>)
      %dma_wait3A_972 = arith.constant 0 : i32
      %dma_wait3A_973 = tpu.memref_slice %arg11[%arg1, %dma_wait3A_972] : memref<16x1792xi32, #tpu.memory_space<vmem_shared>> -> memref<1x1792xi32, #tpu.memory_space<vmem_shared>>
      %dma_wait3A_974 = tpu.memref_squeeze %dma_wait3A_973 : memref<1x1792xi32, #tpu.memory_space<vmem_shared>> -> memref<1792xi32, #tpu.memory_space<vmem_shared>>
      %dma_wait3A_975 = arith.constant 0 : i32
      %dma_wait3A_976 = tpu.memref_slice %arg11[%arg1, %dma_wait3A_975] : memref<16x1792xi32, #tpu.memory_space<vmem_shared>> -> memref<1x1792xi32, #tpu.memory_space<vmem_shared>>
      %dma_wait3A_977 = tpu.memref_squeeze %dma_wait3A_976 : memref<1x1792xi32, #tpu.memory_space<vmem_shared>> -> memref<1792xi32, #tpu.memory_space<vmem_shared>>
      tpu.wait_dma2 semaphore(%run_scoped3A : memref<!tpu.dma_semaphore, #tpu.memory_space<semaphore_mem>>) src(%arg8 : memref<1792xi32, #tpu.memory_space<vmem>>) dst(%dma_wait3A_977 : memref<1792xi32, #tpu.memory_space<vmem_shared>>)
      tpu.yield
    }) : () -> ()
    %barrier3A_637 = arith.constant 0 : index
    tpu.barrier barrier_id(%barrier3A_637)
    %mul3A_638 = arith.constant 112 : i32
    %mul3A_639 = arith.muli %arg1, %mul3A_638 : i32
    %dma_start3A_640 = arith.constant 0 : i32
    %dma_start3A_641 = arith.constant 0 : i32
    %dma_start3A_642 = tpu.memref_slice %arg9[%dma_start3A_641] : memref<1792xi32, #tpu.memory_space<vmem>> -> memref<112xi32, #tpu.memory_space<vmem>>
    %dma_start3A_643 = tpu.memref_slice %arg11[%dma_start3A_640, %mul3A_639] : memref<16x1792xi32, #tpu.memory_space<vmem_shared>> -> memref<1x112xi32, #tpu.memory_space<vmem_shared>>
    %dma_start3A_644 = tpu.memref_squeeze %dma_start3A_643 : memref<1x112xi32, #tpu.memory_space<vmem_shared>> -> memref<112xi32, #tpu.memory_space<vmem_shared>>
    %dma_start3A_645 = arith.constant 0 : i32
    %dma_start3A_646 = tpu.memref_slice %arg9[%dma_start3A_645] : memref<1792xi32, #tpu.memory_space<vmem>> -> memref<112xi32, #tpu.memory_space<vmem>>
    %dma_start3A_647 = tpu.memref_slice %arg11[%dma_start3A_640, %mul3A_639] : memref<16x1792xi32, #tpu.memory_space<vmem_shared>> -> memref<1x112xi32, #tpu.memory_space<vmem_shared>>
    %dma_start3A_648 = tpu.memref_squeeze %dma_start3A_647 : memref<1x112xi32, #tpu.memory_space<vmem_shared>> -> memref<112xi32, #tpu.memory_space<vmem_shared>>
    tpu.enqueue_dma source(%dma_start3A_648 : memref<112xi32, #tpu.memory_space<vmem_shared>>) target(%dma_start3A_646 : memref<112xi32, #tpu.memory_space<vmem>>) target_semaphore(%arg14 : memref<!tpu.dma_semaphore, #tpu.memory_space<semaphore_mem>>)
    %mul3A_649 = arith.constant 112 : i32
    %mul3A_650 = arith.muli %arg1, %mul3A_649 : i32
    %dma_start3A_651 = arith.constant 1 : i32
    %dma_start3A_652 = arith.constant 112 : i32
    %dma_start3A_653 = tpu.memref_slice %arg9[%dma_start3A_652] : memref<1792xi32, #tpu.memory_space<vmem>> -> memref<112xi32, #tpu.memory_space<vmem>>
    %dma_start3A_654 = tpu.memref_slice %arg11[%dma_start3A_651, %mul3A_650] : memref<16x1792xi32, #tpu.memory_space<vmem_shared>> -> memref<1x112xi32, #tpu.memory_space<vmem_shared>>
    %dma_start3A_655 = tpu.memref_squeeze %dma_start3A_654 : memref<1x112xi32, #tpu.memory_space<vmem_shared>> -> memref<112xi32, #tpu.memory_space<vmem_shared>>
    %dma_start3A_656 = arith.constant 112 : i32
    %dma_start3A_657 = tpu.memref_slice %arg9[%dma_start3A_656] : memref<1792xi32, #tpu.memory_space<vmem>> -> memref<112xi32, #tpu.memory_space<vmem>>
    %dma_start3A_658 = tpu.memref_slice %arg11[%dma_start3A_651, %mul3A_650] : memref<16x1792xi32, #tpu.memory_space<vmem_shared>> -> memref<1x112xi32, #tpu.memory_space<vmem_shared>>
    %dma_start3A_659 = tpu.memref_squeeze %dma_start3A_658 : memref<1x112xi32, #tpu.memory_space<vmem_shared>> -> memref<112xi32, #tpu.memory_space<vmem_shared>>
    tpu.enqueue_dma source(%dma_start3A_659 : memref<112xi32, #tpu.memory_space<vmem_shared>>) target(%dma_start3A_657 : memref<112xi32, #tpu.memory_space<vmem>>) target_semaphore(%arg14 : memref<!tpu.dma_semaphore, #tpu.memory_space<semaphore_mem>>)
    %mul3A_660 = arith.constant 112 : i32
    %mul3A_661 = arith.muli %arg1, %mul3A_660 : i32
    %dma_start3A_662 = arith.constant 2 : i32
    %dma_start3A_663 = arith.constant 224 : i32
    %dma_start3A_664 = tpu.memref_slice %arg9[%dma_start3A_663] : memref<1792xi32, #tpu.memory_space<vmem>> -> memref<112xi32, #tpu.memory_space<vmem>>
    %dma_start3A_665 = tpu.memref_slice %arg11[%dma_start3A_662, %mul3A_661] : memref<16x1792xi32, #tpu.memory_space<vmem_shared>> -> memref<1x112xi32, #tpu.memory_space<vmem_shared>>
    %dma_start3A_666 = tpu.memref_squeeze %dma_start3A_665 : memref<1x112xi32, #tpu.memory_space<vmem_shared>> -> memref<112xi32, #tpu.memory_space<vmem_shared>>
    %dma_start3A_667 = arith.constant 224 : i32
    %dma_start3A_668 = tpu.memref_slice %arg9[%dma_start3A_667] : memref<1792xi32, #tpu.memory_space<vmem>> -> memref<112xi32, #tpu.memory_space<vmem>>
    %dma_start3A_669 = tpu.memref_slice %arg11[%dma_start3A_662, %mul3A_661] : memref<16x1792xi32, #tpu.memory_space<vmem_shared>> -> memref<1x112xi32, #tpu.memory_space<vmem_shared>>
    %dma_start3A_670 = tpu.memref_squeeze %dma_start3A_669 : memref<1x112xi32, #tpu.memory_space<vmem_shared>> -> memref<112xi32, #tpu.memory_space<vmem_shared>>
    tpu.enqueue_dma source(%dma_start3A_670 : memref<112xi32, #tpu.memory_space<vmem_shared>>) target(%dma_start3A_668 : memref<112xi32, #tpu.memory_space<vmem>>) target_semaphore(%arg14 : memref<!tpu.dma_semaphore, #tpu.memory_space<semaphore_mem>>)
    %mul3A_671 = arith.constant 112 : i32
    %mul3A_672 = arith.muli %arg1, %mul3A_671 : i32
    %dma_start3A_673 = arith.constant 3 : i32
    %dma_start3A_674 = arith.constant 336 : i32
    %dma_start3A_675 = tpu.memref_slice %arg9[%dma_start3A_674] : memref<1792xi32, #tpu.memory_space<vmem>> -> memref<112xi32, #tpu.memory_space<vmem>>
    %dma_start3A_676 = tpu.memref_slice %arg11[%dma_start3A_673, %mul3A_672] : memref<16x1792xi32, #tpu.memory_space<vmem_shared>> -> memref<1x112xi32, #tpu.memory_space<vmem_shared>>
    %dma_start3A_677 = tpu.memref_squeeze %dma_start3A_676 : memref<1x112xi32, #tpu.memory_space<vmem_shared>> -> memref<112xi32, #tpu.memory_space<vmem_shared>>
    %dma_start3A_678 = arith.constant 336 : i32
    %dma_start3A_679 = tpu.memref_slice %arg9[%dma_start3A_678] : memref<1792xi32, #tpu.memory_space<vmem>> -> memref<112xi32, #tpu.memory_space<vmem>>
    %dma_start3A_680 = tpu.memref_slice %arg11[%dma_start3A_673, %mul3A_672] : memref<16x1792xi32, #tpu.memory_space<vmem_shared>> -> memref<1x112xi32, #tpu.memory_space<vmem_shared>>
    %dma_start3A_681 = tpu.memref_squeeze %dma_start3A_680 : memref<1x112xi32, #tpu.memory_space<vmem_shared>> -> memref<112xi32, #tpu.memory_space<vmem_shared>>
    tpu.enqueue_dma source(%dma_start3A_681 : memref<112xi32, #tpu.memory_space<vmem_shared>>) target(%dma_start3A_679 : memref<112xi32, #tpu.memory_space<vmem>>) target_semaphore(%arg14 : memref<!tpu.dma_semaphore, #tpu.memory_space<semaphore_mem>>)
    %mul3A_682 = arith.constant 112 : i32
    %mul3A_683 = arith.muli %arg1, %mul3A_682 : i32
    %dma_start3A_684 = arith.constant 4 : i32
    %dma_start3A_685 = arith.constant 448 : i32
    %dma_start3A_686 = tpu.memref_slice %arg9[%dma_start3A_685] : memref<1792xi32, #tpu.memory_space<vmem>> -> memref<112xi32, #tpu.memory_space<vmem>>
    %dma_start3A_687 = tpu.memref_slice %arg11[%dma_start3A_684, %mul3A_683] : memref<16x1792xi32, #tpu.memory_space<vmem_shared>> -> memref<1x112xi32, #tpu.memory_space<vmem_shared>>
    %dma_start3A_688 = tpu.memref_squeeze %dma_start3A_687 : memref<1x112xi32, #tpu.memory_space<vmem_shared>> -> memref<112xi32, #tpu.memory_space<vmem_shared>>
    %dma_start3A_689 = arith.constant 448 : i32
    %dma_start3A_690 = tpu.memref_slice %arg9[%dma_start3A_689] : memref<1792xi32, #tpu.memory_space<vmem>> -> memref<112xi32, #tpu.memory_space<vmem>>
    %dma_start3A_691 = tpu.memref_slice %arg11[%dma_start3A_684, %mul3A_683] : memref<16x1792xi32, #tpu.memory_space<vmem_shared>> -> memref<1x112xi32, #tpu.memory_space<vmem_shared>>
    %dma_start3A_692 = tpu.memref_squeeze %dma_start3A_691 : memref<1x112xi32, #tpu.memory_space<vmem_shared>> -> memref<112xi32, #tpu.memory_space<vmem_shared>>
    tpu.enqueue_dma source(%dma_start3A_692 : memref<112xi32, #tpu.memory_space<vmem_shared>>) target(%dma_start3A_690 : memref<112xi32, #tpu.memory_space<vmem>>) target_semaphore(%arg14 : memref<!tpu.dma_semaphore, #tpu.memory_space<semaphore_mem>>)
    %mul3A_693 = arith.constant 112 : i32
    %mul3A_694 = arith.muli %arg1, %mul3A_693 : i32
    %dma_start3A_695 = arith.constant 5 : i32
    %dma_start3A_696 = arith.constant 560 : i32
    %dma_start3A_697 = tpu.memref_slice %arg9[%dma_start3A_696] : memref<1792xi32, #tpu.memory_space<vmem>> -> memref<112xi32, #tpu.memory_space<vmem>>
    %dma_start3A_698 = tpu.memref_slice %arg11[%dma_start3A_695, %mul3A_694] : memref<16x1792xi32, #tpu.memory_space<vmem_shared>> -> memref<1x112xi32, #tpu.memory_space<vmem_shared>>
    %dma_start3A_699 = tpu.memref_squeeze %dma_start3A_698 : memref<1x112xi32, #tpu.memory_space<vmem_shared>> -> memref<112xi32, #tpu.memory_space<vmem_shared>>
    %dma_start3A_700 = arith.constant 560 : i32
    %dma_start3A_701 = tpu.memref_slice %arg9[%dma_start3A_700] : memref<1792xi32, #tpu.memory_space<vmem>> -> memref<112xi32, #tpu.memory_space<vmem>>
    %dma_start3A_702 = tpu.memref_slice %arg11[%dma_start3A_695, %mul3A_694] : memref<16x1792xi32, #tpu.memory_space<vmem_shared>> -> memref<1x112xi32, #tpu.memory_space<vmem_shared>>
    %dma_start3A_703 = tpu.memref_squeeze %dma_start3A_702 : memref<1x112xi32, #tpu.memory_space<vmem_shared>> -> memref<112xi32, #tpu.memory_space<vmem_shared>>
    tpu.enqueue_dma source(%dma_start3A_703 : memref<112xi32, #tpu.memory_space<vmem_shared>>) target(%dma_start3A_701 : memref<112xi32, #tpu.memory_space<vmem>>) target_semaphore(%arg14 : memref<!tpu.dma_semaphore, #tpu.memory_space<semaphore_mem>>)
    %mul3A_704 = arith.constant 112 : i32
    %mul3A_705 = arith.muli %arg1, %mul3A_704 : i32
    %dma_start3A_706 = arith.constant 6 : i32
    %dma_start3A_707 = arith.constant 672 : i32
    %dma_start3A_708 = tpu.memref_slice %arg9[%dma_start3A_707] : memref<1792xi32, #tpu.memory_space<vmem>> -> memref<112xi32, #tpu.memory_space<vmem>>
    %dma_start3A_709 = tpu.memref_slice %arg11[%dma_start3A_706, %mul3A_705] : memref<16x1792xi32, #tpu.memory_space<vmem_shared>> -> memref<1x112xi32, #tpu.memory_space<vmem_shared>>
    %dma_start3A_710 = tpu.memref_squeeze %dma_start3A_709 : memref<1x112xi32, #tpu.memory_space<vmem_shared>> -> memref<112xi32, #tpu.memory_space<vmem_shared>>
    %dma_start3A_711 = arith.constant 672 : i32
    %dma_start3A_712 = tpu.memref_slice %arg9[%dma_start3A_711] : memref<1792xi32, #tpu.memory_space<vmem>> -> memref<112xi32, #tpu.memory_space<vmem>>
    %dma_start3A_713 = tpu.memref_slice %arg11[%dma_start3A_706, %mul3A_705] : memref<16x1792xi32, #tpu.memory_space<vmem_shared>> -> memref<1x112xi32, #tpu.memory_space<vmem_shared>>
    %dma_start3A_714 = tpu.memref_squeeze %dma_start3A_713 : memref<1x112xi32, #tpu.memory_space<vmem_shared>> -> memref<112xi32, #tpu.memory_space<vmem_shared>>
    tpu.enqueue_dma source(%dma_start3A_714 : memref<112xi32, #tpu.memory_space<vmem_shared>>) target(%dma_start3A_712 : memref<112xi32, #tpu.memory_space<vmem>>) target_semaphore(%arg14 : memref<!tpu.dma_semaphore, #tpu.memory_space<semaphore_mem>>)
    %mul3A_715 = arith.constant 112 : i32
    %mul3A_716 = arith.muli %arg1, %mul3A_715 : i32
    %dma_start3A_717 = arith.constant 7 : i32
    %dma_start3A_718 = arith.constant 784 : i32
    %dma_start3A_719 = tpu.memref_slice %arg9[%dma_start3A_718] : memref<1792xi32, #tpu.memory_space<vmem>> -> memref<112xi32, #tpu.memory_space<vmem>>
    %dma_start3A_720 = tpu.memref_slice %arg11[%dma_start3A_717, %mul3A_716] : memref<16x1792xi32, #tpu.memory_space<vmem_shared>> -> memref<1x112xi32, #tpu.memory_space<vmem_shared>>
    %dma_start3A_721 = tpu.memref_squeeze %dma_start3A_720 : memref<1x112xi32, #tpu.memory_space<vmem_shared>> -> memref<112xi32, #tpu.memory_space<vmem_shared>>
    %dma_start3A_722 = arith.constant 784 : i32
    %dma_start3A_723 = tpu.memref_slice %arg9[%dma_start3A_722] : memref<1792xi32, #tpu.memory_space<vmem>> -> memref<112xi32, #tpu.memory_space<vmem>>
    %dma_start3A_724 = tpu.memref_slice %arg11[%dma_start3A_717, %mul3A_716] : memref<16x1792xi32, #tpu.memory_space<vmem_shared>> -> memref<1x112xi32, #tpu.memory_space<vmem_shared>>
    %dma_start3A_725 = tpu.memref_squeeze %dma_start3A_724 : memref<1x112xi32, #tpu.memory_space<vmem_shared>> -> memref<112xi32, #tpu.memory_space<vmem_shared>>
    tpu.enqueue_dma source(%dma_start3A_725 : memref<112xi32, #tpu.memory_space<vmem_shared>>) target(%dma_start3A_723 : memref<112xi32, #tpu.memory_space<vmem>>) target_semaphore(%arg14 : memref<!tpu.dma_semaphore, #tpu.memory_space<semaphore_mem>>)
    %mul3A_726 = arith.constant 112 : i32
    %mul3A_727 = arith.muli %arg1, %mul3A_726 : i32
    %dma_start3A_728 = arith.constant 8 : i32
    %dma_start3A_729 = arith.constant 896 : i32
    %dma_start3A_730 = tpu.memref_slice %arg9[%dma_start3A_729] : memref<1792xi32, #tpu.memory_space<vmem>> -> memref<112xi32, #tpu.memory_space<vmem>>
    %dma_start3A_731 = tpu.memref_slice %arg11[%dma_start3A_728, %mul3A_727] : memref<16x1792xi32, #tpu.memory_space<vmem_shared>> -> memref<1x112xi32, #tpu.memory_space<vmem_shared>>
    %dma_start3A_732 = tpu.memref_squeeze %dma_start3A_731 : memref<1x112xi32, #tpu.memory_space<vmem_shared>> -> memref<112xi32, #tpu.memory_space<vmem_shared>>
    %dma_start3A_733 = arith.constant 896 : i32
    %dma_start3A_734 = tpu.memref_slice %arg9[%dma_start3A_733] : memref<1792xi32, #tpu.memory_space<vmem>> -> memref<112xi32, #tpu.memory_space<vmem>>
    %dma_start3A_735 = tpu.memref_slice %arg11[%dma_start3A_728, %mul3A_727] : memref<16x1792xi32, #tpu.memory_space<vmem_shared>> -> memref<1x112xi32, #tpu.memory_space<vmem_shared>>
    %dma_start3A_736 = tpu.memref_squeeze %dma_start3A_735 : memref<1x112xi32, #tpu.memory_space<vmem_shared>> -> memref<112xi32, #tpu.memory_space<vmem_shared>>
    tpu.enqueue_dma source(%dma_start3A_736 : memref<112xi32, #tpu.memory_space<vmem_shared>>) target(%dma_start3A_734 : memref<112xi32, #tpu.memory_space<vmem>>) target_semaphore(%arg14 : memref<!tpu.dma_semaphore, #tpu.memory_space<semaphore_mem>>)
    %mul3A_737 = arith.constant 112 : i32
    %mul3A_738 = arith.muli %arg1, %mul3A_737 : i32
    %dma_start3A_739 = arith.constant 9 : i32
    %dma_start3A_740 = arith.constant 1008 : i32
    %dma_start3A_741 = tpu.memref_slice %arg9[%dma_start3A_740] : memref<1792xi32, #tpu.memory_space<vmem>> -> memref<112xi32, #tpu.memory_space<vmem>>
    %dma_start3A_742 = tpu.memref_slice %arg11[%dma_start3A_739, %mul3A_738] : memref<16x1792xi32, #tpu.memory_space<vmem_shared>> -> memref<1x112xi32, #tpu.memory_space<vmem_shared>>
    %dma_start3A_743 = tpu.memref_squeeze %dma_start3A_742 : memref<1x112xi32, #tpu.memory_space<vmem_shared>> -> memref<112xi32, #tpu.memory_space<vmem_shared>>
    %dma_start3A_744 = arith.constant 1008 : i32
    %dma_start3A_745 = tpu.memref_slice %arg9[%dma_start3A_744] : memref<1792xi32, #tpu.memory_space<vmem>> -> memref<112xi32, #tpu.memory_space<vmem>>
    %dma_start3A_746 = tpu.memref_slice %arg11[%dma_start3A_739, %mul3A_738] : memref<16x1792xi32, #tpu.memory_space<vmem_shared>> -> memref<1x112xi32, #tpu.memory_space<vmem_shared>>
    %dma_start3A_747 = tpu.memref_squeeze %dma_start3A_746 : memref<1x112xi32, #tpu.memory_space<vmem_shared>> -> memref<112xi32, #tpu.memory_space<vmem_shared>>
    tpu.enqueue_dma source(%dma_start3A_747 : memref<112xi32, #tpu.memory_space<vmem_shared>>) target(%dma_start3A_745 : memref<112xi32, #tpu.memory_space<vmem>>) target_semaphore(%arg14 : memref<!tpu.dma_semaphore, #tpu.memory_space<semaphore_mem>>)
    %mul3A_748 = arith.constant 112 : i32
    %mul3A_749 = arith.muli %arg1, %mul3A_748 : i32
    %dma_start3A_750 = arith.constant 10 : i32
    %dma_start3A_751 = arith.constant 1120 : i32
    %dma_start3A_752 = tpu.memref_slice %arg9[%dma_start3A_751] : memref<1792xi32, #tpu.memory_space<vmem>> -> memref<112xi32, #tpu.memory_space<vmem>>
    %dma_start3A_753 = tpu.memref_slice %arg11[%dma_start3A_750, %mul3A_749] : memref<16x1792xi32, #tpu.memory_space<vmem_shared>> -> memref<1x112xi32, #tpu.memory_space<vmem_shared>>
    %dma_start3A_754 = tpu.memref_squeeze %dma_start3A_753 : memref<1x112xi32, #tpu.memory_space<vmem_shared>> -> memref<112xi32, #tpu.memory_space<vmem_shared>>
    %dma_start3A_755 = arith.constant 1120 : i32
    %dma_start3A_756 = tpu.memref_slice %arg9[%dma_start3A_755] : memref<1792xi32, #tpu.memory_space<vmem>> -> memref<112xi32, #tpu.memory_space<vmem>>
    %dma_start3A_757 = tpu.memref_slice %arg11[%dma_start3A_750, %mul3A_749] : memref<16x1792xi32, #tpu.memory_space<vmem_shared>> -> memref<1x112xi32, #tpu.memory_space<vmem_shared>>
    %dma_start3A_758 = tpu.memref_squeeze %dma_start3A_757 : memref<1x112xi32, #tpu.memory_space<vmem_shared>> -> memref<112xi32, #tpu.memory_space<vmem_shared>>
    tpu.enqueue_dma source(%dma_start3A_758 : memref<112xi32, #tpu.memory_space<vmem_shared>>) target(%dma_start3A_756 : memref<112xi32, #tpu.memory_space<vmem>>) target_semaphore(%arg14 : memref<!tpu.dma_semaphore, #tpu.memory_space<semaphore_mem>>)
    %mul3A_759 = arith.constant 112 : i32
    %mul3A_760 = arith.muli %arg1, %mul3A_759 : i32
    %dma_start3A_761 = arith.constant 11 : i32
    %dma_start3A_762 = arith.constant 1232 : i32
    %dma_start3A_763 = tpu.memref_slice %arg9[%dma_start3A_762] : memref<1792xi32, #tpu.memory_space<vmem>> -> memref<112xi32, #tpu.memory_space<vmem>>
    %dma_start3A_764 = tpu.memref_slice %arg11[%dma_start3A_761, %mul3A_760] : memref<16x1792xi32, #tpu.memory_space<vmem_shared>> -> memref<1x112xi32, #tpu.memory_space<vmem_shared>>
    %dma_start3A_765 = tpu.memref_squeeze %dma_start3A_764 : memref<1x112xi32, #tpu.memory_space<vmem_shared>> -> memref<112xi32, #tpu.memory_space<vmem_shared>>
    %dma_start3A_766 = arith.constant 1232 : i32
    %dma_start3A_767 = tpu.memref_slice %arg9[%dma_start3A_766] : memref<1792xi32, #tpu.memory_space<vmem>> -> memref<112xi32, #tpu.memory_space<vmem>>
    %dma_start3A_768 = tpu.memref_slice %arg11[%dma_start3A_761, %mul3A_760] : memref<16x1792xi32, #tpu.memory_space<vmem_shared>> -> memref<1x112xi32, #tpu.memory_space<vmem_shared>>
    %dma_start3A_769 = tpu.memref_squeeze %dma_start3A_768 : memref<1x112xi32, #tpu.memory_space<vmem_shared>> -> memref<112xi32, #tpu.memory_space<vmem_shared>>
    tpu.enqueue_dma source(%dma_start3A_769 : memref<112xi32, #tpu.memory_space<vmem_shared>>) target(%dma_start3A_767 : memref<112xi32, #tpu.memory_space<vmem>>) target_semaphore(%arg14 : memref<!tpu.dma_semaphore, #tpu.memory_space<semaphore_mem>>)
    %mul3A_770 = arith.constant 112 : i32
    %mul3A_771 = arith.muli %arg1, %mul3A_770 : i32
    %dma_start3A_772 = arith.constant 12 : i32
    %dma_start3A_773 = arith.constant 1344 : i32
    %dma_start3A_774 = tpu.memref_slice %arg9[%dma_start3A_773] : memref<1792xi32, #tpu.memory_space<vmem>> -> memref<112xi32, #tpu.memory_space<vmem>>
    %dma_start3A_775 = tpu.memref_slice %arg11[%dma_start3A_772, %mul3A_771] : memref<16x1792xi32, #tpu.memory_space<vmem_shared>> -> memref<1x112xi32, #tpu.memory_space<vmem_shared>>
    %dma_start3A_776 = tpu.memref_squeeze %dma_start3A_775 : memref<1x112xi32, #tpu.memory_space<vmem_shared>> -> memref<112xi32, #tpu.memory_space<vmem_shared>>
    %dma_start3A_777 = arith.constant 1344 : i32
    %dma_start3A_778 = tpu.memref_slice %arg9[%dma_start3A_777] : memref<1792xi32, #tpu.memory_space<vmem>> -> memref<112xi32, #tpu.memory_space<vmem>>
    %dma_start3A_779 = tpu.memref_slice %arg11[%dma_start3A_772, %mul3A_771] : memref<16x1792xi32, #tpu.memory_space<vmem_shared>> -> memref<1x112xi32, #tpu.memory_space<vmem_shared>>
    %dma_start3A_780 = tpu.memref_squeeze %dma_start3A_779 : memref<1x112xi32, #tpu.memory_space<vmem_shared>> -> memref<112xi32, #tpu.memory_space<vmem_shared>>
    tpu.enqueue_dma source(%dma_start3A_780 : memref<112xi32, #tpu.memory_space<vmem_shared>>) target(%dma_start3A_778 : memref<112xi32, #tpu.memory_space<vmem>>) target_semaphore(%arg14 : memref<!tpu.dma_semaphore, #tpu.memory_space<semaphore_mem>>)
    %mul3A_781 = arith.constant 112 : i32
    %mul3A_782 = arith.muli %arg1, %mul3A_781 : i32
    %dma_start3A_783 = arith.constant 13 : i32
    %dma_start3A_784 = arith.constant 1456 : i32
    %dma_start3A_785 = tpu.memref_slice %arg9[%dma_start3A_784] : memref<1792xi32, #tpu.memory_space<vmem>> -> memref<112xi32, #tpu.memory_space<vmem>>
    %dma_start3A_786 = tpu.memref_slice %arg11[%dma_start3A_783, %mul3A_782] : memref<16x1792xi32, #tpu.memory_space<vmem_shared>> -> memref<1x112xi32, #tpu.memory_space<vmem_shared>>
    %dma_start3A_787 = tpu.memref_squeeze %dma_start3A_786 : memref<1x112xi32, #tpu.memory_space<vmem_shared>> -> memref<112xi32, #tpu.memory_space<vmem_shared>>
    %dma_start3A_788 = arith.constant 1456 : i32
    %dma_start3A_789 = tpu.memref_slice %arg9[%dma_start3A_788] : memref<1792xi32, #tpu.memory_space<vmem>> -> memref<112xi32, #tpu.memory_space<vmem>>
    %dma_start3A_790 = tpu.memref_slice %arg11[%dma_start3A_783, %mul3A_782] : memref<16x1792xi32, #tpu.memory_space<vmem_shared>> -> memref<1x112xi32, #tpu.memory_space<vmem_shared>>
    %dma_start3A_791 = tpu.memref_squeeze %dma_start3A_790 : memref<1x112xi32, #tpu.memory_space<vmem_shared>> -> memref<112xi32, #tpu.memory_space<vmem_shared>>
    tpu.enqueue_dma source(%dma_start3A_791 : memref<112xi32, #tpu.memory_space<vmem_shared>>) target(%dma_start3A_789 : memref<112xi32, #tpu.memory_space<vmem>>) target_semaphore(%arg14 : memref<!tpu.dma_semaphore, #tpu.memory_space<semaphore_mem>>)
    %mul3A_792 = arith.constant 112 : i32
    %mul3A_793 = arith.muli %arg1, %mul3A_792 : i32
    %dma_start3A_794 = arith.constant 14 : i32
    %dma_start3A_795 = arith.constant 1568 : i32
    %dma_start3A_796 = tpu.memref_slice %arg9[%dma_start3A_795] : memref<1792xi32, #tpu.memory_space<vmem>> -> memref<112xi32, #tpu.memory_space<vmem>>
    %dma_start3A_797 = tpu.memref_slice %arg11[%dma_start3A_794, %mul3A_793] : memref<16x1792xi32, #tpu.memory_space<vmem_shared>> -> memref<1x112xi32, #tpu.memory_space<vmem_shared>>
    %dma_start3A_798 = tpu.memref_squeeze %dma_start3A_797 : memref<1x112xi32, #tpu.memory_space<vmem_shared>> -> memref<112xi32, #tpu.memory_space<vmem_shared>>
    %dma_start3A_799 = arith.constant 1568 : i32
    %dma_start3A_800 = tpu.memref_slice %arg9[%dma_start3A_799] : memref<1792xi32, #tpu.memory_space<vmem>> -> memref<112xi32, #tpu.memory_space<vmem>>
    %dma_start3A_801 = tpu.memref_slice %arg11[%dma_start3A_794, %mul3A_793] : memref<16x1792xi32, #tpu.memory_space<vmem_shared>> -> memref<1x112xi32, #tpu.memory_space<vmem_shared>>
    %dma_start3A_802 = tpu.memref_squeeze %dma_start3A_801 : memref<1x112xi32, #tpu.memory_space<vmem_shared>> -> memref<112xi32, #tpu.memory_space<vmem_shared>>
    tpu.enqueue_dma source(%dma_start3A_802 : memref<112xi32, #tpu.memory_space<vmem_shared>>) target(%dma_start3A_800 : memref<112xi32, #tpu.memory_space<vmem>>) target_semaphore(%arg14 : memref<!tpu.dma_semaphore, #tpu.memory_space<semaphore_mem>>)
    %mul3A_803 = arith.constant 112 : i32
    %mul3A_804 = arith.muli %arg1, %mul3A_803 : i32
    %dma_start3A_805 = arith.constant 15 : i32
    %dma_start3A_806 = arith.constant 1680 : i32
    %dma_start3A_807 = tpu.memref_slice %arg9[%dma_start3A_806] : memref<1792xi32, #tpu.memory_space<vmem>> -> memref<112xi32, #tpu.memory_space<vmem>>
    %dma_start3A_808 = tpu.memref_slice %arg11[%dma_start3A_805, %mul3A_804] : memref<16x1792xi32, #tpu.memory_space<vmem_shared>> -> memref<1x112xi32, #tpu.memory_space<vmem_shared>>
    %dma_start3A_809 = tpu.memref_squeeze %dma_start3A_808 : memref<1x112xi32, #tpu.memory_space<vmem_shared>> -> memref<112xi32, #tpu.memory_space<vmem_shared>>
    %dma_start3A_810 = arith.constant 1680 : i32
    %dma_start3A_811 = tpu.memref_slice %arg9[%dma_start3A_810] : memref<1792xi32, #tpu.memory_space<vmem>> -> memref<112xi32, #tpu.memory_space<vmem>>
    %dma_start3A_812 = tpu.memref_slice %arg11[%dma_start3A_805, %mul3A_804] : memref<16x1792xi32, #tpu.memory_space<vmem_shared>> -> memref<1x112xi32, #tpu.memory_space<vmem_shared>>
    %dma_start3A_813 = tpu.memref_squeeze %dma_start3A_812 : memref<1x112xi32, #tpu.memory_space<vmem_shared>> -> memref<112xi32, #tpu.memory_space<vmem_shared>>
    tpu.enqueue_dma source(%dma_start3A_813 : memref<112xi32, #tpu.memory_space<vmem_shared>>) target(%dma_start3A_811 : memref<112xi32, #tpu.memory_space<vmem>>) target_semaphore(%arg14 : memref<!tpu.dma_semaphore, #tpu.memory_space<semaphore_mem>>)
    %dma_wait3A_814 = arith.constant 0 : i32
    %dma_wait3A_815 = arith.constant 0 : i32
    %dma_wait3A_816 = tpu.memref_slice %arg9[%dma_wait3A_815] : memref<1792xi32, #tpu.memory_space<vmem>> -> memref<112xi32, #tpu.memory_space<vmem>>
    %dma_wait3A_817 = tpu.memref_slice %arg11[%dma_wait3A_814, %mul3A_639] : memref<16x1792xi32, #tpu.memory_space<vmem_shared>> -> memref<1x112xi32, #tpu.memory_space<vmem_shared>>
    %dma_wait3A_818 = tpu.memref_squeeze %dma_wait3A_817 : memref<1x112xi32, #tpu.memory_space<vmem_shared>> -> memref<112xi32, #tpu.memory_space<vmem_shared>>
    %dma_wait3A_819 = arith.constant 0 : i32
    %dma_wait3A_820 = tpu.memref_slice %arg9[%dma_wait3A_819] : memref<1792xi32, #tpu.memory_space<vmem>> -> memref<112xi32, #tpu.memory_space<vmem>>
    %dma_wait3A_821 = tpu.memref_slice %arg11[%dma_wait3A_814, %mul3A_639] : memref<16x1792xi32, #tpu.memory_space<vmem_shared>> -> memref<1x112xi32, #tpu.memory_space<vmem_shared>>
    %dma_wait3A_822 = tpu.memref_squeeze %dma_wait3A_821 : memref<1x112xi32, #tpu.memory_space<vmem_shared>> -> memref<112xi32, #tpu.memory_space<vmem_shared>>
    tpu.wait_dma2 semaphore(%arg14 : memref<!tpu.dma_semaphore, #tpu.memory_space<semaphore_mem>>) src(%dma_wait3A_822 : memref<112xi32, #tpu.memory_space<vmem_shared>>) dst(%dma_wait3A_820 : memref<112xi32, #tpu.memory_space<vmem>>)
    %dma_wait3A_823 = arith.constant 1 : i32
    %dma_wait3A_824 = arith.constant 112 : i32
    %dma_wait3A_825 = tpu.memref_slice %arg9[%dma_wait3A_824] : memref<1792xi32, #tpu.memory_space<vmem>> -> memref<112xi32, #tpu.memory_space<vmem>>
    %dma_wait3A_826 = tpu.memref_slice %arg11[%dma_wait3A_823, %mul3A_650] : memref<16x1792xi32, #tpu.memory_space<vmem_shared>> -> memref<1x112xi32, #tpu.memory_space<vmem_shared>>
    %dma_wait3A_827 = tpu.memref_squeeze %dma_wait3A_826 : memref<1x112xi32, #tpu.memory_space<vmem_shared>> -> memref<112xi32, #tpu.memory_space<vmem_shared>>
    %dma_wait3A_828 = arith.constant 112 : i32
    %dma_wait3A_829 = tpu.memref_slice %arg9[%dma_wait3A_828] : memref<1792xi32, #tpu.memory_space<vmem>> -> memref<112xi32, #tpu.memory_space<vmem>>
    %dma_wait3A_830 = tpu.memref_slice %arg11[%dma_wait3A_823, %mul3A_650] : memref<16x1792xi32, #tpu.memory_space<vmem_shared>> -> memref<1x112xi32, #tpu.memory_space<vmem_shared>>
    %dma_wait3A_831 = tpu.memref_squeeze %dma_wait3A_830 : memref<1x112xi32, #tpu.memory_space<vmem_shared>> -> memref<112xi32, #tpu.memory_space<vmem_shared>>
    tpu.wait_dma2 semaphore(%arg14 : memref<!tpu.dma_semaphore, #tpu.memory_space<semaphore_mem>>) src(%dma_wait3A_831 : memref<112xi32, #tpu.memory_space<vmem_shared>>) dst(%dma_wait3A_829 : memref<112xi32, #tpu.memory_space<vmem>>)
    %dma_wait3A_832 = arith.constant 2 : i32
    %dma_wait3A_833 = arith.constant 224 : i32
    %dma_wait3A_834 = tpu.memref_slice %arg9[%dma_wait3A_833] : memref<1792xi32, #tpu.memory_space<vmem>> -> memref<112xi32, #tpu.memory_space<vmem>>
    %dma_wait3A_835 = tpu.memref_slice %arg11[%dma_wait3A_832, %mul3A_661] : memref<16x1792xi32, #tpu.memory_space<vmem_shared>> -> memref<1x112xi32, #tpu.memory_space<vmem_shared>>
    %dma_wait3A_836 = tpu.memref_squeeze %dma_wait3A_835 : memref<1x112xi32, #tpu.memory_space<vmem_shared>> -> memref<112xi32, #tpu.memory_space<vmem_shared>>
    %dma_wait3A_837 = arith.constant 224 : i32
    %dma_wait3A_838 = tpu.memref_slice %arg9[%dma_wait3A_837] : memref<1792xi32, #tpu.memory_space<vmem>> -> memref<112xi32, #tpu.memory_space<vmem>>
    %dma_wait3A_839 = tpu.memref_slice %arg11[%dma_wait3A_832, %mul3A_661] : memref<16x1792xi32, #tpu.memory_space<vmem_shared>> -> memref<1x112xi32, #tpu.memory_space<vmem_shared>>
    %dma_wait3A_840 = tpu.memref_squeeze %dma_wait3A_839 : memref<1x112xi32, #tpu.memory_space<vmem_shared>> -> memref<112xi32, #tpu.memory_space<vmem_shared>>
    tpu.wait_dma2 semaphore(%arg14 : memref<!tpu.dma_semaphore, #tpu.memory_space<semaphore_mem>>) src(%dma_wait3A_840 : memref<112xi32, #tpu.memory_space<vmem_shared>>) dst(%dma_wait3A_838 : memref<112xi32, #tpu.memory_space<vmem>>)
    %dma_wait3A_841 = arith.constant 3 : i32
    %dma_wait3A_842 = arith.constant 336 : i32
    %dma_wait3A_843 = tpu.memref_slice %arg9[%dma_wait3A_842] : memref<1792xi32, #tpu.memory_space<vmem>> -> memref<112xi32, #tpu.memory_space<vmem>>
    %dma_wait3A_844 = tpu.memref_slice %arg11[%dma_wait3A_841, %mul3A_672] : memref<16x1792xi32, #tpu.memory_space<vmem_shared>> -> memref<1x112xi32, #tpu.memory_space<vmem_shared>>
    %dma_wait3A_845 = tpu.memref_squeeze %dma_wait3A_844 : memref<1x112xi32, #tpu.memory_space<vmem_shared>> -> memref<112xi32, #tpu.memory_space<vmem_shared>>
    %dma_wait3A_846 = arith.constant 336 : i32
    %dma_wait3A_847 = tpu.memref_slice %arg9[%dma_wait3A_846] : memref<1792xi32, #tpu.memory_space<vmem>> -> memref<112xi32, #tpu.memory_space<vmem>>
    %dma_wait3A_848 = tpu.memref_slice %arg11[%dma_wait3A_841, %mul3A_672] : memref<16x1792xi32, #tpu.memory_space<vmem_shared>> -> memref<1x112xi32, #tpu.memory_space<vmem_shared>>
    %dma_wait3A_849 = tpu.memref_squeeze %dma_wait3A_848 : memref<1x112xi32, #tpu.memory_space<vmem_shared>> -> memref<112xi32, #tpu.memory_space<vmem_shared>>
    tpu.wait_dma2 semaphore(%arg14 : memref<!tpu.dma_semaphore, #tpu.memory_space<semaphore_mem>>) src(%dma_wait3A_849 : memref<112xi32, #tpu.memory_space<vmem_shared>>) dst(%dma_wait3A_847 : memref<112xi32, #tpu.memory_space<vmem>>)
    %dma_wait3A_850 = arith.constant 4 : i32
    %dma_wait3A_851 = arith.constant 448 : i32
    %dma_wait3A_852 = tpu.memref_slice %arg9[%dma_wait3A_851] : memref<1792xi32, #tpu.memory_space<vmem>> -> memref<112xi32, #tpu.memory_space<vmem>>
    %dma_wait3A_853 = tpu.memref_slice %arg11[%dma_wait3A_850, %mul3A_683] : memref<16x1792xi32, #tpu.memory_space<vmem_shared>> -> memref<1x112xi32, #tpu.memory_space<vmem_shared>>
    %dma_wait3A_854 = tpu.memref_squeeze %dma_wait3A_853 : memref<1x112xi32, #tpu.memory_space<vmem_shared>> -> memref<112xi32, #tpu.memory_space<vmem_shared>>
    %dma_wait3A_855 = arith.constant 448 : i32
    %dma_wait3A_856 = tpu.memref_slice %arg9[%dma_wait3A_855] : memref<1792xi32, #tpu.memory_space<vmem>> -> memref<112xi32, #tpu.memory_space<vmem>>
    %dma_wait3A_857 = tpu.memref_slice %arg11[%dma_wait3A_850, %mul3A_683] : memref<16x1792xi32, #tpu.memory_space<vmem_shared>> -> memref<1x112xi32, #tpu.memory_space<vmem_shared>>
    %dma_wait3A_858 = tpu.memref_squeeze %dma_wait3A_857 : memref<1x112xi32, #tpu.memory_space<vmem_shared>> -> memref<112xi32, #tpu.memory_space<vmem_shared>>
    tpu.wait_dma2 semaphore(%arg14 : memref<!tpu.dma_semaphore, #tpu.memory_space<semaphore_mem>>) src(%dma_wait3A_858 : memref<112xi32, #tpu.memory_space<vmem_shared>>) dst(%dma_wait3A_856 : memref<112xi32, #tpu.memory_space<vmem>>)
    %dma_wait3A_859 = arith.constant 5 : i32
    %dma_wait3A_860 = arith.constant 560 : i32
    %dma_wait3A_861 = tpu.memref_slice %arg9[%dma_wait3A_860] : memref<1792xi32, #tpu.memory_space<vmem>> -> memref<112xi32, #tpu.memory_space<vmem>>
    %dma_wait3A_862 = tpu.memref_slice %arg11[%dma_wait3A_859, %mul3A_694] : memref<16x1792xi32, #tpu.memory_space<vmem_shared>> -> memref<1x112xi32, #tpu.memory_space<vmem_shared>>
    %dma_wait3A_863 = tpu.memref_squeeze %dma_wait3A_862 : memref<1x112xi32, #tpu.memory_space<vmem_shared>> -> memref<112xi32, #tpu.memory_space<vmem_shared>>
    %dma_wait3A_864 = arith.constant 560 : i32
    %dma_wait3A_865 = tpu.memref_slice %arg9[%dma_wait3A_864] : memref<1792xi32, #tpu.memory_space<vmem>> -> memref<112xi32, #tpu.memory_space<vmem>>
    %dma_wait3A_866 = tpu.memref_slice %arg11[%dma_wait3A_859, %mul3A_694] : memref<16x1792xi32, #tpu.memory_space<vmem_shared>> -> memref<1x112xi32, #tpu.memory_space<vmem_shared>>
    %dma_wait3A_867 = tpu.memref_squeeze %dma_wait3A_866 : memref<1x112xi32, #tpu.memory_space<vmem_shared>> -> memref<112xi32, #tpu.memory_space<vmem_shared>>
    tpu.wait_dma2 semaphore(%arg14 : memref<!tpu.dma_semaphore, #tpu.memory_space<semaphore_mem>>) src(%dma_wait3A_867 : memref<112xi32, #tpu.memory_space<vmem_shared>>) dst(%dma_wait3A_865 : memref<112xi32, #tpu.memory_space<vmem>>)
    %dma_wait3A_868 = arith.constant 6 : i32
    %dma_wait3A_869 = arith.constant 672 : i32
    %dma_wait3A_870 = tpu.memref_slice %arg9[%dma_wait3A_869] : memref<1792xi32, #tpu.memory_space<vmem>> -> memref<112xi32, #tpu.memory_space<vmem>>
    %dma_wait3A_871 = tpu.memref_slice %arg11[%dma_wait3A_868, %mul3A_705] : memref<16x1792xi32, #tpu.memory_space<vmem_shared>> -> memref<1x112xi32, #tpu.memory_space<vmem_shared>>
    %dma_wait3A_872 = tpu.memref_squeeze %dma_wait3A_871 : memref<1x112xi32, #tpu.memory_space<vmem_shared>> -> memref<112xi32, #tpu.memory_space<vmem_shared>>
    %dma_wait3A_873 = arith.constant 672 : i32
    %dma_wait3A_874 = tpu.memref_slice %arg9[%dma_wait3A_873] : memref<1792xi32, #tpu.memory_space<vmem>> -> memref<112xi32, #tpu.memory_space<vmem>>
    %dma_wait3A_875 = tpu.memref_slice %arg11[%dma_wait3A_868, %mul3A_705] : memref<16x1792xi32, #tpu.memory_space<vmem_shared>> -> memref<1x112xi32, #tpu.memory_space<vmem_shared>>
    %dma_wait3A_876 = tpu.memref_squeeze %dma_wait3A_875 : memref<1x112xi32, #tpu.memory_space<vmem_shared>> -> memref<112xi32, #tpu.memory_space<vmem_shared>>
    tpu.wait_dma2 semaphore(%arg14 : memref<!tpu.dma_semaphore, #tpu.memory_space<semaphore_mem>>) src(%dma_wait3A_876 : memref<112xi32, #tpu.memory_space<vmem_shared>>) dst(%dma_wait3A_874 : memref<112xi32, #tpu.memory_space<vmem>>)
    %dma_wait3A_877 = arith.constant 7 : i32
    %dma_wait3A_878 = arith.constant 784 : i32
    %dma_wait3A_879 = tpu.memref_slice %arg9[%dma_wait3A_878] : memref<1792xi32, #tpu.memory_space<vmem>> -> memref<112xi32, #tpu.memory_space<vmem>>
    %dma_wait3A_880 = tpu.memref_slice %arg11[%dma_wait3A_877, %mul3A_716] : memref<16x1792xi32, #tpu.memory_space<vmem_shared>> -> memref<1x112xi32, #tpu.memory_space<vmem_shared>>
    %dma_wait3A_881 = tpu.memref_squeeze %dma_wait3A_880 : memref<1x112xi32, #tpu.memory_space<vmem_shared>> -> memref<112xi32, #tpu.memory_space<vmem_shared>>
    %dma_wait3A_882 = arith.constant 784 : i32
    %dma_wait3A_883 = tpu.memref_slice %arg9[%dma_wait3A_882] : memref<1792xi32, #tpu.memory_space<vmem>> -> memref<112xi32, #tpu.memory_space<vmem>>
    %dma_wait3A_884 = tpu.memref_slice %arg11[%dma_wait3A_877, %mul3A_716] : memref<16x1792xi32, #tpu.memory_space<vmem_shared>> -> memref<1x112xi32, #tpu.memory_space<vmem_shared>>
    %dma_wait3A_885 = tpu.memref_squeeze %dma_wait3A_884 : memref<1x112xi32, #tpu.memory_space<vmem_shared>> -> memref<112xi32, #tpu.memory_space<vmem_shared>>
    tpu.wait_dma2 semaphore(%arg14 : memref<!tpu.dma_semaphore, #tpu.memory_space<semaphore_mem>>) src(%dma_wait3A_885 : memref<112xi32, #tpu.memory_space<vmem_shared>>) dst(%dma_wait3A_883 : memref<112xi32, #tpu.memory_space<vmem>>)
    %dma_wait3A_886 = arith.constant 8 : i32
    %dma_wait3A_887 = arith.constant 896 : i32
    %dma_wait3A_888 = tpu.memref_slice %arg9[%dma_wait3A_887] : memref<1792xi32, #tpu.memory_space<vmem>> -> memref<112xi32, #tpu.memory_space<vmem>>
    %dma_wait3A_889 = tpu.memref_slice %arg11[%dma_wait3A_886, %mul3A_727] : memref<16x1792xi32, #tpu.memory_space<vmem_shared>> -> memref<1x112xi32, #tpu.memory_space<vmem_shared>>
    %dma_wait3A_890 = tpu.memref_squeeze %dma_wait3A_889 : memref<1x112xi32, #tpu.memory_space<vmem_shared>> -> memref<112xi32, #tpu.memory_space<vmem_shared>>
    %dma_wait3A_891 = arith.constant 896 : i32
    %dma_wait3A_892 = tpu.memref_slice %arg9[%dma_wait3A_891] : memref<1792xi32, #tpu.memory_space<vmem>> -> memref<112xi32, #tpu.memory_space<vmem>>
    %dma_wait3A_893 = tpu.memref_slice %arg11[%dma_wait3A_886, %mul3A_727] : memref<16x1792xi32, #tpu.memory_space<vmem_shared>> -> memref<1x112xi32, #tpu.memory_space<vmem_shared>>
    %dma_wait3A_894 = tpu.memref_squeeze %dma_wait3A_893 : memref<1x112xi32, #tpu.memory_space<vmem_shared>> -> memref<112xi32, #tpu.memory_space<vmem_shared>>
    tpu.wait_dma2 semaphore(%arg14 : memref<!tpu.dma_semaphore, #tpu.memory_space<semaphore_mem>>) src(%dma_wait3A_894 : memref<112xi32, #tpu.memory_space<vmem_shared>>) dst(%dma_wait3A_892 : memref<112xi32, #tpu.memory_space<vmem>>)
    %dma_wait3A_895 = arith.constant 9 : i32
    %dma_wait3A_896 = arith.constant 1008 : i32
    %dma_wait3A_897 = tpu.memref_slice %arg9[%dma_wait3A_896] : memref<1792xi32, #tpu.memory_space<vmem>> -> memref<112xi32, #tpu.memory_space<vmem>>
    %dma_wait3A_898 = tpu.memref_slice %arg11[%dma_wait3A_895, %mul3A_738] : memref<16x1792xi32, #tpu.memory_space<vmem_shared>> -> memref<1x112xi32, #tpu.memory_space<vmem_shared>>
    %dma_wait3A_899 = tpu.memref_squeeze %dma_wait3A_898 : memref<1x112xi32, #tpu.memory_space<vmem_shared>> -> memref<112xi32, #tpu.memory_space<vmem_shared>>
    %dma_wait3A_900 = arith.constant 1008 : i32
    %dma_wait3A_901 = tpu.memref_slice %arg9[%dma_wait3A_900] : memref<1792xi32, #tpu.memory_space<vmem>> -> memref<112xi32, #tpu.memory_space<vmem>>
    %dma_wait3A_902 = tpu.memref_slice %arg11[%dma_wait3A_895, %mul3A_738] : memref<16x1792xi32, #tpu.memory_space<vmem_shared>> -> memref<1x112xi32, #tpu.memory_space<vmem_shared>>
    %dma_wait3A_903 = tpu.memref_squeeze %dma_wait3A_902 : memref<1x112xi32, #tpu.memory_space<vmem_shared>> -> memref<112xi32, #tpu.memory_space<vmem_shared>>
    tpu.wait_dma2 semaphore(%arg14 : memref<!tpu.dma_semaphore, #tpu.memory_space<semaphore_mem>>) src(%dma_wait3A_903 : memref<112xi32, #tpu.memory_space<vmem_shared>>) dst(%dma_wait3A_901 : memref<112xi32, #tpu.memory_space<vmem>>)
    %dma_wait3A_904 = arith.constant 10 : i32
    %dma_wait3A_905 = arith.constant 1120 : i32
    %dma_wait3A_906 = tpu.memref_slice %arg9[%dma_wait3A_905] : memref<1792xi32, #tpu.memory_space<vmem>> -> memref<112xi32, #tpu.memory_space<vmem>>
    %dma_wait3A_907 = tpu.memref_slice %arg11[%dma_wait3A_904, %mul3A_749] : memref<16x1792xi32, #tpu.memory_space<vmem_shared>> -> memref<1x112xi32, #tpu.memory_space<vmem_shared>>
    %dma_wait3A_908 = tpu.memref_squeeze %dma_wait3A_907 : memref<1x112xi32, #tpu.memory_space<vmem_shared>> -> memref<112xi32, #tpu.memory_space<vmem_shared>>
    %dma_wait3A_909 = arith.constant 1120 : i32
    %dma_wait3A_910 = tpu.memref_slice %arg9[%dma_wait3A_909] : memref<1792xi32, #tpu.memory_space<vmem>> -> memref<112xi32, #tpu.memory_space<vmem>>
    %dma_wait3A_911 = tpu.memref_slice %arg11[%dma_wait3A_904, %mul3A_749] : memref<16x1792xi32, #tpu.memory_space<vmem_shared>> -> memref<1x112xi32, #tpu.memory_space<vmem_shared>>
    %dma_wait3A_912 = tpu.memref_squeeze %dma_wait3A_911 : memref<1x112xi32, #tpu.memory_space<vmem_shared>> -> memref<112xi32, #tpu.memory_space<vmem_shared>>
    tpu.wait_dma2 semaphore(%arg14 : memref<!tpu.dma_semaphore, #tpu.memory_space<semaphore_mem>>) src(%dma_wait3A_912 : memref<112xi32, #tpu.memory_space<vmem_shared>>) dst(%dma_wait3A_910 : memref<112xi32, #tpu.memory_space<vmem>>)
    %dma_wait3A_913 = arith.constant 11 : i32
    %dma_wait3A_914 = arith.constant 1232 : i32
    %dma_wait3A_915 = tpu.memref_slice %arg9[%dma_wait3A_914] : memref<1792xi32, #tpu.memory_space<vmem>> -> memref<112xi32, #tpu.memory_space<vmem>>
    %dma_wait3A_916 = tpu.memref_slice %arg11[%dma_wait3A_913, %mul3A_760] : memref<16x1792xi32, #tpu.memory_space<vmem_shared>> -> memref<1x112xi32, #tpu.memory_space<vmem_shared>>
    %dma_wait3A_917 = tpu.memref_squeeze %dma_wait3A_916 : memref<1x112xi32, #tpu.memory_space<vmem_shared>> -> memref<112xi32, #tpu.memory_space<vmem_shared>>
    %dma_wait3A_918 = arith.constant 1232 : i32
    %dma_wait3A_919 = tpu.memref_slice %arg9[%dma_wait3A_918] : memref<1792xi32, #tpu.memory_space<vmem>> -> memref<112xi32, #tpu.memory_space<vmem>>
    %dma_wait3A_920 = tpu.memref_slice %arg11[%dma_wait3A_913, %mul3A_760] : memref<16x1792xi32, #tpu.memory_space<vmem_shared>> -> memref<1x112xi32, #tpu.memory_space<vmem_shared>>
    %dma_wait3A_921 = tpu.memref_squeeze %dma_wait3A_920 : memref<1x112xi32, #tpu.memory_space<vmem_shared>> -> memref<112xi32, #tpu.memory_space<vmem_shared>>
    tpu.wait_dma2 semaphore(%arg14 : memref<!tpu.dma_semaphore, #tpu.memory_space<semaphore_mem>>) src(%dma_wait3A_921 : memref<112xi32, #tpu.memory_space<vmem_shared>>) dst(%dma_wait3A_919 : memref<112xi32, #tpu.memory_space<vmem>>)
    %dma_wait3A_922 = arith.constant 12 : i32
    %dma_wait3A_923 = arith.constant 1344 : i32
    %dma_wait3A_924 = tpu.memref_slice %arg9[%dma_wait3A_923] : memref<1792xi32, #tpu.memory_space<vmem>> -> memref<112xi32, #tpu.memory_space<vmem>>
    %dma_wait3A_925 = tpu.memref_slice %arg11[%dma_wait3A_922, %mul3A_771] : memref<16x1792xi32, #tpu.memory_space<vmem_shared>> -> memref<1x112xi32, #tpu.memory_space<vmem_shared>>
    %dma_wait3A_926 = tpu.memref_squeeze %dma_wait3A_925 : memref<1x112xi32, #tpu.memory_space<vmem_shared>> -> memref<112xi32, #tpu.memory_space<vmem_shared>>
    %dma_wait3A_927 = arith.constant 1344 : i32
    %dma_wait3A_928 = tpu.memref_slice %arg9[%dma_wait3A_927] : memref<1792xi32, #tpu.memory_space<vmem>> -> memref<112xi32, #tpu.memory_space<vmem>>
    %dma_wait3A_929 = tpu.memref_slice %arg11[%dma_wait3A_922, %mul3A_771] : memref<16x1792xi32, #tpu.memory_space<vmem_shared>> -> memref<1x112xi32, #tpu.memory_space<vmem_shared>>
    %dma_wait3A_930 = tpu.memref_squeeze %dma_wait3A_929 : memref<1x112xi32, #tpu.memory_space<vmem_shared>> -> memref<112xi32, #tpu.memory_space<vmem_shared>>
    tpu.wait_dma2 semaphore(%arg14 : memref<!tpu.dma_semaphore, #tpu.memory_space<semaphore_mem>>) src(%dma_wait3A_930 : memref<112xi32, #tpu.memory_space<vmem_shared>>) dst(%dma_wait3A_928 : memref<112xi32, #tpu.memory_space<vmem>>)
    %dma_wait3A_931 = arith.constant 13 : i32
    %dma_wait3A_932 = arith.constant 1456 : i32
    %dma_wait3A_933 = tpu.memref_slice %arg9[%dma_wait3A_932] : memref<1792xi32, #tpu.memory_space<vmem>> -> memref<112xi32, #tpu.memory_space<vmem>>
    %dma_wait3A_934 = tpu.memref_slice %arg11[%dma_wait3A_931, %mul3A_782] : memref<16x1792xi32, #tpu.memory_space<vmem_shared>> -> memref<1x112xi32, #tpu.memory_space<vmem_shared>>
    %dma_wait3A_935 = tpu.memref_squeeze %dma_wait3A_934 : memref<1x112xi32, #tpu.memory_space<vmem_shared>> -> memref<112xi32, #tpu.memory_space<vmem_shared>>
    %dma_wait3A_936 = arith.constant 1456 : i32
    %dma_wait3A_937 = tpu.memref_slice %arg9[%dma_wait3A_936] : memref<1792xi32, #tpu.memory_space<vmem>> -> memref<112xi32, #tpu.memory_space<vmem>>
    %dma_wait3A_938 = tpu.memref_slice %arg11[%dma_wait3A_931, %mul3A_782] : memref<16x1792xi32, #tpu.memory_space<vmem_shared>> -> memref<1x112xi32, #tpu.memory_space<vmem_shared>>
    %dma_wait3A_939 = tpu.memref_squeeze %dma_wait3A_938 : memref<1x112xi32, #tpu.memory_space<vmem_shared>> -> memref<112xi32, #tpu.memory_space<vmem_shared>>
    tpu.wait_dma2 semaphore(%arg14 : memref<!tpu.dma_semaphore, #tpu.memory_space<semaphore_mem>>) src(%dma_wait3A_939 : memref<112xi32, #tpu.memory_space<vmem_shared>>) dst(%dma_wait3A_937 : memref<112xi32, #tpu.memory_space<vmem>>)
    %dma_wait3A_940 = arith.constant 14 : i32
    %dma_wait3A_941 = arith.constant 1568 : i32
    %dma_wait3A_942 = tpu.memref_slice %arg9[%dma_wait3A_941] : memref<1792xi32, #tpu.memory_space<vmem>> -> memref<112xi32, #tpu.memory_space<vmem>>
    %dma_wait3A_943 = tpu.memref_slice %arg11[%dma_wait3A_940, %mul3A_793] : memref<16x1792xi32, #tpu.memory_space<vmem_shared>> -> memref<1x112xi32, #tpu.memory_space<vmem_shared>>
    %dma_wait3A_944 = tpu.memref_squeeze %dma_wait3A_943 : memref<1x112xi32, #tpu.memory_space<vmem_shared>> -> memref<112xi32, #tpu.memory_space<vmem_shared>>
    %dma_wait3A_945 = arith.constant 1568 : i32
    %dma_wait3A_946 = tpu.memref_slice %arg9[%dma_wait3A_945] : memref<1792xi32, #tpu.memory_space<vmem>> -> memref<112xi32, #tpu.memory_space<vmem>>
    %dma_wait3A_947 = tpu.memref_slice %arg11[%dma_wait3A_940, %mul3A_793] : memref<16x1792xi32, #tpu.memory_space<vmem_shared>> -> memref<1x112xi32, #tpu.memory_space<vmem_shared>>
    %dma_wait3A_948 = tpu.memref_squeeze %dma_wait3A_947 : memref<1x112xi32, #tpu.memory_space<vmem_shared>> -> memref<112xi32, #tpu.memory_space<vmem_shared>>
    tpu.wait_dma2 semaphore(%arg14 : memref<!tpu.dma_semaphore, #tpu.memory_space<semaphore_mem>>) src(%dma_wait3A_948 : memref<112xi32, #tpu.memory_space<vmem_shared>>) dst(%dma_wait3A_946 : memref<112xi32, #tpu.memory_space<vmem>>)
    %dma_wait3A_949 = arith.constant 15 : i32
    %dma_wait3A_950 = arith.constant 1680 : i32
    %dma_wait3A_951 = tpu.memref_slice %arg9[%dma_wait3A_950] : memref<1792xi32, #tpu.memory_space<vmem>> -> memref<112xi32, #tpu.memory_space<vmem>>
    %dma_wait3A_952 = tpu.memref_slice %arg11[%dma_wait3A_949, %mul3A_804] : memref<16x1792xi32, #tpu.memory_space<vmem_shared>> -> memref<1x112xi32, #tpu.memory_space<vmem_shared>>
    %dma_wait3A_953 = tpu.memref_squeeze %dma_wait3A_952 : memref<1x112xi32, #tpu.memory_space<vmem_shared>> -> memref<112xi32, #tpu.memory_space<vmem_shared>>
    %dma_wait3A_954 = arith.constant 1680 : i32
    %dma_wait3A_955 = tpu.memref_slice %arg9[%dma_wait3A_954] : memref<1792xi32, #tpu.memory_space<vmem>> -> memref<112xi32, #tpu.memory_space<vmem>>
    %dma_wait3A_956 = tpu.memref_slice %arg11[%dma_wait3A_949, %mul3A_804] : memref<16x1792xi32, #tpu.memory_space<vmem_shared>> -> memref<1x112xi32, #tpu.memory_space<vmem_shared>>
    %dma_wait3A_957 = tpu.memref_squeeze %dma_wait3A_956 : memref<1x112xi32, #tpu.memory_space<vmem_shared>> -> memref<112xi32, #tpu.memory_space<vmem_shared>>
    tpu.wait_dma2 semaphore(%arg14 : memref<!tpu.dma_semaphore, #tpu.memory_space<semaphore_mem>>) src(%dma_wait3A_957 : memref<112xi32, #tpu.memory_space<vmem_shared>>) dst(%dma_wait3A_955 : memref<112xi32, #tpu.memory_space<vmem>>)
    %parallel_loop3A_958 = arith.constant 0 : i32
    %parallel_loop3A_959 = arith.constant 7 : i32
    %parallel_loop3A_960 = arith.constant 1 : i32
    %parallel_loop3A_961 = scf.for %parallel_loop3A_966 = %parallel_loop3A_958 to %parallel_loop3A_959 step %parallel_loop3A_960 iter_args(%parallel_loop3A_967 = %broadcast_in_dim3A_3) -> (vector<16xi32>)  : i32 {
      %parallel_loop3A_968 = arith.constant 16 : i32
      %parallel_loop3A_969 = arith.muli %parallel_loop3A_966, %parallel_loop3A_968 : i32
      %parallel_loop3A_970 = arith.index_cast %parallel_loop3A_969 : i32 to index
      %parallel_loop3A_971 = tpu.vector_load %arg9[%parallel_loop3A_970] {strides = array<i32>} : memref<1792xi32, #tpu.memory_space<vmem>>, vector<16xi32>,
      %parallel_loop3A_972 = arith.constant 16 : i32
      %parallel_loop3A_973 = arith.muli %parallel_loop3A_966, %parallel_loop3A_972 : i32
      %parallel_loop3A_974 = arith.constant 112 : i32
      %parallel_loop3A_975 = arith.addi %parallel_loop3A_974, %parallel_loop3A_973 : i32
      %parallel_loop3A_976 = arith.index_cast %parallel_loop3A_975 : i32 to index
      %parallel_loop3A_977 = tpu.vector_load %arg9[%parallel_loop3A_976] {strides = array<i32>} : memref<1792xi32, #tpu.memory_space<vmem>>, vector<16xi32>,
      %parallel_loop3A_978 = arith.ori %parallel_loop3A_971, %parallel_loop3A_977 : vector<16xi32>
      %parallel_loop3A_979 = arith.constant 16 : i32
      %parallel_loop3A_980 = arith.muli %parallel_loop3A_966, %parallel_loop3A_979 : i32
      %parallel_loop3A_981 = arith.constant 224 : i32
      %parallel_loop3A_982 = arith.addi %parallel_loop3A_981, %parallel_loop3A_980 : i32
      %parallel_loop3A_983 = arith.index_cast %parallel_loop3A_982 : i32 to index
      %parallel_loop3A_984 = tpu.vector_load %arg9[%parallel_loop3A_983] {strides = array<i32>} : memref<1792xi32, #tpu.memory_space<vmem>>, vector<16xi32>,
      %parallel_loop3A_985 = arith.ori %parallel_loop3A_978, %parallel_loop3A_984 : vector<16xi32>
      %parallel_loop3A_986 = arith.constant 16 : i32
      %parallel_loop3A_987 = arith.muli %parallel_loop3A_966, %parallel_loop3A_986 : i32
      %parallel_loop3A_988 = arith.constant 336 : i32
      %parallel_loop3A_989 = arith.addi %parallel_loop3A_988, %parallel_loop3A_987 : i32
      %parallel_loop3A_990 = arith.index_cast %parallel_loop3A_989 : i32 to index
      %parallel_loop3A_991 = tpu.vector_load %arg9[%parallel_loop3A_990] {strides = array<i32>} : memref<1792xi32, #tpu.memory_space<vmem>>, vector<16xi32>,
      %parallel_loop3A_992 = arith.ori %parallel_loop3A_985, %parallel_loop3A_991 : vector<16xi32>
      %parallel_loop3A_993 = arith.constant 16 : i32
      %parallel_loop3A_994 = arith.muli %parallel_loop3A_966, %parallel_loop3A_993 : i32
      %parallel_loop3A_995 = arith.constant 448 : i32
      %parallel_loop3A_996 = arith.addi %parallel_loop3A_995, %parallel_loop3A_994 : i32
      %parallel_loop3A_997 = arith.index_cast %parallel_loop3A_996 : i32 to index
      %parallel_loop3A_998 = tpu.vector_load %arg9[%parallel_loop3A_997] {strides = array<i32>} : memref<1792xi32, #tpu.memory_space<vmem>>, vector<16xi32>,
      %parallel_loop3A_999 = arith.ori %parallel_loop3A_992, %parallel_loop3A_998 : vector<16xi32>
      %parallel_loop3A_1000 = arith.constant 16 : i32
      %parallel_loop3A_1001 = arith.muli %parallel_loop3A_966, %parallel_loop3A_1000 : i32
      %parallel_loop3A_1002 = arith.constant 560 : i32
      %parallel_loop3A_1003 = arith.addi %parallel_loop3A_1002, %parallel_loop3A_1001 : i32
      %parallel_loop3A_1004 = arith.index_cast %parallel_loop3A_1003 : i32 to index
      %parallel_loop3A_1005 = tpu.vector_load %arg9[%parallel_loop3A_1004] {strides = array<i32>} : memref<1792xi32, #tpu.memory_space<vmem>>, vector<16xi32>,
      %parallel_loop3A_1006 = arith.ori %parallel_loop3A_999, %parallel_loop3A_1005 : vector<16xi32>
      %parallel_loop3A_1007 = arith.constant 16 : i32
      %parallel_loop3A_1008 = arith.muli %parallel_loop3A_966, %parallel_loop3A_1007 : i32
      %parallel_loop3A_1009 = arith.constant 672 : i32
      %parallel_loop3A_1010 = arith.addi %parallel_loop3A_1009, %parallel_loop3A_1008 : i32
      %parallel_loop3A_1011 = arith.index_cast %parallel_loop3A_1010 : i32 to index
      %parallel_loop3A_1012 = tpu.vector_load %arg9[%parallel_loop3A_1011] {strides = array<i32>} : memref<1792xi32, #tpu.memory_space<vmem>>, vector<16xi32>,
      %parallel_loop3A_1013 = arith.ori %parallel_loop3A_1006, %parallel_loop3A_1012 : vector<16xi32>
      %parallel_loop3A_1014 = arith.constant 16 : i32
      %parallel_loop3A_1015 = arith.muli %parallel_loop3A_966, %parallel_loop3A_1014 : i32
      %parallel_loop3A_1016 = arith.constant 784 : i32
      %parallel_loop3A_1017 = arith.addi %parallel_loop3A_1016, %parallel_loop3A_1015 : i32
      %parallel_loop3A_1018 = arith.index_cast %parallel_loop3A_1017 : i32 to index
      %parallel_loop3A_1019 = tpu.vector_load %arg9[%parallel_loop3A_1018] {strides = array<i32>} : memref<1792xi32, #tpu.memory_space<vmem>>, vector<16xi32>,
      %parallel_loop3A_1020 = arith.ori %parallel_loop3A_1013, %parallel_loop3A_1019 : vector<16xi32>
      %parallel_loop3A_1021 = arith.constant 16 : i32
      %parallel_loop3A_1022 = arith.muli %parallel_loop3A_966, %parallel_loop3A_1021 : i32
      %parallel_loop3A_1023 = arith.constant 896 : i32
      %parallel_loop3A_1024 = arith.addi %parallel_loop3A_1023, %parallel_loop3A_1022 : i32
      %parallel_loop3A_1025 = arith.index_cast %parallel_loop3A_1024 : i32 to index
      %parallel_loop3A_1026 = tpu.vector_load %arg9[%parallel_loop3A_1025] {strides = array<i32>} : memref<1792xi32, #tpu.memory_space<vmem>>, vector<16xi32>,
      %parallel_loop3A_1027 = arith.ori %parallel_loop3A_1020, %parallel_loop3A_1026 : vector<16xi32>
      %parallel_loop3A_1028 = arith.constant 16 : i32
      %parallel_loop3A_1029 = arith.muli %parallel_loop3A_966, %parallel_loop3A_1028 : i32
      %parallel_loop3A_1030 = arith.constant 1008 : i32
      %parallel_loop3A_1031 = arith.addi %parallel_loop3A_1030, %parallel_loop3A_1029 : i32
      %parallel_loop3A_1032 = arith.index_cast %parallel_loop3A_1031 : i32 to index
      %parallel_loop3A_1033 = tpu.vector_load %arg9[%parallel_loop3A_1032] {strides = array<i32>} : memref<1792xi32, #tpu.memory_space<vmem>>, vector<16xi32>,
      %parallel_loop3A_1034 = arith.ori %parallel_loop3A_1027, %parallel_loop3A_1033 : vector<16xi32>
      %parallel_loop3A_1035 = arith.constant 16 : i32
      %parallel_loop3A_1036 = arith.muli %parallel_loop3A_966, %parallel_loop3A_1035 : i32
      %parallel_loop3A_1037 = arith.constant 1120 : i32
      %parallel_loop3A_1038 = arith.addi %parallel_loop3A_1037, %parallel_loop3A_1036 : i32
      %parallel_loop3A_1039 = arith.index_cast %parallel_loop3A_1038 : i32 to index
      %parallel_loop3A_1040 = tpu.vector_load %arg9[%parallel_loop3A_1039] {strides = array<i32>} : memref<1792xi32, #tpu.memory_space<vmem>>, vector<16xi32>,
      %parallel_loop3A_1041 = arith.ori %parallel_loop3A_1034, %parallel_loop3A_1040 : vector<16xi32>
      %parallel_loop3A_1042 = arith.constant 16 : i32
      %parallel_loop3A_1043 = arith.muli %parallel_loop3A_966, %parallel_loop3A_1042 : i32
      %parallel_loop3A_1044 = arith.constant 1232 : i32
      %parallel_loop3A_1045 = arith.addi %parallel_loop3A_1044, %parallel_loop3A_1043 : i32
      %parallel_loop3A_1046 = arith.index_cast %parallel_loop3A_1045 : i32 to index
      %parallel_loop3A_1047 = tpu.vector_load %arg9[%parallel_loop3A_1046] {strides = array<i32>} : memref<1792xi32, #tpu.memory_space<vmem>>, vector<16xi32>,
      %parallel_loop3A_1048 = arith.ori %parallel_loop3A_1041, %parallel_loop3A_1047 : vector<16xi32>
      %parallel_loop3A_1049 = arith.constant 16 : i32
      %parallel_loop3A_1050 = arith.muli %parallel_loop3A_966, %parallel_loop3A_1049 : i32
      %parallel_loop3A_1051 = arith.constant 1344 : i32
      %parallel_loop3A_1052 = arith.addi %parallel_loop3A_1051, %parallel_loop3A_1050 : i32
      %parallel_loop3A_1053 = arith.index_cast %parallel_loop3A_1052 : i32 to index
      %parallel_loop3A_1054 = tpu.vector_load %arg9[%parallel_loop3A_1053] {strides = array<i32>} : memref<1792xi32, #tpu.memory_space<vmem>>, vector<16xi32>,
      %parallel_loop3A_1055 = arith.ori %parallel_loop3A_1048, %parallel_loop3A_1054 : vector<16xi32>
      %parallel_loop3A_1056 = arith.constant 16 : i32
      %parallel_loop3A_1057 = arith.muli %parallel_loop3A_966, %parallel_loop3A_1056 : i32
      %parallel_loop3A_1058 = arith.constant 1456 : i32
      %parallel_loop3A_1059 = arith.addi %parallel_loop3A_1058, %parallel_loop3A_1057 : i32
      %parallel_loop3A_1060 = arith.index_cast %parallel_loop3A_1059 : i32 to index
      %parallel_loop3A_1061 = tpu.vector_load %arg9[%parallel_loop3A_1060] {strides = array<i32>} : memref<1792xi32, #tpu.memory_space<vmem>>, vector<16xi32>,
      %parallel_loop3A_1062 = arith.ori %parallel_loop3A_1055, %parallel_loop3A_1061 : vector<16xi32>
      %parallel_loop3A_1063 = arith.constant 16 : i32
      %parallel_loop3A_1064 = arith.muli %parallel_loop3A_966, %parallel_loop3A_1063 : i32
      %parallel_loop3A_1065 = arith.constant 1568 : i32
      %parallel_loop3A_1066 = arith.addi %parallel_loop3A_1065, %parallel_loop3A_1064 : i32
      %parallel_loop3A_1067 = arith.index_cast %parallel_loop3A_1066 : i32 to index
      %parallel_loop3A_1068 = tpu.vector_load %arg9[%parallel_loop3A_1067] {strides = array<i32>} : memref<1792xi32, #tpu.memory_space<vmem>>, vector<16xi32>,
      %parallel_loop3A_1069 = arith.ori %parallel_loop3A_1062, %parallel_loop3A_1068 : vector<16xi32>
      %parallel_loop3A_1070 = arith.constant 16 : i32
      %parallel_loop3A_1071 = arith.muli %parallel_loop3A_966, %parallel_loop3A_1070 : i32
      %parallel_loop3A_1072 = arith.constant 1680 : i32
      %parallel_loop3A_1073 = arith.addi %parallel_loop3A_1072, %parallel_loop3A_1071 : i32
      %parallel_loop3A_1074 = arith.index_cast %parallel_loop3A_1073 : i32 to index
      %parallel_loop3A_1075 = tpu.vector_load %arg9[%parallel_loop3A_1074] {strides = array<i32>} : memref<1792xi32, #tpu.memory_space<vmem>>, vector<16xi32>,
      %parallel_loop3A_1076 = arith.ori %parallel_loop3A_1069, %parallel_loop3A_1075 : vector<16xi32>
      %parallel_loop3A_1077 = vector.bitcast %parallel_loop3A_1076 : vector<16xi32> to vector<16xi32>
      %parallel_loop3A_1078 = arith.constant 1 : i32
      %parallel_loop3A_1079 = vector.broadcast %parallel_loop3A_1078 : i32 to vector<16xi32>
      %parallel_loop3A_1080 = arith.shrui %parallel_loop3A_1077, %parallel_loop3A_1079 : vector<16xi32>
      %parallel_loop3A_1081 = arith.constant 1431655765 : i32
      %parallel_loop3A_1082 = vector.broadcast %parallel_loop3A_1081 : i32 to vector<16xi32>
      %parallel_loop3A_1083 = arith.andi %parallel_loop3A_1080, %parallel_loop3A_1082 : vector<16xi32>
      %parallel_loop3A_1084 = arith.subi %parallel_loop3A_1077, %parallel_loop3A_1083 : vector<16xi32>
      %parallel_loop3A_1085 = arith.constant 858993459 : i32
      %parallel_loop3A_1086 = vector.broadcast %parallel_loop3A_1085 : i32 to vector<16xi32>
      %parallel_loop3A_1087 = arith.andi %parallel_loop3A_1084, %parallel_loop3A_1086 : vector<16xi32>
      %parallel_loop3A_1088 = arith.constant 2 : i32
      %parallel_loop3A_1089 = vector.broadcast %parallel_loop3A_1088 : i32 to vector<16xi32>
      %parallel_loop3A_1090 = arith.shrui %parallel_loop3A_1084, %parallel_loop3A_1089 : vector<16xi32>
      %parallel_loop3A_1091 = arith.constant 858993459 : i32
      %parallel_loop3A_1092 = vector.broadcast %parallel_loop3A_1091 : i32 to vector<16xi32>
      %parallel_loop3A_1093 = arith.andi %parallel_loop3A_1090, %parallel_loop3A_1092 : vector<16xi32>
      %parallel_loop3A_1094 = arith.addi %parallel_loop3A_1087, %parallel_loop3A_1093 : vector<16xi32>
      %parallel_loop3A_1095 = arith.constant 4 : i32
      %parallel_loop3A_1096 = vector.broadcast %parallel_loop3A_1095 : i32 to vector<16xi32>
      %parallel_loop3A_1097 = arith.shrui %parallel_loop3A_1094, %parallel_loop3A_1096 : vector<16xi32>
      %parallel_loop3A_1098 = arith.addi %parallel_loop3A_1094, %parallel_loop3A_1097 : vector<16xi32>
      %parallel_loop3A_1099 = arith.constant 252645135 : i32
      %parallel_loop3A_1100 = vector.broadcast %parallel_loop3A_1099 : i32 to vector<16xi32>
      %parallel_loop3A_1101 = arith.andi %parallel_loop3A_1098, %parallel_loop3A_1100 : vector<16xi32>
      %parallel_loop3A_1102 = arith.constant 16843009 : i32
      %parallel_loop3A_1103 = vector.broadcast %parallel_loop3A_1102 : i32 to vector<16xi32>
      %parallel_loop3A_1104 = arith.muli %parallel_loop3A_1101, %parallel_loop3A_1103 : vector<16xi32>
      %parallel_loop3A_1105 = arith.constant 24 : i32
      %parallel_loop3A_1106 = vector.broadcast %parallel_loop3A_1105 : i32 to vector<16xi32>
      %parallel_loop3A_1107 = arith.shrui %parallel_loop3A_1104, %parallel_loop3A_1106 : vector<16xi32>
      %parallel_loop3A_1108 = vector.bitcast %parallel_loop3A_1107 : vector<16xi32> to vector<16xi32>
      %parallel_loop3A_1109 = arith.addi %parallel_loop3A_967, %parallel_loop3A_1108 : vector<16xi32>
      scf.yield %parallel_loop3A_1109 : vector<16xi32>
    } {sc.loop_unroll_factor = 1 : i64, sc.parallel_access}
    %swap3A_962 = arith.constant 1 : i32
    %swap3A_963 = arith.index_cast %swap3A_962 : i32 to index
    %swap3A_964 = arith.constant 0 : index
    %swap3A_965 = tpu.vector_load %arg10[%swap3A_963, %swap3A_964] {strides = array<i32>} : memref<2x16xi32, #tpu.memory_space<vmem>>, vector<16xi32>,
    tpu.vector_store %arg10[%swap3A_963, %swap3A_964], %parallel_loop3A_961 {strides = array<i32>} : memref<2x16xi32, #tpu.memory_space<vmem>>, vector<16xi32>,
    "tpu.region"() ({
      %run_scoped3A = tpu.sem_alloc : memref<!tpu.dma_semaphore, #tpu.memory_space<semaphore_mem>>
      %dma_start3A_966 = arith.constant 0 : i32
      %dma_start3A_967 = arith.constant 0 : i32
      %dma_start3A_968 = tpu.memref_slice %arg5[%add3A, %dma_start3A_966, %dma_start3A_967] : memref<32x2x16xi32, #tpu.memory_space<hbm>> -> memref<1x2x16xi32, #tpu.memory_space<hbm>>
      %dma_start3A_969 = tpu.memref_squeeze %dma_start3A_968 : memref<1x2x16xi32, #tpu.memory_space<hbm>> -> memref<2x16xi32, #tpu.memory_space<hbm>>
      %dma_start3A_970 = arith.constant 0 : i32
      %dma_start3A_971 = arith.constant 0 : i32
      %dma_start3A_972 = tpu.memref_slice %arg5[%add3A, %dma_start3A_970, %dma_start3A_971] : memref<32x2x16xi32, #tpu.memory_space<hbm>> -> memref<1x2x16xi32, #tpu.memory_space<hbm>>
      %dma_start3A_973 = tpu.memref_squeeze %dma_start3A_972 : memref<1x2x16xi32, #tpu.memory_space<hbm>> -> memref<2x16xi32, #tpu.memory_space<hbm>>
      tpu.enqueue_dma source(%arg10 : memref<2x16xi32, #tpu.memory_space<vmem>>) target(%dma_start3A_973 : memref<2x16xi32, #tpu.memory_space<hbm>>) target_semaphore(%run_scoped3A : memref<!tpu.dma_semaphore, #tpu.memory_space<semaphore_mem>>)
      %dma_wait3A_974 = arith.constant 0 : i32
      %dma_wait3A_975 = arith.constant 0 : i32
      %dma_wait3A_976 = tpu.memref_slice %arg5[%add3A, %dma_wait3A_974, %dma_wait3A_975] : memref<32x2x16xi32, #tpu.memory_space<hbm>> -> memref<1x2x16xi32, #tpu.memory_space<hbm>>
      %dma_wait3A_977 = tpu.memref_squeeze %dma_wait3A_976 : memref<1x2x16xi32, #tpu.memory_space<hbm>> -> memref<2x16xi32, #tpu.memory_space<hbm>>
      %dma_wait3A_978 = arith.constant 0 : i32
      %dma_wait3A_979 = arith.constant 0 : i32
      %dma_wait3A_980 = tpu.memref_slice %arg5[%add3A, %dma_wait3A_978, %dma_wait3A_979] : memref<32x2x16xi32, #tpu.memory_space<hbm>> -> memref<1x2x16xi32, #tpu.memory_space<hbm>>
      %dma_wait3A_981 = tpu.memref_squeeze %dma_wait3A_980 : memref<1x2x16xi32, #tpu.memory_space<hbm>> -> memref<2x16xi32, #tpu.memory_space<hbm>>
      tpu.wait_dma2 semaphore(%run_scoped3A : memref<!tpu.dma_semaphore, #tpu.memory_space<semaphore_mem>>) src(%arg10 : memref<2x16xi32, #tpu.memory_space<vmem>>) dst(%dma_wait3A_981 : memref<2x16xi32, #tpu.memory_space<hbm>>)
      tpu.yield
    }) : () -> ()
    return
  }
}

</mosaic_0001>

<sc_bundles>
// kernel: kernel.3.cloned.1.call-start
scs
__scs_entry_jumppad:
0x0: {  	(pc) =	sbr.rel $0x88, $3  }
0x1: {  	(tag) =	ssettag $0x0;
	lr =	simm.s32 $0x1  }
0x2: {  	[smem:$0x3F9F] =	sst lr;
	_ =	strace $0xD0000000  }
0x3: {  	_ = 	snop  }
0x4: {  	_ = 	snop  }
0x5: {  	_ = 	snop  }
0x6: {  	_ = 	snop  }
0x7: {  	_ = 	snop  }
__scs_overlays_trampoline_lowered:
0x8: {  	[smem:$0x3FAE] =	sst s0  }
0x9: {  	[smem:$0x3FAF] =	sst s1  }
0xa: {  	[smem:$0x3FB0] =	sst s2  }
0xb: {  	[smem:$0x3FB1] =	sst s3  }
0xc: {  	[smem:$0x3FB2] =	sst s4  }
0xd: {  	[smem:$0x3FB3] =	sst s5  }
0xe: {  	[smem:$0x3FB4] =	sst s6  }
0xf: {  	[smem:$0x3FB5] =	sst s7  }
0x10: {  	[smem:$0x3FB6] =	sst s8  }
0x11: {  	[smem:$0x3FB7] =	sst s9;
	s0 =	simm.s32 @!p0 $0x0  }
0x12: {  	s1 =	sld [smem:$0x3F9D];
	s0 =	simm.s32 @p0 $0x1  }
0x13: {  	[smem:$0x3FB8] =	sst s0;
	s0 =	simm.s32 @!p1 $0x0  }
0x14: {  	s2 =	sld [smem:$0x3F9C];
	s0 =	simm.s32 @p1 $0x1  }
0x15: {  	[smem:$0x3FB9] =	sst s0;
	s0 =	simm.s32 @!p2 $0x0  }
0x16: {  	s3 =	sld [smem:$0x3FDB];
	s0 =	simm.s32 @p2 $0x1  }
0x17: {  	s4 =	simm.s32 $0x1BF5;
	[smem:$0x3FBB] =	sst s0  }
0x18: {  	s0 =	sld [smem:$0x3F9E];
	_ =	swait.ge [sflag:s4], $0x0  }
0x19: {  	s7 =	sld [smem:$0x3F9F]  }
0x1a: {  	s8 =	sadd.s32 $0xFFFFE003, lr  }
0x1b: {  	s9 =	sadd.s32 $0xFFFFFEF7, lr;
	s5 =	simm.s32 $0xFFFFFFFF;
	p2 =	slt.u32 s8, $0xFFFFF086  }
0x1c: {  	p1 =	slt.u32 s9, $0xF7A;
	s5 =	simm.s32 @!p2 $0x0  }
0x1d: {  	s5 =	simm.s32 @p1 $0x1;
	p0 =	seq.s32 s7, s2  }
0x1e: {  	s7 =	smul.u32 @!p0 $0xF7A, s2;
	p2 =	seq.s32 @!p0 s5, $0x0  }
0x1f: {  	s9 =	smul.u32 $0xF7A, s1;
	s8 =	simm.s32 @!p0 $0x1BF5;
	p2 =	por !p2, p0  }
0x20: {  	[sflag:s8] =	ssyncset.s32 @!p0 $0xFFFFF086;
	s6 =	sadd.s32 @!p0 s3, s7;
	s7 =	simm.s32 @!p0 $0x108  }
0x21: {  	s3 =	sadd.s32 s3, s9;
	s6 =	sadd.s32 @!p0 $0x88, s6;
	s7 =	simm.s32 @p2 $0x1082  }
0x22: {  	[simem:s7], [sflag:s8] =	dma.local @!p0 [hbm:s6], $0xF7A  }
0x23: {  	s9 =	sor.u32 $0xD0000000, s2;
	s6 =	simm.s32 $0x108;
	_ =	swait.ge @!p0 [sflag:s8], $0x0  }
0x24: {  	s3 =	sadd.s32 $0x88, s3;
	s6 =	simm.s32 @!p1 $0x1082;
	[sflag:s4] =	ssyncset.s32 $0xFFFFF086  }
0x25: {  	[simem:s6], [sflag:s4] =	dma.local [hbm:s3], $0xF7A  }
0x26: {  	[smem:$0x3F9F] =	sst s1;
	(tag) =	ssettag s2;
	_ =	strace s9  }
0x27: {  	s1 =	sld [smem:$0x3FAF]  }
0x28: {  	s2 =	sld [smem:$0x3FB0]  }
0x29: {  	s4 =	sld [smem:$0x3FB2]  }
0x2a: {  	p0 =	seq.s32 s5, $0x0;
	s5 =	sld [smem:$0x3FB3]  }
0x2b: {  	s6 =	sld [smem:$0x3FB4]  }
0x2c: {  	s7 =	sld [smem:$0x3FB5]  }
0x2d: {  	s3 =	simm.s32 $0x108;
	s8 =	sld [smem:$0x3FB6]  }
0x2e: {  	s3 =	simm.s32 @!p0 $0x1082;
	s9 =	sld [smem:$0x3FB7]  }
0x2f: {  	lr =	sadd.s32 s0, s3;
	s0 =	sld [smem:$0x3FAE]  }
0x30: {  	s3 =	sld [smem:$0x3FB1]  }
0x31: {  	[smem:$0x3FBA] =	sst s10  }
0x32: {  	s10 =	sld [smem:$0x3FB8];
	_ =	sdelay $0x3  }
0x33: {  	p0 =	seq.s32 s10, $0x1;
	s10 =	sld [smem:$0x3FBA];
	_ =	sdelay $0x3  }
0x34: {  	[smem:$0x3FBA] =	sst s10  }
0x35: {  	s10 =	sld [smem:$0x3FB9];
	_ =	sdelay $0x3  }
0x36: {  	p1 =	seq.s32 s10, $0x1;
	s10 =	sld [smem:$0x3FBA];
	_ =	sdelay $0x3  }
0x37: {  	[smem:$0x3FBA] =	sst s10  }
0x38: {  	s10 =	sld [smem:$0x3FBB]  }
0x39: {  	_ = 	snop;
	(pc) =	sbr.ind lr, $3  }
0x3a: {  	_ = 	snop  }
0x3b: {  	_ = 	snop  }
0x3c: {  	p2 =	seq.s32 s10, $0x1;
	s10 =	sld [smem:$0x3FBA]  }
0x3d: {  	_ =	shalt  }
0x3e: {  	_ =	shalt  }
0x3f: {  	_ =	shalt  }
0x40: {  	_ =	shalt  }
0x41: {  	_ =	shalt  }
0x42: {  	_ =	shalt  }
0x43: {  	_ =	shalt  }
0x44: {  	_ =	shalt  }
0x45: {  	_ =	shalt  }
0x46: {  	_ =	shalt  }
0x47: {  	_ =	shalt  }
0x48: {  	_ =	shalt  }
0x49: {  	_ =	shalt  }
0x4a: {  	_ =	shalt  }
0x4b: {  	_ =	shalt  }
0x4c: {  	_ =	shalt  }
0x4d: {  	_ =	shalt  }
0x4e: {  	_ =	shalt  }
0x4f: {  	_ =	shalt  }
0x50: {  	_ =	shalt  }
0x51: {  	_ =	shalt  }
0x52: {  	_ =	shalt  }
0x53: {  	_ =	shalt  }
0x54: {  	_ =	shalt  }
0x55: {  	_ =	shalt  }
0x56: {  	_ =	shalt  }
0x57: {  	_ =	shalt  }
0x58: {  	_ =	shalt  }
0x59: {  	_ =	shalt  }
0x5a: {  	_ =	shalt  }
0x5b: {  	_ =	shalt  }
0x5c: {  	_ =	shalt  }
0x5d: {  	_ =	shalt  }
0x5e: {  	_ =	shalt  }
0x5f: {  	_ =	shalt  }
0x60: {  	_ =	shalt  }
0x61: {  	_ =	shalt  }
0x62: {  	_ =	shalt  }
0x63: {  	_ =	shalt  }
0x64: {  	_ =	shalt  }
0x65: {  	_ =	shalt  }
0x66: {  	_ =	shalt  }
0x67: {  	_ =	shalt  }
0x68: {  	_ =	shalt  }
0x69: {  	_ =	shalt  }
0x6a: {  	_ =	shalt  }
0x6b: {  	_ =	shalt  }
0x6c: {  	_ =	shalt  }
0x6d: {  	_ =	shalt  }
0x6e: {  	_ =	shalt  }
0x6f: {  	_ =	shalt  }
0x70: {  	_ =	shalt  }
0x71: {  	_ =	shalt  }
0x72: {  	_ =	shalt  }
0x73: {  	_ =	shalt  }
0x74: {  	_ =	shalt  }
0x75: {  	_ =	shalt  }
0x76: {  	_ =	shalt  }
0x77: {  	_ =	shalt  }
0x78: {  	_ =	shalt  }
0x79: {  	_ =	shalt  }
0x7a: {  	_ =	shalt  }
0x7b: {  	_ =	shalt  }
0x7c: {  	_ =	shalt  }
0x7d: {  	_ =	shalt  }
0x7e: {  	_ =	shalt  }
0x7f: {  	_ =	shalt  }
0x80: {  	_ =	shalt  }
0x81: {  	_ =	shalt  }
0x82: {  	_ =	shalt  }
0x83: {  	_ =	shalt  }
0x84: {  	_ =	shalt  }
0x85: {  	_ =	shalt  }
0x86: {  	_ =	shalt  }
0x87: {  	_ =	shalt  }
.Lfunc_end0:
.L_simem_size_0:
called_computation_lowered:
.L_overlay_start_0:
0x88: {  	s2 =	sld [smem:$0x3FD9]  }
0x89: {  	s3 =	sld [smem:$0x3FFE];
	_ =	sdelay $0x1  }
0x8a: {  	s1 =	srdreg.scid  }
0x8b: {  	s0 =	sand.u32 $0x1, s1  }
0x8c: {  	s17 =	sshll.u32 s0, $0xA;
	s2 =	sadd.s32 s3, s2  }
0x8d: {  	s2 =	sadd.s32 s2, s17  }
0x8e: {  	[smem:$0x3FC6] =	sst s2  }
0x8f: {  	_ = 	snop  }
0x90: {  	s2 =	sld [smem:$0x3FC8];
	(tm) =	ssettm $0x1  }
0x91: {  	s18 =	sld [smem:$0x3FFB];
	_ =	sdelay $0x3  }
0x92: {  	_ =	strace s18  }
0x93: {  	s3 =	sld [smem:$0x3FFC];
	_ =	sdelay $0x3  }
0x94: {  	_ =	strace s3  }
0x95: {  	s3 =	sld [smem:$0x3FFD];
	_ =	sdelay $0x3  }
0x96: {  	_ =	strace s3  }
0x97: {  	_ =	strace $0x8FFFFFFF  }
0x98: {  	s19 =	sld [smem:$0x3FDB];
	_ =	sdelay $0x1  }
0x99: {  	s4 =	simm.s32 $_scs_section_size  }
0x9a: {  	s5 =	simm.s32 $_size__tile_overlayer_lowered;
	s6 =	simm.s32 $_tile_overlayer_lowered  }
0x9b: {  	s22 =	simm.s32 $0x1BFF;
	s21 =	sshll.u32 s6, $0x1;
	s3 =	sadd.s32 s4, s19  }
0x9c: {  	s7 =	simm.s32 $0x0;
	s20 =	sshll.u32 s5, $0x1;
	s5 =	sadd.s32 s21, s3  }
0x9d: {  	[timem:s7], [sflag:s22] =	dma.local [hbm:s5], s20  }
0x9e: {  	_ =	swait.ge [sflag:s22], s20  }
0x9f: {  	s4 =	ssub.s32 $0x0, s20;
	[sflag:s22] =	ssyncset.done $0x0  }
0xa0: {  	[sflag:s22] =	ssyncadd.s32 s4;
	_ =	sdelay $0x1  }
0xa1: {  	s23 =	simm.s32 $0x1B8B  }
0xa2: {  	_ =	swait.ge [sflag:s23], $0x1  }
0xa3: {  	[sflag:s23] =	ssyncset.done $0x0  }
0xa4: {  	s25 =	simm.s32 $0x1B8E;
	s24 =	sld [smem:$0x3FFE];
	[sflag:s23] =	ssyncadd.s32 $0xFFFFFFFF  }
0xa5: {  	s26 =	simm.s32 $execute0_lowered;
	[smem:$0x3FD2] =	sst s25  }
0xa6: {  	s5 =	sshll.u32 s26, $0x1;
	_ =	strace $0x80000046;
	[dreg:$0x1] =	wrdreg $0xFFFFFFFF  }
0xa7: {  	s28 =	simm.s32 $_size_execute0_lowered;
	s3 =	sadd.s32 s3, s5;
	[dreg:$0x0] =	wrdreg $0x0  }
0xa8: {  	s5 =	sshll.u32 s28, $0x1;
	[dreg:$0x2] =	wrdreg s3  }
0xa9: {  	[dreg:$0x3] =	wrdreg s5  }
0xaa: {  	[dreg:$0x4] =	wrdreg $0xC0  }
0xab: {  	_ =	task [dreg:s7], $0x5FFFF  }
0xac: {  	[dreg:$0x1] =	wrdreg $0xFFFFFFFF  }
0xad: {  	[dreg:$0x0] =	wrdreg $0x60  }
0xae: {  	[dreg:$0x2] =	wrdreg s24  }
0xaf: {  	[dreg:$0x3] =	wrdreg s2  }
0xb0: {  	[dreg:$0x4] =	wrdreg $0x1B6200  }
0xb1: {  	[dreg:$0x5] =	wrdreg $0x9  }
0xb2: {  	_ =	task.clear_ibuf [dreg:s7], $0x6FFFF;
	_ =	strace $0x90000046  }
0xb3: {  	s29 =	simm.s32 $0x9;
	_ =	strace $0x80000048  }
0xb4: {  	_ =	swait.ge [sflag:s29], $0x1  }
0xb5: {  	[sflag:s29] =	ssyncadd.s32 $0xFFFFFFFF  }
0xb6: {  	_ =	strace $0x90000048  }
0xb7: {  	_ =	sfence  }
0xb8: {  	s30 =	sld [smem:$0x0];
	_ =	sdelay $0x2  }
0xb9: {  	s31 =	sshll.u32 s1, $0xD;
	s1 =	sshrl.u32 s1, $0x2  }
0xba: {  	s3 =	sand.u32 $0x4000, s31;
	s1 =	sadd.s32 s1, s30  }
0xbb: {  	s0 =	sor.u32 s3, s0;
	s1 =	sshll.u32 s1, $0x11  }
0xbc: {  	s0 =	sor.u32 s1, s0  }
0xbd: {  	s0 =	sadd.s32 $0x8F2B, s0  }
0xbe: {  	[sflag:s0] =	ssyncadd.remote.s32 $0x1  }
0xbf: {  	_ =	sfence.sel $0xFFFF  }
0xc0: {  	[dreg:$0x0] =	wrdreg $0xFFFFFFFF;
	(pc) =	sbr.abs _section_cstart, $3  }
0xc1: {  	[dreg:$0x1] =	wrdreg $0xFFFFFFFF  }
0xc2: {  	_ =	task.clear_ibuf [dreg:s7], $0x2FFFF;
	_ =	strace $0x9FFFFFFF  }
0xc3: {  	(tm) =	ssettm $0x7FFFFFFF  }
tec
execute0_lowered:
.L_overlay_start_1:
0x0: {  	(tag) =	ssettag $0x1  }
0x1: {  	s0 =	rddreg [dreg:$0x0]  }
0x2: {  	s1 =	rddreg [dreg:$0x1];
	s10 =	stileid.u32  }
0x3: {  	s4 =	rddreg [dreg:$0x2];
	s2 =	simm.s32 $0x0;
	s21 =	smul.u32 $0xC000, s10  }
0x4: {  	s20 =	srdreg.scid;
	s29 =	simm.s32 $0x0;
	s7 =	smul.u32 $0x32000, s10  }
0x5: {  	[smem:$0x7FF] =	sst s2;
	s3 =	sshll.u32 s10, $0x8;
	s9 =	smul.u32 $0x1C00, s10  }
0x6: {  	s6 =	sshll.u32 s10, $0x2;
	s20 =	sand.u32 $0x1, s20;
	s24 =	smul.u32 $0x1C0, s10  }
0x7: {  	_ =	strace $0x80000047;
	s5 =	sadd.s32 s3, s0;
	s22 =	sadd.s32 s6, s0  }
0x8: {  	s23 =	ssub.s32 $0x2, s20;
	s28 =	smul.u32 $0xC350, s20;
	s31 =	sshll.u32 s20, $0x6  }
0x9: {  	s8 =	sshrl.u32 s23, $0x1;
	s3 =	sshrl.u32 s21, $0x3;
	s5 =	sadd.s32 $0x18000, s5  }
0xa: {  	s26 =	sshrl.u32 s7, $0x3;
	s30 =	sshrl.u32 s9, $0x2;
	s23 =	ssub.s32 s23, s8  }
0xb: {  	s3 =	sadd.s32 s0, s3;
	[dreg:$0x5] =	wrdreg s5;
	s0 =	sshrl.u32 s24, $0x2  }
0xc: {  	s6 =	sadd.s32 s1, s26;
	s7 =	sadd.s32 s30, s4;
	v0 =	vmov s28;
	s28 =	simm.s32 $0x3  }
0xd: {  	s25 =	sadd.s32 $0xC80, s3;
	s8 =	sadd.s32 s0, s4;
	s0 =	sadd.s32 s31, s22  }
0xe: {  	s1 =	smax.u32 s23, $0x1;
	s4 =	sadd.s32 $0xC80, s6;
	s5 =	sadd.s32 $0x1900, s6  }
0xf: {  	s23 =	sadd.s32 $0x2580, s6;
	s24 =	sadd.s32 $0x3200, s6;
	s26 =	sadd.s32 $0x3E80, s6  }
0x10: {  	s30 =	sadd.s32 $0x4B00, s6;
	s31 =	sadd.s32 $0x5780, s6;
	[dreg:$0x4] =	wrdreg s25  }
0x11: {  	s9 =	sadd.s32 $0x700, s8;
	s10 =	sadd.s32 $0xE00, s8;
	[dreg:$0x7] =	wrdreg s1  }
0x12: {  	s11 =	sadd.s32 $0x1500, s8;
	s12 =	sadd.s32 $0x1C00, s8;
	[dreg:$0x8] =	wrdreg s4  }
0x13: {  	s13 =	sadd.s32 $0x2300, s8;
	s14 =	sadd.s32 $0x2A00, s8;
	[dreg:$0x9] =	wrdreg s5  }
0x14: {  	s15 =	sadd.s32 $0x3100, s8;
	s16 =	sadd.s32 $0x3800, s8;
	[dreg:$0xa] =	wrdreg s23  }
0x15: {  	s17 =	sadd.s32 $0x3F00, s8;
	s18 =	sadd.s32 $0x4600, s8;
	[dreg:$0xb] =	wrdreg s24  }
0x16: {  	s19 =	sadd.s32 $0x4D00, s8;
	s20 =	sadd.s32 $0x5400, s8;
	[dreg:$0xc] =	wrdreg s26  }
0x17: {  	s21 =	sadd.s32 $0x5B00, s8;
	s22 =	sadd.s32 $0x6200, s8;
	[dreg:$0xd] =	wrdreg s30  }
0x18: {  	s0 =	sadd.s32 $0x19000, s0;
	s25 =	sadd.s32 $0x6900, s8;
	[dreg:$0xe] =	wrdreg s31  }
0x19: {  	s4 =	simm.s32 $0xE000;
	s5 =	simm.s32 $0x14400;
	s23 =	simm.s32 $0x1  }
0x1a: {  	v1 =	vimm.s32 $0x0;
	v2 =	vimm.s32 $0x1;
	s24 =	simm.s32 $0x2;
	s26 =	simm.s32 $0x4;
	[dreg:$0x6] =	wrdreg s0  }
.LBB2_1:
0x1b: {  	[tilespmem:s4], [sflag:$0x1] =	stream.linear.gather [hbm4b:s3+s2], $0x6400, $0x38;
	[tilespmem:$0x1BD20] =	vst v63  }
0x1c: {  	s0 =	simm.s32 $0x40  }
0x1d: {  	[tilespmem:s0+$0xFFFFFFC0] =	vst v1  }
0x1e: {  	[tilespmem:s0+$0x30] =	vst v1  }
0x1f: {  	[tilespmem:s0+$0x20] =	vst v1  }
0x20: {  	[tilespmem:s0+$0x10] =	vst v1  }
0x21: {  	[tilespmem:s0+$0x0] =	vst v1  }
0x22: {  	[tilespmem:s0+$0xFFFFFFF0] =	vst v1  }
0x23: {  	s1 =	simm.s32 $0x0;
	[tilespmem:s0+$0xFFFFFFE0] =	vst v1  }
.LBB2_2:
0x24: {  	s1 =	sadd.s32 $0x8, s1;
	[tilespmem:s0+$0xFFFFFFD0] =	vst v1;
	s0 =	sadd.s32 $0x80, s0  }
0x25: {  	[tilespmem:s0+$0xFFFFFFC0] =	vst v1;
	p0 =	slt.u32 s1, $0xDF8  }
0x26: {  	[tilespmem:s0+$0x30] =	vst v1  }
.Ltmp0:
0x27: {  	[tilespmem:s0+$0x20] =	vst v1;
	(pc) =	sbr.rel @p0 .LBB2_2-.Ltmp0, $4  }
0x28: {  	[tilespmem:s0+$0x10] =	vst v1  }
0x29: {  	[tilespmem:s0+$0x0] =	vst v1  }
0x2a: {  	[tilespmem:s0+$0xFFFFFFF0] =	vst v1  }
0x2b: {  	[tilespmem:s0+$0xFFFFFFE0] =	vst v1  }
0x2c: {  	[tilespmem:s0+$0xFFFFFFD0] =	vst v1  }
0x2d: {  	s0 =	rddreg [dreg:$0x4]  }
0x2e: {  	[tilespmem:s5], [sflag:$0x2] =	stream.linear.gather [hbm4b:s0+s2], $0x5C00, $0x38;
	[tilespmem:$0x1BD20] =	vst v63  }
0x2f: {  	_ =	swait.ge [sflag:s23], $0x6400  }
0x30: {  	[sflag:s23] =	ssyncset.done $0x0  }
0x31: {  	s31 =	simm.s32 $0xE080;
	[sflag:s23] =	ssyncadd.s32 $0xFFFF9C00  }
0x32: {  	v3 =	vld [tilespmem:s31+$0x70]  }
0x33: {  	v4 =	vld [tilespmem:s31+$0xFFFFFF90]  }
0x34: {  	v5 =	vld [tilespmem:s31+$0xFFFFFFA0]  }
0x35: {  	v6 =	vld [tilespmem:s31+$0xFFFFFFB0]  }
0x36: {  	v7 =	vld [tilespmem:s31+$0xFFFFFFC0]  }
0x37: {  	v8 =	vld [tilespmem:s31+$0xFFFFFFD0]  }
0x38: {  	v10 =	vld [tilespmem:s31+$0xFFFFFFE0]  }
0x39: {  	v11 =	vld [tilespmem:s31+$0xFFFFFFF0]  }
0x3a: {  	v12 =	vld [tilespmem:s31+$0x0]  }
0x3b: {  	v13 =	vld [tilespmem:s31+$0x10]  }
0x3c: {  	v14 =	vld [tilespmem:s31+$0x20];
	v9 =	vsub.s32 v3, v0  }
0x3d: {  	v25 =	vld [tilespmem:s31+$0x40];
	v3 =	vand.u32 $0x7, v3;
	v27 =	vsub.s32 v4, v0;
	v28 =	vsub.s32 v5, v0  }
0x3e: {  	v18 =	vld [tilespmem:s31+$0xFFFFFF80];
	v30 =	vsub.s32 v6, v0;
	v24 =	vand.u32 $0x7, v4;
	v36 =	vsub.s32 v7, v0  }
0x3f: {  	v45 =	vld [tilespmem:s31+$0x50];
	v33 =	vand.u32 $0x7, v5;
	v38 =	vsub.s32 v8, v0;
	v39 =	vand.u32 $0x7, v6  }
0x40: {  	v16 =	vld [tilespmem:s31+$0x30];
	v41 =	vsub.s32 v10, v0;
	v42 =	vand.u32 $0x7, v7;
	v44 =	vand.u32 $0x7, v8  }
0x41: {  	v5 =	vsub.s32 v12, v0;
	v46 =	vand.u32 $0x7, v10;
	v7 =	vsub.s32 v13, v0  }
0x42: {  	v20 =	vand.u32 $0x7, v11;
	v8 =	vsub.s32 v14, v0;
	v19 =	vand.u32 $0x7, v12  }
0x43: {  	v21 =	vand.u32 $0x7, v13;
	v13 =	vsub.s32 v25, v0;
	v22 =	vand.u32 $0x7, v14  }
0x44: {  	v48 =	vsub.s32 v18, v0;
	v14 =	vsub.s32 v45, v0;
	v18 =	vand.u32 $0x7, v18  }
0x45: {  	v23 =	vand.u32 $0x7, v16;
	vm0 =	vlt.u32 v9, $0xC350;
	v9 =	vand.u32 $0xFFFFFFF8, v9  }
0x46: {  	v17 =	vand.u32 $0xFFFFFFF8, v27;
	v29 =	vand.u32 $0xFFFFFFF8, v28;
	v35 =	vand.u32 $0xFFFFFFF8, v30  }
0x47: {  	v47 =	vld [tilespmem:s31+$0x60];
	v37 =	vand.u32 $0xFFFFFFF8, v36;
	v40 =	vand.u32 $0xFFFFFFF8, v38;
	v43 =	vand.u32 $0xFFFFFFF8, v41  }
0x48: {  	v6 =	vand.u32 $0xFFFFFFF8, v5;
	v10 =	vand.u32 $0xFFFFFFF8, v8;
	v15 =	vand.u32 $0xFFFFFFF8, v13  }
0x49: {  	v26 =	vand.u32 $0xFFFFFFF8, v48;
	vm5 =	vlt.u32 v48, $0xC350;
	vm4 =	vlt.u32 v27, $0xC350  }
0x4a: {  	vm3 =	vlt.u32 v28, $0xC350;
	vm1 =	vlt.u32 v30, $0xC350;
	vm7 =	vlt.u32 v36, $0xC350  }
0x4b: {  	vm2 =	vlt.u32 v38, $0xC350;
	v34 =	vor.u32 v3, v9;
	v3 =	vsub.s32 v11, v0  }
0x4c: {  	v9 =	vand.u32 $0xFFFFFFF8, v7;
	v11 =	vsub.s32 v16, v0;
	v16 =	vsub.s32 v47, v0  }
0x4d: {  	v32 =	vor.u32 v18, v26;
	v18 =	vand.u32 $0xFFFFFFF8, v14;
	v31 =	vor.u32 v24, v17  }
0x4e: {  	v26 =	vand.u32 $0x7, v25;
	v25 =	vand.u32 $0x7, v45;
	v24 =	vand.u32 $0x7, v47  }
0x4f: {  	v33 =	vor.u32 v33, v29;
	v30 =	vor.u32 v39, v35;
	v29 =	vor.u32 v42, v37  }
0x50: {  	v28 =	vor.u32 v44, v40;
	v27 =	vor.u32 v46, v43;
	v4 =	vand.u32 $0xFFFFFFF8, v3  }
0x51: {  	s1 =	simm.s32 $0xE180;
	s0 =	simm.s32 $0x0;
	v12 =	vand.u32 $0xFFFFFFF8, v11;
	v17 =	vand.u32 $0xFFFFFFF8, v16;
	[tilespmem:v34+s2+$0x0] =	vst.idx.msk vm0, v2;
	vm0 =	vlt.u32 v41, $0xC350  }
.LBB2_4:
0x52: {  	v34 =	vld [tilespmem:s1+$0x70];
	s0 =	sadd.s32 $0x10, s0;
	vm10 =	vlt.u32 v3, $0xC350;
	v3 =	vor.u32 v20, v4;
	vm8 =	vlt.u32 v5, $0xC350  }
0x53: {  	v5 =	vor.u32 v19, v6;
	vm9 =	vlt.u32 v7, $0xC350;
	v6 =	vor.u32 v21, v9;
	v4 =	vld [tilespmem:s1+$0xFFFFFF90];
	p0 =	slt.u32 s0, $0x630;
	[tilespmem:v32+s2+$0x0] =	vst.idx.msk vm5, v2  }
0x54: {  	vm6 =	vlt.u32 v8, $0xC350;
	v8 =	vor.u32 v22, v10;
	vm5 =	vlt.u32 v11, $0xC350;
	v7 =	vld [tilespmem:s1+$0xFFFFFFA0];
	[tilespmem:v31+s2+$0x0] =	vst.idx.msk vm4, v2  }
0x55: {  	v10 =	vor.u32 v23, v12;
	v11 =	vor.u32 v26, v15;
	v9 =	vld [tilespmem:s1+$0xFFFFFFB0];
	[tilespmem:v33+s2+$0x0] =	vst.idx.msk vm3, v2;
	vm3 =	vlt.u32 v13, $0xC350  }
0x56: {  	vm4 =	vlt.u32 v14, $0xC350;
	v13 =	vor.u32 v25, v18;
	v12 =	vld [tilespmem:s1+$0xFFFFFFC0];
	[tilespmem:v30+s2+$0x0] =	vst.idx.msk vm1, v2;
	vm1 =	vlt.u32 v16, $0xC350  }
0x57: {  	v16 =	vor.u32 v24, v17;
	v14 =	vld [tilespmem:s1+$0xFFFFFFD0];
	v15 =	vsub.s32 v34, v0;
	[tilespmem:v29+s2+$0x0] =	vst.idx.msk vm7, v2  }
0x58: {  	v18 =	vand.u32 $0x7, v34;
	v17 =	vld [tilespmem:s1+$0xFFFFFFE0];
	vm7 =	vlt.u32 v15, $0xC350;
	v15 =	vand.u32 $0xFFFFFFF8, v15;
	[tilespmem:v28+s2+$0x0] =	vst.idx.msk vm2, v2  }
0x59: {  	v28 =	vsub.s32 v4, v0;
	v29 =	vsub.s32 v7, v0;
	v19 =	vld [tilespmem:s1+$0xFFFFFFF0];
	v15 =	vor.u32 v18, v15  }
0x5a: {  	v30 =	vand.u32 $0xFFFFFFF8, v28;
	v33 =	vand.u32 $0xFFFFFFF8, v29;
	v34 =	vsub.s32 v9, v0;
	v18 =	vld [tilespmem:s1+$0x0];
	[tilespmem:v27+s2+$0x0] =	vst.idx.msk vm0, v2  }
0x5b: {  	v27 =	vand.u32 $0x7, v4;
	v35 =	vand.u32 $0xFFFFFFF8, v34;
	v36 =	vsub.s32 v12, v0;
	v21 =	vld [tilespmem:s1+$0x10];
	[tilespmem:v3+s2+$0x0] =	vst.idx.msk vm10, v2  }
0x5c: {  	v37 =	vand.u32 $0x7, v7;
	v38 =	vand.u32 $0xFFFFFFF8, v36;
	v39 =	vsub.s32 v14, v0;
	v22 =	vld [tilespmem:s1+$0x20];
	[tilespmem:v5+s2+$0x0] =	vst.idx.msk vm8, v2  }
0x5d: {  	v40 =	vand.u32 $0x7, v9;
	v41 =	vand.u32 $0xFFFFFFF8, v39;
	v42 =	vsub.s32 v17, v0;
	v23 =	vld [tilespmem:s1+$0x30];
	[tilespmem:v6+s2+$0x0] =	vst.idx.msk vm9, v2  }
0x5e: {  	v43 =	vand.u32 $0x7, v12;
	v44 =	vand.u32 $0xFFFFFFF8, v42;
	v3 =	vsub.s32 v19, v0;
	v24 =	vld [tilespmem:s1+$0x40];
	[tilespmem:v15+s2+$0x0] =	vst.idx.msk vm7, v2  }
0x5f: {  	v45 =	vand.u32 $0x7, v14;
	v4 =	vand.u32 $0xFFFFFFF8, v3;
	v5 =	vsub.s32 v18, v0;
	v25 =	vld [tilespmem:s1+$0x50];
	[tilespmem:v8+s2+$0x0] =	vst.idx.msk vm6, v2  }
0x60: {  	v46 =	vand.u32 $0x7, v17;
	v6 =	vand.u32 $0xFFFFFFF8, v5;
	v7 =	vsub.s32 v21, v0;
	v31 =	vld [tilespmem:s1+$0x60];
	[tilespmem:v10+s2+$0x0] =	vst.idx.msk vm5, v2  }
0x61: {  	v20 =	vand.u32 $0x7, v19;
	v17 =	vld [tilespmem:s1+$0xFFFFFF80];
	v9 =	vand.u32 $0xFFFFFFF8, v7;
	v8 =	vsub.s32 v22, v0;
	[tilespmem:v11+s2+$0x0] =	vst.idx.msk vm3, v2  }
0x62: {  	v19 =	vand.u32 $0x7, v18;
	v10 =	vand.u32 $0xFFFFFFF8, v8;
	v11 =	vsub.s32 v23, v0;
	[tilespmem:v13+s2+$0x0] =	vst.idx.msk vm4, v2  }
0x63: {  	v21 =	vand.u32 $0x7, v21;
	v12 =	vand.u32 $0xFFFFFFF8, v11;
	v13 =	vsub.s32 v24, v0;
	[tilespmem:v16+s2+$0x0] =	vst.idx.msk vm1, v2  }
0x64: {  	v22 =	vand.u32 $0x7, v22;
	v15 =	vand.u32 $0xFFFFFFF8, v13;
	v14 =	vsub.s32 v25, v0  }
0x65: {  	v23 =	vand.u32 $0x7, v23;
	v18 =	vand.u32 $0xFFFFFFF8, v14;
	v16 =	vsub.s32 v31, v0  }
0x66: {  	v32 =	vsub.s32 v17, v0;
	v47 =	vand.u32 $0x7, v17;
	v17 =	vand.u32 $0xFFFFFFF8, v16  }
0x67: {  	v26 =	vand.u32 $0x7, v24;
	v25 =	vand.u32 $0x7, v25;
	v48 =	vand.u32 $0xFFFFFFF8, v32  }
.Ltmp1:
0x68: {  	v24 =	vand.u32 $0x7, v31;
	vm5 =	vlt.u32 v32, $0xC350;
	v32 =	vor.u32 v47, v48;
	(pc) =	sbr.rel @p0 .LBB2_4-.Ltmp1, $4  }
0x69: {  	vm3 =	vlt.u32 v29, $0xC350;
	vm4 =	vlt.u32 v28, $0xC350;
	v31 =	vor.u32 v27, v30  }
0x6a: {  	v33 =	vor.u32 v37, v33;
	vm1 =	vlt.u32 v34, $0xC350;
	v30 =	vor.u32 v40, v35  }
0x6b: {  	vm2 =	vlt.u32 v39, $0xC350;
	vm7 =	vlt.u32 v36, $0xC350;
	v29 =	vor.u32 v43, v38  }
0x6c: {  	vm0 =	vlt.u32 v42, $0xC350;
	s1 =	sadd.s32 $0x100, s1;
	v28 =	vor.u32 v45, v41;
	v27 =	vor.u32 v46, v44  }
0x6d: {  	_ =	sdelay $0x4  }
0x6e: {  	[tilespmem:v32+s2+$0x0] =	vst.idx.msk vm5, v2  }
0x6f: {  	vm5 =	vlt.u32 v3, $0xC350;
	[tilespmem:v31+s2+$0x0] =	vst.idx.msk vm4, v2  }
0x70: {  	v3 =	vor.u32 v20, v4;
	vm4 =	vlt.u32 v5, $0xC350;
	[tilespmem:v33+s2+$0x0] =	vst.idx.msk vm3, v2  }
0x71: {  	v4 =	vor.u32 v19, v6;
	vm3 =	vlt.u32 v7, $0xC350;
	[tilespmem:v30+s2+$0x0] =	vst.idx.msk vm1, v2  }
0x72: {  	v5 =	vor.u32 v21, v9;
	vm1 =	vlt.u32 v8, $0xC350;
	[tilespmem:v29+s2+$0x0] =	vst.idx.msk vm7, v2  }
0x73: {  	v6 =	vor.u32 v22, v10;
	vm6 =	vlt.u32 v11, $0xC350;
	[tilespmem:v28+s2+$0x0] =	vst.idx.msk vm2, v2  }
0x74: {  	v7 =	vor.u32 v23, v12;
	vm2 =	vlt.u32 v13, $0xC350;
	[tilespmem:v27+s2+$0x0] =	vst.idx.msk vm0, v2  }
0x75: {  	v8 =	vor.u32 v26, v15;
	vm0 =	vlt.u32 v14, $0xC350;
	[tilespmem:v3+s2+$0x0] =	vst.idx.msk vm5, v2  }
0x76: {  	v3 =	vor.u32 v25, v18;
	vm5 =	vlt.u32 v16, $0xC350;
	[tilespmem:v4+s2+$0x0] =	vst.idx.msk vm4, v2  }
0x77: {  	v4 =	vor.u32 v24, v17;
	[tilespmem:v5+s2+$0x0] =	vst.idx.msk vm3, v2  }
0x78: {  	[tilespmem:v6+s2+$0x0] =	vst.idx.msk vm1, v2  }
0x79: {  	[tilespmem:v7+s2+$0x0] =	vst.idx.msk vm6, v2  }
0x7a: {  	[tilespmem:v8+s2+$0x0] =	vst.idx.msk vm2, v2  }
0x7b: {  	[tilespmem:v3+s2+$0x0] =	vst.idx.msk vm0, v2  }
0x7c: {  	[tilespmem:v4+s2+$0x0] =	vst.idx.msk vm5, v2  }
0x7d: {  	s0 =	rddreg [dreg:$0x5]  }
0x7e: {  	[tilespmem:s4], [sflag:$0x1] =	stream.linear.gather [hbm4b:s0+s2], $0x800, $0x38;
	[tilespmem:$0x1BD20] =	vst v63  }
0x7f: {  	_ =	swait.ge [sflag:s24], $0x5C00  }
0x80: {  	[sflag:s24] =	ssyncset.done $0x0  }
0x81: {  	s31 =	simm.s32 $0x144F0;
	[sflag:s24] =	ssyncadd.s32 $0xFFFFA400  }
0x82: {  	v3 =	vld [tilespmem:s31+$0x0]  }
0x83: {  	v4 =	vld [tilespmem:s31+$0xFFFFFF20]  }
0x84: {  	v5 =	vld [tilespmem:s31+$0xFFFFFF30]  }
0x85: {  	v6 =	vld [tilespmem:s31+$0xFFFFFF40]  }
0x86: {  	v7 =	vld [tilespmem:s31+$0xFFFFFF50]  }
0x87: {  	v8 =	vld [tilespmem:s31+$0xFFFFFF60]  }
0x88: {  	v10 =	vld [tilespmem:s31+$0xFFFFFF70]  }
0x89: {  	v11 =	vld [tilespmem:s31+$0xFFFFFF80]  }
0x8a: {  	v12 =	vld [tilespmem:s31+$0xFFFFFF90]  }
0x8b: {  	v13 =	vld [tilespmem:s31+$0xFFFFFFA0]  }
0x8c: {  	v14 =	vld [tilespmem:s31+$0xFFFFFFB0];
	v9 =	vsub.s32 v3, v0  }
0x8d: {  	v25 =	vld [tilespmem:s31+$0xFFFFFFD0];
	v3 =	vand.u32 $0x7, v3;
	v27 =	vsub.s32 v4, v0;
	v28 =	vsub.s32 v5, v0  }
0x8e: {  	v18 =	vld [tilespmem:s31+$0xFFFFFF10];
	v30 =	vsub.s32 v6, v0;
	v24 =	vand.u32 $0x7, v4;
	v36 =	vsub.s32 v7, v0  }
0x8f: {  	v45 =	vld [tilespmem:s31+$0xFFFFFFE0];
	v63 =	vand.u32 $0x7, v5;
	v38 =	vsub.s32 v8, v0;
	v39 =	vand.u32 $0x7, v6  }
0x90: {  	v16 =	vld [tilespmem:s31+$0xFFFFFFC0];
	v41 =	vsub.s32 v10, v0;
	v42 =	vand.u32 $0x7, v7;
	v44 =	vand.u32 $0x7, v8  }
0x91: {  	v5 =	vsub.s32 v12, v0;
	v46 =	vand.u32 $0x7, v10;
	v7 =	vsub.s32 v13, v0  }
0x92: {  	v20 =	vand.u32 $0x7, v11;
	v8 =	vsub.s32 v14, v0;
	v19 =	vand.u32 $0x7, v12  }
0x93: {  	v21 =	vand.u32 $0x7, v13;
	v13 =	vsub.s32 v25, v0;
	v22 =	vand.u32 $0x7, v14  }
0x94: {  	v48 =	vsub.s32 v18, v0;
	v14 =	vsub.s32 v45, v0;
	v18 =	vand.u32 $0x7, v18  }
0x95: {  	v23 =	vand.u32 $0x7, v16;
	vm0 =	vlt.u32 v9, $0xC350;
	v9 =	vand.u32 $0xFFFFFFF8, v9  }
0x96: {  	v17 =	vand.u32 $0xFFFFFFF8, v27;
	v29 =	vand.u32 $0xFFFFFFF8, v28;
	v35 =	vand.u32 $0xFFFFFFF8, v30  }
0x97: {  	v47 =	vld [tilespmem:s31+$0xFFFFFFF0];
	v37 =	vand.u32 $0xFFFFFFF8, v36;
	v40 =	vand.u32 $0xFFFFFFF8, v38;
	v43 =	vand.u32 $0xFFFFFFF8, v41  }
0x98: {  	v6 =	vand.u32 $0xFFFFFFF8, v5;
	v10 =	vand.u32 $0xFFFFFFF8, v8;
	v15 =	vand.u32 $0xFFFFFFF8, v13  }
0x99: {  	v26 =	vand.u32 $0xFFFFFFF8, v48;
	vm5 =	vlt.u32 v48, $0xC350;
	vm4 =	vlt.u32 v27, $0xC350  }
0x9a: {  	vm3 =	vlt.u32 v28, $0xC350;
	vm1 =	vlt.u32 v30, $0xC350;
	vm7 =	vlt.u32 v36, $0xC350  }
0x9b: {  	vm2 =	vlt.u32 v38, $0xC350;
	v34 =	vor.u32 v3, v9;
	v3 =	vsub.s32 v11, v0  }
0x9c: {  	v9 =	vand.u32 $0xFFFFFFF8, v7;
	v11 =	vsub.s32 v16, v0;
	v16 =	vsub.s32 v47, v0  }
0x9d: {  	v32 =	vor.u32 v18, v26;
	v18 =	vand.u32 $0xFFFFFFF8, v14;
	v31 =	vor.u32 v24, v17  }
0x9e: {  	v26 =	vand.u32 $0x7, v25;
	v25 =	vand.u32 $0x7, v45;
	v24 =	vand.u32 $0x7, v47  }
0x9f: {  	v33 =	vor.u32 v63, v29;
	v30 =	vor.u32 v39, v35;
	v29 =	vor.u32 v42, v37  }
0xa0: {  	v28 =	vor.u32 v44, v40;
	v27 =	vor.u32 v46, v43;
	v4 =	vand.u32 $0xFFFFFFF8, v3  }
0xa1: {  	s1 =	simm.s32 $0x145F0;
	s0 =	simm.s32 $0x0;
	v12 =	vand.u32 $0xFFFFFFF8, v11;
	v17 =	vand.u32 $0xFFFFFFF8, v16;
	[tilespmem:v34+s2+$0x0] =	vst.idx.msk vm0, v2;
	vm0 =	vlt.u32 v41, $0xC350  }
.LBB2_6:
0xa2: {  	v34 =	vld [tilespmem:s1+$0x0];
	s0 =	sadd.s32 $0x10, s0;
	vm10 =	vlt.u32 v3, $0xC350;
	v3 =	vor.u32 v20, v4;
	vm8 =	vlt.u32 v5, $0xC350  }
0xa3: {  	v5 =	vor.u32 v19, v6;
	vm9 =	vlt.u32 v7, $0xC350;
	v6 =	vor.u32 v21, v9;
	v4 =	vld [tilespmem:s1+$0xFFFFFF20];
	p0 =	slt.u32 s0, $0x5B0;
	[tilespmem:v32+s2+$0x0] =	vst.idx.msk vm5, v2  }
0xa4: {  	vm6 =	vlt.u32 v8, $0xC350;
	v8 =	vor.u32 v22, v10;
	vm5 =	vlt.u32 v11, $0xC350;
	v7 =	vld [tilespmem:s1+$0xFFFFFF30];
	[tilespmem:v31+s2+$0x0] =	vst.idx.msk vm4, v2  }
0xa5: {  	v10 =	vor.u32 v23, v12;
	v11 =	vor.u32 v26, v15;
	v9 =	vld [tilespmem:s1+$0xFFFFFF40];
	[tilespmem:v33+s2+$0x0] =	vst.idx.msk vm3, v2;
	vm3 =	vlt.u32 v13, $0xC350  }
0xa6: {  	vm4 =	vlt.u32 v14, $0xC350;
	v13 =	vor.u32 v25, v18;
	v12 =	vld [tilespmem:s1+$0xFFFFFF50];
	[tilespmem:v30+s2+$0x0] =	vst.idx.msk vm1, v2;
	vm1 =	vlt.u32 v16, $0xC350  }
0xa7: {  	v16 =	vor.u32 v24, v17;
	v14 =	vld [tilespmem:s1+$0xFFFFFF60];
	v15 =	vsub.s32 v34, v0;
	[tilespmem:v29+s2+$0x0] =	vst.idx.msk vm7, v2  }
0xa8: {  	v18 =	vand.u32 $0x7, v34;
	v17 =	vld [tilespmem:s1+$0xFFFFFF70];
	vm7 =	vlt.u32 v15, $0xC350;
	v15 =	vand.u32 $0xFFFFFFF8, v15;
	[tilespmem:v28+s2+$0x0] =	vst.idx.msk vm2, v2  }
0xa9: {  	v28 =	vsub.s32 v4, v0;
	v29 =	vsub.s32 v7, v0;
	v19 =	vld [tilespmem:s1+$0xFFFFFF80];
	v15 =	vor.u32 v18, v15  }
0xaa: {  	v30 =	vand.u32 $0xFFFFFFF8, v28;
	v33 =	vand.u32 $0xFFFFFFF8, v29;
	v34 =	vsub.s32 v9, v0;
	v18 =	vld [tilespmem:s1+$0xFFFFFF90];
	[tilespmem:v27+s2+$0x0] =	vst.idx.msk vm0, v2  }
0xab: {  	v27 =	vand.u32 $0x7, v4;
	v35 =	vand.u32 $0xFFFFFFF8, v34;
	v36 =	vsub.s32 v12, v0;
	v21 =	vld [tilespmem:s1+$0xFFFFFFA0];
	[tilespmem:v3+s2+$0x0] =	vst.idx.msk vm10, v2  }
0xac: {  	v37 =	vand.u32 $0x7, v7;
	v38 =	vand.u32 $0xFFFFFFF8, v36;
	v39 =	vsub.s32 v14, v0;
	v22 =	vld [tilespmem:s1+$0xFFFFFFB0];
	[tilespmem:v5+s2+$0x0] =	vst.idx.msk vm8, v2  }
0xad: {  	v40 =	vand.u32 $0x7, v9;
	v41 =	vand.u32 $0xFFFFFFF8, v39;
	v42 =	vsub.s32 v17, v0;
	v23 =	vld [tilespmem:s1+$0xFFFFFFC0];
	[tilespmem:v6+s2+$0x0] =	vst.idx.msk vm9, v2  }
0xae: {  	v43 =	vand.u32 $0x7, v12;
	v44 =	vand.u32 $0xFFFFFFF8, v42;
	v3 =	vsub.s32 v19, v0;
	v24 =	vld [tilespmem:s1+$0xFFFFFFD0];
	[tilespmem:v15+s2+$0x0] =	vst.idx.msk vm7, v2  }
0xaf: {  	v45 =	vand.u32 $0x7, v14;
	v4 =	vand.u32 $0xFFFFFFF8, v3;
	v5 =	vsub.s32 v18, v0;
	v25 =	vld [tilespmem:s1+$0xFFFFFFE0];
	[tilespmem:v8+s2+$0x0] =	vst.idx.msk vm6, v2  }
0xb0: {  	v46 =	vand.u32 $0x7, v17;
	v6 =	vand.u32 $0xFFFFFFF8, v5;
	v7 =	vsub.s32 v21, v0;
	v31 =	vld [tilespmem:s1+$0xFFFFFFF0];
	[tilespmem:v10+s2+$0x0] =	vst.idx.msk vm5, v2  }
0xb1: {  	v20 =	vand.u32 $0x7, v19;
	v17 =	vld [tilespmem:s1+$0xFFFFFF10];
	v9 =	vand.u32 $0xFFFFFFF8, v7;
	v8 =	vsub.s32 v22, v0;
	[tilespmem:v11+s2+$0x0] =	vst.idx.msk vm3, v2  }
0xb2: {  	v19 =	vand.u32 $0x7, v18;
	v10 =	vand.u32 $0xFFFFFFF8, v8;
	v11 =	vsub.s32 v23, v0;
	[tilespmem:v13+s2+$0x0] =	vst.idx.msk vm4, v2  }
0xb3: {  	v21 =	vand.u32 $0x7, v21;
	v12 =	vand.u32 $0xFFFFFFF8, v11;
	v13 =	vsub.s32 v24, v0;
	[tilespmem:v16+s2+$0x0] =	vst.idx.msk vm1, v2  }
0xb4: {  	v22 =	vand.u32 $0x7, v22;
	v15 =	vand.u32 $0xFFFFFFF8, v13;
	v14 =	vsub.s32 v25, v0  }
0xb5: {  	v23 =	vand.u32 $0x7, v23;
	v18 =	vand.u32 $0xFFFFFFF8, v14;
	v16 =	vsub.s32 v31, v0  }
0xb6: {  	v32 =	vsub.s32 v17, v0;
	v47 =	vand.u32 $0x7, v17;
	v17 =	vand.u32 $0xFFFFFFF8, v16  }
0xb7: {  	v26 =	vand.u32 $0x7, v24;
	v25 =	vand.u32 $0x7, v25;
	v48 =	vand.u32 $0xFFFFFFF8, v32  }
.Ltmp2:
0xb8: {  	v24 =	vand.u32 $0x7, v31;
	vm5 =	vlt.u32 v32, $0xC350;
	v32 =	vor.u32 v47, v48;
	(pc) =	sbr.rel @p0 .LBB2_6-.Ltmp2, $4  }
0xb9: {  	vm3 =	vlt.u32 v29, $0xC350;
	vm4 =	vlt.u32 v28, $0xC350;
	v31 =	vor.u32 v27, v30  }
0xba: {  	v33 =	vor.u32 v37, v33;
	vm1 =	vlt.u32 v34, $0xC350;
	v30 =	vor.u32 v40, v35  }
0xbb: {  	vm2 =	vlt.u32 v39, $0xC350;
	vm7 =	vlt.u32 v36, $0xC350;
	v29 =	vor.u32 v43, v38  }
0xbc: {  	vm0 =	vlt.u32 v42, $0xC350;
	s1 =	sadd.s32 $0x100, s1;
	v28 =	vor.u32 v45, v41;
	v27 =	vor.u32 v46, v44  }
0xbd: {  	_ =	sdelay $0x4  }
0xbe: {  	[tilespmem:v32+s2+$0x0] =	vst.idx.msk vm5, v2  }
0xbf: {  	vm5 =	vlt.u32 v3, $0xC350;
	[tilespmem:v31+s2+$0x0] =	vst.idx.msk vm4, v2  }
0xc0: {  	v3 =	vor.u32 v20, v4;
	vm4 =	vlt.u32 v5, $0xC350;
	[tilespmem:v33+s2+$0x0] =	vst.idx.msk vm3, v2  }
0xc1: {  	v4 =	vor.u32 v19, v6;
	vm3 =	vlt.u32 v7, $0xC350;
	[tilespmem:v30+s2+$0x0] =	vst.idx.msk vm1, v2  }
0xc2: {  	v5 =	vor.u32 v21, v9;
	vm1 =	vlt.u32 v8, $0xC350;
	[tilespmem:v29+s2+$0x0] =	vst.idx.msk vm7, v2  }
0xc3: {  	v6 =	vor.u32 v22, v10;
	vm6 =	vlt.u32 v11, $0xC350;
	[tilespmem:v28+s2+$0x0] =	vst.idx.msk vm2, v2  }
0xc4: {  	v7 =	vor.u32 v23, v12;
	vm2 =	vlt.u32 v13, $0xC350;
	[tilespmem:v27+s2+$0x0] =	vst.idx.msk vm0, v2  }
0xc5: {  	v8 =	vor.u32 v26, v15;
	vm0 =	vlt.u32 v14, $0xC350;
	[tilespmem:v3+s2+$0x0] =	vst.idx.msk vm5, v2  }
0xc6: {  	v3 =	vor.u32 v25, v18;
	vm5 =	vlt.u32 v16, $0xC350;
	[tilespmem:v4+s2+$0x0] =	vst.idx.msk vm4, v2  }
0xc7: {  	v4 =	vor.u32 v24, v17;
	[tilespmem:v5+s2+$0x0] =	vst.idx.msk vm3, v2  }
0xc8: {  	[tilespmem:v6+s2+$0x0] =	vst.idx.msk vm1, v2  }
0xc9: {  	[tilespmem:v7+s2+$0x0] =	vst.idx.msk vm6, v2  }
0xca: {  	[tilespmem:v8+s2+$0x0] =	vst.idx.msk vm2, v2  }
0xcb: {  	[tilespmem:v3+s2+$0x0] =	vst.idx.msk vm0, v2  }
0xcc: {  	[tilespmem:v4+s2+$0x0] =	vst.idx.msk vm5, v2  }
0xcd: {  	_ =	swait.ge [sflag:s23], $0x800  }
0xce: {  	[sflag:s23] =	ssyncset.done $0x0  }
0xcf: {  	s0 =	simm.s32 $0xE080;
	[sflag:s23] =	ssyncadd.s32 $0xFFFFF800  }
0xd0: {  	v3 =	vld [tilespmem:s0+$0x70]  }
0xd1: {  	v4 =	vld [tilespmem:s0+$0xFFFFFF90]  }
0xd2: {  	v5 =	vld [tilespmem:s0+$0xFFFFFFA0]  }
0xd3: {  	v6 =	vld [tilespmem:s0+$0xFFFFFFB0]  }
0xd4: {  	v7 =	vld [tilespmem:s0+$0xFFFFFFC0]  }
0xd5: {  	v8 =	vld [tilespmem:s0+$0xFFFFFFD0]  }
0xd6: {  	v10 =	vld [tilespmem:s0+$0xFFFFFFE0]  }
0xd7: {  	v11 =	vld [tilespmem:s0+$0xFFFFFFF0]  }
0xd8: {  	v12 =	vld [tilespmem:s0+$0x0]  }
0xd9: {  	v13 =	vld [tilespmem:s0+$0x10]  }
0xda: {  	v14 =	vld [tilespmem:s0+$0x20];
	v9 =	vsub.s32 v3, v0  }
0xdb: {  	v25 =	vld [tilespmem:s0+$0x40];
	v3 =	vand.u32 $0x7, v3;
	v27 =	vsub.s32 v4, v0;
	v28 =	vsub.s32 v5, v0  }
0xdc: {  	v18 =	vld [tilespmem:s0+$0xFFFFFF80];
	v30 =	vsub.s32 v6, v0;
	v24 =	vand.u32 $0x7, v4;
	v36 =	vsub.s32 v7, v0  }
0xdd: {  	v45 =	vld [tilespmem:s0+$0x50];
	v63 =	vand.u32 $0x7, v5;
	v38 =	vsub.s32 v8, v0;
	v39 =	vand.u32 $0x7, v6  }
0xde: {  	v16 =	vld [tilespmem:s0+$0x30];
	v41 =	vsub.s32 v10, v0;
	v42 =	vand.u32 $0x7, v7;
	v44 =	vand.u32 $0x7, v8  }
0xdf: {  	v5 =	vsub.s32 v12, v0;
	v46 =	vand.u32 $0x7, v10;
	v7 =	vsub.s32 v13, v0  }
0xe0: {  	v20 =	vand.u32 $0x7, v11;
	v8 =	vsub.s32 v14, v0;
	v19 =	vand.u32 $0x7, v12  }
0xe1: {  	v21 =	vand.u32 $0x7, v13;
	v13 =	vsub.s32 v25, v0;
	v22 =	vand.u32 $0x7, v14  }
0xe2: {  	v48 =	vsub.s32 v18, v0;
	v14 =	vsub.s32 v45, v0;
	v18 =	vand.u32 $0x7, v18  }
0xe3: {  	v23 =	vand.u32 $0x7, v16;
	vm0 =	vlt.u32 v9, $0xC350;
	v9 =	vand.u32 $0xFFFFFFF8, v9  }
0xe4: {  	v17 =	vand.u32 $0xFFFFFFF8, v27;
	v29 =	vand.u32 $0xFFFFFFF8, v28;
	v35 =	vand.u32 $0xFFFFFFF8, v30  }
0xe5: {  	v47 =	vld [tilespmem:s0+$0x60];
	v37 =	vand.u32 $0xFFFFFFF8, v36;
	v40 =	vand.u32 $0xFFFFFFF8, v38;
	v43 =	vand.u32 $0xFFFFFFF8, v41  }
0xe6: {  	v6 =	vand.u32 $0xFFFFFFF8, v5;
	v10 =	vand.u32 $0xFFFFFFF8, v8;
	v15 =	vand.u32 $0xFFFFFFF8, v13  }
0xe7: {  	v26 =	vand.u32 $0xFFFFFFF8, v48;
	vm5 =	vlt.u32 v48, $0xC350;
	vm4 =	vlt.u32 v27, $0xC350  }
0xe8: {  	vm3 =	vlt.u32 v28, $0xC350;
	vm1 =	vlt.u32 v30, $0xC350;
	vm7 =	vlt.u32 v36, $0xC350  }
0xe9: {  	vm2 =	vlt.u32 v38, $0xC350;
	v34 =	vor.u32 v3, v9;
	v3 =	vsub.s32 v11, v0  }
0xea: {  	v9 =	vand.u32 $0xFFFFFFF8, v7;
	v11 =	vsub.s32 v16, v0;
	v16 =	vsub.s32 v47, v0  }
0xeb: {  	v32 =	vor.u32 v18, v26;
	v18 =	vand.u32 $0xFFFFFFF8, v14;
	v31 =	vor.u32 v24, v17  }
0xec: {  	v26 =	vand.u32 $0x7, v25;
	v25 =	vand.u32 $0x7, v45;
	v24 =	vand.u32 $0x7, v47  }
0xed: {  	v33 =	vor.u32 v63, v29;
	v30 =	vor.u32 v39, v35;
	v29 =	vor.u32 v42, v37  }
0xee: {  	v28 =	vor.u32 v44, v40;
	v27 =	vor.u32 v46, v43;
	v4 =	vand.u32 $0xFFFFFFF8, v3  }
0xef: {  	s1 =	simm.s32 $0xE180;
	s0 =	simm.s32 $0x0;
	v12 =	vand.u32 $0xFFFFFFF8, v11;
	v17 =	vand.u32 $0xFFFFFFF8, v16;
	[tilespmem:v34+s2+$0x0] =	vst.idx.msk vm0, v2;
	vm0 =	vlt.u32 v41, $0xC350  }
.LBB2_8:
0xf0: {  	v34 =	vld [tilespmem:s1+$0x70];
	s0 =	sadd.s32 $0x10, s0;
	vm10 =	vlt.u32 v3, $0xC350;
	v3 =	vor.u32 v20, v4;
	vm8 =	vlt.u32 v5, $0xC350  }
0xf1: {  	v5 =	vor.u32 v19, v6;
	vm9 =	vlt.u32 v7, $0xC350;
	v6 =	vor.u32 v21, v9;
	v4 =	vld [tilespmem:s1+$0xFFFFFF90];
	p0 =	slt.u32 s0, $0x70;
	[tilespmem:v32+s2+$0x0] =	vst.idx.msk vm5, v2  }
0xf2: {  	vm6 =	vlt.u32 v8, $0xC350;
	v8 =	vor.u32 v22, v10;
	vm5 =	vlt.u32 v11, $0xC350;
	v7 =	vld [tilespmem:s1+$0xFFFFFFA0];
	[tilespmem:v31+s2+$0x0] =	vst.idx.msk vm4, v2  }
0xf3: {  	v10 =	vor.u32 v23, v12;
	v11 =	vor.u32 v26, v15;
	v9 =	vld [tilespmem:s1+$0xFFFFFFB0];
	[tilespmem:v33+s2+$0x0] =	vst.idx.msk vm3, v2;
	vm3 =	vlt.u32 v13, $0xC350  }
0xf4: {  	vm4 =	vlt.u32 v14, $0xC350;
	v13 =	vor.u32 v25, v18;
	v12 =	vld [tilespmem:s1+$0xFFFFFFC0];
	[tilespmem:v30+s2+$0x0] =	vst.idx.msk vm1, v2;
	vm1 =	vlt.u32 v16, $0xC350  }
0xf5: {  	v16 =	vor.u32 v24, v17;
	v14 =	vld [tilespmem:s1+$0xFFFFFFD0];
	v15 =	vsub.s32 v34, v0;
	[tilespmem:v29+s2+$0x0] =	vst.idx.msk vm7, v2  }
0xf6: {  	v18 =	vand.u32 $0x7, v34;
	v17 =	vld [tilespmem:s1+$0xFFFFFFE0];
	vm7 =	vlt.u32 v15, $0xC350;
	v15 =	vand.u32 $0xFFFFFFF8, v15;
	[tilespmem:v28+s2+$0x0] =	vst.idx.msk vm2, v2  }
0xf7: {  	v28 =	vsub.s32 v4, v0;
	v29 =	vsub.s32 v7, v0;
	v19 =	vld [tilespmem:s1+$0xFFFFFFF0];
	v15 =	vor.u32 v18, v15  }
0xf8: {  	v30 =	vand.u32 $0xFFFFFFF8, v28;
	v33 =	vand.u32 $0xFFFFFFF8, v29;
	v34 =	vsub.s32 v9, v0;
	v18 =	vld [tilespmem:s1+$0x0];
	[tilespmem:v27+s2+$0x0] =	vst.idx.msk vm0, v2  }
0xf9: {  	v27 =	vand.u32 $0x7, v4;
	v35 =	vand.u32 $0xFFFFFFF8, v34;
	v36 =	vsub.s32 v12, v0;
	v21 =	vld [tilespmem:s1+$0x10];
	[tilespmem:v3+s2+$0x0] =	vst.idx.msk vm10, v2  }
0xfa: {  	v37 =	vand.u32 $0x7, v7;
	v38 =	vand.u32 $0xFFFFFFF8, v36;
	v39 =	vsub.s32 v14, v0;
	v22 =	vld [tilespmem:s1+$0x20];
	[tilespmem:v5+s2+$0x0] =	vst.idx.msk vm8, v2  }
0xfb: {  	v40 =	vand.u32 $0x7, v9;
	v41 =	vand.u32 $0xFFFFFFF8, v39;
	v42 =	vsub.s32 v17, v0;
	v23 =	vld [tilespmem:s1+$0x30];
	[tilespmem:v6+s2+$0x0] =	vst.idx.msk vm9, v2  }
0xfc: {  	v43 =	vand.u32 $0x7, v12;
	v44 =	vand.u32 $0xFFFFFFF8, v42;
	v3 =	vsub.s32 v19, v0;
	v24 =	vld [tilespmem:s1+$0x40];
	[tilespmem:v15+s2+$0x0] =	vst.idx.msk vm7, v2  }
0xfd: {  	v45 =	vand.u32 $0x7, v14;
	v4 =	vand.u32 $0xFFFFFFF8, v3;
	v5 =	vsub.s32 v18, v0;
	v25 =	vld [tilespmem:s1+$0x50];
	[tilespmem:v8+s2+$0x0] =	vst.idx.msk vm6, v2  }
0xfe: {  	v46 =	vand.u32 $0x7, v17;
	v6 =	vand.u32 $0xFFFFFFF8, v5;
	v7 =	vsub.s32 v21, v0;
	v31 =	vld [tilespmem:s1+$0x60];
	[tilespmem:v10+s2+$0x0] =	vst.idx.msk vm5, v2  }
0xff: {  	v20 =	vand.u32 $0x7, v19;
	v17 =	vld [tilespmem:s1+$0xFFFFFF80];
	v9 =	vand.u32 $0xFFFFFFF8, v7;
	v8 =	vsub.s32 v22, v0;
	[tilespmem:v11+s2+$0x0] =	vst.idx.msk vm3, v2  }
0x100: {  	v19 =	vand.u32 $0x7, v18;
	v10 =	vand.u32 $0xFFFFFFF8, v8;
	v11 =	vsub.s32 v23, v0;
	[tilespmem:v13+s2+$0x0] =	vst.idx.msk vm4, v2  }
0x101: {  	v21 =	vand.u32 $0x7, v21;
	v12 =	vand.u32 $0xFFFFFFF8, v11;
	v13 =	vsub.s32 v24, v0;
	[tilespmem:v16+s2+$0x0] =	vst.idx.msk vm1, v2  }
0x102: {  	v22 =	vand.u32 $0x7, v22;
	v15 =	vand.u32 $0xFFFFFFF8, v13;
	v14 =	vsub.s32 v25, v0  }
0x103: {  	v23 =	vand.u32 $0x7, v23;
	v18 =	vand.u32 $0xFFFFFFF8, v14;
	v16 =	vsub.s32 v31, v0  }
0x104: {  	v32 =	vsub.s32 v17, v0;
	v47 =	vand.u32 $0x7, v17;
	v17 =	vand.u32 $0xFFFFFFF8, v16  }
0x105: {  	v26 =	vand.u32 $0x7, v24;
	v25 =	vand.u32 $0x7, v25;
	v48 =	vand.u32 $0xFFFFFFF8, v32  }
.Ltmp3:
0x106: {  	v24 =	vand.u32 $0x7, v31;
	vm5 =	vlt.u32 v32, $0xC350;
	v32 =	vor.u32 v47, v48;
	(pc) =	sbr.rel @p0 .LBB2_8-.Ltmp3, $4  }
0x107: {  	vm3 =	vlt.u32 v29, $0xC350;
	vm4 =	vlt.u32 v28, $0xC350;
	v31 =	vor.u32 v27, v30  }
0x108: {  	v33 =	vor.u32 v37, v33;
	vm1 =	vlt.u32 v34, $0xC350;
	v30 =	vor.u32 v40, v35  }
0x109: {  	vm2 =	vlt.u32 v39, $0xC350;
	vm7 =	vlt.u32 v36, $0xC350;
	v29 =	vor.u32 v43, v38  }
0x10a: {  	vm0 =	vlt.u32 v42, $0xC350;
	s1 =	sadd.s32 $0x100, s1;
	v28 =	vor.u32 v45, v41;
	v27 =	vor.u32 v46, v44  }
0x10b: {  	_ =	sdelay $0x4  }
0x10c: {  	[tilespmem:v32+s2+$0x0] =	vst.idx.msk vm5, v2  }
0x10d: {  	vm9 =	vlt.u32 v3, $0xC350;
	[tilespmem:v31+s2+$0x0] =	vst.idx.msk vm4, v2  }
0x10e: {  	v3 =	vor.u32 v20, v4;
	vm10 =	vlt.u32 v5, $0xC350;
	[tilespmem:v33+s2+$0x0] =	vst.idx.msk vm3, v2  }
0x10f: {  	v4 =	vor.u32 v19, v6;
	vm11 =	vlt.u32 v7, $0xC350;
	[tilespmem:v30+s2+$0x0] =	vst.idx.msk vm1, v2  }
0x110: {  	v5 =	vor.u32 v21, v9;
	vm12 =	vlt.u32 v8, $0xC350;
	[tilespmem:v29+s2+$0x0] =	vst.idx.msk vm7, v2  }
0x111: {  	v6 =	vor.u32 v22, v10;
	vm6 =	vlt.u32 v11, $0xC350;
	[tilespmem:v28+s2+$0x0] =	vst.idx.msk vm2, v2  }
0x112: {  	v7 =	vor.u32 v23, v12;
	vm13 =	vlt.u32 v13, $0xC350;
	[tilespmem:v27+s2+$0x0] =	vst.idx.msk vm0, v2  }
0x113: {  	v8 =	vor.u32 v26, v15;
	vm14 =	vlt.u32 v14, $0xC350;
	[tilespmem:v3+s2+$0x0] =	vst.idx.msk vm9, v2  }
0x114: {  	vm15 =	vlt.u32 v16, $0xC350;
	v3 =	vor.u32 v25, v18;
	[tilespmem:v4+s2+$0x0] =	vst.idx.msk vm10, v2  }
0x115: {  	v4 =	vor.u32 v24, v17;
	[tilespmem:v5+s2+$0x0] =	vst.idx.msk vm11, v2  }
0x116: {  	[tilespmem:v6+s2+$0x0] =	vst.idx.msk vm12, v2  }
0x117: {  	[tilespmem:v7+s2+$0x0] =	vst.idx.msk vm6, v2  }
0x118: {  	[tilespmem:v8+s2+$0x0] =	vst.idx.msk vm13, v2  }
0x119: {  	[tilespmem:v3+s2+$0x0] =	vst.idx.msk vm14, v2  }
0x11a: {  	s0 =	simm.s32 $0x0;
	s30 =	simm.s32 $0x0;
	[tilespmem:v4+s2+$0x0] =	vst.idx.msk vm15, v2  }
0x11b: {  	[tilespmem:s4], [sflag:$0x1] =	stream.linear.gather [hbm4b:s6+s0], $0x6400, $0x38;
	[tilespmem:$0x1BD20] =	vst v63  }
0x11c: {  	v3 =	vld [tilespmem:s30+$0x10]  }
0x11d: {  	v4 =	vld [tilespmem:s30+$0x710]  }
0x11e: {  	v5 =	vld [tilespmem:s30+$0xE10]  }
0x11f: {  	v6 =	vld [tilespmem:s30+$0x1510]  }
0x120: {  	v7 =	vld [tilespmem:s30+$0x700]  }
0x121: {  	[tilespmem:s30+$0x10] =	vst v1;
	v8 =	vld [tilespmem:s30+$0x1C10]  }
0x122: {  	[tilespmem:s30+$0x710] =	vst v1;
	v9 =	vld [tilespmem:s30+$0x0]  }
0x123: {  	[tilespmem:s30+$0xE10] =	vst v1;
	v10 =	vld [tilespmem:s30+$0x2310]  }
0x124: {  	[tilespmem:s30+$0x1510] =	vst v1;
	v11 =	vld [tilespmem:s30+$0xE00]  }
0x125: {  	[tilespmem:s30+$0x700] =	vst v1;
	v60 =	vld [tilespmem:s30+$0x2A10]  }
0x126: {  	[tilespmem:s30+$0x1C10] =	vst v1;
	v61 =	vld [tilespmem:s30+$0x1500]  }
0x127: {  	[tilespmem:s30+$0x0] =	vst v1;
	v62 =	vld [tilespmem:s30+$0x3110]  }
0x128: {  	[tilespmem:s30+$0x2310] =	vst v1;
	v63 =	vld [tilespmem:s30+$0x1C00]  }
0x129: {  	[tilespmem:s30+$0xE00] =	vst v1;
	v28 =	vld [tilespmem:s30+$0x3810]  }
0x12a: {  	[tilespmem:s30+$0x2A10] =	vst v1;
	v29 =	vld [tilespmem:s30+$0x2300]  }
0x12b: {  	[tilespmem:s30+$0x1500] =	vst v1;
	v30 =	vld [tilespmem:s30+$0x3F10]  }
0x12c: {  	[tilespmem:s30+$0x3110] =	vst v1;
	v31 =	vld [tilespmem:s30+$0x2A00]  }
0x12d: {  	[tilespmem:s30+$0x1C00] =	vst v1;
	v32 =	vld [tilespmem:s30+$0x4610]  }
0x12e: {  	[tilespmem:s30+$0x3810] =	vst v1;
	v33 =	vld [tilespmem:s30+$0x3100]  }
0x12f: {  	[tilespmem:s30+$0x2300] =	vst v1;
	v34 =	vld [tilespmem:s30+$0x4D10]  }
0x130: {  	[tilespmem:s30+$0x3F10] =	vst v1;
	v35 =	vld [tilespmem:s30+$0x3800]  }
0x131: {  	[tilespmem:s30+$0x2A00] =	vst v1;
	v36 =	vld [tilespmem:s30+$0x5410]  }
0x132: {  	[tilespmem:s30+$0x4610] =	vst v1;
	v37 =	vld [tilespmem:s30+$0x3F00]  }
0x133: {  	[tilespmem:s30+$0x3100] =	vst v1;
	v38 =	vld [tilespmem:s30+$0x6910];
	v4 =	vshll.u32 v4, $0x1  }
0x134: {  	[tilespmem:s30+$0x4D10] =	vst v1;
	v39 =	vld [tilespmem:s30+$0x5400];
	v3 =	vor.u32 v3, v4;
	v4 =	vshll.u32 v5, $0x2  }
0x135: {  	[tilespmem:s30+$0x3800] =	vst v1;
	v40 =	vld [tilespmem:s30+$0x7010];
	v3 =	vor.u32 v4, v3;
	v4 =	vshll.u32 v6, $0x3  }
0x136: {  	[tilespmem:s30+$0x5410] =	vst v1;
	v41 =	vld [tilespmem:s30+$0x5B00];
	v3 =	vor.u32 v4, v3;
	v4 =	vshll.u32 v8, $0x4  }
0x137: {  	[tilespmem:s30+$0x3F00] =	vst v1;
	v42 =	vld [tilespmem:s30+$0x7710];
	v3 =	vor.u32 v4, v3;
	v4 =	vshll.u32 v10, $0x5  }
0x138: {  	[tilespmem:s30+$0x6910] =	vst v1;
	v43 =	vld [tilespmem:s30+$0x6200];
	v3 =	vor.u32 v4, v3;
	v4 =	vshll.u32 v60, $0x6  }
0x139: {  	[tilespmem:s30+$0x5400] =	vst v1;
	v44 =	vld [tilespmem:s30+$0x7E10];
	v3 =	vor.u32 v4, v3;
	v4 =	vshll.u32 v62, $0x7  }
0x13a: {  	[tilespmem:s30+$0x7010] =	vst v1;
	v5 =	vld [tilespmem:s30+$0x5B10];
	v3 =	vor.u32 v4, v3;
	v4 =	vshll.u32 v28, $0x8  }
0x13b: {  	[tilespmem:s30+$0x5B00] =	vst v1;
	v8 =	vld [tilespmem:s30+$0x6210];
	v3 =	vor.u32 v4, v3;
	v4 =	vshll.u32 v30, $0x9  }
0x13c: {  	[tilespmem:s30+$0x7710] =	vst v1;
	v45 =	vld [tilespmem:s30+$0x7000];
	v3 =	vor.u32 v4, v3;
	v4 =	vshll.u32 v32, $0xA  }
0x13d: {  	[tilespmem:s30+$0x6200] =	vst v1;
	v46 =	vld [tilespmem:s30+$0x8C10];
	v3 =	vor.u32 v4, v3;
	v4 =	vshll.u32 v34, $0xB  }
0x13e: {  	[tilespmem:s30+$0x7E10] =	vst v1;
	v47 =	vld [tilespmem:s30+$0x7700];
	v3 =	vor.u32 v4, v3;
	v4 =	vshll.u32 v36, $0xC  }
0x13f: {  	[tilespmem:s30+$0x7000] =	vst v1;
	v48 =	vld [tilespmem:s30+$0x9310];
	v3 =	vor.u32 v4, v3;
	v4 =	vshll.u32 v5, $0xD  }
0x140: {  	[tilespmem:s30+$0x8C10] =	vst v1;
	v3 =	vor.u32 v4, v3;
	v4 =	vshll.u32 v8, $0xE;
	v8 =	vld [tilespmem:s30+$0x8510]  }
0x141: {  	[tilespmem:s30+$0x7700] =	vst v1;
	v49 =	vld [tilespmem:s30+$0x9A10];
	v3 =	vor.u32 v4, v3;
	v4 =	vshll.u32 v38, $0xF  }
0x142: {  	[tilespmem:s30+$0x9310] =	vst v1;
	v50 =	vld [tilespmem:s30+$0xA110];
	v3 =	vor.u32 v4, v3;
	v4 =	vshll.u32 v40, $0x10  }
0x143: {  	[tilespmem:s30+$0x9A10] =	vst v1;
	v51 =	vld [tilespmem:s30+$0x8C00];
	v3 =	vor.u32 v4, v3;
	v4 =	vshll.u32 v42, $0x11  }
0x144: {  	[tilespmem:s30+$0xA110] =	vst v1;
	v6 =	vld [tilespmem:s30+$0x4600];
	v3 =	vor.u32 v4, v3;
	v4 =	vshll.u32 v44, $0x12  }
0x145: {  	v52 =	vld [tilespmem:s30+$0xA810];
	[tilespmem:s30+$0x8C00] =	vst v1;
	v3 =	vor.u32 v4, v3;
	v4 =	vshll.u32 v8, $0x13  }
0x146: {  	[tilespmem:s30+$0xA810] =	vst v1;
	v53 =	vld [tilespmem:s30+$0x9300];
	v3 =	vor.u32 v4, v3;
	v4 =	vshll.u32 v7, $0x1  }
0x147: {  	v54 =	vld [tilespmem:s30+$0xAF10];
	[tilespmem:s30+$0x9300] =	vst v1;
	v7 =	vshll.u32 v46, $0x14;
	v4 =	vor.u32 v9, v4;
	v9 =	vshll.u32 v11, $0x2  }
0x148: {  	[tilespmem:s30+$0xAF10] =	vst v1;
	v55 =	vld [tilespmem:s30+$0x9A00];
	v3 =	vor.u32 v7, v3;
	v7 =	vshll.u32 v61, $0x3;
	v4 =	vor.u32 v9, v4  }
0x149: {  	v56 =	vld [tilespmem:s30+$0xB610];
	[tilespmem:s30+$0x9A00] =	vst v1;
	v6 =	vshll.u32 v6, $0xA;
	v4 =	vor.u32 v7, v4;
	v7 =	vshll.u32 v63, $0x4  }
0x14a: {  	[tilespmem:s30+$0xB610] =	vst v1;
	v57 =	vld [tilespmem:s30+$0xBD10];
	v9 =	vshll.u32 v48, $0x15;
	v4 =	vor.u32 v7, v4;
	v7 =	vshll.u32 v29, $0x5  }
0x14b: {  	[tilespmem:s30+$0xBD10] =	vst v1;
	v10 =	vld [tilespmem:s30+$0x4D00];
	v3 =	vor.u32 v9, v3;
	v4 =	vor.u32 v7, v4;
	v7 =	vshll.u32 v31, $0x6  }
0x14c: {  	v58 =	vld [tilespmem:s30+$0xC410];
	[tilespmem:s30+$0xC410] =	vst v1;
	v9 =	vshll.u32 v49, $0x16;
	v4 =	vor.u32 v7, v4;
	v7 =	vshll.u32 v33, $0x7  }
0x14d: {  	v59 =	vld [tilespmem:s30+$0xAF00];
	[tilespmem:s30+$0xAF00] =	vst v1;
	v3 =	vor.u32 v9, v3;
	v4 =	vor.u32 v7, v4;
	v7 =	vshll.u32 v35, $0x8  }
0x14e: {  	[tilespmem:s30+$0x5B10] =	vst v1;
	v9 =	vshll.u32 v50, $0x17;
	v4 =	vor.u32 v7, v4;
	v7 =	vshll.u32 v37, $0x9  }
0x14f: {  	[tilespmem:s30+$0x4600] =	vst v1;
	v5 =	vld [tilespmem:s30+$0x6900];
	v3 =	vor.u32 v9, v3;
	v9 =	vshll.u32 v52, $0x18;
	v4 =	vor.u32 v7, v4  }
0x150: {  	[tilespmem:s30+$0x6210] =	vst v1;
	v3 =	vor.u32 v9, v3;
	v4 =	vor.u32 v6, v4;
	v6 =	vshll.u32 v10, $0xB  }
0x151: {  	[tilespmem:s30+$0x4D00] =	vst v1;
	v60 =	vld [tilespmem:s30+$0xCB10];
	v9 =	vshll.u32 v54, $0x19;
	v4 =	vor.u32 v6, v4;
	v6 =	vshll.u32 v39, $0xC  }
0x152: {  	[tilespmem:s30+$0xCB10] =	vst v1;
	v8 =	vld [tilespmem:s30+$0x7E00];
	v3 =	vor.u32 v9, v3;
	v4 =	vor.u32 v6, v4;
	v6 =	vshll.u32 v41, $0xD  }
0x153: {  	[tilespmem:s30+$0x6900] =	vst v1;
	v11 =	vld [tilespmem:s30+$0x8500];
	v9 =	vshll.u32 v56, $0x1A;
	v4 =	vor.u32 v6, v4;
	v6 =	vshll.u32 v43, $0xE  }
0x154: {  	v62 =	vld [tilespmem:s30+$0xD910];
	[tilespmem:s30+$0x8510] =	vst v1;
	v5 =	vshll.u32 v5, $0xF;
	v3 =	vor.u32 v9, v3;
	v4 =	vor.u32 v6, v4  }
0x155: {  	[tilespmem:s30+$0x7E00] =	vst v1;
	v61 =	vld [tilespmem:s30+$0xD210];
	v6 =	vshll.u32 v57, $0x1B;
	v4 =	vor.u32 v5, v4;
	v5 =	vshll.u32 v45, $0x10  }
0x156: {  	[tilespmem:s30+$0x8500] =	vst v1;
	v9 =	vld [tilespmem:s30+$0xB600];
	v3 =	vor.u32 v6, v3;
	v4 =	vor.u32 v5, v4;
	v5 =	vshll.u32 v47, $0x11  }
0x157: {  	[tilespmem:s30+$0xD210] =	vst v1;
	v7 =	vld [tilespmem:s30+$0xA100];
	v6 =	vshll.u32 v58, $0x1C;
	v4 =	vor.u32 v5, v4;
	v5 =	vshll.u32 v8, $0x12  }
0x158: {  	[tilespmem:s30+$0xB600] =	vst v1;
	v10 =	vld [tilespmem:s30+$0xA800];
	v6 =	vor.u32 v6, v3;
	v3 =	vor.u32 v5, v4;
	v4 =	vshll.u32 v11, $0x13  }
0x159: {  	[tilespmem:s30+$0xA100] =	vst v1;
	v5 =	vshll.u32 v60, $0x1D;
	v11 =	vshll.u32 v51, $0x14;
	v4 =	vor.u32 v4, v3  }
0x15a: {  	[tilespmem:s30+$0xA800] =	vst v1;
	v5 =	vor.u32 v5, v6;
	v6 =	vshll.u32 v53, $0x15;
	v4 =	vor.u32 v11, v4  }
0x15b: {  	v63 =	vshll.u32 v55, $0x16;
	v8 =	vld [tilespmem:s30+$0xBD00];
	[tilespmem:s30+$0xBD00] =	vst v1;
	v11 =	vshll.u32 v61, $0x1E;
	v6 =	vor.u32 v6, v4  }
0x15c: {  	v3 =	vld [tilespmem:s30+$0xC400];
	[tilespmem:s30+$0xC400] =	vst v1;
	v11 =	vor.u32 v11, v5;
	v5 =	vor.u32 v63, v6;
	v6 =	vshll.u32 v7, $0x17  }
0x15d: {  	v10 =	vshll.u32 v10, $0x18;
	v4 =	vld [tilespmem:s30+$0xCB00];
	[tilespmem:s30+$0xCB00] =	vst v1;
	v7 =	vshll.u32 v62, $0x1F;
	v6 =	vor.u32 v6, v5  }
0x15e: {  	v5 =	vld [tilespmem:s30+$0xD200];
	v7 =	vor.u32 v7, v11;
	[tilespmem:s30+$0xD200] =	vst v1;
	v6 =	vor.u32 v10, v6;
	v10 =	vshll.u32 v59, $0x19  }
0x15f: {  	v9 =	vshll.u32 v9, $0x1A;
	[tilespmem:s30+$0x1A810] =	vst v7;
	v7 =	vor.u32 v10, v6;
	v6 =	vld [tilespmem:s30+$0xD900]  }
0x160: {  	s31 =	simm.s32 $0x0;
	s0 =	simm.s32 $0x80;
	v8 =	vshll.u32 v8, $0x1B;
	[tilespmem:s30+$0xD900] =	vst v1;
	v7 =	vor.u32 v9, v7  }
.LBB2_10:
0x161: {  	s1 =	sshra.s32 s0, $0x2;
	v7 =	vor.u32 v8, v7;
	v3 =	vshll.u32 v3, $0x1C;
	[tilespmem:s30+$0xD910] =	vst v1  }
0x162: {  	s31 =	sadd.s32 $0x2, s31;
	v8 =	vld [tilespmem:s1+$0x10];
	[tilespmem:s1+$0x10] =	vst v1;
	v3 =	vor.u32 v3, v7;
	v4 =	vshll.u32 v4, $0x1D  }
0x163: {  	p0 =	slt.u32 s31, $0x6E;
	v7 =	vld [tilespmem:s1+$0x710];
	[tilespmem:s1+$0x710] =	vst v1;
	v3 =	vor.u32 v4, v3;
	v4 =	vshll.u32 v5, $0x1E  }
0x164: {  	v5 =	vld [tilespmem:s1+$0xE10];
	[tilespmem:s1+$0xE10] =	vst v1;
	v3 =	vor.u32 v4, v3;
	v4 =	vshll.u32 v6, $0x1F  }
0x165: {  	v6 =	vld [tilespmem:s1+$0x1510];
	[tilespmem:s1+$0x1510] =	vst v1;
	v3 =	vor.u32 v4, v3  }
0x166: {  	v4 =	vld [tilespmem:s1+$0x1C10];
	[tilespmem:s30+$0x1A800] =	vst v3;
	s30 =	smov.u32 s1  }
0x167: {  	[tilespmem:s30+$0x1C10] =	vst v1;
	v3 =	vld [tilespmem:s30+$0x2310]  }
0x168: {  	v7 =	vshll.u32 v7, $0x1;
	[tilespmem:s30+$0x2310] =	vst v1;
	v9 =	vld [tilespmem:s30+$0x2A10]  }
0x169: {  	v7 =	vor.u32 v8, v7;
	v5 =	vshll.u32 v5, $0x2;
	[tilespmem:s30+$0x2A10] =	vst v1;
	v8 =	vld [tilespmem:s30+$0x3110]  }
0x16a: {  	v5 =	vor.u32 v5, v7;
	v6 =	vshll.u32 v6, $0x3;
	[tilespmem:s30+$0x3110] =	vst v1;
	v7 =	vld [tilespmem:s30+$0x3810]  }
0x16b: {  	v5 =	vor.u32 v6, v5;
	v4 =	vshll.u32 v4, $0x4;
	[tilespmem:s30+$0x3810] =	vst v1;
	v6 =	vld [tilespmem:s30+$0x3F10]  }
0x16c: {  	v4 =	vor.u32 v4, v5;
	v3 =	vshll.u32 v3, $0x5;
	[tilespmem:s30+$0x3F10] =	vst v1;
	v5 =	vld [tilespmem:s30+$0x4610]  }
0x16d: {  	v3 =	vor.u32 v3, v4;
	v4 =	vshll.u32 v9, $0x6;
	[tilespmem:s30+$0x4610] =	vst v1;
	v9 =	vld [tilespmem:s30+$0x4D10]  }
0x16e: {  	v3 =	vor.u32 v4, v3;
	v4 =	vshll.u32 v8, $0x7;
	[tilespmem:s30+$0x4D10] =	vst v1;
	v8 =	vld [tilespmem:s30+$0x5410]  }
0x16f: {  	v3 =	vor.u32 v4, v3;
	v4 =	vshll.u32 v7, $0x8;
	[tilespmem:s30+$0x5410] =	vst v1;
	v7 =	vld [tilespmem:s30+$0x5B10]  }
0x170: {  	v3 =	vor.u32 v4, v3;
	v4 =	vshll.u32 v6, $0x9;
	[tilespmem:s30+$0x5B10] =	vst v1;
	v6 =	vld [tilespmem:s30+$0x6210]  }
0x171: {  	v3 =	vor.u32 v4, v3;
	v4 =	vshll.u32 v5, $0xA;
	[tilespmem:s30+$0x6210] =	vst v1;
	v5 =	vld [tilespmem:s30+$0x6910]  }
0x172: {  	v3 =	vor.u32 v4, v3;
	v4 =	vshll.u32 v9, $0xB;
	[tilespmem:s30+$0x6910] =	vst v1;
	v9 =	vld [tilespmem:s30+$0x7010]  }
0x173: {  	v3 =	vor.u32 v4, v3;
	v4 =	vshll.u32 v8, $0xC;
	[tilespmem:s30+$0x7010] =	vst v1;
	v8 =	vld [tilespmem:s30+$0x7710]  }
0x174: {  	v3 =	vor.u32 v4, v3;
	v4 =	vshll.u32 v7, $0xD;
	[tilespmem:s30+$0x7710] =	vst v1;
	v7 =	vld [tilespmem:s30+$0x7E10]  }
0x175: {  	v3 =	vor.u32 v4, v3;
	v4 =	vshll.u32 v6, $0xE;
	[tilespmem:s30+$0x7E10] =	vst v1;
	v6 =	vld [tilespmem:s30+$0x8510]  }
0x176: {  	v3 =	vor.u32 v4, v3;
	v4 =	vshll.u32 v5, $0xF;
	[tilespmem:s30+$0x8510] =	vst v1;
	v5 =	vld [tilespmem:s30+$0x8C10]  }
0x177: {  	v3 =	vor.u32 v4, v3;
	v4 =	vshll.u32 v9, $0x10;
	[tilespmem:s30+$0x8C10] =	vst v1;
	v9 =	vld [tilespmem:s30+$0x9310]  }
0x178: {  	v3 =	vor.u32 v4, v3;
	v4 =	vshll.u32 v8, $0x11;
	[tilespmem:s30+$0x9310] =	vst v1;
	v8 =	vld [tilespmem:s30+$0x9A10]  }
0x179: {  	v3 =	vor.u32 v4, v3;
	v4 =	vshll.u32 v7, $0x12;
	[tilespmem:s30+$0x9A10] =	vst v1;
	v7 =	vld [tilespmem:s30+$0xA110]  }
0x17a: {  	v3 =	vor.u32 v4, v3;
	v4 =	vshll.u32 v6, $0x13;
	[tilespmem:s30+$0xA110] =	vst v1;
	v6 =	vld [tilespmem:s30+$0xA810]  }
0x17b: {  	v3 =	vor.u32 v4, v3;
	v4 =	vshll.u32 v5, $0x14;
	[tilespmem:s30+$0xA810] =	vst v1;
	v5 =	vld [tilespmem:s30+$0xAF10]  }
0x17c: {  	v3 =	vor.u32 v4, v3;
	v4 =	vshll.u32 v9, $0x15;
	[tilespmem:s30+$0xAF10] =	vst v1;
	v9 =	vld [tilespmem:s30+$0xB610]  }
0x17d: {  	v3 =	vor.u32 v4, v3;
	v4 =	vshll.u32 v8, $0x16;
	[tilespmem:s30+$0xB610] =	vst v1;
	v8 =	vld [tilespmem:s30+$0xBD10]  }
0x17e: {  	v3 =	vor.u32 v4, v3;
	v4 =	vshll.u32 v7, $0x17;
	[tilespmem:s30+$0xBD10] =	vst v1;
	v7 =	vld [tilespmem:s30+$0xC410]  }
0x17f: {  	v3 =	vor.u32 v4, v3;
	v4 =	vshll.u32 v6, $0x18;
	[tilespmem:s30+$0xC410] =	vst v1;
	v6 =	vld [tilespmem:s30+$0xCB10]  }
0x180: {  	v3 =	vor.u32 v4, v3;
	v4 =	vshll.u32 v5, $0x19;
	[tilespmem:s30+$0xCB10] =	vst v1;
	v5 =	vld [tilespmem:s30+$0xD210]  }
0x181: {  	v3 =	vor.u32 v4, v3;
	v4 =	vshll.u32 v9, $0x1A;
	[tilespmem:s30+$0xD210] =	vst v1;
	v9 =	vld [tilespmem:s30+$0xD910]  }
0x182: {  	v10 =	vld [tilespmem:s30+$0x700];
	[tilespmem:s30+$0x700] =	vst v1;
	v3 =	vor.u32 v4, v3;
	v4 =	vshll.u32 v8, $0x1B  }
0x183: {  	v8 =	vld [tilespmem:s30+$0x0];
	[tilespmem:s30+$0x0] =	vst v1;
	v3 =	vor.u32 v4, v3;
	v4 =	vshll.u32 v7, $0x1C  }
0x184: {  	v7 =	vld [tilespmem:s30+$0xE00];
	[tilespmem:s30+$0xE00] =	vst v1;
	v3 =	vor.u32 v4, v3;
	v4 =	vshll.u32 v6, $0x1D  }
0x185: {  	v6 =	vld [tilespmem:s30+$0x1500];
	[tilespmem:s30+$0x1500] =	vst v1;
	v3 =	vor.u32 v4, v3;
	v4 =	vshll.u32 v5, $0x1E  }
0x186: {  	v5 =	vld [tilespmem:s30+$0x1C00];
	[tilespmem:s30+$0x1C00] =	vst v1;
	v3 =	vor.u32 v4, v3;
	v4 =	vshll.u32 v9, $0x1F  }
0x187: {  	v9 =	vshll.u32 v10, $0x1;
	v10 =	vld [tilespmem:s30+$0x2300];
	[tilespmem:s30+$0x2300] =	vst v1;
	v3 =	vor.u32 v4, v3  }
0x188: {  	v4 =	vor.u32 v8, v9;
	v8 =	vld [tilespmem:s30+$0x2A00];
	[tilespmem:s30+$0x1A810] =	vst v3  }
0x189: {  	v3 =	vshll.u32 v7, $0x2;
	[tilespmem:s30+$0x2A00] =	vst v1;
	v7 =	vld [tilespmem:s30+$0x3100]  }
0x18a: {  	v3 =	vor.u32 v3, v4;
	v4 =	vshll.u32 v6, $0x3;
	[tilespmem:s30+$0x3100] =	vst v1;
	v6 =	vld [tilespmem:s30+$0x3800]  }
0x18b: {  	v3 =	vor.u32 v4, v3;
	v4 =	vshll.u32 v5, $0x4;
	[tilespmem:s30+$0x3800] =	vst v1;
	v5 =	vld [tilespmem:s30+$0x3F00]  }
0x18c: {  	v3 =	vor.u32 v4, v3;
	v4 =	vshll.u32 v10, $0x5;
	[tilespmem:s30+$0x3F00] =	vst v1;
	v9 =	vld [tilespmem:s30+$0x4600]  }
0x18d: {  	v3 =	vor.u32 v4, v3;
	v4 =	vshll.u32 v8, $0x6;
	[tilespmem:s30+$0x4600] =	vst v1;
	v8 =	vld [tilespmem:s30+$0x4D00]  }
0x18e: {  	v3 =	vor.u32 v4, v3;
	v4 =	vshll.u32 v7, $0x7;
	[tilespmem:s30+$0x4D00] =	vst v1;
	v7 =	vld [tilespmem:s30+$0x5400]  }
0x18f: {  	v3 =	vor.u32 v4, v3;
	v4 =	vshll.u32 v6, $0x8;
	[tilespmem:s30+$0x5400] =	vst v1;
	v6 =	vld [tilespmem:s30+$0x5B00]  }
0x190: {  	v3 =	vor.u32 v4, v3;
	v4 =	vshll.u32 v5, $0x9;
	[tilespmem:s30+$0x5B00] =	vst v1;
	v5 =	vld [tilespmem:s30+$0x6200]  }
0x191: {  	v3 =	vor.u32 v4, v3;
	v4 =	vshll.u32 v9, $0xA;
	[tilespmem:s30+$0x6200] =	vst v1;
	v9 =	vld [tilespmem:s30+$0x6900]  }
0x192: {  	v3 =	vor.u32 v4, v3;
	v4 =	vshll.u32 v8, $0xB;
	[tilespmem:s30+$0x6900] =	vst v1;
	v8 =	vld [tilespmem:s30+$0x7000]  }
0x193: {  	v3 =	vor.u32 v4, v3;
	v4 =	vshll.u32 v7, $0xC;
	[tilespmem:s30+$0x7000] =	vst v1;
	v7 =	vld [tilespmem:s30+$0x7700]  }
0x194: {  	v3 =	vor.u32 v4, v3;
	v4 =	vshll.u32 v6, $0xD;
	[tilespmem:s30+$0x7700] =	vst v1;
	v6 =	vld [tilespmem:s30+$0x7E00]  }
0x195: {  	v3 =	vor.u32 v4, v3;
	v4 =	vshll.u32 v5, $0xE;
	[tilespmem:s30+$0x7E00] =	vst v1;
	v5 =	vld [tilespmem:s30+$0x8500]  }
0x196: {  	v3 =	vor.u32 v4, v3;
	v4 =	vshll.u32 v9, $0xF;
	[tilespmem:s30+$0x8500] =	vst v1;
	v9 =	vld [tilespmem:s30+$0x8C00]  }
0x197: {  	v3 =	vor.u32 v4, v3;
	v4 =	vshll.u32 v8, $0x10;
	[tilespmem:s30+$0x8C00] =	vst v1;
	v8 =	vld [tilespmem:s30+$0x9300]  }
0x198: {  	v3 =	vor.u32 v4, v3;
	v4 =	vshll.u32 v7, $0x11;
	[tilespmem:s30+$0x9300] =	vst v1;
	v7 =	vld [tilespmem:s30+$0x9A00]  }
0x199: {  	v3 =	vor.u32 v4, v3;
	v4 =	vshll.u32 v6, $0x12;
	[tilespmem:s30+$0x9A00] =	vst v1;
	v6 =	vld [tilespmem:s30+$0xA100]  }
0x19a: {  	v3 =	vor.u32 v4, v3;
	v4 =	vshll.u32 v5, $0x13;
	[tilespmem:s30+$0xA100] =	vst v1;
	v5 =	vld [tilespmem:s30+$0xA800]  }
0x19b: {  	v3 =	vor.u32 v4, v3;
	v4 =	vshll.u32 v9, $0x14;
	[tilespmem:s30+$0xA800] =	vst v1;
	v9 =	vld [tilespmem:s30+$0xAF00]  }
0x19c: {  	v3 =	vor.u32 v4, v3;
	v4 =	vshll.u32 v8, $0x15;
	[tilespmem:s30+$0xAF00] =	vst v1;
	v8 =	vld [tilespmem:s30+$0xB600]  }
0x19d: {  	v3 =	vor.u32 v4, v3;
	v4 =	vshll.u32 v7, $0x16;
	[tilespmem:s30+$0xB600] =	vst v1;
	v10 =	vld [tilespmem:s30+$0xBD00]  }
.Ltmp4:
0x19e: {  	v4 =	vor.u32 v4, v3;
	v6 =	vshll.u32 v6, $0x17;
	[tilespmem:s30+$0xBD00] =	vst v1;
	v3 =	vld [tilespmem:s30+$0xC400];
	(pc) =	sbr.rel @p0 .LBB2_10-.Ltmp4, $4  }
0x19f: {  	v6 =	vor.u32 v6, v4;
	v5 =	vshll.u32 v5, $0x18;
	[tilespmem:s30+$0xC400] =	vst v1;
	v4 =	vld [tilespmem:s30+$0xCB00]  }
0x1a0: {  	v6 =	vor.u32 v5, v6;
	v7 =	vshll.u32 v9, $0x19;
	[tilespmem:s30+$0xCB00] =	vst v1;
	v5 =	vld [tilespmem:s30+$0xD200]  }
0x1a1: {  	v7 =	vor.u32 v7, v6;
	v8 =	vshll.u32 v8, $0x1A;
	[tilespmem:s30+$0xD200] =	vst v1;
	v6 =	vld [tilespmem:s30+$0xD900]  }
0x1a2: {  	s0 =	sadd.s32 $0x80, s0;
	v7 =	vor.u32 v8, v7;
	v8 =	vshll.u32 v10, $0x1B;
	[tilespmem:s30+$0xD900] =	vst v1  }
0x1a3: {  	v7 =	vor.u32 v8, v7;
	v3 =	vshll.u32 v3, $0x1C  }
0x1a4: {  	v3 =	vor.u32 v3, v7;
	v4 =	vshll.u32 v4, $0x1D  }
0x1a5: {  	v3 =	vor.u32 v4, v3;
	v4 =	vshll.u32 v5, $0x1E  }
0x1a6: {  	v3 =	vor.u32 v4, v3;
	v4 =	vshll.u32 v6, $0x1F  }
0x1a7: {  	[tilespmem:s30+$0xD910] =	vst v1;
	v3 =	vor.u32 v4, v3  }
0x1a8: {  	s0 =	simm.s32 $0x1A800;
	[tilespmem:s30+$0x1A800] =	vst v3  }
0x1a9: {  	[spmem:s7] =	stream.linear.scatter [tilespmem:s0], [sflag:$0x4], $0x700, $0x38;
	[tilespmem:$0x1BD20] =	vst v63  }
0x1aa: {  	_ =	swait.ge [sflag:s26], $0x700  }
0x1ab: {  	[sflag:s26] =	ssyncset.done $0x0  }
0x1ac: {  	[sflag:s26] =	ssyncadd.s32 $0xFFFFF900  }
0x1ad: {  	s31 =	simm.s32 $0x1AF00;
	[bflag:$0x0] =	sbarrier.arrive $0xFFFF  }
0x1ae: {  	[tilespmem:s31], [sflag:$0x3] =	stream.linear.gather [spmem:s8], $0x70, $0x38;
	[tilespmem:$0x1BD20] =	vst v63  }
0x1af: {  	s1 =	simm.s32 $0x1AF70  }
0x1b0: {  	[tilespmem:s1], [sflag:$0x3] =	stream.linear.gather [spmem:s9], $0x70, $0x38;
	[tilespmem:$0x1BD20] =	vst v63  }
0x1b1: {  	s30 =	simm.s32 $0x1AFE0  }
0x1b2: {  	[tilespmem:s30], [sflag:$0x3] =	stream.linear.gather [spmem:s10], $0x70, $0x38;
	[tilespmem:$0x1BD20] =	vst v63  }
0x1b3: {  	s31 =	simm.s32 $0x1B050  }
0x1b4: {  	[tilespmem:s31], [sflag:$0x3] =	stream.linear.gather [spmem:s11], $0x70, $0x38;
	[tilespmem:$0x1BD20] =	vst v63  }
0x1b5: {  	s1 =	simm.s32 $0x1B0C0  }
0x1b6: {  	[tilespmem:s1], [sflag:$0x3] =	stream.linear.gather [spmem:s12], $0x70, $0x38;
	[tilespmem:$0x1BD20] =	vst v63  }
0x1b7: {  	s30 =	simm.s32 $0x1B130  }
0x1b8: {  	[tilespmem:s30], [sflag:$0x3] =	stream.linear.gather [spmem:s13], $0x70, $0x38;
	[tilespmem:$0x1BD20] =	vst v63  }
0x1b9: {  	s31 =	simm.s32 $0x1B1A0  }
0x1ba: {  	[tilespmem:s31], [sflag:$0x3] =	stream.linear.gather [spmem:s14], $0x70, $0x38;
	[tilespmem:$0x1BD20] =	vst v63  }
0x1bb: {  	s1 =	simm.s32 $0x1B210  }
0x1bc: {  	[tilespmem:s1], [sflag:$0x3] =	stream.linear.gather [spmem:s15], $0x70, $0x38;
	[tilespmem:$0x1BD20] =	vst v63  }
0x1bd: {  	s30 =	simm.s32 $0x1B280  }
0x1be: {  	[tilespmem:s30], [sflag:$0x3] =	stream.linear.gather [spmem:s16], $0x70, $0x38;
	[tilespmem:$0x1BD20] =	vst v63  }
0x1bf: {  	s31 =	simm.s32 $0x1B2F0  }
0x1c0: {  	[tilespmem:s31], [sflag:$0x3] =	stream.linear.gather [spmem:s17], $0x70, $0x38;
	[tilespmem:$0x1BD20] =	vst v63  }
0x1c1: {  	s1 =	simm.s32 $0x1B360  }
0x1c2: {  	[tilespmem:s1], [sflag:$0x3] =	stream.linear.gather [spmem:s18], $0x70, $0x38;
	[tilespmem:$0x1BD20] =	vst v63  }
0x1c3: {  	s30 =	simm.s32 $0x1B3D0  }
0x1c4: {  	[tilespmem:s30], [sflag:$0x3] =	stream.linear.gather [spmem:s19], $0x70, $0x38;
	[tilespmem:$0x1BD20] =	vst v63  }
0x1c5: {  	s31 =	simm.s32 $0x1B440  }
0x1c6: {  	[tilespmem:s31], [sflag:$0x3] =	stream.linear.gather [spmem:s20], $0x70, $0x38;
	[tilespmem:$0x1BD20] =	vst v63  }
0x1c7: {  	s1 =	simm.s32 $0x1B4B0  }
0x1c8: {  	[tilespmem:s1], [sflag:$0x3] =	stream.linear.gather [spmem:s21], $0x70, $0x38;
	[tilespmem:$0x1BD20] =	vst v63  }
0x1c9: {  	s30 =	simm.s32 $0x1B520  }
0x1ca: {  	[tilespmem:s30], [sflag:$0x3] =	stream.linear.gather [spmem:s22], $0x70, $0x38;
	[tilespmem:$0x1BD20] =	vst v63  }
0x1cb: {  	s31 =	simm.s32 $0x1B590  }
0x1cc: {  	[tilespmem:s31], [sflag:$0x3] =	stream.linear.gather [spmem:s25], $0x70, $0x38;
	[tilespmem:$0x1BD20] =	vst v63  }
0x1cd: {  	_ =	swait.ge [sflag:s28], $0x70  }
0x1ce: {  	[sflag:s28] =	ssyncset.done $0x0  }
0x1cf: {  	[sflag:s28] =	ssyncadd.s32 $0xFFFFFF90  }
0x1d0: {  	_ =	swait.ge [sflag:s28], $0x70  }
0x1d1: {  	[sflag:s28] =	ssyncset.done $0x0  }
0x1d2: {  	[sflag:s28] =	ssyncadd.s32 $0xFFFFFF90  }
0x1d3: {  	_ =	swait.ge [sflag:s28], $0x70  }
0x1d4: {  	[sflag:s28] =	ssyncset.done $0x0  }
0x1d5: {  	[sflag:s28] =	ssyncadd.s32 $0xFFFFFF90  }
0x1d6: {  	_ =	swait.ge [sflag:s28], $0x70  }
0x1d7: {  	[sflag:s28] =	ssyncset.done $0x0  }
0x1d8: {  	[sflag:s28] =	ssyncadd.s32 $0xFFFFFF90  }
0x1d9: {  	_ =	swait.ge [sflag:s28], $0x70  }
0x1da: {  	[sflag:s28] =	ssyncset.done $0x0  }
0x1db: {  	[sflag:s28] =	ssyncadd.s32 $0xFFFFFF90  }
0x1dc: {  	_ =	swait.ge [sflag:s28], $0x70  }
0x1dd: {  	[sflag:s28] =	ssyncset.done $0x0  }
0x1de: {  	[sflag:s28] =	ssyncadd.s32 $0xFFFFFF90  }
0x1df: {  	_ =	swait.ge [sflag:s28], $0x70  }
0x1e0: {  	[sflag:s28] =	ssyncset.done $0x0  }
0x1e1: {  	[sflag:s28] =	ssyncadd.s32 $0xFFFFFF90  }
0x1e2: {  	_ =	swait.ge [sflag:s28], $0x70  }
0x1e3: {  	[sflag:s28] =	ssyncset.done $0x0  }
0x1e4: {  	[sflag:s28] =	ssyncadd.s32 $0xFFFFFF90  }
0x1e5: {  	_ =	swait.ge [sflag:s28], $0x70  }
0x1e6: {  	[sflag:s28] =	ssyncset.done $0x0  }
0x1e7: {  	[sflag:s28] =	ssyncadd.s32 $0xFFFFFF90  }
0x1e8: {  	_ =	swait.ge [sflag:s28], $0x70  }
0x1e9: {  	[sflag:s28] =	ssyncset.done $0x0  }
0x1ea: {  	[sflag:s28] =	ssyncadd.s32 $0xFFFFFF90  }
0x1eb: {  	_ =	swait.ge [sflag:s28], $0x70  }
0x1ec: {  	[sflag:s28] =	ssyncset.done $0x0  }
0x1ed: {  	[sflag:s28] =	ssyncadd.s32 $0xFFFFFF90  }
0x1ee: {  	_ =	swait.ge [sflag:s28], $0x70  }
0x1ef: {  	[sflag:s28] =	ssyncset.done $0x0  }
0x1f0: {  	[sflag:s28] =	ssyncadd.s32 $0xFFFFFF90  }
0x1f1: {  	_ =	swait.ge [sflag:s28], $0x70  }
0x1f2: {  	[sflag:s28] =	ssyncset.done $0x0  }
0x1f3: {  	[sflag:s28] =	ssyncadd.s32 $0xFFFFFF90  }
0x1f4: {  	_ =	swait.ge [sflag:s28], $0x70  }
0x1f5: {  	[sflag:s28] =	ssyncset.done $0x0  }
0x1f6: {  	[sflag:s28] =	ssyncadd.s32 $0xFFFFFF90  }
0x1f7: {  	_ =	swait.ge [sflag:s28], $0x70  }
0x1f8: {  	[sflag:s28] =	ssyncset.done $0x0  }
0x1f9: {  	[sflag:s28] =	ssyncadd.s32 $0xFFFFFF90  }
0x1fa: {  	_ =	swait.ge [sflag:s28], $0x70  }
0x1fb: {  	[sflag:s28] =	ssyncset.done $0x0  }
0x1fc: {  	s1 =	simm.s32 $0xFFFFFF90;
	[sflag:s28] =	ssyncadd.s32 $0xFFFFFF90  }
0x1fd: {  	v3 =	vld [tilespmem:s1+$0x1AF70]  }
0x1fe: {  	v4 =	vld [tilespmem:s1+$0x1AFE0]  }
0x1ff: {  	v5 =	vld [tilespmem:s1+$0x1B050]  }
0x200: {  	v6 =	vld [tilespmem:s1+$0x1B0C0]  }
0x201: {  	v7 =	vld [tilespmem:s1+$0x1B130]  }
0x202: {  	v8 =	vld [tilespmem:s1+$0x1B1A0]  }
0x203: {  	v3 =	vor.u32 v3, v4;
	v4 =	vld [tilespmem:s1+$0x1B210]  }
0x204: {  	v3 =	vor.u32 v5, v3;
	v5 =	vld [tilespmem:s1+$0x1B280]  }
0x205: {  	v3 =	vor.u32 v6, v3;
	v6 =	vld [tilespmem:s1+$0x1B2F0]  }
0x206: {  	v3 =	vor.u32 v7, v3;
	v7 =	vld [tilespmem:s1+$0x1B360]  }
0x207: {  	v3 =	vor.u32 v8, v3;
	v8 =	vld [tilespmem:s1+$0x1B3D0]  }
0x208: {  	v10 =	vld [tilespmem:s1+$0x1B440];
	v3 =	vor.u32 v4, v3  }
0x209: {  	v4 =	vld [tilespmem:s1+$0x1B4B0];
	v3 =	vor.u32 v5, v3  }
0x20a: {  	v5 =	vld [tilespmem:s1+$0x1B520];
	v3 =	vor.u32 v6, v3  }
0x20b: {  	v6 =	vld [tilespmem:s1+$0x1B590];
	v3 =	vor.u32 v7, v3  }
0x20c: {  	s0 =	simm.s32 $0xFFFFFFA0;
	v7 =	vld [tilespmem:s1+$0x1B600];
	v8 =	vor.u32 v8, v3  }
0x20d: {  	v9 =	vld [tilespmem:s0+$0x1AF70];
	s1 =	simm.s32 $0xFFFFFEC0;
	v3 =	vimm.s32 $0x0;
	v8 =	vor.u32 v10, v8  }
.LBB2_12:
0x20e: {  	p0 =	sne.s32 s1, $0xFFFFFFC0;
	v10 =	vld [tilespmem:s0+$0x1AFE0];
	v4 =	vor.u32 v4, v8  }
0x20f: {  	v8 =	vld [tilespmem:s0+$0x1B050];
	v4 =	vor.u32 v5, v4  }
0x210: {  	v5 =	vld [tilespmem:s0+$0x1B0C0];
	v4 =	vor.u32 v6, v4  }
0x211: {  	v6 =	vld [tilespmem:s0+$0x1B130];
	v4 =	vor.u32 v7, v4  }
0x212: {  	v7 =	vld [tilespmem:s0+$0x1B1A0];
	v4 =	vpcnt v4  }
0x213: {  	v9 =	vor.u32 v9, v10;
	v10 =	vld [tilespmem:s0+$0x1B210];
	v3 =	vadd.s32 v3, v4  }
0x214: {  	v4 =	vor.u32 v8, v9;
	v8 =	vld [tilespmem:s0+$0x1B280]  }
0x215: {  	v4 =	vor.u32 v5, v4;
	v5 =	vld [tilespmem:s0+$0x1B2F0]  }
0x216: {  	v4 =	vor.u32 v6, v4;
	v6 =	vld [tilespmem:s0+$0x1B360]  }
0x217: {  	v4 =	vor.u32 v7, v4;
	v7 =	vld [tilespmem:s0+$0x1B3D0]  }
0x218: {  	v4 =	vor.u32 v10, v4;
	v10 =	vld [tilespmem:s0+$0x1B440]  }
.Ltmp5:
0x219: {  	v8 =	vor.u32 v8, v4;
	v4 =	vld [tilespmem:s0+$0x1B4B0];
	(pc) =	sbr.rel @p0 .LBB2_12-.Ltmp5, $4  }
0x21a: {  	v8 =	vor.u32 v5, v8;
	v5 =	vld [tilespmem:s0+$0x1B520]  }
0x21b: {  	v8 =	vor.u32 v6, v8;
	v6 =	vld [tilespmem:s0+$0x1B590]  }
0x21c: {  	v8 =	vor.u32 v7, v8;
	v7 =	vld [tilespmem:s0+$0x1B600];
	s0 =	sshra.s32 s1, $0x2  }
0x21d: {  	s1 =	sadd.s32 $0x40, s1;
	v9 =	vld [tilespmem:s0+$0x1AF70];
	v8 =	vor.u32 v10, v8  }
0x21e: {  	v10 =	vld [tilespmem:s0+$0x1AFE0]  }
0x21f: {  	v11 =	vld [tilespmem:s0+$0x1B050]  }
0x220: {  	v12 =	vld [tilespmem:s0+$0x1B0C0]  }
0x221: {  	v13 =	vld [tilespmem:s0+$0x1B130]  }
0x222: {  	v14 =	vld [tilespmem:s0+$0x1B1A0]  }
0x223: {  	v9 =	vor.u32 v9, v10;
	v10 =	vld [tilespmem:s0+$0x1B210]  }
0x224: {  	v9 =	vor.u32 v11, v9;
	v11 =	vld [tilespmem:s0+$0x1B280]  }
0x225: {  	v9 =	vor.u32 v12, v9;
	v12 =	vld [tilespmem:s0+$0x1B2F0]  }
0x226: {  	v9 =	vor.u32 v13, v9;
	v13 =	vld [tilespmem:s0+$0x1B360]  }
0x227: {  	v9 =	vor.u32 v14, v9;
	v14 =	vld [tilespmem:s0+$0x1B3D0]  }
0x228: {  	v9 =	vor.u32 v10, v9;
	v10 =	vld [tilespmem:s0+$0x1B440]  }
0x229: {  	v9 =	vor.u32 v11, v9;
	v11 =	vld [tilespmem:s0+$0x1B4B0]  }
0x22a: {  	v9 =	vor.u32 v12, v9;
	v12 =	vld [tilespmem:s0+$0x1B520]  }
0x22b: {  	v9 =	vor.u32 v13, v9;
	v13 =	vld [tilespmem:s0+$0x1B590]  }
0x22c: {  	v9 =	vor.u32 v14, v9;
	v14 =	vld [tilespmem:s0+$0x1B600]  }
0x22d: {  	v4 =	vor.u32 v4, v8;
	v8 =	vor.u32 v10, v9  }
0x22e: {  	v4 =	vor.u32 v5, v4;
	v5 =	vor.u32 v11, v8  }
0x22f: {  	v4 =	vor.u32 v6, v4;
	v5 =	vor.u32 v12, v5  }
0x230: {  	v4 =	vor.u32 v7, v4;
	v5 =	vor.u32 v13, v5  }
0x231: {  	v4 =	vpcnt v4;
	v5 =	vor.u32 v14, v5  }
0x232: {  	v3 =	vadd.s32 v3, v4;
	v4 =	vpcnt v5  }
0x233: {  	v3 =	vadd.s32 v3, v4  }
0x234: {  	[tilespmem:$0x1B600] =	vst v3  }
0x235: {  	[bflag:$0x0] =	sbarrier.arrive $0xFFFF  }
0x236: {  	s30 =	rddreg [dreg:$0x8]  }
0x237: {  	[tilespmem:s5], [sflag:$0x2] =	stream.linear.gather [hbm4b:s30+s2], $0x6400, $0x38;
	[tilespmem:$0x1BD20] =	vst v63  }
0x238: {  	_ =	swait.ge [sflag:s23], $0x6400  }
0x239: {  	[sflag:s23] =	ssyncset.done $0x0  }
0x23a: {  	s31 =	simm.s32 $0xE080;
	[sflag:s23] =	ssyncadd.s32 $0xFFFF9C00  }
0x23b: {  	v3 =	vld [tilespmem:s31+$0x70]  }
0x23c: {  	v4 =	vld [tilespmem:s31+$0xFFFFFF90]  }
0x23d: {  	v5 =	vld [tilespmem:s31+$0xFFFFFFA0]  }
0x23e: {  	v6 =	vld [tilespmem:s31+$0xFFFFFFB0]  }
0x23f: {  	v7 =	vld [tilespmem:s31+$0xFFFFFFC0]  }
0x240: {  	v8 =	vld [tilespmem:s31+$0xFFFFFFD0]  }
0x241: {  	v10 =	vld [tilespmem:s31+$0xFFFFFFE0]  }
0x242: {  	v11 =	vld [tilespmem:s31+$0xFFFFFFF0]  }
0x243: {  	v12 =	vld [tilespmem:s31+$0x0]  }
0x244: {  	v13 =	vld [tilespmem:s31+$0x10]  }
0x245: {  	v14 =	vld [tilespmem:s31+$0x20];
	v9 =	vsub.s32 v3, v0  }
0x246: {  	v25 =	vld [tilespmem:s31+$0x40];
	v3 =	vand.u32 $0x7, v3;
	v27 =	vsub.s32 v4, v0;
	v28 =	vsub.s32 v5, v0  }
0x247: {  	v18 =	vld [tilespmem:s31+$0xFFFFFF80];
	v30 =	vsub.s32 v6, v0;
	v24 =	vand.u32 $0x7, v4;
	v36 =	vsub.s32 v7, v0  }
0x248: {  	v45 =	vld [tilespmem:s31+$0x50];
	v33 =	vand.u32 $0x7, v5;
	v38 =	vsub.s32 v8, v0;
	v39 =	vand.u32 $0x7, v6  }
0x249: {  	v16 =	vld [tilespmem:s31+$0x30];
	v41 =	vsub.s32 v10, v0;
	v42 =	vand.u32 $0x7, v7;
	v44 =	vand.u32 $0x7, v8  }
0x24a: {  	v5 =	vsub.s32 v12, v0;
	v46 =	vand.u32 $0x7, v10;
	v7 =	vsub.s32 v13, v0  }
0x24b: {  	v20 =	vand.u32 $0x7, v11;
	v8 =	vsub.s32 v14, v0;
	v19 =	vand.u32 $0x7, v12  }
0x24c: {  	v21 =	vand.u32 $0x7, v13;
	v13 =	vsub.s32 v25, v0;
	v22 =	vand.u32 $0x7, v14  }
0x24d: {  	v48 =	vsub.s32 v18, v0;
	v14 =	vsub.s32 v45, v0;
	v18 =	vand.u32 $0x7, v18  }
0x24e: {  	v23 =	vand.u32 $0x7, v16;
	vm0 =	vlt.u32 v9, $0xC350;
	v9 =	vand.u32 $0xFFFFFFF8, v9  }
0x24f: {  	v17 =	vand.u32 $0xFFFFFFF8, v27;
	v29 =	vand.u32 $0xFFFFFFF8, v28;
	v35 =	vand.u32 $0xFFFFFFF8, v30  }
0x250: {  	v47 =	vld [tilespmem:s31+$0x60];
	v37 =	vand.u32 $0xFFFFFFF8, v36;
	v40 =	vand.u32 $0xFFFFFFF8, v38;
	v43 =	vand.u32 $0xFFFFFFF8, v41  }
0x251: {  	v6 =	vand.u32 $0xFFFFFFF8, v5;
	v10 =	vand.u32 $0xFFFFFFF8, v8;
	v15 =	vand.u32 $0xFFFFFFF8, v13  }
0x252: {  	v26 =	vand.u32 $0xFFFFFFF8, v48;
	vm5 =	vlt.u32 v48, $0xC350;
	vm4 =	vlt.u32 v27, $0xC350  }
0x253: {  	vm3 =	vlt.u32 v28, $0xC350;
	vm1 =	vlt.u32 v30, $0xC350;
	vm7 =	vlt.u32 v36, $0xC350  }
0x254: {  	vm2 =	vlt.u32 v38, $0xC350;
	v34 =	vor.u32 v3, v9;
	v3 =	vsub.s32 v11, v0  }
0x255: {  	v9 =	vand.u32 $0xFFFFFFF8, v7;
	v11 =	vsub.s32 v16, v0;
	v16 =	vsub.s32 v47, v0  }
0x256: {  	v32 =	vor.u32 v18, v26;
	v18 =	vand.u32 $0xFFFFFFF8, v14;
	v31 =	vor.u32 v24, v17  }
0x257: {  	v26 =	vand.u32 $0x7, v25;
	v25 =	vand.u32 $0x7, v45;
	v24 =	vand.u32 $0x7, v47  }
0x258: {  	v33 =	vor.u32 v33, v29;
	v30 =	vor.u32 v39, v35;
	v29 =	vor.u32 v42, v37  }
0x259: {  	v28 =	vor.u32 v44, v40;
	v27 =	vor.u32 v46, v43;
	v4 =	vand.u32 $0xFFFFFFF8, v3  }
0x25a: {  	s1 =	simm.s32 $0xE180;
	s0 =	simm.s32 $0x0;
	v12 =	vand.u32 $0xFFFFFFF8, v11;
	v17 =	vand.u32 $0xFFFFFFF8, v16;
	[tilespmem:v34+s2+$0x0] =	vst.idx.msk vm0, v2;
	vm0 =	vlt.u32 v41, $0xC350  }
.LBB2_14:
0x25b: {  	v34 =	vld [tilespmem:s1+$0x70];
	s0 =	sadd.s32 $0x10, s0;
	vm10 =	vlt.u32 v3, $0xC350;
	v3 =	vor.u32 v20, v4;
	vm8 =	vlt.u32 v5, $0xC350  }
0x25c: {  	v5 =	vor.u32 v19, v6;
	vm9 =	vlt.u32 v7, $0xC350;
	v6 =	vor.u32 v21, v9;
	v4 =	vld [tilespmem:s1+$0xFFFFFF90];
	p0 =	slt.u32 s0, $0x630;
	[tilespmem:v32+s2+$0x0] =	vst.idx.msk vm5, v2  }
0x25d: {  	vm6 =	vlt.u32 v8, $0xC350;
	v8 =	vor.u32 v22, v10;
	vm5 =	vlt.u32 v11, $0xC350;
	v7 =	vld [tilespmem:s1+$0xFFFFFFA0];
	[tilespmem:v31+s2+$0x0] =	vst.idx.msk vm4, v2  }
0x25e: {  	v10 =	vor.u32 v23, v12;
	v11 =	vor.u32 v26, v15;
	v9 =	vld [tilespmem:s1+$0xFFFFFFB0];
	[tilespmem:v33+s2+$0x0] =	vst.idx.msk vm3, v2;
	vm3 =	vlt.u32 v13, $0xC350  }
0x25f: {  	vm4 =	vlt.u32 v14, $0xC350;
	v13 =	vor.u32 v25, v18;
	v12 =	vld [tilespmem:s1+$0xFFFFFFC0];
	[tilespmem:v30+s2+$0x0] =	vst.idx.msk vm1, v2;
	vm1 =	vlt.u32 v16, $0xC350  }
0x260: {  	v16 =	vor.u32 v24, v17;
	v14 =	vld [tilespmem:s1+$0xFFFFFFD0];
	v15 =	vsub.s32 v34, v0;
	[tilespmem:v29+s2+$0x0] =	vst.idx.msk vm7, v2  }
0x261: {  	v18 =	vand.u32 $0x7, v34;
	v17 =	vld [tilespmem:s1+$0xFFFFFFE0];
	vm7 =	vlt.u32 v15, $0xC350;
	v15 =	vand.u32 $0xFFFFFFF8, v15;
	[tilespmem:v28+s2+$0x0] =	vst.idx.msk vm2, v2  }
0x262: {  	v28 =	vsub.s32 v4, v0;
	v29 =	vsub.s32 v7, v0;
	v19 =	vld [tilespmem:s1+$0xFFFFFFF0];
	v15 =	vor.u32 v18, v15  }
0x263: {  	v30 =	vand.u32 $0xFFFFFFF8, v28;
	v33 =	vand.u32 $0xFFFFFFF8, v29;
	v34 =	vsub.s32 v9, v0;
	v18 =	vld [tilespmem:s1+$0x0];
	[tilespmem:v27+s2+$0x0] =	vst.idx.msk vm0, v2  }
0x264: {  	v27 =	vand.u32 $0x7, v4;
	v35 =	vand.u32 $0xFFFFFFF8, v34;
	v36 =	vsub.s32 v12, v0;
	v21 =	vld [tilespmem:s1+$0x10];
	[tilespmem:v3+s2+$0x0] =	vst.idx.msk vm10, v2  }
0x265: {  	v37 =	vand.u32 $0x7, v7;
	v38 =	vand.u32 $0xFFFFFFF8, v36;
	v39 =	vsub.s32 v14, v0;
	v22 =	vld [tilespmem:s1+$0x20];
	[tilespmem:v5+s2+$0x0] =	vst.idx.msk vm8, v2  }
0x266: {  	v40 =	vand.u32 $0x7, v9;
	v41 =	vand.u32 $0xFFFFFFF8, v39;
	v42 =	vsub.s32 v17, v0;
	v23 =	vld [tilespmem:s1+$0x30];
	[tilespmem:v6+s2+$0x0] =	vst.idx.msk vm9, v2  }
0x267: {  	v43 =	vand.u32 $0x7, v12;
	v44 =	vand.u32 $0xFFFFFFF8, v42;
	v3 =	vsub.s32 v19, v0;
	v24 =	vld [tilespmem:s1+$0x40];
	[tilespmem:v15+s2+$0x0] =	vst.idx.msk vm7, v2  }
0x268: {  	v45 =	vand.u32 $0x7, v14;
	v4 =	vand.u32 $0xFFFFFFF8, v3;
	v5 =	vsub.s32 v18, v0;
	v25 =	vld [tilespmem:s1+$0x50];
	[tilespmem:v8+s2+$0x0] =	vst.idx.msk vm6, v2  }
0x269: {  	v46 =	vand.u32 $0x7, v17;
	v6 =	vand.u32 $0xFFFFFFF8, v5;
	v7 =	vsub.s32 v21, v0;
	v31 =	vld [tilespmem:s1+$0x60];
	[tilespmem:v10+s2+$0x0] =	vst.idx.msk vm5, v2  }
0x26a: {  	v20 =	vand.u32 $0x7, v19;
	v17 =	vld [tilespmem:s1+$0xFFFFFF80];
	v9 =	vand.u32 $0xFFFFFFF8, v7;
	v8 =	vsub.s32 v22, v0;
	[tilespmem:v11+s2+$0x0] =	vst.idx.msk vm3, v2  }
0x26b: {  	v19 =	vand.u32 $0x7, v18;
	v10 =	vand.u32 $0xFFFFFFF8, v8;
	v11 =	vsub.s32 v23, v0;
	[tilespmem:v13+s2+$0x0] =	vst.idx.msk vm4, v2  }
0x26c: {  	v21 =	vand.u32 $0x7, v21;
	v12 =	vand.u32 $0xFFFFFFF8, v11;
	v13 =	vsub.s32 v24, v0;
	[tilespmem:v16+s2+$0x0] =	vst.idx.msk vm1, v2  }
0x26d: {  	v22 =	vand.u32 $0x7, v22;
	v15 =	vand.u32 $0xFFFFFFF8, v13;
	v14 =	vsub.s32 v25, v0  }
0x26e: {  	v23 =	vand.u32 $0x7, v23;
	v18 =	vand.u32 $0xFFFFFFF8, v14;
	v16 =	vsub.s32 v31, v0  }
0x26f: {  	v32 =	vsub.s32 v17, v0;
	v47 =	vand.u32 $0x7, v17;
	v17 =	vand.u32 $0xFFFFFFF8, v16  }
0x270: {  	v26 =	vand.u32 $0x7, v24;
	v25 =	vand.u32 $0x7, v25;
	v48 =	vand.u32 $0xFFFFFFF8, v32  }
.Ltmp6:
0x271: {  	v24 =	vand.u32 $0x7, v31;
	vm5 =	vlt.u32 v32, $0xC350;
	v32 =	vor.u32 v47, v48;
	(pc) =	sbr.rel @p0 .LBB2_14-.Ltmp6, $4  }
0x272: {  	vm3 =	vlt.u32 v29, $0xC350;
	vm4 =	vlt.u32 v28, $0xC350;
	v31 =	vor.u32 v27, v30  }
0x273: {  	v33 =	vor.u32 v37, v33;
	vm1 =	vlt.u32 v34, $0xC350;
	v30 =	vor.u32 v40, v35  }
0x274: {  	vm2 =	vlt.u32 v39, $0xC350;
	vm7 =	vlt.u32 v36, $0xC350;
	v29 =	vor.u32 v43, v38  }
0x275: {  	vm0 =	vlt.u32 v42, $0xC350;
	s1 =	sadd.s32 $0x100, s1;
	v28 =	vor.u32 v45, v41;
	v27 =	vor.u32 v46, v44  }
0x276: {  	_ =	sdelay $0x4  }
0x277: {  	[tilespmem:v32+s2+$0x0] =	vst.idx.msk vm5, v2  }
0x278: {  	vm5 =	vlt.u32 v3, $0xC350;
	[tilespmem:v31+s2+$0x0] =	vst.idx.msk vm4, v2  }
0x279: {  	v3 =	vor.u32 v20, v4;
	vm4 =	vlt.u32 v5, $0xC350;
	[tilespmem:v33+s2+$0x0] =	vst.idx.msk vm3, v2  }
0x27a: {  	v4 =	vor.u32 v19, v6;
	vm3 =	vlt.u32 v7, $0xC350;
	[tilespmem:v30+s2+$0x0] =	vst.idx.msk vm1, v2  }
0x27b: {  	v5 =	vor.u32 v21, v9;
	vm1 =	vlt.u32 v8, $0xC350;
	[tilespmem:v29+s2+$0x0] =	vst.idx.msk vm7, v2  }
0x27c: {  	v6 =	vor.u32 v22, v10;
	vm6 =	vlt.u32 v11, $0xC350;
	[tilespmem:v28+s2+$0x0] =	vst.idx.msk vm2, v2  }
0x27d: {  	v7 =	vor.u32 v23, v12;
	vm2 =	vlt.u32 v13, $0xC350;
	[tilespmem:v27+s2+$0x0] =	vst.idx.msk vm0, v2  }
0x27e: {  	v8 =	vor.u32 v26, v15;
	vm0 =	vlt.u32 v14, $0xC350;
	[tilespmem:v3+s2+$0x0] =	vst.idx.msk vm5, v2  }
0x27f: {  	v3 =	vor.u32 v25, v18;
	vm5 =	vlt.u32 v16, $0xC350;
	[tilespmem:v4+s2+$0x0] =	vst.idx.msk vm4, v2  }
0x280: {  	v4 =	vor.u32 v24, v17;
	[tilespmem:v5+s2+$0x0] =	vst.idx.msk vm3, v2  }
0x281: {  	[tilespmem:v6+s2+$0x0] =	vst.idx.msk vm1, v2  }
0x282: {  	[tilespmem:v7+s2+$0x0] =	vst.idx.msk vm6, v2  }
0x283: {  	[tilespmem:v8+s2+$0x0] =	vst.idx.msk vm2, v2  }
0x284: {  	[tilespmem:v3+s2+$0x0] =	vst.idx.msk vm0, v2  }
0x285: {  	[tilespmem:v4+s2+$0x0] =	vst.idx.msk vm5, v2  }
0x286: {  	s0 =	rddreg [dreg:$0x9]  }
0x287: {  	[tilespmem:s4], [sflag:$0x1] =	stream.linear.gather [hbm4b:s0+s2], $0x6400, $0x38;
	[tilespmem:$0x1BD20] =	vst v63  }
0x288: {  	_ =	swait.ge [sflag:s24], $0x6400  }
0x289: {  	[sflag:s24] =	ssyncset.done $0x0  }
0x28a: {  	s31 =	simm.s32 $0x144F0;
	[sflag:s24] =	ssyncadd.s32 $0xFFFF9C00  }
0x28b: {  	v3 =	vld [tilespmem:s31+$0x0]  }
0x28c: {  	v4 =	vld [tilespmem:s31+$0xFFFFFF20]  }
0x28d: {  	v5 =	vld [tilespmem:s31+$0xFFFFFF30]  }
0x28e: {  	v6 =	vld [tilespmem:s31+$0xFFFFFF40]  }
0x28f: {  	v7 =	vld [tilespmem:s31+$0xFFFFFF50]  }
0x290: {  	v8 =	vld [tilespmem:s31+$0xFFFFFF60]  }
0x291: {  	v10 =	vld [tilespmem:s31+$0xFFFFFF70]  }
0x292: {  	v11 =	vld [tilespmem:s31+$0xFFFFFF80]  }
0x293: {  	v12 =	vld [tilespmem:s31+$0xFFFFFF90]  }
0x294: {  	v13 =	vld [tilespmem:s31+$0xFFFFFFA0]  }
0x295: {  	v14 =	vld [tilespmem:s31+$0xFFFFFFB0];
	v9 =	vsub.s32 v3, v0  }
0x296: {  	v25 =	vld [tilespmem:s31+$0xFFFFFFD0];
	v3 =	vand.u32 $0x7, v3;
	v27 =	vsub.s32 v4, v0;
	v28 =	vsub.s32 v5, v0  }
0x297: {  	v18 =	vld [tilespmem:s31+$0xFFFFFF10];
	v30 =	vsub.s32 v6, v0;
	v24 =	vand.u32 $0x7, v4;
	v36 =	vsub.s32 v7, v0  }
0x298: {  	v45 =	vld [tilespmem:s31+$0xFFFFFFE0];
	v63 =	vand.u32 $0x7, v5;
	v38 =	vsub.s32 v8, v0;
	v39 =	vand.u32 $0x7, v6  }
0x299: {  	v16 =	vld [tilespmem:s31+$0xFFFFFFC0];
	v41 =	vsub.s32 v10, v0;
	v42 =	vand.u32 $0x7, v7;
	v44 =	vand.u32 $0x7, v8  }
0x29a: {  	v5 =	vsub.s32 v12, v0;
	v46 =	vand.u32 $0x7, v10;
	v7 =	vsub.s32 v13, v0  }
0x29b: {  	v20 =	vand.u32 $0x7, v11;
	v8 =	vsub.s32 v14, v0;
	v19 =	vand.u32 $0x7, v12  }
0x29c: {  	v21 =	vand.u32 $0x7, v13;
	v13 =	vsub.s32 v25, v0;
	v22 =	vand.u32 $0x7, v14  }
0x29d: {  	v48 =	vsub.s32 v18, v0;
	v14 =	vsub.s32 v45, v0;
	v18 =	vand.u32 $0x7, v18  }
0x29e: {  	v23 =	vand.u32 $0x7, v16;
	vm0 =	vlt.u32 v9, $0xC350;
	v9 =	vand.u32 $0xFFFFFFF8, v9  }
0x29f: {  	v17 =	vand.u32 $0xFFFFFFF8, v27;
	v29 =	vand.u32 $0xFFFFFFF8, v28;
	v35 =	vand.u32 $0xFFFFFFF8, v30  }
0x2a0: {  	v47 =	vld [tilespmem:s31+$0xFFFFFFF0];
	v37 =	vand.u32 $0xFFFFFFF8, v36;
	v40 =	vand.u32 $0xFFFFFFF8, v38;
	v43 =	vand.u32 $0xFFFFFFF8, v41  }
0x2a1: {  	v6 =	vand.u32 $0xFFFFFFF8, v5;
	v10 =	vand.u32 $0xFFFFFFF8, v8;
	v15 =	vand.u32 $0xFFFFFFF8, v13  }
0x2a2: {  	v26 =	vand.u32 $0xFFFFFFF8, v48;
	vm5 =	vlt.u32 v48, $0xC350;
	vm4 =	vlt.u32 v27, $0xC350  }
0x2a3: {  	vm3 =	vlt.u32 v28, $0xC350;
	vm1 =	vlt.u32 v30, $0xC350;
	vm7 =	vlt.u32 v36, $0xC350  }
0x2a4: {  	vm2 =	vlt.u32 v38, $0xC350;
	v34 =	vor.u32 v3, v9;
	v3 =	vsub.s32 v11, v0  }
0x2a5: {  	v9 =	vand.u32 $0xFFFFFFF8, v7;
	v11 =	vsub.s32 v16, v0;
	v16 =	vsub.s32 v47, v0  }
0x2a6: {  	v32 =	vor.u32 v18, v26;
	v18 =	vand.u32 $0xFFFFFFF8, v14;
	v31 =	vor.u32 v24, v17  }
0x2a7: {  	v26 =	vand.u32 $0x7, v25;
	v25 =	vand.u32 $0x7, v45;
	v24 =	vand.u32 $0x7, v47  }
0x2a8: {  	v33 =	vor.u32 v63, v29;
	v30 =	vor.u32 v39, v35;
	v29 =	vor.u32 v42, v37  }
0x2a9: {  	v28 =	vor.u32 v44, v40;
	v27 =	vor.u32 v46, v43;
	v4 =	vand.u32 $0xFFFFFFF8, v3  }
0x2aa: {  	s1 =	simm.s32 $0x145F0;
	s0 =	simm.s32 $0x0;
	v12 =	vand.u32 $0xFFFFFFF8, v11;
	v17 =	vand.u32 $0xFFFFFFF8, v16;
	[tilespmem:v34+s2+$0x0] =	vst.idx.msk vm0, v2;
	vm0 =	vlt.u32 v41, $0xC350  }
.LBB2_16:
0x2ab: {  	v34 =	vld [tilespmem:s1+$0x0];
	s0 =	sadd.s32 $0x10, s0;
	vm10 =	vlt.u32 v3, $0xC350;
	v3 =	vor.u32 v20, v4;
	vm8 =	vlt.u32 v5, $0xC350  }
0x2ac: {  	v5 =	vor.u32 v19, v6;
	vm9 =	vlt.u32 v7, $0xC350;
	v6 =	vor.u32 v21, v9;
	v4 =	vld [tilespmem:s1+$0xFFFFFF20];
	p0 =	slt.u32 s0, $0x630;
	[tilespmem:v32+s2+$0x0] =	vst.idx.msk vm5, v2  }
0x2ad: {  	vm6 =	vlt.u32 v8, $0xC350;
	v8 =	vor.u32 v22, v10;
	vm5 =	vlt.u32 v11, $0xC350;
	v7 =	vld [tilespmem:s1+$0xFFFFFF30];
	[tilespmem:v31+s2+$0x0] =	vst.idx.msk vm4, v2  }
0x2ae: {  	v10 =	vor.u32 v23, v12;
	v11 =	vor.u32 v26, v15;
	v9 =	vld [tilespmem:s1+$0xFFFFFF40];
	[tilespmem:v33+s2+$0x0] =	vst.idx.msk vm3, v2;
	vm3 =	vlt.u32 v13, $0xC350  }
0x2af: {  	vm4 =	vlt.u32 v14, $0xC350;
	v13 =	vor.u32 v25, v18;
	v12 =	vld [tilespmem:s1+$0xFFFFFF50];
	[tilespmem:v30+s2+$0x0] =	vst.idx.msk vm1, v2;
	vm1 =	vlt.u32 v16, $0xC350  }
0x2b0: {  	v16 =	vor.u32 v24, v17;
	v14 =	vld [tilespmem:s1+$0xFFFFFF60];
	v15 =	vsub.s32 v34, v0;
	[tilespmem:v29+s2+$0x0] =	vst.idx.msk vm7, v2  }
0x2b1: {  	v18 =	vand.u32 $0x7, v34;
	v17 =	vld [tilespmem:s1+$0xFFFFFF70];
	vm7 =	vlt.u32 v15, $0xC350;
	v15 =	vand.u32 $0xFFFFFFF8, v15;
	[tilespmem:v28+s2+$0x0] =	vst.idx.msk vm2, v2  }
0x2b2: {  	v28 =	vsub.s32 v4, v0;
	v29 =	vsub.s32 v7, v0;
	v19 =	vld [tilespmem:s1+$0xFFFFFF80];
	v15 =	vor.u32 v18, v15  }
0x2b3: {  	v30 =	vand.u32 $0xFFFFFFF8, v28;
	v33 =	vand.u32 $0xFFFFFFF8, v29;
	v34 =	vsub.s32 v9, v0;
	v18 =	vld [tilespmem:s1+$0xFFFFFF90];
	[tilespmem:v27+s2+$0x0] =	vst.idx.msk vm0, v2  }
0x2b4: {  	v27 =	vand.u32 $0x7, v4;
	v35 =	vand.u32 $0xFFFFFFF8, v34;
	v36 =	vsub.s32 v12, v0;
	v21 =	vld [tilespmem:s1+$0xFFFFFFA0];
	[tilespmem:v3+s2+$0x0] =	vst.idx.msk vm10, v2  }
0x2b5: {  	v37 =	vand.u32 $0x7, v7;
	v38 =	vand.u32 $0xFFFFFFF8, v36;
	v39 =	vsub.s32 v14, v0;
	v22 =	vld [tilespmem:s1+$0xFFFFFFB0];
	[tilespmem:v5+s2+$0x0] =	vst.idx.msk vm8, v2  }
0x2b6: {  	v40 =	vand.u32 $0x7, v9;
	v41 =	vand.u32 $0xFFFFFFF8, v39;
	v42 =	vsub.s32 v17, v0;
	v23 =	vld [tilespmem:s1+$0xFFFFFFC0];
	[tilespmem:v6+s2+$0x0] =	vst.idx.msk vm9, v2  }
0x2b7: {  	v43 =	vand.u32 $0x7, v12;
	v44 =	vand.u32 $0xFFFFFFF8, v42;
	v3 =	vsub.s32 v19, v0;
	v24 =	vld [tilespmem:s1+$0xFFFFFFD0];
	[tilespmem:v15+s2+$0x0] =	vst.idx.msk vm7, v2  }
0x2b8: {  	v45 =	vand.u32 $0x7, v14;
	v4 =	vand.u32 $0xFFFFFFF8, v3;
	v5 =	vsub.s32 v18, v0;
	v25 =	vld [tilespmem:s1+$0xFFFFFFE0];
	[tilespmem:v8+s2+$0x0] =	vst.idx.msk vm6, v2  }
0x2b9: {  	v46 =	vand.u32 $0x7, v17;
	v6 =	vand.u32 $0xFFFFFFF8, v5;
	v7 =	vsub.s32 v21, v0;
	v31 =	vld [tilespmem:s1+$0xFFFFFFF0];
	[tilespmem:v10+s2+$0x0] =	vst.idx.msk vm5, v2  }
0x2ba: {  	v20 =	vand.u32 $0x7, v19;
	v17 =	vld [tilespmem:s1+$0xFFFFFF10];
	v9 =	vand.u32 $0xFFFFFFF8, v7;
	v8 =	vsub.s32 v22, v0;
	[tilespmem:v11+s2+$0x0] =	vst.idx.msk vm3, v2  }
0x2bb: {  	v19 =	vand.u32 $0x7, v18;
	v10 =	vand.u32 $0xFFFFFFF8, v8;
	v11 =	vsub.s32 v23, v0;
	[tilespmem:v13+s2+$0x0] =	vst.idx.msk vm4, v2  }
0x2bc: {  	v21 =	vand.u32 $0x7, v21;
	v12 =	vand.u32 $0xFFFFFFF8, v11;
	v13 =	vsub.s32 v24, v0;
	[tilespmem:v16+s2+$0x0] =	vst.idx.msk vm1, v2  }
0x2bd: {  	v22 =	vand.u32 $0x7, v22;
	v15 =	vand.u32 $0xFFFFFFF8, v13;
	v14 =	vsub.s32 v25, v0  }
0x2be: {  	v23 =	vand.u32 $0x7, v23;
	v18 =	vand.u32 $0xFFFFFFF8, v14;
	v16 =	vsub.s32 v31, v0  }
0x2bf: {  	v32 =	vsub.s32 v17, v0;
	v47 =	vand.u32 $0x7, v17;
	v17 =	vand.u32 $0xFFFFFFF8, v16  }
0x2c0: {  	v26 =	vand.u32 $0x7, v24;
	v25 =	vand.u32 $0x7, v25;
	v48 =	vand.u32 $0xFFFFFFF8, v32  }
.Ltmp7:
0x2c1: {  	v24 =	vand.u32 $0x7, v31;
	vm5 =	vlt.u32 v32, $0xC350;
	v32 =	vor.u32 v47, v48;
	(pc) =	sbr.rel @p0 .LBB2_16-.Ltmp7, $4  }
0x2c2: {  	vm3 =	vlt.u32 v29, $0xC350;
	vm4 =	vlt.u32 v28, $0xC350;
	v31 =	vor.u32 v27, v30  }
0x2c3: {  	v33 =	vor.u32 v37, v33;
	vm1 =	vlt.u32 v34, $0xC350;
	v30 =	vor.u32 v40, v35  }
0x2c4: {  	vm2 =	vlt.u32 v39, $0xC350;
	vm7 =	vlt.u32 v36, $0xC350;
	v29 =	vor.u32 v43, v38  }
0x2c5: {  	vm0 =	vlt.u32 v42, $0xC350;
	s1 =	sadd.s32 $0x100, s1;
	v28 =	vor.u32 v45, v41;
	v27 =	vor.u32 v46, v44  }
0x2c6: {  	_ =	sdelay $0x4  }
0x2c7: {  	[tilespmem:v32+s2+$0x0] =	vst.idx.msk vm5, v2  }
0x2c8: {  	vm5 =	vlt.u32 v3, $0xC350;
	[tilespmem:v31+s2+$0x0] =	vst.idx.msk vm4, v2  }
0x2c9: {  	v3 =	vor.u32 v20, v4;
	vm4 =	vlt.u32 v5, $0xC350;
	[tilespmem:v33+s2+$0x0] =	vst.idx.msk vm3, v2  }
0x2ca: {  	v4 =	vor.u32 v19, v6;
	vm3 =	vlt.u32 v7, $0xC350;
	[tilespmem:v30+s2+$0x0] =	vst.idx.msk vm1, v2  }
0x2cb: {  	v5 =	vor.u32 v21, v9;
	vm1 =	vlt.u32 v8, $0xC350;
	[tilespmem:v29+s2+$0x0] =	vst.idx.msk vm7, v2  }
0x2cc: {  	v6 =	vor.u32 v22, v10;
	vm6 =	vlt.u32 v11, $0xC350;
	[tilespmem:v28+s2+$0x0] =	vst.idx.msk vm2, v2  }
0x2cd: {  	v7 =	vor.u32 v23, v12;
	vm2 =	vlt.u32 v13, $0xC350;
	[tilespmem:v27+s2+$0x0] =	vst.idx.msk vm0, v2  }
0x2ce: {  	v8 =	vor.u32 v26, v15;
	vm0 =	vlt.u32 v14, $0xC350;
	[tilespmem:v3+s2+$0x0] =	vst.idx.msk vm5, v2  }
0x2cf: {  	v3 =	vor.u32 v25, v18;
	vm5 =	vlt.u32 v16, $0xC350;
	[tilespmem:v4+s2+$0x0] =	vst.idx.msk vm4, v2  }
0x2d0: {  	v4 =	vor.u32 v24, v17;
	[tilespmem:v5+s2+$0x0] =	vst.idx.msk vm3, v2  }
0x2d1: {  	[tilespmem:v6+s2+$0x0] =	vst.idx.msk vm1, v2  }
0x2d2: {  	[tilespmem:v7+s2+$0x0] =	vst.idx.msk vm6, v2  }
0x2d3: {  	[tilespmem:v8+s2+$0x0] =	vst.idx.msk vm2, v2  }
0x2d4: {  	[tilespmem:v3+s2+$0x0] =	vst.idx.msk vm0, v2  }
0x2d5: {  	[tilespmem:v4+s2+$0x0] =	vst.idx.msk vm5, v2  }
0x2d6: {  	s0 =	rddreg [dreg:$0xa]  }
0x2d7: {  	[tilespmem:s5], [sflag:$0x2] =	stream.linear.gather [hbm4b:s0+s2], $0x6400, $0x38;
	[tilespmem:$0x1BD20] =	vst v63  }
0x2d8: {  	_ =	swait.ge [sflag:s23], $0x6400  }
0x2d9: {  	[sflag:s23] =	ssyncset.done $0x0  }
0x2da: {  	s31 =	simm.s32 $0xE080;
	[sflag:s23] =	ssyncadd.s32 $0xFFFF9C00  }
0x2db: {  	v3 =	vld [tilespmem:s31+$0x70]  }
0x2dc: {  	v4 =	vld [tilespmem:s31+$0xFFFFFF90]  }
0x2dd: {  	v5 =	vld [tilespmem:s31+$0xFFFFFFA0]  }
0x2de: {  	v6 =	vld [tilespmem:s31+$0xFFFFFFB0]  }
0x2df: {  	v7 =	vld [tilespmem:s31+$0xFFFFFFC0]  }
0x2e0: {  	v8 =	vld [tilespmem:s31+$0xFFFFFFD0]  }
0x2e1: {  	v10 =	vld [tilespmem:s31+$0xFFFFFFE0]  }
0x2e2: {  	v11 =	vld [tilespmem:s31+$0xFFFFFFF0]  }
0x2e3: {  	v12 =	vld [tilespmem:s31+$0x0]  }
0x2e4: {  	v13 =	vld [tilespmem:s31+$0x10]  }
0x2e5: {  	v14 =	vld [tilespmem:s31+$0x20];
	v9 =	vsub.s32 v3, v0  }
0x2e6: {  	v25 =	vld [tilespmem:s31+$0x40];
	v3 =	vand.u32 $0x7, v3;
	v27 =	vsub.s32 v4, v0;
	v28 =	vsub.s32 v5, v0  }
0x2e7: {  	v18 =	vld [tilespmem:s31+$0xFFFFFF80];
	v30 =	vsub.s32 v6, v0;
	v24 =	vand.u32 $0x7, v4;
	v36 =	vsub.s32 v7, v0  }
0x2e8: {  	v45 =	vld [tilespmem:s31+$0x50];
	v63 =	vand.u32 $0x7, v5;
	v38 =	vsub.s32 v8, v0;
	v39 =	vand.u32 $0x7, v6  }
0x2e9: {  	v16 =	vld [tilespmem:s31+$0x30];
	v41 =	vsub.s32 v10, v0;
	v42 =	vand.u32 $0x7, v7;
	v44 =	vand.u32 $0x7, v8  }
0x2ea: {  	v5 =	vsub.s32 v12, v0;
	v46 =	vand.u32 $0x7, v10;
	v7 =	vsub.s32 v13, v0  }
0x2eb: {  	v20 =	vand.u32 $0x7, v11;
	v8 =	vsub.s32 v14, v0;
	v19 =	vand.u32 $0x7, v12  }
0x2ec: {  	v21 =	vand.u32 $0x7, v13;
	v13 =	vsub.s32 v25, v0;
	v22 =	vand.u32 $0x7, v14  }
0x2ed: {  	v48 =	vsub.s32 v18, v0;
	v14 =	vsub.s32 v45, v0;
	v18 =	vand.u32 $0x7, v18  }
0x2ee: {  	v23 =	vand.u32 $0x7, v16;
	vm0 =	vlt.u32 v9, $0xC350;
	v9 =	vand.u32 $0xFFFFFFF8, v9  }
0x2ef: {  	v17 =	vand.u32 $0xFFFFFFF8, v27;
	v29 =	vand.u32 $0xFFFFFFF8, v28;
	v35 =	vand.u32 $0xFFFFFFF8, v30  }
0x2f0: {  	v47 =	vld [tilespmem:s31+$0x60];
	v37 =	vand.u32 $0xFFFFFFF8, v36;
	v40 =	vand.u32 $0xFFFFFFF8, v38;
	v43 =	vand.u32 $0xFFFFFFF8, v41  }
0x2f1: {  	v6 =	vand.u32 $0xFFFFFFF8, v5;
	v10 =	vand.u32 $0xFFFFFFF8, v8;
	v15 =	vand.u32 $0xFFFFFFF8, v13  }
0x2f2: {  	v26 =	vand.u32 $0xFFFFFFF8, v48;
	vm5 =	vlt.u32 v48, $0xC350;
	vm4 =	vlt.u32 v27, $0xC350  }
0x2f3: {  	vm3 =	vlt.u32 v28, $0xC350;
	vm1 =	vlt.u32 v30, $0xC350;
	vm7 =	vlt.u32 v36, $0xC350  }
0x2f4: {  	vm2 =	vlt.u32 v38, $0xC350;
	v34 =	vor.u32 v3, v9;
	v3 =	vsub.s32 v11, v0  }
0x2f5: {  	v9 =	vand.u32 $0xFFFFFFF8, v7;
	v11 =	vsub.s32 v16, v0;
	v16 =	vsub.s32 v47, v0  }
0x2f6: {  	v32 =	vor.u32 v18, v26;
	v18 =	vand.u32 $0xFFFFFFF8, v14;
	v31 =	vor.u32 v24, v17  }
0x2f7: {  	v26 =	vand.u32 $0x7, v25;
	v25 =	vand.u32 $0x7, v45;
	v24 =	vand.u32 $0x7, v47  }
0x2f8: {  	v33 =	vor.u32 v63, v29;
	v30 =	vor.u32 v39, v35;
	v29 =	vor.u32 v42, v37  }
0x2f9: {  	v28 =	vor.u32 v44, v40;
	v27 =	vor.u32 v46, v43;
	v4 =	vand.u32 $0xFFFFFFF8, v3  }
0x2fa: {  	s1 =	simm.s32 $0xE180;
	s0 =	simm.s32 $0x0;
	v12 =	vand.u32 $0xFFFFFFF8, v11;
	v17 =	vand.u32 $0xFFFFFFF8, v16;
	[tilespmem:v34+s2+$0x0] =	vst.idx.msk vm0, v2;
	vm0 =	vlt.u32 v41, $0xC350  }
.LBB2_18:
0x2fb: {  	v34 =	vld [tilespmem:s1+$0x70];
	s0 =	sadd.s32 $0x10, s0;
	vm10 =	vlt.u32 v3, $0xC350;
	v3 =	vor.u32 v20, v4;
	vm8 =	vlt.u32 v5, $0xC350  }
0x2fc: {  	v5 =	vor.u32 v19, v6;
	vm9 =	vlt.u32 v7, $0xC350;
	v6 =	vor.u32 v21, v9;
	v4 =	vld [tilespmem:s1+$0xFFFFFF90];
	p0 =	slt.u32 s0, $0x630;
	[tilespmem:v32+s2+$0x0] =	vst.idx.msk vm5, v2  }
0x2fd: {  	vm6 =	vlt.u32 v8, $0xC350;
	v8 =	vor.u32 v22, v10;
	vm5 =	vlt.u32 v11, $0xC350;
	v7 =	vld [tilespmem:s1+$0xFFFFFFA0];
	[tilespmem:v31+s2+$0x0] =	vst.idx.msk vm4, v2  }
0x2fe: {  	v10 =	vor.u32 v23, v12;
	v11 =	vor.u32 v26, v15;
	v9 =	vld [tilespmem:s1+$0xFFFFFFB0];
	[tilespmem:v33+s2+$0x0] =	vst.idx.msk vm3, v2;
	vm3 =	vlt.u32 v13, $0xC350  }
0x2ff: {  	vm4 =	vlt.u32 v14, $0xC350;
	v13 =	vor.u32 v25, v18;
	v12 =	vld [tilespmem:s1+$0xFFFFFFC0];
	[tilespmem:v30+s2+$0x0] =	vst.idx.msk vm1, v2;
	vm1 =	vlt.u32 v16, $0xC350  }
0x300: {  	v16 =	vor.u32 v24, v17;
	v14 =	vld [tilespmem:s1+$0xFFFFFFD0];
	v15 =	vsub.s32 v34, v0;
	[tilespmem:v29+s2+$0x0] =	vst.idx.msk vm7, v2  }
0x301: {  	v18 =	vand.u32 $0x7, v34;
	v17 =	vld [tilespmem:s1+$0xFFFFFFE0];
	vm7 =	vlt.u32 v15, $0xC350;
	v15 =	vand.u32 $0xFFFFFFF8, v15;
	[tilespmem:v28+s2+$0x0] =	vst.idx.msk vm2, v2  }
0x302: {  	v28 =	vsub.s32 v4, v0;
	v29 =	vsub.s32 v7, v0;
	v19 =	vld [tilespmem:s1+$0xFFFFFFF0];
	v15 =	vor.u32 v18, v15  }
0x303: {  	v30 =	vand.u32 $0xFFFFFFF8, v28;
	v33 =	vand.u32 $0xFFFFFFF8, v29;
	v34 =	vsub.s32 v9, v0;
	v18 =	vld [tilespmem:s1+$0x0];
	[tilespmem:v27+s2+$0x0] =	vst.idx.msk vm0, v2  }
0x304: {  	v27 =	vand.u32 $0x7, v4;
	v35 =	vand.u32 $0xFFFFFFF8, v34;
	v36 =	vsub.s32 v12, v0;
	v21 =	vld [tilespmem:s1+$0x10];
	[tilespmem:v3+s2+$0x0] =	vst.idx.msk vm10, v2  }
0x305: {  	v37 =	vand.u32 $0x7, v7;
	v38 =	vand.u32 $0xFFFFFFF8, v36;
	v39 =	vsub.s32 v14, v0;
	v22 =	vld [tilespmem:s1+$0x20];
	[tilespmem:v5+s2+$0x0] =	vst.idx.msk vm8, v2  }
0x306: {  	v40 =	vand.u32 $0x7, v9;
	v41 =	vand.u32 $0xFFFFFFF8, v39;
	v42 =	vsub.s32 v17, v0;
	v23 =	vld [tilespmem:s1+$0x30];
	[tilespmem:v6+s2+$0x0] =	vst.idx.msk vm9, v2  }
0x307: {  	v43 =	vand.u32 $0x7, v12;
	v44 =	vand.u32 $0xFFFFFFF8, v42;
	v3 =	vsub.s32 v19, v0;
	v24 =	vld [tilespmem:s1+$0x40];
	[tilespmem:v15+s2+$0x0] =	vst.idx.msk vm7, v2  }
0x308: {  	v45 =	vand.u32 $0x7, v14;
	v4 =	vand.u32 $0xFFFFFFF8, v3;
	v5 =	vsub.s32 v18, v0;
	v25 =	vld [tilespmem:s1+$0x50];
	[tilespmem:v8+s2+$0x0] =	vst.idx.msk vm6, v2  }
0x309: {  	v46 =	vand.u32 $0x7, v17;
	v6 =	vand.u32 $0xFFFFFFF8, v5;
	v7 =	vsub.s32 v21, v0;
	v31 =	vld [tilespmem:s1+$0x60];
	[tilespmem:v10+s2+$0x0] =	vst.idx.msk vm5, v2  }
0x30a: {  	v20 =	vand.u32 $0x7, v19;
	v17 =	vld [tilespmem:s1+$0xFFFFFF80];
	v9 =	vand.u32 $0xFFFFFFF8, v7;
	v8 =	vsub.s32 v22, v0;
	[tilespmem:v11+s2+$0x0] =	vst.idx.msk vm3, v2  }
0x30b: {  	v19 =	vand.u32 $0x7, v18;
	v10 =	vand.u32 $0xFFFFFFF8, v8;
	v11 =	vsub.s32 v23, v0;
	[tilespmem:v13+s2+$0x0] =	vst.idx.msk vm4, v2  }
0x30c: {  	v21 =	vand.u32 $0x7, v21;
	v12 =	vand.u32 $0xFFFFFFF8, v11;
	v13 =	vsub.s32 v24, v0;
	[tilespmem:v16+s2+$0x0] =	vst.idx.msk vm1, v2  }
0x30d: {  	v22 =	vand.u32 $0x7, v22;
	v15 =	vand.u32 $0xFFFFFFF8, v13;
	v14 =	vsub.s32 v25, v0  }
0x30e: {  	v23 =	vand.u32 $0x7, v23;
	v18 =	vand.u32 $0xFFFFFFF8, v14;
	v16 =	vsub.s32 v31, v0  }
0x30f: {  	v32 =	vsub.s32 v17, v0;
	v47 =	vand.u32 $0x7, v17;
	v17 =	vand.u32 $0xFFFFFFF8, v16  }
0x310: {  	v26 =	vand.u32 $0x7, v24;
	v25 =	vand.u32 $0x7, v25;
	v48 =	vand.u32 $0xFFFFFFF8, v32  }
.Ltmp8:
0x311: {  	v24 =	vand.u32 $0x7, v31;
	vm5 =	vlt.u32 v32, $0xC350;
	v32 =	vor.u32 v47, v48;
	(pc) =	sbr.rel @p0 .LBB2_18-.Ltmp8, $4  }
0x312: {  	vm3 =	vlt.u32 v29, $0xC350;
	vm4 =	vlt.u32 v28, $0xC350;
	v31 =	vor.u32 v27, v30  }
0x313: {  	v33 =	vor.u32 v37, v33;
	vm1 =	vlt.u32 v34, $0xC350;
	v30 =	vor.u32 v40, v35  }
0x314: {  	vm2 =	vlt.u32 v39, $0xC350;
	vm7 =	vlt.u32 v36, $0xC350;
	v29 =	vor.u32 v43, v38  }
0x315: {  	vm0 =	vlt.u32 v42, $0xC350;
	s1 =	sadd.s32 $0x100, s1;
	v28 =	vor.u32 v45, v41;
	v27 =	vor.u32 v46, v44  }
0x316: {  	_ =	sdelay $0x4  }
0x317: {  	[tilespmem:v32+s2+$0x0] =	vst.idx.msk vm5, v2  }
0x318: {  	vm5 =	vlt.u32 v3, $0xC350;
	[tilespmem:v31+s2+$0x0] =	vst.idx.msk vm4, v2  }
0x319: {  	v3 =	vor.u32 v20, v4;
	vm4 =	vlt.u32 v5, $0xC350;
	[tilespmem:v33+s2+$0x0] =	vst.idx.msk vm3, v2  }
0x31a: {  	v4 =	vor.u32 v19, v6;
	vm3 =	vlt.u32 v7, $0xC350;
	[tilespmem:v30+s2+$0x0] =	vst.idx.msk vm1, v2  }
0x31b: {  	v5 =	vor.u32 v21, v9;
	vm1 =	vlt.u32 v8, $0xC350;
	[tilespmem:v29+s2+$0x0] =	vst.idx.msk vm7, v2  }
0x31c: {  	v6 =	vor.u32 v22, v10;
	vm6 =	vlt.u32 v11, $0xC350;
	[tilespmem:v28+s2+$0x0] =	vst.idx.msk vm2, v2  }
0x31d: {  	v7 =	vor.u32 v23, v12;
	vm2 =	vlt.u32 v13, $0xC350;
	[tilespmem:v27+s2+$0x0] =	vst.idx.msk vm0, v2  }
0x31e: {  	v8 =	vor.u32 v26, v15;
	vm0 =	vlt.u32 v14, $0xC350;
	[tilespmem:v3+s2+$0x0] =	vst.idx.msk vm5, v2  }
0x31f: {  	v3 =	vor.u32 v25, v18;
	vm5 =	vlt.u32 v16, $0xC350;
	[tilespmem:v4+s2+$0x0] =	vst.idx.msk vm4, v2  }
0x320: {  	v4 =	vor.u32 v24, v17;
	[tilespmem:v5+s2+$0x0] =	vst.idx.msk vm3, v2  }
0x321: {  	[tilespmem:v6+s2+$0x0] =	vst.idx.msk vm1, v2  }
0x322: {  	[tilespmem:v7+s2+$0x0] =	vst.idx.msk vm6, v2  }
0x323: {  	[tilespmem:v8+s2+$0x0] =	vst.idx.msk vm2, v2  }
0x324: {  	[tilespmem:v3+s2+$0x0] =	vst.idx.msk vm0, v2  }
0x325: {  	[tilespmem:v4+s2+$0x0] =	vst.idx.msk vm5, v2  }
0x326: {  	s0 =	rddreg [dreg:$0xb]  }
0x327: {  	[tilespmem:s4], [sflag:$0x1] =	stream.linear.gather [hbm4b:s0+s2], $0x6400, $0x38;
	[tilespmem:$0x1BD20] =	vst v63  }
0x328: {  	_ =	swait.ge [sflag:s24], $0x6400  }
0x329: {  	[sflag:s24] =	ssyncset.done $0x0  }
0x32a: {  	s31 =	simm.s32 $0x144F0;
	[sflag:s24] =	ssyncadd.s32 $0xFFFF9C00  }
0x32b: {  	v3 =	vld [tilespmem:s31+$0x0]  }
0x32c: {  	v4 =	vld [tilespmem:s31+$0xFFFFFF20]  }
0x32d: {  	v5 =	vld [tilespmem:s31+$0xFFFFFF30]  }
0x32e: {  	v6 =	vld [tilespmem:s31+$0xFFFFFF40]  }
0x32f: {  	v7 =	vld [tilespmem:s31+$0xFFFFFF50]  }
0x330: {  	v8 =	vld [tilespmem:s31+$0xFFFFFF60]  }
0x331: {  	v10 =	vld [tilespmem:s31+$0xFFFFFF70]  }
0x332: {  	v11 =	vld [tilespmem:s31+$0xFFFFFF80]  }
0x333: {  	v12 =	vld [tilespmem:s31+$0xFFFFFF90]  }
0x334: {  	v13 =	vld [tilespmem:s31+$0xFFFFFFA0]  }
0x335: {  	v14 =	vld [tilespmem:s31+$0xFFFFFFB0];
	v9 =	vsub.s32 v3, v0  }
0x336: {  	v25 =	vld [tilespmem:s31+$0xFFFFFFD0];
	v3 =	vand.u32 $0x7, v3;
	v27 =	vsub.s32 v4, v0;
	v28 =	vsub.s32 v5, v0  }
0x337: {  	v18 =	vld [tilespmem:s31+$0xFFFFFF10];
	v30 =	vsub.s32 v6, v0;
	v24 =	vand.u32 $0x7, v4;
	v36 =	vsub.s32 v7, v0  }
0x338: {  	v45 =	vld [tilespmem:s31+$0xFFFFFFE0];
	v63 =	vand.u32 $0x7, v5;
	v38 =	vsub.s32 v8, v0;
	v39 =	vand.u32 $0x7, v6  }
0x339: {  	v16 =	vld [tilespmem:s31+$0xFFFFFFC0];
	v41 =	vsub.s32 v10, v0;
	v42 =	vand.u32 $0x7, v7;
	v44 =	vand.u32 $0x7, v8  }
0x33a: {  	v5 =	vsub.s32 v12, v0;
	v46 =	vand.u32 $0x7, v10;
	v7 =	vsub.s32 v13, v0  }
0x33b: {  	v20 =	vand.u32 $0x7, v11;
	v8 =	vsub.s32 v14, v0;
	v19 =	vand.u32 $0x7, v12  }
0x33c: {  	v21 =	vand.u32 $0x7, v13;
	v13 =	vsub.s32 v25, v0;
	v22 =	vand.u32 $0x7, v14  }
0x33d: {  	v48 =	vsub.s32 v18, v0;
	v14 =	vsub.s32 v45, v0;
	v18 =	vand.u32 $0x7, v18  }
0x33e: {  	v23 =	vand.u32 $0x7, v16;
	vm0 =	vlt.u32 v9, $0xC350;
	v9 =	vand.u32 $0xFFFFFFF8, v9  }
0x33f: {  	v17 =	vand.u32 $0xFFFFFFF8, v27;
	v29 =	vand.u32 $0xFFFFFFF8, v28;
	v35 =	vand.u32 $0xFFFFFFF8, v30  }
0x340: {  	v47 =	vld [tilespmem:s31+$0xFFFFFFF0];
	v37 =	vand.u32 $0xFFFFFFF8, v36;
	v40 =	vand.u32 $0xFFFFFFF8, v38;
	v43 =	vand.u32 $0xFFFFFFF8, v41  }
0x341: {  	v6 =	vand.u32 $0xFFFFFFF8, v5;
	v10 =	vand.u32 $0xFFFFFFF8, v8;
	v15 =	vand.u32 $0xFFFFFFF8, v13  }
0x342: {  	v26 =	vand.u32 $0xFFFFFFF8, v48;
	vm5 =	vlt.u32 v48, $0xC350;
	vm4 =	vlt.u32 v27, $0xC350  }
0x343: {  	vm3 =	vlt.u32 v28, $0xC350;
	vm1 =	vlt.u32 v30, $0xC350;
	vm7 =	vlt.u32 v36, $0xC350  }
0x344: {  	vm2 =	vlt.u32 v38, $0xC350;
	v34 =	vor.u32 v3, v9;
	v3 =	vsub.s32 v11, v0  }
0x345: {  	v9 =	vand.u32 $0xFFFFFFF8, v7;
	v11 =	vsub.s32 v16, v0;
	v16 =	vsub.s32 v47, v0  }
0x346: {  	v32 =	vor.u32 v18, v26;
	v18 =	vand.u32 $0xFFFFFFF8, v14;
	v31 =	vor.u32 v24, v17  }
0x347: {  	v26 =	vand.u32 $0x7, v25;
	v25 =	vand.u32 $0x7, v45;
	v24 =	vand.u32 $0x7, v47  }
0x348: {  	v33 =	vor.u32 v63, v29;
	v30 =	vor.u32 v39, v35;
	v29 =	vor.u32 v42, v37  }
0x349: {  	v28 =	vor.u32 v44, v40;
	v27 =	vor.u32 v46, v43;
	v4 =	vand.u32 $0xFFFFFFF8, v3  }
0x34a: {  	s1 =	simm.s32 $0x145F0;
	s0 =	simm.s32 $0x0;
	v12 =	vand.u32 $0xFFFFFFF8, v11;
	v17 =	vand.u32 $0xFFFFFFF8, v16;
	[tilespmem:v34+s2+$0x0] =	vst.idx.msk vm0, v2;
	vm0 =	vlt.u32 v41, $0xC350  }
.LBB2_20:
0x34b: {  	v34 =	vld [tilespmem:s1+$0x0];
	s0 =	sadd.s32 $0x10, s0;
	vm10 =	vlt.u32 v3, $0xC350;
	v3 =	vor.u32 v20, v4;
	vm8 =	vlt.u32 v5, $0xC350  }
0x34c: {  	v5 =	vor.u32 v19, v6;
	vm9 =	vlt.u32 v7, $0xC350;
	v6 =	vor.u32 v21, v9;
	v4 =	vld [tilespmem:s1+$0xFFFFFF20];
	p0 =	slt.u32 s0, $0x630;
	[tilespmem:v32+s2+$0x0] =	vst.idx.msk vm5, v2  }
0x34d: {  	vm6 =	vlt.u32 v8, $0xC350;
	v8 =	vor.u32 v22, v10;
	vm5 =	vlt.u32 v11, $0xC350;
	v7 =	vld [tilespmem:s1+$0xFFFFFF30];
	[tilespmem:v31+s2+$0x0] =	vst.idx.msk vm4, v2  }
0x34e: {  	v10 =	vor.u32 v23, v12;
	v11 =	vor.u32 v26, v15;
	v9 =	vld [tilespmem:s1+$0xFFFFFF40];
	[tilespmem:v33+s2+$0x0] =	vst.idx.msk vm3, v2;
	vm3 =	vlt.u32 v13, $0xC350  }
0x34f: {  	vm4 =	vlt.u32 v14, $0xC350;
	v13 =	vor.u32 v25, v18;
	v12 =	vld [tilespmem:s1+$0xFFFFFF50];
	[tilespmem:v30+s2+$0x0] =	vst.idx.msk vm1, v2;
	vm1 =	vlt.u32 v16, $0xC350  }
0x350: {  	v16 =	vor.u32 v24, v17;
	v14 =	vld [tilespmem:s1+$0xFFFFFF60];
	v15 =	vsub.s32 v34, v0;
	[tilespmem:v29+s2+$0x0] =	vst.idx.msk vm7, v2  }
0x351: {  	v18 =	vand.u32 $0x7, v34;
	v17 =	vld [tilespmem:s1+$0xFFFFFF70];
	vm7 =	vlt.u32 v15, $0xC350;
	v15 =	vand.u32 $0xFFFFFFF8, v15;
	[tilespmem:v28+s2+$0x0] =	vst.idx.msk vm2, v2  }
0x352: {  	v28 =	vsub.s32 v4, v0;
	v29 =	vsub.s32 v7, v0;
	v19 =	vld [tilespmem:s1+$0xFFFFFF80];
	v15 =	vor.u32 v18, v15  }
0x353: {  	v30 =	vand.u32 $0xFFFFFFF8, v28;
	v33 =	vand.u32 $0xFFFFFFF8, v29;
	v34 =	vsub.s32 v9, v0;
	v18 =	vld [tilespmem:s1+$0xFFFFFF90];
	[tilespmem:v27+s2+$0x0] =	vst.idx.msk vm0, v2  }
0x354: {  	v27 =	vand.u32 $0x7, v4;
	v35 =	vand.u32 $0xFFFFFFF8, v34;
	v36 =	vsub.s32 v12, v0;
	v21 =	vld [tilespmem:s1+$0xFFFFFFA0];
	[tilespmem:v3+s2+$0x0] =	vst.idx.msk vm10, v2  }
0x355: {  	v37 =	vand.u32 $0x7, v7;
	v38 =	vand.u32 $0xFFFFFFF8, v36;
	v39 =	vsub.s32 v14, v0;
	v22 =	vld [tilespmem:s1+$0xFFFFFFB0];
	[tilespmem:v5+s2+$0x0] =	vst.idx.msk vm8, v2  }
0x356: {  	v40 =	vand.u32 $0x7, v9;
	v41 =	vand.u32 $0xFFFFFFF8, v39;
	v42 =	vsub.s32 v17, v0;
	v23 =	vld [tilespmem:s1+$0xFFFFFFC0];
	[tilespmem:v6+s2+$0x0] =	vst.idx.msk vm9, v2  }
0x357: {  	v43 =	vand.u32 $0x7, v12;
	v44 =	vand.u32 $0xFFFFFFF8, v42;
	v3 =	vsub.s32 v19, v0;
	v24 =	vld [tilespmem:s1+$0xFFFFFFD0];
	[tilespmem:v15+s2+$0x0] =	vst.idx.msk vm7, v2  }
0x358: {  	v45 =	vand.u32 $0x7, v14;
	v4 =	vand.u32 $0xFFFFFFF8, v3;
	v5 =	vsub.s32 v18, v0;
	v25 =	vld [tilespmem:s1+$0xFFFFFFE0];
	[tilespmem:v8+s2+$0x0] =	vst.idx.msk vm6, v2  }
0x359: {  	v46 =	vand.u32 $0x7, v17;
	v6 =	vand.u32 $0xFFFFFFF8, v5;
	v7 =	vsub.s32 v21, v0;
	v31 =	vld [tilespmem:s1+$0xFFFFFFF0];
	[tilespmem:v10+s2+$0x0] =	vst.idx.msk vm5, v2  }
0x35a: {  	v20 =	vand.u32 $0x7, v19;
	v17 =	vld [tilespmem:s1+$0xFFFFFF10];
	v9 =	vand.u32 $0xFFFFFFF8, v7;
	v8 =	vsub.s32 v22, v0;
	[tilespmem:v11+s2+$0x0] =	vst.idx.msk vm3, v2  }
0x35b: {  	v19 =	vand.u32 $0x7, v18;
	v10 =	vand.u32 $0xFFFFFFF8, v8;
	v11 =	vsub.s32 v23, v0;
	[tilespmem:v13+s2+$0x0] =	vst.idx.msk vm4, v2  }
0x35c: {  	v21 =	vand.u32 $0x7, v21;
	v12 =	vand.u32 $0xFFFFFFF8, v11;
	v13 =	vsub.s32 v24, v0;
	[tilespmem:v16+s2+$0x0] =	vst.idx.msk vm1, v2  }
0x35d: {  	v22 =	vand.u32 $0x7, v22;
	v15 =	vand.u32 $0xFFFFFFF8, v13;
	v14 =	vsub.s32 v25, v0  }
0x35e: {  	v23 =	vand.u32 $0x7, v23;
	v18 =	vand.u32 $0xFFFFFFF8, v14;
	v16 =	vsub.s32 v31, v0  }
0x35f: {  	v32 =	vsub.s32 v17, v0;
	v47 =	vand.u32 $0x7, v17;
	v17 =	vand.u32 $0xFFFFFFF8, v16  }
0x360: {  	v26 =	vand.u32 $0x7, v24;
	v25 =	vand.u32 $0x7, v25;
	v48 =	vand.u32 $0xFFFFFFF8, v32  }
.Ltmp9:
0x361: {  	v24 =	vand.u32 $0x7, v31;
	vm5 =	vlt.u32 v32, $0xC350;
	v32 =	vor.u32 v47, v48;
	(pc) =	sbr.rel @p0 .LBB2_20-.Ltmp9, $4  }
0x362: {  	vm3 =	vlt.u32 v29, $0xC350;
	vm4 =	vlt.u32 v28, $0xC350;
	v31 =	vor.u32 v27, v30  }
0x363: {  	v33 =	vor.u32 v37, v33;
	vm1 =	vlt.u32 v34, $0xC350;
	v30 =	vor.u32 v40, v35  }
0x364: {  	vm2 =	vlt.u32 v39, $0xC350;
	vm7 =	vlt.u32 v36, $0xC350;
	v29 =	vor.u32 v43, v38  }
0x365: {  	vm0 =	vlt.u32 v42, $0xC350;
	s1 =	sadd.s32 $0x100, s1;
	v28 =	vor.u32 v45, v41;
	v27 =	vor.u32 v46, v44  }
0x366: {  	_ =	sdelay $0x4  }
0x367: {  	[tilespmem:v32+s2+$0x0] =	vst.idx.msk vm5, v2  }
0x368: {  	vm5 =	vlt.u32 v3, $0xC350;
	[tilespmem:v31+s2+$0x0] =	vst.idx.msk vm4, v2  }
0x369: {  	v3 =	vor.u32 v20, v4;
	vm4 =	vlt.u32 v5, $0xC350;
	[tilespmem:v33+s2+$0x0] =	vst.idx.msk vm3, v2  }
0x36a: {  	v4 =	vor.u32 v19, v6;
	vm3 =	vlt.u32 v7, $0xC350;
	[tilespmem:v30+s2+$0x0] =	vst.idx.msk vm1, v2  }
0x36b: {  	v5 =	vor.u32 v21, v9;
	vm1 =	vlt.u32 v8, $0xC350;
	[tilespmem:v29+s2+$0x0] =	vst.idx.msk vm7, v2  }
0x36c: {  	v6 =	vor.u32 v22, v10;
	vm6 =	vlt.u32 v11, $0xC350;
	[tilespmem:v28+s2+$0x0] =	vst.idx.msk vm2, v2  }
0x36d: {  	v7 =	vor.u32 v23, v12;
	vm2 =	vlt.u32 v13, $0xC350;
	[tilespmem:v27+s2+$0x0] =	vst.idx.msk vm0, v2  }
0x36e: {  	v8 =	vor.u32 v26, v15;
	vm0 =	vlt.u32 v14, $0xC350;
	[tilespmem:v3+s2+$0x0] =	vst.idx.msk vm5, v2  }
0x36f: {  	v3 =	vor.u32 v25, v18;
	vm5 =	vlt.u32 v16, $0xC350;
	[tilespmem:v4+s2+$0x0] =	vst.idx.msk vm4, v2  }
0x370: {  	v4 =	vor.u32 v24, v17;
	[tilespmem:v5+s2+$0x0] =	vst.idx.msk vm3, v2  }
0x371: {  	[tilespmem:v6+s2+$0x0] =	vst.idx.msk vm1, v2  }
0x372: {  	[tilespmem:v7+s2+$0x0] =	vst.idx.msk vm6, v2  }
0x373: {  	[tilespmem:v8+s2+$0x0] =	vst.idx.msk vm2, v2  }
0x374: {  	[tilespmem:v3+s2+$0x0] =	vst.idx.msk vm0, v2  }
0x375: {  	[tilespmem:v4+s2+$0x0] =	vst.idx.msk vm5, v2  }
0x376: {  	s0 =	rddreg [dreg:$0xc]  }
0x377: {  	[tilespmem:s5], [sflag:$0x2] =	stream.linear.gather [hbm4b:s0+s2], $0x6400, $0x38;
	[tilespmem:$0x1BD20] =	vst v63  }
0x378: {  	_ =	swait.ge [sflag:s23], $0x6400  }
0x379: {  	[sflag:s23] =	ssyncset.done $0x0  }
0x37a: {  	s31 =	simm.s32 $0xE080;
	[sflag:s23] =	ssyncadd.s32 $0xFFFF9C00  }
0x37b: {  	v3 =	vld [tilespmem:s31+$0x70]  }
0x37c: {  	v4 =	vld [tilespmem:s31+$0xFFFFFF90]  }
0x37d: {  	v5 =	vld [tilespmem:s31+$0xFFFFFFA0]  }
0x37e: {  	v6 =	vld [tilespmem:s31+$0xFFFFFFB0]  }
0x37f: {  	v7 =	vld [tilespmem:s31+$0xFFFFFFC0]  }
0x380: {  	v8 =	vld [tilespmem:s31+$0xFFFFFFD0]  }
0x381: {  	v10 =	vld [tilespmem:s31+$0xFFFFFFE0]  }
0x382: {  	v11 =	vld [tilespmem:s31+$0xFFFFFFF0]  }
0x383: {  	v12 =	vld [tilespmem:s31+$0x0]  }
0x384: {  	v13 =	vld [tilespmem:s31+$0x10]  }
0x385: {  	v14 =	vld [tilespmem:s31+$0x20];
	v9 =	vsub.s32 v3, v0  }
0x386: {  	v25 =	vld [tilespmem:s31+$0x40];
	v3 =	vand.u32 $0x7, v3;
	v27 =	vsub.s32 v4, v0;
	v28 =	vsub.s32 v5, v0  }
0x387: {  	v18 =	vld [tilespmem:s31+$0xFFFFFF80];
	v30 =	vsub.s32 v6, v0;
	v24 =	vand.u32 $0x7, v4;
	v36 =	vsub.s32 v7, v0  }
0x388: {  	v45 =	vld [tilespmem:s31+$0x50];
	v63 =	vand.u32 $0x7, v5;
	v38 =	vsub.s32 v8, v0;
	v39 =	vand.u32 $0x7, v6  }
0x389: {  	v16 =	vld [tilespmem:s31+$0x30];
	v41 =	vsub.s32 v10, v0;
	v42 =	vand.u32 $0x7, v7;
	v44 =	vand.u32 $0x7, v8  }
0x38a: {  	v5 =	vsub.s32 v12, v0;
	v46 =	vand.u32 $0x7, v10;
	v7 =	vsub.s32 v13, v0  }
0x38b: {  	v20 =	vand.u32 $0x7, v11;
	v8 =	vsub.s32 v14, v0;
	v19 =	vand.u32 $0x7, v12  }
0x38c: {  	v21 =	vand.u32 $0x7, v13;
	v13 =	vsub.s32 v25, v0;
	v22 =	vand.u32 $0x7, v14  }
0x38d: {  	v48 =	vsub.s32 v18, v0;
	v14 =	vsub.s32 v45, v0;
	v18 =	vand.u32 $0x7, v18  }
0x38e: {  	v23 =	vand.u32 $0x7, v16;
	vm0 =	vlt.u32 v9, $0xC350;
	v9 =	vand.u32 $0xFFFFFFF8, v9  }
0x38f: {  	v17 =	vand.u32 $0xFFFFFFF8, v27;
	v29 =	vand.u32 $0xFFFFFFF8, v28;
	v35 =	vand.u32 $0xFFFFFFF8, v30  }
0x390: {  	v47 =	vld [tilespmem:s31+$0x60];
	v37 =	vand.u32 $0xFFFFFFF8, v36;
	v40 =	vand.u32 $0xFFFFFFF8, v38;
	v43 =	vand.u32 $0xFFFFFFF8, v41  }
0x391: {  	v6 =	vand.u32 $0xFFFFFFF8, v5;
	v10 =	vand.u32 $0xFFFFFFF8, v8;
	v15 =	vand.u32 $0xFFFFFFF8, v13  }
0x392: {  	v26 =	vand.u32 $0xFFFFFFF8, v48;
	vm5 =	vlt.u32 v48, $0xC350;
	vm4 =	vlt.u32 v27, $0xC350  }
0x393: {  	vm3 =	vlt.u32 v28, $0xC350;
	vm1 =	vlt.u32 v30, $0xC350;
	vm7 =	vlt.u32 v36, $0xC350  }
0x394: {  	vm2 =	vlt.u32 v38, $0xC350;
	v34 =	vor.u32 v3, v9;
	v3 =	vsub.s32 v11, v0  }
0x395: {  	v9 =	vand.u32 $0xFFFFFFF8, v7;
	v11 =	vsub.s32 v16, v0;
	v16 =	vsub.s32 v47, v0  }
0x396: {  	v32 =	vor.u32 v18, v26;
	v18 =	vand.u32 $0xFFFFFFF8, v14;
	v31 =	vor.u32 v24, v17  }
0x397: {  	v26 =	vand.u32 $0x7, v25;
	v25 =	vand.u32 $0x7, v45;
	v24 =	vand.u32 $0x7, v47  }
0x398: {  	v33 =	vor.u32 v63, v29;
	v30 =	vor.u32 v39, v35;
	v29 =	vor.u32 v42, v37  }
0x399: {  	v28 =	vor.u32 v44, v40;
	v27 =	vor.u32 v46, v43;
	v4 =	vand.u32 $0xFFFFFFF8, v3  }
0x39a: {  	s1 =	simm.s32 $0xE180;
	s0 =	simm.s32 $0x0;
	v12 =	vand.u32 $0xFFFFFFF8, v11;
	v17 =	vand.u32 $0xFFFFFFF8, v16;
	[tilespmem:v34+s2+$0x0] =	vst.idx.msk vm0, v2;
	vm0 =	vlt.u32 v41, $0xC350  }
.LBB2_22:
0x39b: {  	v34 =	vld [tilespmem:s1+$0x70];
	s0 =	sadd.s32 $0x10, s0;
	vm10 =	vlt.u32 v3, $0xC350;
	v3 =	vor.u32 v20, v4;
	vm8 =	vlt.u32 v5, $0xC350  }
0x39c: {  	v5 =	vor.u32 v19, v6;
	vm9 =	vlt.u32 v7, $0xC350;
	v6 =	vor.u32 v21, v9;
	v4 =	vld [tilespmem:s1+$0xFFFFFF90];
	p0 =	slt.u32 s0, $0x630;
	[tilespmem:v32+s2+$0x0] =	vst.idx.msk vm5, v2  }
0x39d: {  	vm6 =	vlt.u32 v8, $0xC350;
	v8 =	vor.u32 v22, v10;
	vm5 =	vlt.u32 v11, $0xC350;
	v7 =	vld [tilespmem:s1+$0xFFFFFFA0];
	[tilespmem:v31+s2+$0x0] =	vst.idx.msk vm4, v2  }
0x39e: {  	v10 =	vor.u32 v23, v12;
	v11 =	vor.u32 v26, v15;
	v9 =	vld [tilespmem:s1+$0xFFFFFFB0];
	[tilespmem:v33+s2+$0x0] =	vst.idx.msk vm3, v2;
	vm3 =	vlt.u32 v13, $0xC350  }
0x39f: {  	vm4 =	vlt.u32 v14, $0xC350;
	v13 =	vor.u32 v25, v18;
	v12 =	vld [tilespmem:s1+$0xFFFFFFC0];
	[tilespmem:v30+s2+$0x0] =	vst.idx.msk vm1, v2;
	vm1 =	vlt.u32 v16, $0xC350  }
0x3a0: {  	v16 =	vor.u32 v24, v17;
	v14 =	vld [tilespmem:s1+$0xFFFFFFD0];
	v15 =	vsub.s32 v34, v0;
	[tilespmem:v29+s2+$0x0] =	vst.idx.msk vm7, v2  }
0x3a1: {  	v18 =	vand.u32 $0x7, v34;
	v17 =	vld [tilespmem:s1+$0xFFFFFFE0];
	vm7 =	vlt.u32 v15, $0xC350;
	v15 =	vand.u32 $0xFFFFFFF8, v15;
	[tilespmem:v28+s2+$0x0] =	vst.idx.msk vm2, v2  }
0x3a2: {  	v28 =	vsub.s32 v4, v0;
	v29 =	vsub.s32 v7, v0;
	v19 =	vld [tilespmem:s1+$0xFFFFFFF0];
	v15 =	vor.u32 v18, v15  }
0x3a3: {  	v30 =	vand.u32 $0xFFFFFFF8, v28;
	v33 =	vand.u32 $0xFFFFFFF8, v29;
	v34 =	vsub.s32 v9, v0;
	v18 =	vld [tilespmem:s1+$0x0];
	[tilespmem:v27+s2+$0x0] =	vst.idx.msk vm0, v2  }
0x3a4: {  	v27 =	vand.u32 $0x7, v4;
	v35 =	vand.u32 $0xFFFFFFF8, v34;
	v36 =	vsub.s32 v12, v0;
	v21 =	vld [tilespmem:s1+$0x10];
	[tilespmem:v3+s2+$0x0] =	vst.idx.msk vm10, v2  }
0x3a5: {  	v37 =	vand.u32 $0x7, v7;
	v38 =	vand.u32 $0xFFFFFFF8, v36;
	v39 =	vsub.s32 v14, v0;
	v22 =	vld [tilespmem:s1+$0x20];
	[tilespmem:v5+s2+$0x0] =	vst.idx.msk vm8, v2  }
0x3a6: {  	v40 =	vand.u32 $0x7, v9;
	v41 =	vand.u32 $0xFFFFFFF8, v39;
	v42 =	vsub.s32 v17, v0;
	v23 =	vld [tilespmem:s1+$0x30];
	[tilespmem:v6+s2+$0x0] =	vst.idx.msk vm9, v2  }
0x3a7: {  	v43 =	vand.u32 $0x7, v12;
	v44 =	vand.u32 $0xFFFFFFF8, v42;
	v3 =	vsub.s32 v19, v0;
	v24 =	vld [tilespmem:s1+$0x40];
	[tilespmem:v15+s2+$0x0] =	vst.idx.msk vm7, v2  }
0x3a8: {  	v45 =	vand.u32 $0x7, v14;
	v4 =	vand.u32 $0xFFFFFFF8, v3;
	v5 =	vsub.s32 v18, v0;
	v25 =	vld [tilespmem:s1+$0x50];
	[tilespmem:v8+s2+$0x0] =	vst.idx.msk vm6, v2  }
0x3a9: {  	v46 =	vand.u32 $0x7, v17;
	v6 =	vand.u32 $0xFFFFFFF8, v5;
	v7 =	vsub.s32 v21, v0;
	v31 =	vld [tilespmem:s1+$0x60];
	[tilespmem:v10+s2+$0x0] =	vst.idx.msk vm5, v2  }
0x3aa: {  	v20 =	vand.u32 $0x7, v19;
	v17 =	vld [tilespmem:s1+$0xFFFFFF80];
	v9 =	vand.u32 $0xFFFFFFF8, v7;
	v8 =	vsub.s32 v22, v0;
	[tilespmem:v11+s2+$0x0] =	vst.idx.msk vm3, v2  }
0x3ab: {  	v19 =	vand.u32 $0x7, v18;
	v10 =	vand.u32 $0xFFFFFFF8, v8;
	v11 =	vsub.s32 v23, v0;
	[tilespmem:v13+s2+$0x0] =	vst.idx.msk vm4, v2  }
0x3ac: {  	v21 =	vand.u32 $0x7, v21;
	v12 =	vand.u32 $0xFFFFFFF8, v11;
	v13 =	vsub.s32 v24, v0;
	[tilespmem:v16+s2+$0x0] =	vst.idx.msk vm1, v2  }
0x3ad: {  	v22 =	vand.u32 $0x7, v22;
	v15 =	vand.u32 $0xFFFFFFF8, v13;
	v14 =	vsub.s32 v25, v0  }
0x3ae: {  	v23 =	vand.u32 $0x7, v23;
	v18 =	vand.u32 $0xFFFFFFF8, v14;
	v16 =	vsub.s32 v31, v0  }
0x3af: {  	v32 =	vsub.s32 v17, v0;
	v47 =	vand.u32 $0x7, v17;
	v17 =	vand.u32 $0xFFFFFFF8, v16  }
0x3b0: {  	v26 =	vand.u32 $0x7, v24;
	v25 =	vand.u32 $0x7, v25;
	v48 =	vand.u32 $0xFFFFFFF8, v32  }
.Ltmp10:
0x3b1: {  	v24 =	vand.u32 $0x7, v31;
	vm5 =	vlt.u32 v32, $0xC350;
	v32 =	vor.u32 v47, v48;
	(pc) =	sbr.rel @p0 .LBB2_22-.Ltmp10, $4  }
0x3b2: {  	vm3 =	vlt.u32 v29, $0xC350;
	vm4 =	vlt.u32 v28, $0xC350;
	v31 =	vor.u32 v27, v30  }
0x3b3: {  	v33 =	vor.u32 v37, v33;
	vm1 =	vlt.u32 v34, $0xC350;
	v30 =	vor.u32 v40, v35  }
0x3b4: {  	vm2 =	vlt.u32 v39, $0xC350;
	vm7 =	vlt.u32 v36, $0xC350;
	v29 =	vor.u32 v43, v38  }
0x3b5: {  	vm0 =	vlt.u32 v42, $0xC350;
	s1 =	sadd.s32 $0x100, s1;
	v28 =	vor.u32 v45, v41;
	v27 =	vor.u32 v46, v44  }
0x3b6: {  	_ =	sdelay $0x4  }
0x3b7: {  	[tilespmem:v32+s2+$0x0] =	vst.idx.msk vm5, v2  }
0x3b8: {  	vm5 =	vlt.u32 v3, $0xC350;
	[tilespmem:v31+s2+$0x0] =	vst.idx.msk vm4, v2  }
0x3b9: {  	v3 =	vor.u32 v20, v4;
	vm4 =	vlt.u32 v5, $0xC350;
	[tilespmem:v33+s2+$0x0] =	vst.idx.msk vm3, v2  }
0x3ba: {  	v4 =	vor.u32 v19, v6;
	vm3 =	vlt.u32 v7, $0xC350;
	[tilespmem:v30+s2+$0x0] =	vst.idx.msk vm1, v2  }
0x3bb: {  	v5 =	vor.u32 v21, v9;
	vm1 =	vlt.u32 v8, $0xC350;
	[tilespmem:v29+s2+$0x0] =	vst.idx.msk vm7, v2  }
0x3bc: {  	v6 =	vor.u32 v22, v10;
	vm6 =	vlt.u32 v11, $0xC350;
	[tilespmem:v28+s2+$0x0] =	vst.idx.msk vm2, v2  }
0x3bd: {  	v7 =	vor.u32 v23, v12;
	vm2 =	vlt.u32 v13, $0xC350;
	[tilespmem:v27+s2+$0x0] =	vst.idx.msk vm0, v2  }
0x3be: {  	v8 =	vor.u32 v26, v15;
	vm0 =	vlt.u32 v14, $0xC350;
	[tilespmem:v3+s2+$0x0] =	vst.idx.msk vm5, v2  }
0x3bf: {  	v3 =	vor.u32 v25, v18;
	vm5 =	vlt.u32 v16, $0xC350;
	[tilespmem:v4+s2+$0x0] =	vst.idx.msk vm4, v2  }
0x3c0: {  	v4 =	vor.u32 v24, v17;
	[tilespmem:v5+s2+$0x0] =	vst.idx.msk vm3, v2  }
0x3c1: {  	[tilespmem:v6+s2+$0x0] =	vst.idx.msk vm1, v2  }
0x3c2: {  	[tilespmem:v7+s2+$0x0] =	vst.idx.msk vm6, v2  }
0x3c3: {  	[tilespmem:v8+s2+$0x0] =	vst.idx.msk vm2, v2  }
0x3c4: {  	[tilespmem:v3+s2+$0x0] =	vst.idx.msk vm0, v2  }
0x3c5: {  	[tilespmem:v4+s2+$0x0] =	vst.idx.msk vm5, v2  }
0x3c6: {  	s0 =	rddreg [dreg:$0xd]  }
0x3c7: {  	[tilespmem:s4], [sflag:$0x1] =	stream.linear.gather [hbm4b:s0+s2], $0x6400, $0x38;
	[tilespmem:$0x1BD20] =	vst v63  }
0x3c8: {  	_ =	swait.ge [sflag:s24], $0x6400  }
0x3c9: {  	[sflag:s24] =	ssyncset.done $0x0  }
0x3ca: {  	s31 =	simm.s32 $0x144F0;
	[sflag:s24] =	ssyncadd.s32 $0xFFFF9C00  }
0x3cb: {  	v3 =	vld [tilespmem:s31+$0x0]  }
0x3cc: {  	v4 =	vld [tilespmem:s31+$0xFFFFFF20]  }
0x3cd: {  	v5 =	vld [tilespmem:s31+$0xFFFFFF30]  }
0x3ce: {  	v6 =	vld [tilespmem:s31+$0xFFFFFF40]  }
0x3cf: {  	v7 =	vld [tilespmem:s31+$0xFFFFFF50]  }
0x3d0: {  	v8 =	vld [tilespmem:s31+$0xFFFFFF60]  }
0x3d1: {  	v10 =	vld [tilespmem:s31+$0xFFFFFF70]  }
0x3d2: {  	v11 =	vld [tilespmem:s31+$0xFFFFFF80]  }
0x3d3: {  	v12 =	vld [tilespmem:s31+$0xFFFFFF90]  }
0x3d4: {  	v13 =	vld [tilespmem:s31+$0xFFFFFFA0]  }
0x3d5: {  	v14 =	vld [tilespmem:s31+$0xFFFFFFB0];
	v9 =	vsub.s32 v3, v0  }
0x3d6: {  	v25 =	vld [tilespmem:s31+$0xFFFFFFD0];
	v3 =	vand.u32 $0x7, v3;
	v27 =	vsub.s32 v4, v0;
	v28 =	vsub.s32 v5, v0  }
0x3d7: {  	v18 =	vld [tilespmem:s31+$0xFFFFFF10];
	v30 =	vsub.s32 v6, v0;
	v24 =	vand.u32 $0x7, v4;
	v36 =	vsub.s32 v7, v0  }
0x3d8: {  	v45 =	vld [tilespmem:s31+$0xFFFFFFE0];
	v63 =	vand.u32 $0x7, v5;
	v38 =	vsub.s32 v8, v0;
	v39 =	vand.u32 $0x7, v6  }
0x3d9: {  	v16 =	vld [tilespmem:s31+$0xFFFFFFC0];
	v41 =	vsub.s32 v10, v0;
	v42 =	vand.u32 $0x7, v7;
	v44 =	vand.u32 $0x7, v8  }
0x3da: {  	v5 =	vsub.s32 v12, v0;
	v46 =	vand.u32 $0x7, v10;
	v7 =	vsub.s32 v13, v0  }
0x3db: {  	v20 =	vand.u32 $0x7, v11;
	v8 =	vsub.s32 v14, v0;
	v19 =	vand.u32 $0x7, v12  }
0x3dc: {  	v21 =	vand.u32 $0x7, v13;
	v13 =	vsub.s32 v25, v0;
	v22 =	vand.u32 $0x7, v14  }
0x3dd: {  	v48 =	vsub.s32 v18, v0;
	v14 =	vsub.s32 v45, v0;
	v18 =	vand.u32 $0x7, v18  }
0x3de: {  	v23 =	vand.u32 $0x7, v16;
	vm0 =	vlt.u32 v9, $0xC350;
	v9 =	vand.u32 $0xFFFFFFF8, v9  }
0x3df: {  	v17 =	vand.u32 $0xFFFFFFF8, v27;
	v29 =	vand.u32 $0xFFFFFFF8, v28;
	v35 =	vand.u32 $0xFFFFFFF8, v30  }
0x3e0: {  	v47 =	vld [tilespmem:s31+$0xFFFFFFF0];
	v37 =	vand.u32 $0xFFFFFFF8, v36;
	v40 =	vand.u32 $0xFFFFFFF8, v38;
	v43 =	vand.u32 $0xFFFFFFF8, v41  }
0x3e1: {  	v6 =	vand.u32 $0xFFFFFFF8, v5;
	v10 =	vand.u32 $0xFFFFFFF8, v8;
	v15 =	vand.u32 $0xFFFFFFF8, v13  }
0x3e2: {  	v26 =	vand.u32 $0xFFFFFFF8, v48;
	vm5 =	vlt.u32 v48, $0xC350;
	vm4 =	vlt.u32 v27, $0xC350  }
0x3e3: {  	vm3 =	vlt.u32 v28, $0xC350;
	vm1 =	vlt.u32 v30, $0xC350;
	vm7 =	vlt.u32 v36, $0xC350  }
0x3e4: {  	vm2 =	vlt.u32 v38, $0xC350;
	v34 =	vor.u32 v3, v9;
	v3 =	vsub.s32 v11, v0  }
0x3e5: {  	v9 =	vand.u32 $0xFFFFFFF8, v7;
	v11 =	vsub.s32 v16, v0;
	v16 =	vsub.s32 v47, v0  }
0x3e6: {  	v32 =	vor.u32 v18, v26;
	v18 =	vand.u32 $0xFFFFFFF8, v14;
	v31 =	vor.u32 v24, v17  }
0x3e7: {  	v26 =	vand.u32 $0x7, v25;
	v25 =	vand.u32 $0x7, v45;
	v24 =	vand.u32 $0x7, v47  }
0x3e8: {  	v33 =	vor.u32 v63, v29;
	v30 =	vor.u32 v39, v35;
	v29 =	vor.u32 v42, v37  }
0x3e9: {  	v28 =	vor.u32 v44, v40;
	v27 =	vor.u32 v46, v43;
	v4 =	vand.u32 $0xFFFFFFF8, v3  }
0x3ea: {  	s1 =	simm.s32 $0x145F0;
	s0 =	simm.s32 $0x0;
	v12 =	vand.u32 $0xFFFFFFF8, v11;
	v17 =	vand.u32 $0xFFFFFFF8, v16;
	[tilespmem:v34+s2+$0x0] =	vst.idx.msk vm0, v2;
	vm0 =	vlt.u32 v41, $0xC350  }
.LBB2_24:
0x3eb: {  	v34 =	vld [tilespmem:s1+$0x0];
	s0 =	sadd.s32 $0x10, s0;
	vm10 =	vlt.u32 v3, $0xC350;
	v3 =	vor.u32 v20, v4;
	vm8 =	vlt.u32 v5, $0xC350  }
0x3ec: {  	v5 =	vor.u32 v19, v6;
	vm9 =	vlt.u32 v7, $0xC350;
	v6 =	vor.u32 v21, v9;
	v4 =	vld [tilespmem:s1+$0xFFFFFF20];
	p0 =	slt.u32 s0, $0x630;
	[tilespmem:v32+s2+$0x0] =	vst.idx.msk vm5, v2  }
0x3ed: {  	vm6 =	vlt.u32 v8, $0xC350;
	v8 =	vor.u32 v22, v10;
	vm5 =	vlt.u32 v11, $0xC350;
	v7 =	vld [tilespmem:s1+$0xFFFFFF30];
	[tilespmem:v31+s2+$0x0] =	vst.idx.msk vm4, v2  }
0x3ee: {  	v10 =	vor.u32 v23, v12;
	v11 =	vor.u32 v26, v15;
	v9 =	vld [tilespmem:s1+$0xFFFFFF40];
	[tilespmem:v33+s2+$0x0] =	vst.idx.msk vm3, v2;
	vm3 =	vlt.u32 v13, $0xC350  }
0x3ef: {  	vm4 =	vlt.u32 v14, $0xC350;
	v13 =	vor.u32 v25, v18;
	v12 =	vld [tilespmem:s1+$0xFFFFFF50];
	[tilespmem:v30+s2+$0x0] =	vst.idx.msk vm1, v2;
	vm1 =	vlt.u32 v16, $0xC350  }
0x3f0: {  	v16 =	vor.u32 v24, v17;
	v14 =	vld [tilespmem:s1+$0xFFFFFF60];
	v15 =	vsub.s32 v34, v0;
	[tilespmem:v29+s2+$0x0] =	vst.idx.msk vm7, v2  }
0x3f1: {  	v18 =	vand.u32 $0x7, v34;
	v17 =	vld [tilespmem:s1+$0xFFFFFF70];
	vm7 =	vlt.u32 v15, $0xC350;
	v15 =	vand.u32 $0xFFFFFFF8, v15;
	[tilespmem:v28+s2+$0x0] =	vst.idx.msk vm2, v2  }
0x3f2: {  	v28 =	vsub.s32 v4, v0;
	v29 =	vsub.s32 v7, v0;
	v19 =	vld [tilespmem:s1+$0xFFFFFF80];
	v15 =	vor.u32 v18, v15  }
0x3f3: {  	v30 =	vand.u32 $0xFFFFFFF8, v28;
	v33 =	vand.u32 $0xFFFFFFF8, v29;
	v34 =	vsub.s32 v9, v0;
	v18 =	vld [tilespmem:s1+$0xFFFFFF90];
	[tilespmem:v27+s2+$0x0] =	vst.idx.msk vm0, v2  }
0x3f4: {  	v27 =	vand.u32 $0x7, v4;
	v35 =	vand.u32 $0xFFFFFFF8, v34;
	v36 =	vsub.s32 v12, v0;
	v21 =	vld [tilespmem:s1+$0xFFFFFFA0];
	[tilespmem:v3+s2+$0x0] =	vst.idx.msk vm10, v2  }
0x3f5: {  	v37 =	vand.u32 $0x7, v7;
	v38 =	vand.u32 $0xFFFFFFF8, v36;
	v39 =	vsub.s32 v14, v0;
	v22 =	vld [tilespmem:s1+$0xFFFFFFB0];
	[tilespmem:v5+s2+$0x0] =	vst.idx.msk vm8, v2  }
0x3f6: {  	v40 =	vand.u32 $0x7, v9;
	v41 =	vand.u32 $0xFFFFFFF8, v39;
	v42 =	vsub.s32 v17, v0;
	v23 =	vld [tilespmem:s1+$0xFFFFFFC0];
	[tilespmem:v6+s2+$0x0] =	vst.idx.msk vm9, v2  }
0x3f7: {  	v43 =	vand.u32 $0x7, v12;
	v44 =	vand.u32 $0xFFFFFFF8, v42;
	v3 =	vsub.s32 v19, v0;
	v24 =	vld [tilespmem:s1+$0xFFFFFFD0];
	[tilespmem:v15+s2+$0x0] =	vst.idx.msk vm7, v2  }
0x3f8: {  	v45 =	vand.u32 $0x7, v14;
	v4 =	vand.u32 $0xFFFFFFF8, v3;
	v5 =	vsub.s32 v18, v0;
	v25 =	vld [tilespmem:s1+$0xFFFFFFE0];
	[tilespmem:v8+s2+$0x0] =	vst.idx.msk vm6, v2  }
0x3f9: {  	v46 =	vand.u32 $0x7, v17;
	v6 =	vand.u32 $0xFFFFFFF8, v5;
	v7 =	vsub.s32 v21, v0;
	v31 =	vld [tilespmem:s1+$0xFFFFFFF0];
	[tilespmem:v10+s2+$0x0] =	vst.idx.msk vm5, v2  }
0x3fa: {  	v20 =	vand.u32 $0x7, v19;
	v17 =	vld [tilespmem:s1+$0xFFFFFF10];
	v9 =	vand.u32 $0xFFFFFFF8, v7;
	v8 =	vsub.s32 v22, v0;
	[tilespmem:v11+s2+$0x0] =	vst.idx.msk vm3, v2  }
0x3fb: {  	v19 =	vand.u32 $0x7, v18;
	v10 =	vand.u32 $0xFFFFFFF8, v8;
	v11 =	vsub.s32 v23, v0;
	[tilespmem:v13+s2+$0x0] =	vst.idx.msk vm4, v2  }
0x3fc: {  	v21 =	vand.u32 $0x7, v21;
	v12 =	vand.u32 $0xFFFFFFF8, v11;
	v13 =	vsub.s32 v24, v0;
	[tilespmem:v16+s2+$0x0] =	vst.idx.msk vm1, v2  }
0x3fd: {  	v22 =	vand.u32 $0x7, v22;
	v15 =	vand.u32 $0xFFFFFFF8, v13;
	v14 =	vsub.s32 v25, v0  }
0x3fe: {  	v23 =	vand.u32 $0x7, v23;
	v18 =	vand.u32 $0xFFFFFFF8, v14;
	v16 =	vsub.s32 v31, v0  }
0x3ff: {  	v32 =	vsub.s32 v17, v0;
	v47 =	vand.u32 $0x7, v17;
	v17 =	vand.u32 $0xFFFFFFF8, v16  }
0x400: {  	v26 =	vand.u32 $0x7, v24;
	v25 =	vand.u32 $0x7, v25;
	v48 =	vand.u32 $0xFFFFFFF8, v32  }
.Ltmp11:
0x401: {  	v24 =	vand.u32 $0x7, v31;
	vm5 =	vlt.u32 v32, $0xC350;
	v32 =	vor.u32 v47, v48;
	(pc) =	sbr.rel @p0 .LBB2_24-.Ltmp11, $4  }
0x402: {  	vm3 =	vlt.u32 v29, $0xC350;
	vm4 =	vlt.u32 v28, $0xC350;
	v31 =	vor.u32 v27, v30  }
0x403: {  	v33 =	vor.u32 v37, v33;
	vm1 =	vlt.u32 v34, $0xC350;
	v30 =	vor.u32 v40, v35  }
0x404: {  	vm2 =	vlt.u32 v39, $0xC350;
	vm7 =	vlt.u32 v36, $0xC350;
	v29 =	vor.u32 v43, v38  }
0x405: {  	vm0 =	vlt.u32 v42, $0xC350;
	s1 =	sadd.s32 $0x100, s1;
	v28 =	vor.u32 v45, v41;
	v27 =	vor.u32 v46, v44  }
0x406: {  	_ =	sdelay $0x4  }
0x407: {  	[tilespmem:v32+s2+$0x0] =	vst.idx.msk vm5, v2  }
0x408: {  	vm5 =	vlt.u32 v3, $0xC350;
	[tilespmem:v31+s2+$0x0] =	vst.idx.msk vm4, v2  }
0x409: {  	v3 =	vor.u32 v20, v4;
	vm4 =	vlt.u32 v5, $0xC350;
	[tilespmem:v33+s2+$0x0] =	vst.idx.msk vm3, v2  }
0x40a: {  	v4 =	vor.u32 v19, v6;
	vm3 =	vlt.u32 v7, $0xC350;
	[tilespmem:v30+s2+$0x0] =	vst.idx.msk vm1, v2  }
0x40b: {  	v5 =	vor.u32 v21, v9;
	vm1 =	vlt.u32 v8, $0xC350;
	[tilespmem:v29+s2+$0x0] =	vst.idx.msk vm7, v2  }
0x40c: {  	v6 =	vor.u32 v22, v10;
	vm6 =	vlt.u32 v11, $0xC350;
	[tilespmem:v28+s2+$0x0] =	vst.idx.msk vm2, v2  }
0x40d: {  	v7 =	vor.u32 v23, v12;
	vm2 =	vlt.u32 v13, $0xC350;
	[tilespmem:v27+s2+$0x0] =	vst.idx.msk vm0, v2  }
0x40e: {  	v8 =	vor.u32 v26, v15;
	vm0 =	vlt.u32 v14, $0xC350;
	[tilespmem:v3+s2+$0x0] =	vst.idx.msk vm5, v2  }
0x40f: {  	v3 =	vor.u32 v25, v18;
	vm5 =	vlt.u32 v16, $0xC350;
	[tilespmem:v4+s2+$0x0] =	vst.idx.msk vm4, v2  }
0x410: {  	v4 =	vor.u32 v24, v17;
	[tilespmem:v5+s2+$0x0] =	vst.idx.msk vm3, v2  }
0x411: {  	[tilespmem:v6+s2+$0x0] =	vst.idx.msk vm1, v2  }
0x412: {  	[tilespmem:v7+s2+$0x0] =	vst.idx.msk vm6, v2  }
0x413: {  	[tilespmem:v8+s2+$0x0] =	vst.idx.msk vm2, v2  }
0x414: {  	[tilespmem:v3+s2+$0x0] =	vst.idx.msk vm0, v2  }
0x415: {  	[tilespmem:v4+s2+$0x0] =	vst.idx.msk vm5, v2  }
0x416: {  	s0 =	rddreg [dreg:$0xe]  }
0x417: {  	[tilespmem:s5], [sflag:$0x2] =	stream.linear.gather [hbm4b:s0+s2], $0x6400, $0x38;
	[tilespmem:$0x1BD20] =	vst v63  }
0x418: {  	_ =	swait.ge [sflag:s23], $0x6400  }
0x419: {  	[sflag:s23] =	ssyncset.done $0x0  }
0x41a: {  	s31 =	simm.s32 $0xE080;
	[sflag:s23] =	ssyncadd.s32 $0xFFFF9C00  }
0x41b: {  	v3 =	vld [tilespmem:s31+$0x70]  }
0x41c: {  	v4 =	vld [tilespmem:s31+$0xFFFFFF90]  }
0x41d: {  	v5 =	vld [tilespmem:s31+$0xFFFFFFA0]  }
0x41e: {  	v6 =	vld [tilespmem:s31+$0xFFFFFFB0]  }
0x41f: {  	v7 =	vld [tilespmem:s31+$0xFFFFFFC0]  }
0x420: {  	v8 =	vld [tilespmem:s31+$0xFFFFFFD0]  }
0x421: {  	v10 =	vld [tilespmem:s31+$0xFFFFFFE0]  }
0x422: {  	v11 =	vld [tilespmem:s31+$0xFFFFFFF0]  }
0x423: {  	v12 =	vld [tilespmem:s31+$0x0]  }
0x424: {  	v13 =	vld [tilespmem:s31+$0x10]  }
0x425: {  	v14 =	vld [tilespmem:s31+$0x20];
	v9 =	vsub.s32 v3, v0  }
0x426: {  	v25 =	vld [tilespmem:s31+$0x40];
	v3 =	vand.u32 $0x7, v3;
	v27 =	vsub.s32 v4, v0;
	v28 =	vsub.s32 v5, v0  }
0x427: {  	v18 =	vld [tilespmem:s31+$0xFFFFFF80];
	v30 =	vsub.s32 v6, v0;
	v24 =	vand.u32 $0x7, v4;
	v36 =	vsub.s32 v7, v0  }
0x428: {  	v45 =	vld [tilespmem:s31+$0x50];
	v63 =	vand.u32 $0x7, v5;
	v38 =	vsub.s32 v8, v0;
	v39 =	vand.u32 $0x7, v6  }
0x429: {  	v16 =	vld [tilespmem:s31+$0x30];
	v41 =	vsub.s32 v10, v0;
	v42 =	vand.u32 $0x7, v7;
	v44 =	vand.u32 $0x7, v8  }
0x42a: {  	v5 =	vsub.s32 v12, v0;
	v46 =	vand.u32 $0x7, v10;
	v7 =	vsub.s32 v13, v0  }
0x42b: {  	v20 =	vand.u32 $0x7, v11;
	v8 =	vsub.s32 v14, v0;
	v19 =	vand.u32 $0x7, v12  }
0x42c: {  	v21 =	vand.u32 $0x7, v13;
	v13 =	vsub.s32 v25, v0;
	v22 =	vand.u32 $0x7, v14  }
0x42d: {  	v48 =	vsub.s32 v18, v0;
	v14 =	vsub.s32 v45, v0;
	v18 =	vand.u32 $0x7, v18  }
0x42e: {  	v23 =	vand.u32 $0x7, v16;
	vm0 =	vlt.u32 v9, $0xC350;
	v9 =	vand.u32 $0xFFFFFFF8, v9  }
0x42f: {  	v17 =	vand.u32 $0xFFFFFFF8, v27;
	v29 =	vand.u32 $0xFFFFFFF8, v28;
	v35 =	vand.u32 $0xFFFFFFF8, v30  }
0x430: {  	v47 =	vld [tilespmem:s31+$0x60];
	v37 =	vand.u32 $0xFFFFFFF8, v36;
	v40 =	vand.u32 $0xFFFFFFF8, v38;
	v43 =	vand.u32 $0xFFFFFFF8, v41  }
0x431: {  	v6 =	vand.u32 $0xFFFFFFF8, v5;
	v10 =	vand.u32 $0xFFFFFFF8, v8;
	v15 =	vand.u32 $0xFFFFFFF8, v13  }
0x432: {  	v26 =	vand.u32 $0xFFFFFFF8, v48;
	vm5 =	vlt.u32 v48, $0xC350;
	vm4 =	vlt.u32 v27, $0xC350  }
0x433: {  	vm3 =	vlt.u32 v28, $0xC350;
	vm1 =	vlt.u32 v30, $0xC350;
	vm7 =	vlt.u32 v36, $0xC350  }
0x434: {  	vm2 =	vlt.u32 v38, $0xC350;
	v34 =	vor.u32 v3, v9;
	v3 =	vsub.s32 v11, v0  }
0x435: {  	v9 =	vand.u32 $0xFFFFFFF8, v7;
	v11 =	vsub.s32 v16, v0;
	v16 =	vsub.s32 v47, v0  }
0x436: {  	v32 =	vor.u32 v18, v26;
	v18 =	vand.u32 $0xFFFFFFF8, v14;
	v31 =	vor.u32 v24, v17  }
0x437: {  	v26 =	vand.u32 $0x7, v25;
	v25 =	vand.u32 $0x7, v45;
	v24 =	vand.u32 $0x7, v47  }
0x438: {  	v33 =	vor.u32 v63, v29;
	v30 =	vor.u32 v39, v35;
	v29 =	vor.u32 v42, v37  }
0x439: {  	v28 =	vor.u32 v44, v40;
	v27 =	vor.u32 v46, v43;
	v4 =	vand.u32 $0xFFFFFFF8, v3  }
0x43a: {  	s1 =	simm.s32 $0xE180;
	s0 =	simm.s32 $0x0;
	v12 =	vand.u32 $0xFFFFFFF8, v11;
	v17 =	vand.u32 $0xFFFFFFF8, v16;
	[tilespmem:v34+s2+$0x0] =	vst.idx.msk vm0, v2;
	vm0 =	vlt.u32 v41, $0xC350  }
.LBB2_26:
0x43b: {  	v34 =	vld [tilespmem:s1+$0x70];
	s0 =	sadd.s32 $0x10, s0;
	vm10 =	vlt.u32 v3, $0xC350;
	v3 =	vor.u32 v20, v4;
	vm8 =	vlt.u32 v5, $0xC350  }
0x43c: {  	v5 =	vor.u32 v19, v6;
	vm9 =	vlt.u32 v7, $0xC350;
	v6 =	vor.u32 v21, v9;
	v4 =	vld [tilespmem:s1+$0xFFFFFF90];
	p0 =	slt.u32 s0, $0x630;
	[tilespmem:v32+s2+$0x0] =	vst.idx.msk vm5, v2  }
0x43d: {  	vm6 =	vlt.u32 v8, $0xC350;
	v8 =	vor.u32 v22, v10;
	vm5 =	vlt.u32 v11, $0xC350;
	v7 =	vld [tilespmem:s1+$0xFFFFFFA0];
	[tilespmem:v31+s2+$0x0] =	vst.idx.msk vm4, v2  }
0x43e: {  	v10 =	vor.u32 v23, v12;
	v11 =	vor.u32 v26, v15;
	v9 =	vld [tilespmem:s1+$0xFFFFFFB0];
	[tilespmem:v33+s2+$0x0] =	vst.idx.msk vm3, v2;
	vm3 =	vlt.u32 v13, $0xC350  }
0x43f: {  	vm4 =	vlt.u32 v14, $0xC350;
	v13 =	vor.u32 v25, v18;
	v12 =	vld [tilespmem:s1+$0xFFFFFFC0];
	[tilespmem:v30+s2+$0x0] =	vst.idx.msk vm1, v2;
	vm1 =	vlt.u32 v16, $0xC350  }
0x440: {  	v16 =	vor.u32 v24, v17;
	v14 =	vld [tilespmem:s1+$0xFFFFFFD0];
	v15 =	vsub.s32 v34, v0;
	[tilespmem:v29+s2+$0x0] =	vst.idx.msk vm7, v2  }
0x441: {  	v18 =	vand.u32 $0x7, v34;
	v17 =	vld [tilespmem:s1+$0xFFFFFFE0];
	vm7 =	vlt.u32 v15, $0xC350;
	v15 =	vand.u32 $0xFFFFFFF8, v15;
	[tilespmem:v28+s2+$0x0] =	vst.idx.msk vm2, v2  }
0x442: {  	v28 =	vsub.s32 v4, v0;
	v29 =	vsub.s32 v7, v0;
	v19 =	vld [tilespmem:s1+$0xFFFFFFF0];
	v15 =	vor.u32 v18, v15  }
0x443: {  	v30 =	vand.u32 $0xFFFFFFF8, v28;
	v33 =	vand.u32 $0xFFFFFFF8, v29;
	v34 =	vsub.s32 v9, v0;
	v18 =	vld [tilespmem:s1+$0x0];
	[tilespmem:v27+s2+$0x0] =	vst.idx.msk vm0, v2  }
0x444: {  	v27 =	vand.u32 $0x7, v4;
	v35 =	vand.u32 $0xFFFFFFF8, v34;
	v36 =	vsub.s32 v12, v0;
	v21 =	vld [tilespmem:s1+$0x10];
	[tilespmem:v3+s2+$0x0] =	vst.idx.msk vm10, v2  }
0x445: {  	v37 =	vand.u32 $0x7, v7;
	v38 =	vand.u32 $0xFFFFFFF8, v36;
	v39 =	vsub.s32 v14, v0;
	v22 =	vld [tilespmem:s1+$0x20];
	[tilespmem:v5+s2+$0x0] =	vst.idx.msk vm8, v2  }
0x446: {  	v40 =	vand.u32 $0x7, v9;
	v41 =	vand.u32 $0xFFFFFFF8, v39;
	v42 =	vsub.s32 v17, v0;
	v23 =	vld [tilespmem:s1+$0x30];
	[tilespmem:v6+s2+$0x0] =	vst.idx.msk vm9, v2  }
0x447: {  	v43 =	vand.u32 $0x7, v12;
	v44 =	vand.u32 $0xFFFFFFF8, v42;
	v3 =	vsub.s32 v19, v0;
	v24 =	vld [tilespmem:s1+$0x40];
	[tilespmem:v15+s2+$0x0] =	vst.idx.msk vm7, v2  }
0x448: {  	v45 =	vand.u32 $0x7, v14;
	v4 =	vand.u32 $0xFFFFFFF8, v3;
	v5 =	vsub.s32 v18, v0;
	v25 =	vld [tilespmem:s1+$0x50];
	[tilespmem:v8+s2+$0x0] =	vst.idx.msk vm6, v2  }
0x449: {  	v46 =	vand.u32 $0x7, v17;
	v6 =	vand.u32 $0xFFFFFFF8, v5;
	v7 =	vsub.s32 v21, v0;
	v31 =	vld [tilespmem:s1+$0x60];
	[tilespmem:v10+s2+$0x0] =	vst.idx.msk vm5, v2  }
0x44a: {  	v20 =	vand.u32 $0x7, v19;
	v17 =	vld [tilespmem:s1+$0xFFFFFF80];
	v9 =	vand.u32 $0xFFFFFFF8, v7;
	v8 =	vsub.s32 v22, v0;
	[tilespmem:v11+s2+$0x0] =	vst.idx.msk vm3, v2  }
0x44b: {  	v19 =	vand.u32 $0x7, v18;
	v10 =	vand.u32 $0xFFFFFFF8, v8;
	v11 =	vsub.s32 v23, v0;
	[tilespmem:v13+s2+$0x0] =	vst.idx.msk vm4, v2  }
0x44c: {  	v21 =	vand.u32 $0x7, v21;
	v12 =	vand.u32 $0xFFFFFFF8, v11;
	v13 =	vsub.s32 v24, v0;
	[tilespmem:v16+s2+$0x0] =	vst.idx.msk vm1, v2  }
0x44d: {  	v22 =	vand.u32 $0x7, v22;
	v15 =	vand.u32 $0xFFFFFFF8, v13;
	v14 =	vsub.s32 v25, v0  }
0x44e: {  	v23 =	vand.u32 $0x7, v23;
	v18 =	vand.u32 $0xFFFFFFF8, v14;
	v16 =	vsub.s32 v31, v0  }
0x44f: {  	v32 =	vsub.s32 v17, v0;
	v47 =	vand.u32 $0x7, v17;
	v17 =	vand.u32 $0xFFFFFFF8, v16  }
0x450: {  	v26 =	vand.u32 $0x7, v24;
	v25 =	vand.u32 $0x7, v25;
	v48 =	vand.u32 $0xFFFFFFF8, v32  }
.Ltmp12:
0x451: {  	v24 =	vand.u32 $0x7, v31;
	vm5 =	vlt.u32 v32, $0xC350;
	v32 =	vor.u32 v47, v48;
	(pc) =	sbr.rel @p0 .LBB2_26-.Ltmp12, $4  }
0x452: {  	vm3 =	vlt.u32 v29, $0xC350;
	vm4 =	vlt.u32 v28, $0xC350;
	v31 =	vor.u32 v27, v30  }
0x453: {  	v33 =	vor.u32 v37, v33;
	vm1 =	vlt.u32 v34, $0xC350;
	v30 =	vor.u32 v40, v35  }
0x454: {  	vm2 =	vlt.u32 v39, $0xC350;
	vm7 =	vlt.u32 v36, $0xC350;
	v29 =	vor.u32 v43, v38  }
0x455: {  	vm0 =	vlt.u32 v42, $0xC350;
	s1 =	sadd.s32 $0x100, s1;
	v28 =	vor.u32 v45, v41;
	v27 =	vor.u32 v46, v44  }
0x456: {  	_ =	sdelay $0x4  }
0x457: {  	[tilespmem:v32+s2+$0x0] =	vst.idx.msk vm5, v2  }
0x458: {  	vm5 =	vlt.u32 v3, $0xC350;
	[tilespmem:v31+s2+$0x0] =	vst.idx.msk vm4, v2  }
0x459: {  	v3 =	vor.u32 v20, v4;
	vm4 =	vlt.u32 v5, $0xC350;
	[tilespmem:v33+s2+$0x0] =	vst.idx.msk vm3, v2  }
0x45a: {  	v4 =	vor.u32 v19, v6;
	vm3 =	vlt.u32 v7, $0xC350;
	[tilespmem:v30+s2+$0x0] =	vst.idx.msk vm1, v2  }
0x45b: {  	v5 =	vor.u32 v21, v9;
	vm1 =	vlt.u32 v8, $0xC350;
	[tilespmem:v29+s2+$0x0] =	vst.idx.msk vm7, v2  }
0x45c: {  	v6 =	vor.u32 v22, v10;
	vm6 =	vlt.u32 v11, $0xC350;
	[tilespmem:v28+s2+$0x0] =	vst.idx.msk vm2, v2  }
0x45d: {  	v7 =	vor.u32 v23, v12;
	vm2 =	vlt.u32 v13, $0xC350;
	[tilespmem:v27+s2+$0x0] =	vst.idx.msk vm0, v2  }
0x45e: {  	v8 =	vor.u32 v26, v15;
	vm0 =	vlt.u32 v14, $0xC350;
	[tilespmem:v3+s2+$0x0] =	vst.idx.msk vm5, v2  }
0x45f: {  	v3 =	vor.u32 v25, v18;
	vm5 =	vlt.u32 v16, $0xC350;
	[tilespmem:v4+s2+$0x0] =	vst.idx.msk vm4, v2  }
0x460: {  	v4 =	vor.u32 v24, v17;
	[tilespmem:v5+s2+$0x0] =	vst.idx.msk vm3, v2  }
0x461: {  	[tilespmem:v6+s2+$0x0] =	vst.idx.msk vm1, v2  }
0x462: {  	[tilespmem:v7+s2+$0x0] =	vst.idx.msk vm6, v2  }
0x463: {  	[tilespmem:v8+s2+$0x0] =	vst.idx.msk vm2, v2  }
0x464: {  	[tilespmem:v3+s2+$0x0] =	vst.idx.msk vm0, v2  }
0x465: {  	[tilespmem:v4+s2+$0x0] =	vst.idx.msk vm5, v2  }
0x466: {  	_ =	swait.ge [sflag:s24], $0x6400  }
0x467: {  	[sflag:s24] =	ssyncset.done $0x0  }
0x468: {  	s0 =	simm.s32 $0x144F0;
	[sflag:s24] =	ssyncadd.s32 $0xFFFF9C00  }
0x469: {  	v3 =	vld [tilespmem:s0+$0x0]  }
0x46a: {  	v4 =	vld [tilespmem:s0+$0xFFFFFF20]  }
0x46b: {  	v5 =	vld [tilespmem:s0+$0xFFFFFF30]  }
0x46c: {  	v6 =	vld [tilespmem:s0+$0xFFFFFF40]  }
0x46d: {  	v7 =	vld [tilespmem:s0+$0xFFFFFF50]  }
0x46e: {  	v8 =	vld [tilespmem:s0+$0xFFFFFF60]  }
0x46f: {  	v10 =	vld [tilespmem:s0+$0xFFFFFF70]  }
0x470: {  	v11 =	vld [tilespmem:s0+$0xFFFFFF80]  }
0x471: {  	v12 =	vld [tilespmem:s0+$0xFFFFFF90]  }
0x472: {  	v13 =	vld [tilespmem:s0+$0xFFFFFFA0]  }
0x473: {  	v14 =	vld [tilespmem:s0+$0xFFFFFFB0];
	v9 =	vsub.s32 v3, v0  }
0x474: {  	v25 =	vld [tilespmem:s0+$0xFFFFFFD0];
	v3 =	vand.u32 $0x7, v3;
	v27 =	vsub.s32 v4, v0;
	v28 =	vsub.s32 v5, v0  }
0x475: {  	v18 =	vld [tilespmem:s0+$0xFFFFFF10];
	v30 =	vsub.s32 v6, v0;
	v24 =	vand.u32 $0x7, v4;
	v36 =	vsub.s32 v7, v0  }
0x476: {  	v45 =	vld [tilespmem:s0+$0xFFFFFFE0];
	v63 =	vand.u32 $0x7, v5;
	v38 =	vsub.s32 v8, v0;
	v39 =	vand.u32 $0x7, v6  }
0x477: {  	v16 =	vld [tilespmem:s0+$0xFFFFFFC0];
	v41 =	vsub.s32 v10, v0;
	v42 =	vand.u32 $0x7, v7;
	v44 =	vand.u32 $0x7, v8  }
0x478: {  	v5 =	vsub.s32 v12, v0;
	v46 =	vand.u32 $0x7, v10;
	v7 =	vsub.s32 v13, v0  }
0x479: {  	v20 =	vand.u32 $0x7, v11;
	v8 =	vsub.s32 v14, v0;
	v19 =	vand.u32 $0x7, v12  }
0x47a: {  	v21 =	vand.u32 $0x7, v13;
	v13 =	vsub.s32 v25, v0;
	v22 =	vand.u32 $0x7, v14  }
0x47b: {  	v48 =	vsub.s32 v18, v0;
	v14 =	vsub.s32 v45, v0;
	v18 =	vand.u32 $0x7, v18  }
0x47c: {  	v23 =	vand.u32 $0x7, v16;
	vm0 =	vlt.u32 v9, $0xC350;
	v9 =	vand.u32 $0xFFFFFFF8, v9  }
0x47d: {  	v17 =	vand.u32 $0xFFFFFFF8, v27;
	v29 =	vand.u32 $0xFFFFFFF8, v28;
	v35 =	vand.u32 $0xFFFFFFF8, v30  }
0x47e: {  	v47 =	vld [tilespmem:s0+$0xFFFFFFF0];
	v37 =	vand.u32 $0xFFFFFFF8, v36;
	v40 =	vand.u32 $0xFFFFFFF8, v38;
	v43 =	vand.u32 $0xFFFFFFF8, v41  }
0x47f: {  	v6 =	vand.u32 $0xFFFFFFF8, v5;
	v10 =	vand.u32 $0xFFFFFFF8, v8;
	v15 =	vand.u32 $0xFFFFFFF8, v13  }
0x480: {  	v26 =	vand.u32 $0xFFFFFFF8, v48;
	vm5 =	vlt.u32 v48, $0xC350;
	vm4 =	vlt.u32 v27, $0xC350  }
0x481: {  	vm3 =	vlt.u32 v28, $0xC350;
	vm1 =	vlt.u32 v30, $0xC350;
	vm6 =	vlt.u32 v36, $0xC350  }
0x482: {  	vm2 =	vlt.u32 v38, $0xC350;
	v34 =	vor.u32 v3, v9;
	v3 =	vsub.s32 v11, v0  }
0x483: {  	v9 =	vand.u32 $0xFFFFFFF8, v7;
	v11 =	vsub.s32 v16, v0;
	v16 =	vsub.s32 v47, v0  }
0x484: {  	v32 =	vor.u32 v18, v26;
	v18 =	vand.u32 $0xFFFFFFF8, v14;
	v31 =	vor.u32 v24, v17  }
0x485: {  	v26 =	vand.u32 $0x7, v25;
	v25 =	vand.u32 $0x7, v45;
	v24 =	vand.u32 $0x7, v47  }
0x486: {  	v33 =	vor.u32 v63, v29;
	v30 =	vor.u32 v39, v35;
	v29 =	vor.u32 v42, v37  }
0x487: {  	s30 =	simm.s32 $0x0;
	v28 =	vor.u32 v44, v40;
	v27 =	vor.u32 v46, v43;
	v4 =	vand.u32 $0xFFFFFFF8, v3  }
0x488: {  	s31 =	simm.s32 $0x0;
	s1 =	simm.s32 $0x145F0;
	s0 =	simm.s32 $0x0;
	v12 =	vand.u32 $0xFFFFFFF8, v11;
	v17 =	vand.u32 $0xFFFFFFF8, v16;
	[tilespmem:v34+s30+$0x0] =	vst.idx.msk vm0, v2;
	vm0 =	vlt.u32 v41, $0xC350  }
.LBB2_28:
0x489: {  	v34 =	vld [tilespmem:s1+$0x0];
	s31 =	sadd.s32 $0x10, s31;
	vm10 =	vlt.u32 v3, $0xC350;
	v3 =	vor.u32 v20, v4;
	vm8 =	vlt.u32 v5, $0xC350  }
0x48a: {  	v5 =	vor.u32 v19, v6;
	vm9 =	vlt.u32 v7, $0xC350;
	v6 =	vor.u32 v21, v9;
	v4 =	vld [tilespmem:s1+$0xFFFFFF20];
	p0 =	slt.u32 s31, $0x630;
	[tilespmem:v32+s0+$0x0] =	vst.idx.msk vm5, v2  }
0x48b: {  	vm7 =	vlt.u32 v8, $0xC350;
	v8 =	vor.u32 v22, v10;
	vm5 =	vlt.u32 v11, $0xC350;
	v7 =	vld [tilespmem:s1+$0xFFFFFF30];
	[tilespmem:v31+s0+$0x0] =	vst.idx.msk vm4, v2  }
0x48c: {  	v10 =	vor.u32 v23, v12;
	v11 =	vor.u32 v26, v15;
	v9 =	vld [tilespmem:s1+$0xFFFFFF40];
	[tilespmem:v33+s0+$0x0] =	vst.idx.msk vm3, v2;
	vm3 =	vlt.u32 v13, $0xC350  }
0x48d: {  	vm4 =	vlt.u32 v14, $0xC350;
	v13 =	vor.u32 v25, v18;
	v12 =	vld [tilespmem:s1+$0xFFFFFF50];
	[tilespmem:v30+s0+$0x0] =	vst.idx.msk vm1, v2;
	vm1 =	vlt.u32 v16, $0xC350  }
0x48e: {  	v16 =	vor.u32 v24, v17;
	v14 =	vld [tilespmem:s1+$0xFFFFFF60];
	v15 =	vsub.s32 v34, v0;
	[tilespmem:v29+s0+$0x0] =	vst.idx.msk vm6, v2  }
0x48f: {  	v18 =	vand.u32 $0x7, v34;
	v17 =	vld [tilespmem:s1+$0xFFFFFF70];
	vm6 =	vlt.u32 v15, $0xC350;
	v15 =	vand.u32 $0xFFFFFFF8, v15;
	[tilespmem:v28+s0+$0x0] =	vst.idx.msk vm2, v2  }
0x490: {  	v28 =	vsub.s32 v4, v0;
	v29 =	vsub.s32 v7, v0;
	v19 =	vld [tilespmem:s1+$0xFFFFFF80];
	v15 =	vor.u32 v18, v15  }
0x491: {  	v30 =	vand.u32 $0xFFFFFFF8, v28;
	v33 =	vand.u32 $0xFFFFFFF8, v29;
	v34 =	vsub.s32 v9, v0;
	v18 =	vld [tilespmem:s1+$0xFFFFFF90];
	[tilespmem:v27+s0+$0x0] =	vst.idx.msk vm0, v2  }
0x492: {  	v27 =	vand.u32 $0x7, v4;
	v35 =	vand.u32 $0xFFFFFFF8, v34;
	v36 =	vsub.s32 v12, v0;
	v21 =	vld [tilespmem:s1+$0xFFFFFFA0];
	[tilespmem:v3+s0+$0x0] =	vst.idx.msk vm10, v2  }
0x493: {  	v37 =	vand.u32 $0x7, v7;
	v38 =	vand.u32 $0xFFFFFFF8, v36;
	v39 =	vsub.s32 v14, v0;
	v22 =	vld [tilespmem:s1+$0xFFFFFFB0];
	[tilespmem:v5+s0+$0x0] =	vst.idx.msk vm8, v2  }
0x494: {  	v40 =	vand.u32 $0x7, v9;
	v41 =	vand.u32 $0xFFFFFFF8, v39;
	v42 =	vsub.s32 v17, v0;
	v23 =	vld [tilespmem:s1+$0xFFFFFFC0];
	[tilespmem:v6+s0+$0x0] =	vst.idx.msk vm9, v2  }
0x495: {  	v43 =	vand.u32 $0x7, v12;
	v44 =	vand.u32 $0xFFFFFFF8, v42;
	v3 =	vsub.s32 v19, v0;
	v24 =	vld [tilespmem:s1+$0xFFFFFFD0];
	[tilespmem:v15+s30+$0x0] =	vst.idx.msk vm6, v2  }
0x496: {  	v45 =	vand.u32 $0x7, v14;
	v4 =	vand.u32 $0xFFFFFFF8, v3;
	v5 =	vsub.s32 v18, v0;
	v25 =	vld [tilespmem:s1+$0xFFFFFFE0];
	[tilespmem:v8+s0+$0x0] =	vst.idx.msk vm7, v2  }
0x497: {  	v46 =	vand.u32 $0x7, v17;
	v6 =	vand.u32 $0xFFFFFFF8, v5;
	v7 =	vsub.s32 v21, v0;
	v31 =	vld [tilespmem:s1+$0xFFFFFFF0];
	[tilespmem:v10+s0+$0x0] =	vst.idx.msk vm5, v2  }
0x498: {  	v20 =	vand.u32 $0x7, v19;
	v17 =	vld [tilespmem:s1+$0xFFFFFF10];
	v9 =	vand.u32 $0xFFFFFFF8, v7;
	v8 =	vsub.s32 v22, v0;
	[tilespmem:v11+s0+$0x0] =	vst.idx.msk vm3, v2  }
0x499: {  	v19 =	vand.u32 $0x7, v18;
	v10 =	vand.u32 $0xFFFFFFF8, v8;
	v11 =	vsub.s32 v23, v0;
	[tilespmem:v13+s0+$0x0] =	vst.idx.msk vm4, v2  }
0x49a: {  	v21 =	vand.u32 $0x7, v21;
	v12 =	vand.u32 $0xFFFFFFF8, v11;
	v13 =	vsub.s32 v24, v0;
	[tilespmem:v16+s0+$0x0] =	vst.idx.msk vm1, v2;
	s0 =	smov.u32 s30  }
0x49b: {  	v22 =	vand.u32 $0x7, v22;
	v15 =	vand.u32 $0xFFFFFFF8, v13;
	v14 =	vsub.s32 v25, v0  }
0x49c: {  	v23 =	vand.u32 $0x7, v23;
	v18 =	vand.u32 $0xFFFFFFF8, v14;
	v16 =	vsub.s32 v31, v0  }
0x49d: {  	v32 =	vsub.s32 v17, v0;
	v47 =	vand.u32 $0x7, v17;
	v17 =	vand.u32 $0xFFFFFFF8, v16  }
0x49e: {  	v26 =	vand.u32 $0x7, v24;
	v25 =	vand.u32 $0x7, v25;
	v48 =	vand.u32 $0xFFFFFFF8, v32  }
.Ltmp13:
0x49f: {  	v24 =	vand.u32 $0x7, v31;
	vm5 =	vlt.u32 v32, $0xC350;
	v32 =	vor.u32 v47, v48;
	(pc) =	sbr.rel @p0 .LBB2_28-.Ltmp13, $4  }
0x4a0: {  	vm3 =	vlt.u32 v29, $0xC350;
	vm4 =	vlt.u32 v28, $0xC350;
	v31 =	vor.u32 v27, v30  }
0x4a1: {  	v33 =	vor.u32 v37, v33;
	vm1 =	vlt.u32 v34, $0xC350;
	v30 =	vor.u32 v40, v35  }
0x4a2: {  	vm2 =	vlt.u32 v39, $0xC350;
	vm6 =	vlt.u32 v36, $0xC350;
	v29 =	vor.u32 v43, v38  }
0x4a3: {  	vm0 =	vlt.u32 v42, $0xC350;
	s1 =	sadd.s32 $0x100, s1;
	v28 =	vor.u32 v45, v41;
	v27 =	vor.u32 v46, v44  }
0x4a4: {  	_ =	sdelay $0x4  }
0x4a5: {  	[tilespmem:v32+s0+$0x0] =	vst.idx.msk vm5, v2  }
0x4a6: {  	vm15 =	vlt.u32 v3, $0xC350;
	[tilespmem:v31+s0+$0x0] =	vst.idx.msk vm4, v2  }
0x4a7: {  	v3 =	vor.u32 v20, v4;
	vm9 =	vlt.u32 v5, $0xC350;
	[tilespmem:v33+s0+$0x0] =	vst.idx.msk vm3, v2  }
0x4a8: {  	v4 =	vor.u32 v19, v6;
	vm10 =	vlt.u32 v7, $0xC350;
	[tilespmem:v30+s0+$0x0] =	vst.idx.msk vm1, v2  }
0x4a9: {  	v5 =	vor.u32 v21, v9;
	vm11 =	vlt.u32 v8, $0xC350;
	[tilespmem:v29+s0+$0x0] =	vst.idx.msk vm6, v2  }
0x4aa: {  	v6 =	vor.u32 v22, v10;
	vm12 =	vlt.u32 v11, $0xC350;
	[tilespmem:v28+s0+$0x0] =	vst.idx.msk vm2, v2  }
0x4ab: {  	v7 =	vor.u32 v23, v12;
	vm13 =	vlt.u32 v13, $0xC350;
	[tilespmem:v27+s0+$0x0] =	vst.idx.msk vm0, v2  }
0x4ac: {  	v8 =	vor.u32 v26, v15;
	vm14 =	vlt.u32 v14, $0xC350;
	[tilespmem:v3+s0+$0x0] =	vst.idx.msk vm15, v2  }
0x4ad: {  	v3 =	vor.u32 v25, v18;
	vm15 =	vlt.u32 v16, $0xC350;
	[tilespmem:v4+s0+$0x0] =	vst.idx.msk vm9, v2  }
0x4ae: {  	v4 =	vor.u32 v24, v17;
	[tilespmem:v5+s0+$0x0] =	vst.idx.msk vm10, v2  }
0x4af: {  	[tilespmem:v6+s0+$0x0] =	vst.idx.msk vm11, v2  }
0x4b0: {  	[tilespmem:v7+s0+$0x0] =	vst.idx.msk vm12, v2  }
0x4b1: {  	[tilespmem:v8+s0+$0x0] =	vst.idx.msk vm13, v2  }
0x4b2: {  	[tilespmem:v3+s0+$0x0] =	vst.idx.msk vm14, v2  }
0x4b3: {  	s30 =	simm.s32 $0x0;
	[tilespmem:v4+s0+$0x0] =	vst.idx.msk vm15, v2  }
0x4b4: {  	v3 =	vld [tilespmem:s30+$0x10]  }
0x4b5: {  	v4 =	vld [tilespmem:s30+$0x710]  }
0x4b6: {  	v5 =	vld [tilespmem:s30+$0xE10]  }
0x4b7: {  	v6 =	vld [tilespmem:s30+$0x1510]  }
0x4b8: {  	v7 =	vld [tilespmem:s30+$0x1C10]  }
0x4b9: {  	v8 =	vld [tilespmem:s30+$0x2310]  }
0x4ba: {  	v9 =	vld [tilespmem:s30+$0x2A10]  }
0x4bb: {  	v10 =	vld [tilespmem:s30+$0x3110]  }
0x4bc: {  	v11 =	vld [tilespmem:s30+$0x3810]  }
0x4bd: {  	v37 =	vld [tilespmem:s30+$0x3F10]  }
0x4be: {  	v38 =	vld [tilespmem:s30+$0x4610]  }
0x4bf: {  	v39 =	vld [tilespmem:s30+$0x4D10]  }
0x4c0: {  	v40 =	vld [tilespmem:s30+$0x5410]  }
0x4c1: {  	v41 =	vld [tilespmem:s30+$0x5B10]  }
0x4c2: {  	v42 =	vld [tilespmem:s30+$0x6210]  }
0x4c3: {  	v43 =	vld [tilespmem:s30+$0x6910]  }
0x4c4: {  	v44 =	vld [tilespmem:s30+$0x7010]  }
0x4c5: {  	v45 =	vld [tilespmem:s30+$0x7710]  }
0x4c6: {  	v46 =	vld [tilespmem:s30+$0x7E10]  }
0x4c7: {  	v47 =	vld [tilespmem:s30+$0x8510];
	v4 =	vshll.u32 v4, $0x1  }
0x4c8: {  	v48 =	vld [tilespmem:s30+$0xBD10];
	v3 =	vor.u32 v3, v4;
	v4 =	vshll.u32 v5, $0x2  }
0x4c9: {  	v49 =	vld [tilespmem:s30+$0xC410];
	v3 =	vor.u32 v4, v3;
	v4 =	vshll.u32 v6, $0x3  }
0x4ca: {  	v50 =	vld [tilespmem:s30+$0xCB10];
	v3 =	vor.u32 v4, v3;
	v4 =	vshll.u32 v7, $0x4  }
0x4cb: {  	v51 =	vld [tilespmem:s30+$0xD210];
	v3 =	vor.u32 v4, v3;
	v4 =	vshll.u32 v8, $0x5  }
0x4cc: {  	v52 =	vld [tilespmem:s30+$0xD910];
	v3 =	vor.u32 v4, v3;
	v4 =	vshll.u32 v9, $0x6  }
0x4cd: {  	v53 =	vld [tilespmem:s30+$0x700];
	v3 =	vor.u32 v4, v3;
	v4 =	vshll.u32 v10, $0x7  }
0x4ce: {  	v54 =	vld [tilespmem:s30+$0x0];
	v3 =	vor.u32 v4, v3;
	v4 =	vshll.u32 v11, $0x8  }
0x4cf: {  	v55 =	vld [tilespmem:s30+$0xE00];
	v3 =	vor.u32 v4, v3;
	v4 =	vshll.u32 v37, $0x9  }
0x4d0: {  	v56 =	vld [tilespmem:s30+$0x1500];
	v3 =	vor.u32 v4, v3;
	v4 =	vshll.u32 v38, $0xA  }
0x4d1: {  	v57 =	vld [tilespmem:s30+$0x1C00];
	v3 =	vor.u32 v4, v3;
	v4 =	vshll.u32 v39, $0xB  }
0x4d2: {  	v58 =	vld [tilespmem:s30+$0x2300];
	v3 =	vor.u32 v4, v3;
	v4 =	vshll.u32 v40, $0xC  }
0x4d3: {  	v59 =	vld [tilespmem:s30+$0x2A00];
	v3 =	vor.u32 v4, v3;
	v4 =	vshll.u32 v41, $0xD  }
0x4d4: {  	v60 =	vld [tilespmem:s30+$0x3100];
	v3 =	vor.u32 v4, v3;
	v4 =	vshll.u32 v42, $0xE  }
0x4d5: {  	v5 =	vld [tilespmem:s30+$0x8C10];
	v3 =	vor.u32 v4, v3;
	v4 =	vshll.u32 v43, $0xF  }
0x4d6: {  	v61 =	vld [tilespmem:s30+$0x3800];
	v3 =	vor.u32 v4, v3;
	v4 =	vshll.u32 v44, $0x10  }
0x4d7: {  	v6 =	vld [tilespmem:s30+$0x9310];
	v3 =	vor.u32 v4, v3;
	v4 =	vshll.u32 v45, $0x11  }
0x4d8: {  	v62 =	vld [tilespmem:s30+$0x4600];
	v3 =	vor.u32 v4, v3;
	v4 =	vshll.u32 v46, $0x12  }
0x4d9: {  	v7 =	vld [tilespmem:s30+$0x9A10];
	v3 =	vor.u32 v4, v3;
	v4 =	vshll.u32 v47, $0x13  }
0x4da: {  	v63 =	vld [tilespmem:s30+$0x5400];
	v3 =	vor.u32 v4, v3;
	v4 =	vshll.u32 v5, $0x14;
	v5 =	vshll.u32 v53, $0x1  }
0x4db: {  	v8 =	vld [tilespmem:s30+$0xA110];
	v3 =	vor.u32 v4, v3;
	v4 =	vor.u32 v54, v5;
	v5 =	vshll.u32 v55, $0x2  }
0x4dc: {  	v9 =	vld [tilespmem:s30+$0xA810];
	v6 =	vshll.u32 v6, $0x15;
	v4 =	vor.u32 v5, v4;
	v5 =	vshll.u32 v56, $0x3  }
0x4dd: {  	v3 =	vor.u32 v6, v3;
	v6 =	vld [tilespmem:s30+$0x3F00];
	v4 =	vor.u32 v5, v4;
	v5 =	vshll.u32 v57, $0x4  }
0x4de: {  	v10 =	vld [tilespmem:s30+$0xAF10];
	v7 =	vshll.u32 v7, $0x16;
	v4 =	vor.u32 v5, v4;
	v5 =	vshll.u32 v58, $0x5  }
0x4df: {  	v3 =	vor.u32 v7, v3;
	v7 =	vld [tilespmem:s30+$0x4D00];
	v4 =	vor.u32 v5, v4;
	v5 =	vshll.u32 v59, $0x6  }
0x4e0: {  	v11 =	vld [tilespmem:s30+$0xB610];
	v8 =	vshll.u32 v8, $0x17;
	v4 =	vor.u32 v5, v4;
	v5 =	vshll.u32 v60, $0x7  }
0x4e1: {  	v3 =	vor.u32 v8, v3;
	v8 =	vld [tilespmem:s30+$0x5B00];
	v4 =	vor.u32 v5, v4;
	v5 =	vshll.u32 v61, $0x8  }
0x4e2: {  	v9 =	vshll.u32 v9, $0x18;
	v4 =	vor.u32 v5, v4;
	v5 =	vshll.u32 v6, $0x9;
	v6 =	vld [tilespmem:s30+$0x6200]  }
0x4e3: {  	v3 =	vor.u32 v9, v3;
	v9 =	vld [tilespmem:s30+$0x6900];
	v4 =	vor.u32 v5, v4;
	v5 =	vshll.u32 v62, $0xA  }
0x4e4: {  	v10 =	vshll.u32 v10, $0x19;
	v4 =	vor.u32 v5, v4;
	v5 =	vshll.u32 v7, $0xB;
	v7 =	vld [tilespmem:s30+$0x7000]  }
0x4e5: {  	v3 =	vor.u32 v10, v3;
	v10 =	vld [tilespmem:s30+$0x7700];
	v4 =	vor.u32 v5, v4;
	v5 =	vshll.u32 v63, $0xC  }
0x4e6: {  	v11 =	vshll.u32 v11, $0x1A;
	v4 =	vor.u32 v5, v4;
	v5 =	vshll.u32 v8, $0xD;
	v8 =	vld [tilespmem:s30+$0x7E00]  }
0x4e7: {  	v3 =	vor.u32 v11, v3;
	v4 =	vor.u32 v5, v4;
	v5 =	vshll.u32 v6, $0xE;
	v6 =	vld [tilespmem:s30+$0x8500]  }
0x4e8: {  	v11 =	vshll.u32 v48, $0x1B;
	v4 =	vor.u32 v5, v4;
	v5 =	vshll.u32 v9, $0xF;
	v9 =	vld [tilespmem:s30+$0x8C00]  }
0x4e9: {  	v3 =	vor.u32 v11, v3;
	v4 =	vor.u32 v5, v4;
	v5 =	vshll.u32 v7, $0x10;
	v7 =	vld [tilespmem:s30+$0x9300]  }
0x4ea: {  	v11 =	vshll.u32 v49, $0x1C;
	v4 =	vor.u32 v5, v4;
	v5 =	vshll.u32 v10, $0x11;
	v10 =	vld [tilespmem:s30+$0x9A00]  }
0x4eb: {  	v3 =	vor.u32 v11, v3;
	v4 =	vor.u32 v5, v4;
	v5 =	vshll.u32 v8, $0x12;
	v8 =	vld [tilespmem:s30+$0xA100]  }
0x4ec: {  	v11 =	vshll.u32 v50, $0x1D;
	v4 =	vor.u32 v5, v4;
	v5 =	vshll.u32 v6, $0x13;
	v6 =	vld [tilespmem:s30+$0xA800]  }
0x4ed: {  	v3 =	vor.u32 v11, v3;
	v4 =	vor.u32 v5, v4;
	v5 =	vshll.u32 v9, $0x14;
	v9 =	vld [tilespmem:s30+$0xAF00]  }
0x4ee: {  	v11 =	vshll.u32 v51, $0x1E;
	v5 =	vor.u32 v5, v4;
	v7 =	vshll.u32 v7, $0x15;
	v4 =	vld [tilespmem:s30+$0xB600]  }
0x4ef: {  	v11 =	vor.u32 v11, v3;
	v3 =	vld [tilespmem:s30+$0xBD00];
	v5 =	vor.u32 v7, v5;
	v7 =	vshll.u32 v10, $0x16  }
0x4f0: {  	v10 =	vshll.u32 v52, $0x1F;
	v7 =	vor.u32 v7, v5;
	v8 =	vshll.u32 v8, $0x17;
	v5 =	vld [tilespmem:s30+$0xC400]  }
0x4f1: {  	v10 =	vor.u32 v10, v11;
	v7 =	vor.u32 v8, v7;
	v8 =	vshll.u32 v6, $0x18;
	v6 =	vld [tilespmem:s30+$0xCB00]  }
0x4f2: {  	s31 =	simm.s32 $0x80;
	s0 =	simm.s32 $0x0;
	[tilespmem:s30+$0x1A810] =	vst v10;
	v8 =	vor.u32 v8, v7;
	v9 =	vshll.u32 v9, $0x19;
	v7 =	vld [tilespmem:s30+$0xD200]  }
.LBB2_30:
0x4f3: {  	s1 =	sshra.s32 s31, $0x2;
	v8 =	vor.u32 v9, v8;
	v4 =	vshll.u32 v4, $0x1A;
	v9 =	vld [tilespmem:s30+$0xD900]  }
0x4f4: {  	s0 =	sadd.s32 $0x2, s0;
	v10 =	vld [tilespmem:s1+$0x10];
	v4 =	vor.u32 v4, v8;
	v3 =	vshll.u32 v3, $0x1B  }
0x4f5: {  	p0 =	slt.u32 s0, $0x6E;
	v8 =	vld [tilespmem:s1+$0x710];
	v3 =	vor.u32 v3, v4;
	v4 =	vshll.u32 v5, $0x1C  }
0x4f6: {  	v5 =	vld [tilespmem:s1+$0xE10];
	v3 =	vor.u32 v4, v3;
	v4 =	vshll.u32 v6, $0x1D  }
0x4f7: {  	v6 =	vld [tilespmem:s1+$0x1510];
	v3 =	vor.u32 v4, v3;
	v4 =	vshll.u32 v7, $0x1E  }
0x4f8: {  	v7 =	vld [tilespmem:s1+$0x1C10];
	v3 =	vor.u32 v4, v3;
	v4 =	vshll.u32 v9, $0x1F  }
0x4f9: {  	v9 =	vld [tilespmem:s1+$0x2310];
	v3 =	vor.u32 v4, v3  }
0x4fa: {  	v4 =	vshll.u32 v8, $0x1;
	v8 =	vld [tilespmem:s1+$0x2A10];
	[tilespmem:s30+$0x1A800] =	vst v3;
	s30 =	smov.u32 s1  }
0x4fb: {  	v3 =	vor.u32 v10, v4;
	v4 =	vshll.u32 v5, $0x2;
	v5 =	vld [tilespmem:s30+$0x3110]  }
0x4fc: {  	v3 =	vor.u32 v4, v3;
	v4 =	vshll.u32 v6, $0x3;
	v6 =	vld [tilespmem:s30+$0x3810]  }
0x4fd: {  	v3 =	vor.u32 v4, v3;
	v4 =	vshll.u32 v7, $0x4;
	v7 =	vld [tilespmem:s30+$0x3F10]  }
0x4fe: {  	v3 =	vor.u32 v4, v3;
	v4 =	vshll.u32 v9, $0x5;
	v9 =	vld [tilespmem:s30+$0x4610]  }
0x4ff: {  	v3 =	vor.u32 v4, v3;
	v4 =	vshll.u32 v8, $0x6;
	v8 =	vld [tilespmem:s30+$0x4D10]  }
0x500: {  	v3 =	vor.u32 v4, v3;
	v4 =	vshll.u32 v5, $0x7;
	v5 =	vld [tilespmem:s30+$0x5410]  }
0x501: {  	v3 =	vor.u32 v4, v3;
	v4 =	vshll.u32 v6, $0x8;
	v6 =	vld [tilespmem:s30+$0x5B10]  }
0x502: {  	v3 =	vor.u32 v4, v3;
	v4 =	vshll.u32 v7, $0x9;
	v7 =	vld [tilespmem:s30+$0x6210]  }
0x503: {  	v3 =	vor.u32 v4, v3;
	v4 =	vshll.u32 v9, $0xA;
	v9 =	vld [tilespmem:s30+$0x6910]  }
0x504: {  	v3 =	vor.u32 v4, v3;
	v4 =	vshll.u32 v8, $0xB;
	v8 =	vld [tilespmem:s30+$0x7010]  }
0x505: {  	v3 =	vor.u32 v4, v3;
	v4 =	vshll.u32 v5, $0xC;
	v5 =	vld [tilespmem:s30+$0x7710]  }
0x506: {  	v3 =	vor.u32 v4, v3;
	v4 =	vshll.u32 v6, $0xD;
	v6 =	vld [tilespmem:s30+$0x7E10]  }
0x507: {  	v3 =	vor.u32 v4, v3;
	v4 =	vshll.u32 v7, $0xE;
	v7 =	vld [tilespmem:s30+$0x8510]  }
0x508: {  	v3 =	vor.u32 v4, v3;
	v4 =	vshll.u32 v9, $0xF;
	v9 =	vld [tilespmem:s30+$0x8C10]  }
0x509: {  	v3 =	vor.u32 v4, v3;
	v4 =	vshll.u32 v8, $0x10;
	v8 =	vld [tilespmem:s30+$0x9310]  }
0x50a: {  	v3 =	vor.u32 v4, v3;
	v4 =	vshll.u32 v5, $0x11;
	v5 =	vld [tilespmem:s30+$0x9A10]  }
0x50b: {  	v3 =	vor.u32 v4, v3;
	v4 =	vshll.u32 v6, $0x12;
	v6 =	vld [tilespmem:s30+$0xA110]  }
0x50c: {  	v3 =	vor.u32 v4, v3;
	v4 =	vshll.u32 v7, $0x13;
	v7 =	vld [tilespmem:s30+$0xA810]  }
0x50d: {  	v3 =	vor.u32 v4, v3;
	v4 =	vshll.u32 v9, $0x14;
	v9 =	vld [tilespmem:s30+$0xAF10]  }
0x50e: {  	v3 =	vor.u32 v4, v3;
	v4 =	vshll.u32 v8, $0x15;
	v8 =	vld [tilespmem:s30+$0xB610]  }
0x50f: {  	v3 =	vor.u32 v4, v3;
	v4 =	vshll.u32 v5, $0x16;
	v5 =	vld [tilespmem:s30+$0xBD10]  }
0x510: {  	v3 =	vor.u32 v4, v3;
	v4 =	vshll.u32 v6, $0x17;
	v6 =	vld [tilespmem:s30+$0xC410]  }
0x511: {  	v3 =	vor.u32 v4, v3;
	v4 =	vshll.u32 v7, $0x18;
	v7 =	vld [tilespmem:s30+$0xCB10]  }
0x512: {  	v3 =	vor.u32 v4, v3;
	v4 =	vshll.u32 v9, $0x19;
	v9 =	vld [tilespmem:s30+$0xD210]  }
0x513: {  	v3 =	vor.u32 v4, v3;
	v4 =	vshll.u32 v8, $0x1A;
	v8 =	vld [tilespmem:s30+$0xD910]  }
0x514: {  	v10 =	vld [tilespmem:s30+$0x700];
	v3 =	vor.u32 v4, v3;
	v4 =	vshll.u32 v5, $0x1B  }
0x515: {  	v5 =	vld [tilespmem:s30+$0x0];
	v3 =	vor.u32 v4, v3;
	v4 =	vshll.u32 v6, $0x1C  }
0x516: {  	v6 =	vld [tilespmem:s30+$0xE00];
	v3 =	vor.u32 v4, v3;
	v4 =	vshll.u32 v7, $0x1D  }
0x517: {  	v7 =	vld [tilespmem:s30+$0x1500];
	v3 =	vor.u32 v4, v3;
	v4 =	vshll.u32 v9, $0x1E  }
0x518: {  	v9 =	vld [tilespmem:s30+$0x1C00];
	v3 =	vor.u32 v4, v3;
	v4 =	vshll.u32 v8, $0x1F  }
0x519: {  	v8 =	vshll.u32 v10, $0x1;
	v10 =	vld [tilespmem:s30+$0x2300];
	v3 =	vor.u32 v4, v3  }
0x51a: {  	v4 =	vor.u32 v5, v8;
	v5 =	vld [tilespmem:s30+$0x2A00];
	[tilespmem:s30+$0x1A810] =	vst v3  }
0x51b: {  	v3 =	vshll.u32 v6, $0x2;
	v6 =	vld [tilespmem:s30+$0x3100]  }
0x51c: {  	v3 =	vor.u32 v3, v4;
	v4 =	vshll.u32 v7, $0x3;
	v7 =	vld [tilespmem:s30+$0x3800]  }
0x51d: {  	v3 =	vor.u32 v4, v3;
	v4 =	vshll.u32 v9, $0x4;
	v8 =	vld [tilespmem:s30+$0x3F00]  }
0x51e: {  	v3 =	vor.u32 v4, v3;
	v4 =	vshll.u32 v10, $0x5;
	v9 =	vld [tilespmem:s30+$0x4600]  }
0x51f: {  	v3 =	vor.u32 v4, v3;
	v4 =	vshll.u32 v5, $0x6;
	v5 =	vld [tilespmem:s30+$0x4D00]  }
0x520: {  	v3 =	vor.u32 v4, v3;
	v4 =	vshll.u32 v6, $0x7;
	v6 =	vld [tilespmem:s30+$0x5400]  }
0x521: {  	v3 =	vor.u32 v4, v3;
	v4 =	vshll.u32 v7, $0x8;
	v7 =	vld [tilespmem:s30+$0x5B00]  }
0x522: {  	v3 =	vor.u32 v4, v3;
	v4 =	vshll.u32 v8, $0x9;
	v8 =	vld [tilespmem:s30+$0x6200]  }
0x523: {  	v3 =	vor.u32 v4, v3;
	v4 =	vshll.u32 v9, $0xA;
	v9 =	vld [tilespmem:s30+$0x6900]  }
0x524: {  	v3 =	vor.u32 v4, v3;
	v4 =	vshll.u32 v5, $0xB;
	v5 =	vld [tilespmem:s30+$0x7000]  }
0x525: {  	v3 =	vor.u32 v4, v3;
	v4 =	vshll.u32 v6, $0xC;
	v6 =	vld [tilespmem:s30+$0x7700]  }
0x526: {  	v3 =	vor.u32 v4, v3;
	v4 =	vshll.u32 v7, $0xD;
	v7 =	vld [tilespmem:s30+$0x7E00]  }
0x527: {  	v3 =	vor.u32 v4, v3;
	v4 =	vshll.u32 v8, $0xE;
	v8 =	vld [tilespmem:s30+$0x8500]  }
0x528: {  	v3 =	vor.u32 v4, v3;
	v4 =	vshll.u32 v9, $0xF;
	v9 =	vld [tilespmem:s30+$0x8C00]  }
0x529: {  	v3 =	vor.u32 v4, v3;
	v4 =	vshll.u32 v5, $0x10;
	v5 =	vld [tilespmem:s30+$0x9300]  }
0x52a: {  	v3 =	vor.u32 v4, v3;
	v4 =	vshll.u32 v6, $0x11;
	v6 =	vld [tilespmem:s30+$0x9A00]  }
0x52b: {  	v3 =	vor.u32 v4, v3;
	v4 =	vshll.u32 v7, $0x12;
	v7 =	vld [tilespmem:s30+$0xA100]  }
0x52c: {  	v3 =	vor.u32 v4, v3;
	v4 =	vshll.u32 v8, $0x13;
	v8 =	vld [tilespmem:s30+$0xA800]  }
0x52d: {  	v3 =	vor.u32 v4, v3;
	v4 =	vshll.u32 v9, $0x14;
	v9 =	vld [tilespmem:s30+$0xAF00]  }
.Ltmp14:
0x52e: {  	v3 =	vor.u32 v4, v3;
	v5 =	vshll.u32 v5, $0x15;
	v4 =	vld [tilespmem:s30+$0xB600];
	(pc) =	sbr.rel @p0 .LBB2_30-.Ltmp14, $4  }
0x52f: {  	v5 =	vor.u32 v5, v3;
	v6 =	vshll.u32 v6, $0x16;
	v3 =	vld [tilespmem:s30+$0xBD00]  }
0x530: {  	v6 =	vor.u32 v6, v5;
	v7 =	vshll.u32 v7, $0x17;
	v5 =	vld [tilespmem:s30+$0xC400]  }
0x531: {  	v7 =	vor.u32 v7, v6;
	v8 =	vshll.u32 v8, $0x18;
	v6 =	vld [tilespmem:s30+$0xCB00]  }
0x532: {  	s31 =	sadd.s32 $0x80, s31;
	v8 =	vor.u32 v8, v7;
	v9 =	vshll.u32 v9, $0x19;
	v7 =	vld [tilespmem:s30+$0xD200]  }
0x533: {  	v8 =	vor.u32 v9, v8;
	v4 =	vshll.u32 v4, $0x1A;
	v9 =	vld [tilespmem:s30+$0xD900]  }
0x534: {  	v4 =	vor.u32 v4, v8;
	v3 =	vshll.u32 v3, $0x1B  }
0x535: {  	v3 =	vor.u32 v3, v4;
	v4 =	vshll.u32 v5, $0x1C  }
0x536: {  	v3 =	vor.u32 v4, v3;
	v4 =	vshll.u32 v6, $0x1D  }
0x537: {  	v3 =	vor.u32 v4, v3;
	v4 =	vshll.u32 v7, $0x1E  }
0x538: {  	v3 =	vor.u32 v4, v3;
	v4 =	vshll.u32 v9, $0x1F  }
0x539: {  	v3 =	vor.u32 v4, v3  }
0x53a: {  	s0 =	simm.s32 $0x1A800;
	[tilespmem:s30+$0x1A800] =	vst v3  }
0x53b: {  	[spmem:s7] =	stream.linear.scatter [tilespmem:s0], [sflag:$0x4], $0x700, $0x38;
	[tilespmem:$0x1BD20] =	vst v63  }
0x53c: {  	_ =	swait.ge [sflag:s26], $0x700  }
0x53d: {  	[sflag:s26] =	ssyncset.done $0x0  }
0x53e: {  	[sflag:s26] =	ssyncadd.s32 $0xFFFFF900  }
0x53f: {  	s31 =	simm.s32 $0x1AF00;
	[bflag:$0x0] =	sbarrier.arrive $0xFFFF  }
0x540: {  	[tilespmem:s31], [sflag:$0x3] =	stream.linear.gather [spmem:s8], $0x70, $0x38;
	[tilespmem:$0x1BD20] =	vst v63  }
0x541: {  	s1 =	simm.s32 $0x1AF70  }
0x542: {  	[tilespmem:s1], [sflag:$0x3] =	stream.linear.gather [spmem:s9], $0x70, $0x38;
	[tilespmem:$0x1BD20] =	vst v63  }
0x543: {  	s30 =	simm.s32 $0x1AFE0  }
0x544: {  	[tilespmem:s30], [sflag:$0x3] =	stream.linear.gather [spmem:s10], $0x70, $0x38;
	[tilespmem:$0x1BD20] =	vst v63  }
0x545: {  	s31 =	simm.s32 $0x1B050  }
0x546: {  	[tilespmem:s31], [sflag:$0x3] =	stream.linear.gather [spmem:s11], $0x70, $0x38;
	[tilespmem:$0x1BD20] =	vst v63  }
0x547: {  	s1 =	simm.s32 $0x1B0C0  }
0x548: {  	[tilespmem:s1], [sflag:$0x3] =	stream.linear.gather [spmem:s12], $0x70, $0x38;
	[tilespmem:$0x1BD20] =	vst v63  }
0x549: {  	s30 =	simm.s32 $0x1B130  }
0x54a: {  	[tilespmem:s30], [sflag:$0x3] =	stream.linear.gather [spmem:s13], $0x70, $0x38;
	[tilespmem:$0x1BD20] =	vst v63  }
0x54b: {  	s31 =	simm.s32 $0x1B1A0  }
0x54c: {  	[tilespmem:s31], [sflag:$0x3] =	stream.linear.gather [spmem:s14], $0x70, $0x38;
	[tilespmem:$0x1BD20] =	vst v63  }
0x54d: {  	s1 =	simm.s32 $0x1B210  }
0x54e: {  	[tilespmem:s1], [sflag:$0x3] =	stream.linear.gather [spmem:s15], $0x70, $0x38;
	[tilespmem:$0x1BD20] =	vst v63  }
0x54f: {  	s30 =	simm.s32 $0x1B280  }
0x550: {  	[tilespmem:s30], [sflag:$0x3] =	stream.linear.gather [spmem:s16], $0x70, $0x38;
	[tilespmem:$0x1BD20] =	vst v63  }
0x551: {  	s31 =	simm.s32 $0x1B2F0  }
0x552: {  	[tilespmem:s31], [sflag:$0x3] =	stream.linear.gather [spmem:s17], $0x70, $0x38;
	[tilespmem:$0x1BD20] =	vst v63  }
0x553: {  	s1 =	simm.s32 $0x1B360  }
0x554: {  	[tilespmem:s1], [sflag:$0x3] =	stream.linear.gather [spmem:s18], $0x70, $0x38;
	[tilespmem:$0x1BD20] =	vst v63  }
0x555: {  	s30 =	simm.s32 $0x1B3D0  }
0x556: {  	[tilespmem:s30], [sflag:$0x3] =	stream.linear.gather [spmem:s19], $0x70, $0x38;
	[tilespmem:$0x1BD20] =	vst v63  }
0x557: {  	s31 =	simm.s32 $0x1B440  }
0x558: {  	[tilespmem:s31], [sflag:$0x3] =	stream.linear.gather [spmem:s20], $0x70, $0x38;
	[tilespmem:$0x1BD20] =	vst v63  }
0x559: {  	s1 =	simm.s32 $0x1B4B0  }
0x55a: {  	[tilespmem:s1], [sflag:$0x3] =	stream.linear.gather [spmem:s21], $0x70, $0x38;
	[tilespmem:$0x1BD20] =	vst v63  }
0x55b: {  	s30 =	simm.s32 $0x1B520  }
0x55c: {  	[tilespmem:s30], [sflag:$0x3] =	stream.linear.gather [spmem:s22], $0x70, $0x38;
	[tilespmem:$0x1BD20] =	vst v63  }
0x55d: {  	s31 =	simm.s32 $0x1B590  }
0x55e: {  	[tilespmem:s31], [sflag:$0x3] =	stream.linear.gather [spmem:s25], $0x70, $0x38;
	[tilespmem:$0x1BD20] =	vst v63  }
0x55f: {  	_ =	swait.ge [sflag:s28], $0x70  }
0x560: {  	[sflag:s28] =	ssyncset.done $0x0  }
0x561: {  	[sflag:s28] =	ssyncadd.s32 $0xFFFFFF90  }
0x562: {  	_ =	swait.ge [sflag:s28], $0x70  }
0x563: {  	[sflag:s28] =	ssyncset.done $0x0  }
0x564: {  	[sflag:s28] =	ssyncadd.s32 $0xFFFFFF90  }
0x565: {  	_ =	swait.ge [sflag:s28], $0x70  }
0x566: {  	[sflag:s28] =	ssyncset.done $0x0  }
0x567: {  	[sflag:s28] =	ssyncadd.s32 $0xFFFFFF90  }
0x568: {  	_ =	swait.ge [sflag:s28], $0x70  }
0x569: {  	[sflag:s28] =	ssyncset.done $0x0  }
0x56a: {  	[sflag:s28] =	ssyncadd.s32 $0xFFFFFF90  }
0x56b: {  	_ =	swait.ge [sflag:s28], $0x70  }
0x56c: {  	[sflag:s28] =	ssyncset.done $0x0  }
0x56d: {  	[sflag:s28] =	ssyncadd.s32 $0xFFFFFF90  }
0x56e: {  	_ =	swait.ge [sflag:s28], $0x70  }
0x56f: {  	[sflag:s28] =	ssyncset.done $0x0  }
0x570: {  	[sflag:s28] =	ssyncadd.s32 $0xFFFFFF90  }
0x571: {  	_ =	swait.ge [sflag:s28], $0x70  }
0x572: {  	[sflag:s28] =	ssyncset.done $0x0  }
0x573: {  	[sflag:s28] =	ssyncadd.s32 $0xFFFFFF90  }
0x574: {  	_ =	swait.ge [sflag:s28], $0x70  }
0x575: {  	[sflag:s28] =	ssyncset.done $0x0  }
0x576: {  	[sflag:s28] =	ssyncadd.s32 $0xFFFFFF90  }
0x577: {  	_ =	swait.ge [sflag:s28], $0x70  }
0x578: {  	[sflag:s28] =	ssyncset.done $0x0  }
0x579: {  	[sflag:s28] =	ssyncadd.s32 $0xFFFFFF90  }
0x57a: {  	_ =	swait.ge [sflag:s28], $0x70  }
0x57b: {  	[sflag:s28] =	ssyncset.done $0x0  }
0x57c: {  	[sflag:s28] =	ssyncadd.s32 $0xFFFFFF90  }
0x57d: {  	_ =	swait.ge [sflag:s28], $0x70  }
0x57e: {  	[sflag:s28] =	ssyncset.done $0x0  }
0x57f: {  	[sflag:s28] =	ssyncadd.s32 $0xFFFFFF90  }
0x580: {  	_ =	swait.ge [sflag:s28], $0x70  }
0x581: {  	[sflag:s28] =	ssyncset.done $0x0  }
0x582: {  	[sflag:s28] =	ssyncadd.s32 $0xFFFFFF90  }
0x583: {  	_ =	swait.ge [sflag:s28], $0x70  }
0x584: {  	[sflag:s28] =	ssyncset.done $0x0  }
0x585: {  	[sflag:s28] =	ssyncadd.s32 $0xFFFFFF90  }
0x586: {  	_ =	swait.ge [sflag:s28], $0x70  }
0x587: {  	[sflag:s28] =	ssyncset.done $0x0  }
0x588: {  	[sflag:s28] =	ssyncadd.s32 $0xFFFFFF90  }
0x589: {  	_ =	swait.ge [sflag:s28], $0x70  }
0x58a: {  	[sflag:s28] =	ssyncset.done $0x0  }
0x58b: {  	[sflag:s28] =	ssyncadd.s32 $0xFFFFFF90  }
0x58c: {  	_ =	swait.ge [sflag:s28], $0x70  }
0x58d: {  	[sflag:s28] =	ssyncset.done $0x0  }
0x58e: {  	s1 =	simm.s32 $0xFFFFFF90;
	[sflag:s28] =	ssyncadd.s32 $0xFFFFFF90  }
0x58f: {  	v3 =	vld [tilespmem:s1+$0x1AF70]  }
0x590: {  	v4 =	vld [tilespmem:s1+$0x1AFE0]  }
0x591: {  	v5 =	vld [tilespmem:s1+$0x1B050]  }
0x592: {  	v6 =	vld [tilespmem:s1+$0x1B0C0]  }
0x593: {  	v7 =	vld [tilespmem:s1+$0x1B130]  }
0x594: {  	v8 =	vld [tilespmem:s1+$0x1B1A0]  }
0x595: {  	v3 =	vor.u32 v3, v4;
	v4 =	vld [tilespmem:s1+$0x1B210]  }
0x596: {  	v3 =	vor.u32 v5, v3;
	v5 =	vld [tilespmem:s1+$0x1B280]  }
0x597: {  	v3 =	vor.u32 v6, v3;
	v6 =	vld [tilespmem:s1+$0x1B2F0]  }
0x598: {  	v3 =	vor.u32 v7, v3;
	v7 =	vld [tilespmem:s1+$0x1B360]  }
0x599: {  	v3 =	vor.u32 v8, v3;
	v8 =	vld [tilespmem:s1+$0x1B3D0]  }
0x59a: {  	v10 =	vld [tilespmem:s1+$0x1B440];
	v3 =	vor.u32 v4, v3  }
0x59b: {  	v4 =	vld [tilespmem:s1+$0x1B4B0];
	v3 =	vor.u32 v5, v3  }
0x59c: {  	v5 =	vld [tilespmem:s1+$0x1B520];
	v3 =	vor.u32 v6, v3  }
0x59d: {  	v6 =	vld [tilespmem:s1+$0x1B590];
	v3 =	vor.u32 v7, v3  }
0x59e: {  	s0 =	simm.s32 $0xFFFFFFA0;
	v7 =	vld [tilespmem:s1+$0x1B600];
	v8 =	vor.u32 v8, v3  }
0x59f: {  	v9 =	vld [tilespmem:s0+$0x1AF70];
	s1 =	simm.s32 $0xFFFFFEC0;
	v3 =	vimm.s32 $0x0;
	v8 =	vor.u32 v10, v8  }
.LBB2_32:
0x5a0: {  	p0 =	sne.s32 s1, $0xFFFFFFC0;
	v10 =	vld [tilespmem:s0+$0x1AFE0];
	v4 =	vor.u32 v4, v8  }
0x5a1: {  	v8 =	vld [tilespmem:s0+$0x1B050];
	v4 =	vor.u32 v5, v4  }
0x5a2: {  	v5 =	vld [tilespmem:s0+$0x1B0C0];
	v4 =	vor.u32 v6, v4  }
0x5a3: {  	v6 =	vld [tilespmem:s0+$0x1B130];
	v4 =	vor.u32 v7, v4  }
0x5a4: {  	v7 =	vld [tilespmem:s0+$0x1B1A0];
	v4 =	vpcnt v4  }
0x5a5: {  	v9 =	vor.u32 v9, v10;
	v10 =	vld [tilespmem:s0+$0x1B210];
	v3 =	vadd.s32 v3, v4  }
0x5a6: {  	v4 =	vor.u32 v8, v9;
	v8 =	vld [tilespmem:s0+$0x1B280]  }
0x5a7: {  	v4 =	vor.u32 v5, v4;
	v5 =	vld [tilespmem:s0+$0x1B2F0]  }
0x5a8: {  	v4 =	vor.u32 v6, v4;
	v6 =	vld [tilespmem:s0+$0x1B360]  }
0x5a9: {  	v4 =	vor.u32 v7, v4;
	v7 =	vld [tilespmem:s0+$0x1B3D0]  }
0x5aa: {  	v4 =	vor.u32 v10, v4;
	v10 =	vld [tilespmem:s0+$0x1B440]  }
.Ltmp15:
0x5ab: {  	v8 =	vor.u32 v8, v4;
	v4 =	vld [tilespmem:s0+$0x1B4B0];
	(pc) =	sbr.rel @p0 .LBB2_32-.Ltmp15, $4  }
0x5ac: {  	v8 =	vor.u32 v5, v8;
	v5 =	vld [tilespmem:s0+$0x1B520]  }
0x5ad: {  	v8 =	vor.u32 v6, v8;
	v6 =	vld [tilespmem:s0+$0x1B590]  }
0x5ae: {  	v8 =	vor.u32 v7, v8;
	v7 =	vld [tilespmem:s0+$0x1B600];
	s0 =	sshra.s32 s1, $0x2  }
0x5af: {  	s1 =	sadd.s32 $0x40, s1;
	v9 =	vld [tilespmem:s0+$0x1AF70];
	v8 =	vor.u32 v10, v8  }
0x5b0: {  	v10 =	vld [tilespmem:s0+$0x1AFE0]  }
0x5b1: {  	v11 =	vld [tilespmem:s0+$0x1B050]  }
0x5b2: {  	v12 =	vld [tilespmem:s0+$0x1B0C0]  }
0x5b3: {  	v13 =	vld [tilespmem:s0+$0x1B130]  }
0x5b4: {  	v14 =	vld [tilespmem:s0+$0x1B1A0]  }
0x5b5: {  	v51 =	vld [tilespmem:s0+$0x1B210];
	v9 =	vor.u32 v9, v10  }
0x5b6: {  	v52 =	vld [tilespmem:s0+$0x1B280];
	v9 =	vor.u32 v11, v9  }
0x5b7: {  	v53 =	vld [tilespmem:s0+$0x1B2F0];
	v9 =	vor.u32 v12, v9  }
0x5b8: {  	v54 =	vld [tilespmem:s0+$0x1B360];
	v9 =	vor.u32 v13, v9  }
0x5b9: {  	v55 =	vld [tilespmem:s0+$0x1B3D0];
	v9 =	vor.u32 v14, v9  }
0x5ba: {  	v56 =	vld [tilespmem:s0+$0x1B440];
	v9 =	vor.u32 v51, v9  }
0x5bb: {  	v57 =	vld [tilespmem:s0+$0x1B4B0];
	v9 =	vor.u32 v52, v9  }
0x5bc: {  	v58 =	vld [tilespmem:s0+$0x1B520];
	v9 =	vor.u32 v53, v9  }
0x5bd: {  	v59 =	vld [tilespmem:s0+$0x1B590];
	v9 =	vor.u32 v54, v9  }
0x5be: {  	v60 =	vld [tilespmem:s0+$0x1B600];
	v9 =	vor.u32 v55, v9  }
0x5bf: {  	v4 =	vor.u32 v4, v8;
	v61 =	vor.u32 v56, v9  }
0x5c0: {  	v4 =	vor.u32 v5, v4;
	v62 =	vor.u32 v57, v61  }
0x5c1: {  	v4 =	vor.u32 v6, v4;
	v5 =	vor.u32 v58, v62  }
0x5c2: {  	v4 =	vor.u32 v7, v4;
	v5 =	vor.u32 v59, v5  }
0x5c3: {  	v4 =	vpcnt v4;
	v5 =	vor.u32 v60, v5  }
0x5c4: {  	v3 =	vadd.s32 v3, v4;
	v63 =	vpcnt v5  }
0x5c5: {  	v3 =	vadd.s32 v3, v63  }
0x5c6: {  	s30 =	rddreg [dreg:$0x6];
	s1 =	simm.s32 $0x1B600;
	[tilespmem:$0x1B610] =	vst v3  }
0x5c7: {  	[hbm4b:s30+s2] =	stream.linear.scatter [tilespmem:s1], [sflag:$0x4], $0x20, $0x38;
	[tilespmem:$0x1BD20] =	vst v63  }
0x5c8: {  	_ =	swait.ge [sflag:s26], $0x20  }
0x5c9: {  	s29 =	sadd.s32 $0x1, s29;
	s31 =	rddreg [dreg:$0x7]  }
0x5ca: {  	p0 =	sne.s32 s29, s31  }
.Ltmp16:
0x5cb: {  	_ = 	snop;
	(pc) =	sbr.rel @p0 .LBB2_1-.Ltmp16, $3  }
0x5cc: {  	_ =	sdelay $0x1  }
0x5cd: {  	[sflag:s26] =	ssyncset.done $0x0  }
0x5ce: {  	[sflag:s26] =	ssyncadd.s32 $0xFFFFFFE0  }
0x5cf: {  	_ =	sfence.sel $0x180000  }
0x5d0: {  	[bflag:$0x0] =	sbarrier.arrive $0xFFFF  }
0x5d1: {  	_ =	strace $0x90000047  }
0x5d2: {  	s0 =	stileid.u32;
	[bflag:$0x2] =	sbarrier.arrive $0xFFFF  }
0x5d3: {  	p0 =	sne.s32 s0, $0x0;
	s0 =	rddreg [dreg:$0x3]  }
0x5d4: {  	s0 =	sadd.s32 @!p0 $0x100000, s0  }
0x5d5: {  	[sflag:s0] =	ssyncadd.tile.s32 @!p0 $0x1;
	_ =	shalt  }
.Lfunc_end2:
_tile_overlayer_lowered:
.L_overlay_start_2:
0x5d6: {  	(tag) =	ssettag $0x2  }
0x5d7: {  	s0 =	rddreg [dreg:$0x0];
	s2 =	stileid.u32  }
0x5d8: {  	s1 =	rddreg [dreg:$0x1];
	p0 =	sne.s32 s2, $0x0  }
0x5d9: {  	s3 =	rddreg [dreg:$0x2];
	[bflag:$0x3] =	sbarrier.arrive $0xFFFF;
	s2 =	simm.s32 @!p0 $0x1C04  }
0x5da: {  	[timem:s3], [sflag:s2] =	dma.local @!p0 [hbm:s0], s1  }
0x5db: {  	s0 =	simm.s32 @!p0 $0x4  }
0x5dc: {  	_ =	swait.ge @!p0 [sflag:s0], s1  }
0x5dd: {  	s1 =	ssub.s32 @!p0 $0x0, s1;
	[sflag:s0] =	ssyncset.done @!p0 $0x0  }
0x5de: {  	[sflag:s0] =	ssyncadd.s32 @!p0 s1  }
0x5df: {  	[bflag:$0x3] =	sbarrier.arrive $0xFFFF  }
0x5e0: {  	_ =	shalt  }

</sc_bundles>
